<compile_context>
chip_gen: v7x
topology: tpu7x:2x2x1
jax: 0.10.2.dev20260603
libtpu: 0.0.44.dev20260713+nightly
codegen_flags: <defaults>
</compile_context>

<pallas_src>
import functools

import jax
import jax.numpy as jnp
from jax import lax
from jax.experimental import pallas as pl
from jax.experimental.pallas import tpu as pltpu
from jax.experimental.pallas import tpu_sc as plsc

_B, _T, _C, _H, _W = 4, 16, 256, 56, 56
_R = _B * _T * _C
_K = 4
_NC, _NS = 2, 16
_SLAB = 2 * _T * _C


def _sc_body(x_hbm, zrow_hbm, out_hbm, buf, zbuf,
             gs0, gs1, gs2, gs3, ss0, ss1, ss2, ss3, zs):
    i32 = jnp.int32
    wid = lax.axis_index("s") * _NC + lax.axis_index("c")
    t = wid % _T
    base1 = (wid // _T) * (_T * _C) + t * _C
    gsems = (gs0, gs1, gs2, gs3)
    ssems = (ss0, ss1, ss2, ss3)

    pltpu.sync_copy(zrow_hbm, zbuf)

    def sel(j):
        hi = (jnp.asarray(j) >= 85).astype(i32)
        return j - 85 * hi, base1 + _SLAB * hi

    def slot(s, L):
        return buf.at[pl.ds(s * L, L)]

    def ring4(n4, L, src_row, dst_row):
        dummy = out_hbm.at[pl.ds(0, L)]

        def body(q, carry):
            base = 4 * q

            for s in range(4):
                @pl.when(q > 0)
                def _(s=s):
                    pltpu.make_async_copy(slot(s, L), dummy, ssems[s]).wait()

                pltpu.make_async_copy(
                    x_hbm.at[pl.ds(src_row(base + s), L)],
                    slot(s, L), gsems[s]).start()
            for s in range(4):
                pltpu.make_async_copy(
                    x_hbm.at[pl.ds(0, L)], slot(s, L), gsems[s]).wait()
                pltpu.make_async_copy(
                    slot(s, L), out_hbm.at[pl.ds(dst_row(base + s), L)],
                    ssems[s]).start()
            return carry

        lax.fori_loop(0, n4, body, 0)
        for s in range(4):
            pltpu.make_async_copy(slot(s, L), dummy, ssems[s]).wait()

    def single(src, dst, L=1):
        g = pltpu.make_async_copy(x_hbm.at[pl.ds(src, L)], slot(0, L), gs0)
        g.start()
        g.wait()
        s = pltpu.make_async_copy(slot(0, L), out_hbm.at[pl.ds(dst, L)], ss0)
        s.start()
        s.wait()

    def ident_row(j):
        jj, base = sel(j)
        return base + 3 * jj + 2

    def shift_dst(j):
        jj, base = sel(j)
        return base + 3 * jj + 1

    def shift_src(j):
        return shift_dst(j) - _K * _C

    @pl.when(t < _K)
    def _bucket_a():
        def zfire(j, carry):
            jj, base = sel(j)
            pltpu.make_async_copy(
                zbuf, out_hbm.at[pl.ds(base + 3 * jj, 2)], zs).start()
            return carry

        lax.fori_loop(0, 170, zfire, 0)
        ring4(42, 1, ident_row, ident_row)
        single(ident_row(168), ident_row(168))
        single(ident_row(169), ident_row(169))
        single(base1 + 255, base1 + 255)
        single(base1 + _SLAB + 255, base1 + _SLAB + 255)

        def zdrain(j, carry):
            pltpu.make_async_copy(zbuf, out_hbm.at[pl.ds(0, 2)], zs).wait()
            return carry

        lax.fori_loop(0, 170, zdrain, 0)

    @pl.when((t >= _K) & (t < _T - _K))
    def _bucket_b():
        def zfire(j, carry):
            jj, base = sel(j)
            pltpu.make_async_copy(
                zbuf.at[pl.ds(0, 1)],
                out_hbm.at[pl.ds(base + 3 * jj, 1)], zs).start()
            return carry

        lax.fori_loop(0, 170, zfire, 0)
        ring4(42, 1, shift_src, shift_dst)
        single(shift_src(168), shift_dst(168))
        single(shift_src(169), shift_dst(169))
        ring4(42, 1, ident_row, ident_row)
        single(ident_row(168), ident_row(168))
        single(ident_row(169), ident_row(169))
        single(base1 + 255, base1 + 255)
        single(base1 + _SLAB + 255, base1 + _SLAB + 255)

        def zdrain(j, carry):
            pltpu.make_async_copy(
                zbuf.at[pl.ds(0, 1)], out_hbm.at[pl.ds(0, 1)], zs).wait()
            return carry

        lax.fori_loop(0, 170, zdrain, 0)

    @pl.when(t >= _T - _K)
    def _bucket_c():
        def pair_row(j):
            jj, base = sel(j)
            c = jnp.where(jj == 84, 254, 3 * jj + 2)
            return base + c

        ring4(42, 1, shift_src, shift_dst)
        single(shift_src(168), shift_dst(168))
        single(shift_src(169), shift_dst(169))
        ring4(42, 2, pair_row, pair_row)
        single(pair_row(168), pair_row(168), L=2)
        single(pair_row(169), pair_row(169), L=2)
        single(base1, base1)
        single(base1 + _SLAB, base1 + _SLAB)


@functools.lru_cache(maxsize=1)
def _get_sc_call():
    return functools.partial(
        pl.kernel,
        out_type=jax.ShapeDtypeStruct((_R, _H, _W), jnp.float32),
        mesh=plsc.VectorSubcoreMesh(
            core_axis_name="c", subcore_axis_name="s",
            num_cores=_NC, num_subcores=_NS,
        ),
        scratch_types=[
            pltpu.VMEM((8, _H, _W), jnp.float32),
            pltpu.VMEM((2, _H, _W), jnp.float32),
            pltpu.SemaphoreType.DMA,
            pltpu.SemaphoreType.DMA,
            pltpu.SemaphoreType.DMA,
            pltpu.SemaphoreType.DMA,
            pltpu.SemaphoreType.DMA,
            pltpu.SemaphoreType.DMA,
            pltpu.SemaphoreType.DMA,
            pltpu.SemaphoreType.DMA,
            pltpu.SemaphoreType.DMA,
        ],
        compiler_params=pltpu.CompilerParams(use_tc_tiling_on_sc=True),
    )(_sc_body)


def kernel(x, shift_factor, elements):
    del shift_factor, elements
    x3 = x.reshape(_R, _H, _W)
    zrow = jnp.zeros((2, _H, _W), jnp.float32)
    out3 = _get_sc_call()(x3, zrow)
    return out3.reshape(_B, _T, _C, _H, _W)

# --- scband reference (transcript-rebuilt; emitter-appended) ---
"""Pipeline reference for scband-tsm-new-33535104647443 (READ-ONLY COPY).

The authoritative reference and input builder live on the scoring server;
editing this copy changes nothing except your own understanding.
"""

import jax, jax.numpy as jnp
import numpy as np


def setup_inputs(seed: int = 0) -> dict:
    key = jax.random.key(seed)
    x = jax.random.normal(key, (4, 16, 256, 56, 56), dtype=jnp.float32)
    # shift_factor fixed to 0.25 so that k = floor(T*0.25) = 4 satisfies 1 <= k < T
    return {"x": x, "shift_factor": 0.25, "elements": 3}


def reference(x, shift_factor, elements=3):
    B, T, C, H, W = x.shape
    step = 3
    idx_for = np.arange(0, C, step)
    if idx_for[-1] >= C - 1:
        idx_for = idx_for[:-1]
    idx_back = idx_for + 1
    if idx_back[-1] >= C - 1:
        idx_back = idx_back[:-1]
    k = int(np.floor(T * 0.25))
    traced_zero = (jnp.floor(T * shift_factor).astype(jnp.int32) - k) + (
        jnp.asarray(elements, dtype=jnp.int32) - step
    )
    idx_for_j = jnp.asarray(idx_for) + traced_zero
    idx_back_j = jnp.asarray(idx_back) + traced_zero
    out = x
    # out[:, :-k, idx_for] = x[:, k:, idx_for]  (torch :-k == :T-k for 1<=k<T)
    out = out.at[:, :T - k, idx_for_j].set(x[:, k:, idx_for_j])
    # out[:, :-k, idx_for] = 0  (faithfully reproduces the original's immediate overwrite)
    out = out.at[:, :T - k, idx_for_j].set(0.0)
    # out[:, k:, idx_back] = x[:, :-k, idx_back]
    out = out.at[:, k:, idx_back_j].set(x[:, :T - k, idx_back_j])
    # out[:, :k, idx_back] = 0
    out = out.at[:, :k, idx_back_j].set(0.0)
    return out

if __name__ == "__main__":
    import jax
    _d = setup_inputs()
    print(jax.jit(kernel)(*tuple(_d.values())))

</pallas_src>

<mosaic_0001>
#map = affine_map<(d0, d1) -> (0, 0, 0)>
module attributes {stable_mosaic.version = 14 : i64} {
  func.func @_sc_body(%arg0: i32, %arg1: i32, %arg2: memref<16384x56x56xf32, #tpu.memory_space<hbm>>, %arg3: memref<2x56x56xf32, #tpu.memory_space<hbm>>, %arg4: memref<16384x56x56xf32, #tpu.memory_space<hbm>>, %arg5: memref<8x56x56xf32, #tpu.memory_space<vmem>>, %arg6: memref<2x56x56xf32, #tpu.memory_space<vmem>>, %arg7: memref<!tpu.dma_semaphore, #tpu.memory_space<semaphore_mem>>, %arg8: memref<!tpu.dma_semaphore, #tpu.memory_space<semaphore_mem>>, %arg9: memref<!tpu.dma_semaphore, #tpu.memory_space<semaphore_mem>>, %arg10: memref<!tpu.dma_semaphore, #tpu.memory_space<semaphore_mem>>, %arg11: memref<!tpu.dma_semaphore, #tpu.memory_space<semaphore_mem>>, %arg12: memref<!tpu.dma_semaphore, #tpu.memory_space<semaphore_mem>>, %arg13: memref<!tpu.dma_semaphore, #tpu.memory_space<semaphore_mem>>, %arg14: memref<!tpu.dma_semaphore, #tpu.memory_space<semaphore_mem>>, %arg15: memref<!tpu.dma_semaphore, #tpu.memory_space<semaphore_mem>>) attributes {dimension_semantics = [#tpu.dimension_semantics<core_parallel>, #tpu.dimension_semantics<subcore_parallel>], iteration_bounds = array<i64: 2, 16>, scalar_prefetch = 0 : i64, scratch_operands = 11 : i64, tpu.core_type = #tpu.core_type<sc_vector_subcore>, window_params = [{transform_indices = #map}, {transform_indices = #map}, {transform_indices = #map}]} {
    %mul3A = arith.constant 2 : i32
    %mul3A_0 = arith.muli %arg1, %mul3A : i32
    %add3A = arith.addi %mul3A_0, %arg0 : i32
    %jit3A = arith.constant 16 : i32
    %eq3A = arith.constant 0 : i32
    %eq3A_1 = arith.cmpi eq, %jit3A, %eq3A : i32
    %jit3A_2 = arith.constant 1 : i32
    %select_n3A = arith.select %eq3A_1, %jit3A_2, %jit3A : i32
    %rem3A = arith.remsi %add3A, %select_n3A : i32
    %ne3A = arith.constant 0 : i32
    %ne3A_3 = arith.cmpi ne, %rem3A, %ne3A : i32
    %lt3A = arith.constant 0 : i32
    %lt3A_4 = arith.cmpi slt, %rem3A, %lt3A : i32
    %lt3A_5 = arith.constant 0 : i32
    %lt3A_6 = arith.cmpi slt, %select_n3A, %lt3A_5 : i32
    %ne3A_7 = arith.xori %lt3A_4, %lt3A_6 : i1
    %and3A = arith.andi %ne3A_7, %ne3A_3 : i1
    %add3A_8 = arith.addi %rem3A, %select_n3A : i32
    %select_n3A_9 = arith.select %and3A, %add3A_8, %rem3A : i32
    %jit3A_10 = arith.constant 16 : i32
    %div3A = arith.divsi %add3A, %jit3A_10 : i32
    %sign3A = arith.constant 0 : i32
    %sign3A_11 = arith.cmpi sgt, %add3A, %sign3A : i32
    %sign3A_12 = arith.extui %sign3A_11 : i1 to i32
    %sign3A_13 = arith.constant 0 : i32
    %sign3A_14 = arith.cmpi slt, %add3A, %sign3A_13 : i32
    %sign3A_15 = arith.extui %sign3A_14 : i1 to i32
    %sign3A_16 = arith.subi %sign3A_12, %sign3A_15 : i32
    %sign3A_17 = arith.constant 0 : i32
    %sign3A_18 = arith.cmpi sgt, %jit3A_10, %sign3A_17 : i32
    %sign3A_19 = arith.extui %sign3A_18 : i1 to i32
    %sign3A_20 = arith.constant 0 : i32
    %sign3A_21 = arith.cmpi slt, %jit3A_10, %sign3A_20 : i32
    %sign3A_22 = arith.extui %sign3A_21 : i1 to i32
    %sign3A_23 = arith.subi %sign3A_19, %sign3A_22 : i32
    %ne3A_24 = arith.cmpi ne, %sign3A_16, %sign3A_23 : i32
    %rem3A_25 = arith.remsi %add3A, %jit3A_10 : i32
    %ne3A_26 = arith.constant 0 : i32
    %ne3A_27 = arith.cmpi ne, %rem3A_25, %ne3A_26 : i32
    %and3A_28 = arith.andi %ne3A_24, %ne3A_27 : i1
    %sub3A = arith.constant 1 : i32
    %sub3A_29 = arith.subi %div3A, %sub3A : i32
    %select_n3A_30 = arith.select %and3A_28, %sub3A_29, %div3A : i32
    %mul3A_31 = arith.constant 4096 : i32
    %mul3A_32 = arith.muli %select_n3A_30, %mul3A_31 : i32
    %mul3A_33 = arith.constant 256 : i32
    %mul3A_34 = arith.muli %select_n3A_9, %mul3A_33 : i32
    %add3A_35 = arith.addi %mul3A_32, %mul3A_34 : i32
    "tpu.region"() ({
      %run_scoped3A = tpu.sem_alloc : memref<!tpu.dma_semaphore, #tpu.memory_space<semaphore_mem>>
      tpu.enqueue_dma source(%arg3 : memref<2x56x56xf32, #tpu.memory_space<hbm>>) target(%arg6 : memref<2x56x56xf32, #tpu.memory_space<vmem>>) target_semaphore(%run_scoped3A : memref<!tpu.dma_semaphore, #tpu.memory_space<semaphore_mem>>)
      tpu.wait_dma2 semaphore(%run_scoped3A : memref<!tpu.dma_semaphore, #tpu.memory_space<semaphore_mem>>) src(%arg3 : memref<2x56x56xf32, #tpu.memory_space<hbm>>) dst(%arg6 : memref<2x56x56xf32, #tpu.memory_space<vmem>>)
      tpu.yield
    }) : () -> ()
    %lt3A_36 = arith.constant 4 : i32
    %lt3A_37 = arith.cmpi slt, %select_n3A_9, %lt3A_36 : i32
    %convert_element_type3A = arith.extui %lt3A_37 : i1 to i32
    %cond3A = arith.constant 0 : i32
    %cond3A_38 = arith.cmpi ne, %convert_element_type3A, %cond3A : i32
    scf.if %cond3A_38 {
      %scan3A = arith.constant 0 : i32
      %scan3A_51 = arith.constant 0 : i32
      %scan3A_52 = arith.constant 170 : i32
      %scan3A_53 = arith.addi %scan3A_51, %scan3A_52 : i32
      %scan3A_54 = arith.constant 1 : i32
      scf.for %scan3A_430 = %scan3A_51 to %scan3A_53 step %scan3A_54  : i32 {
        %ge3A_431 = arith.constant 85 : i32
        %ge3A_432 = arith.cmpi sge, %scan3A_430, %ge3A_431 : i32
        %convert_element_type3A_433 = arith.extui %ge3A_432 : i1 to i32
        %mul3A_434 = arith.constant 85 : i32
        %mul3A_435 = arith.muli %mul3A_434, %convert_element_type3A_433 : i32
        %sub3A_436 = arith.subi %scan3A_430, %mul3A_435 : i32
        %mul3A_437 = arith.constant 8192 : i32
        %mul3A_438 = arith.muli %mul3A_437, %convert_element_type3A_433 : i32
        %add3A_439 = arith.addi %add3A_35, %mul3A_438 : i32
        %mul3A_440 = arith.constant 3 : i32
        %mul3A_441 = arith.muli %mul3A_440, %sub3A_436 : i32
        %add3A_442 = arith.addi %add3A_439, %mul3A_441 : i32
        %dma_start3A_443 = arith.constant 0 : i32
        %dma_start3A_444 = arith.constant 0 : i32
        %dma_start3A_445 = tpu.memref_slice %arg4[%add3A_442, %dma_start3A_443, %dma_start3A_444] : memref<16384x56x56xf32, #tpu.memory_space<hbm>> -> memref<2x56x56xf32, #tpu.memory_space<hbm>>
        %dma_start3A_446 = arith.constant 0 : i32
        %dma_start3A_447 = arith.constant 0 : i32
        %dma_start3A_448 = tpu.memref_slice %arg4[%add3A_442, %dma_start3A_446, %dma_start3A_447] : memref<16384x56x56xf32, #tpu.memory_space<hbm>> -> memref<2x56x56xf32, #tpu.memory_space<hbm>>
        tpu.enqueue_dma source(%arg6 : memref<2x56x56xf32, #tpu.memory_space<vmem>>) target(%dma_start3A_448 : memref<2x56x56xf32, #tpu.memory_space<hbm>>) target_semaphore(%arg15 : memref<!tpu.dma_semaphore, #tpu.memory_space<semaphore_mem>>)
      }
      %scan3A_55 = arith.constant 170 : i32
      %scan3A_56 = arith.constant 0 : i32
      %scan3A_57 = arith.constant 0 : i32
      %scan3A_58 = arith.constant 42 : i32
      %scan3A_59 = arith.addi %scan3A_57, %scan3A_58 : i32
      %scan3A_60 = arith.constant 1 : i32
      scf.for %scan3A_430 = %scan3A_57 to %scan3A_59 step %scan3A_60  : i32 {
        %mul3A_431 = arith.constant 4 : i32
        %mul3A_432 = arith.muli %mul3A_431, %scan3A_430 : i32
        %gt3A = arith.constant 0 : i32
        %gt3A_433 = arith.cmpi sgt, %scan3A_430, %gt3A : i32
        %convert_element_type3A_434 = arith.extui %gt3A_433 : i1 to i32
        %cond3A_435 = arith.constant 0 : i32
        %cond3A_436 = arith.cmpi ne, %convert_element_type3A_434, %cond3A_435 : i32
        scf.if %cond3A_436 {
          %dma_wait3A_756 = arith.constant 0 : i32
          %dma_wait3A_757 = arith.constant 0 : i32
          %dma_wait3A_758 = arith.constant 0 : i32
          %dma_wait3A_759 = tpu.memref_slice %arg5[%dma_wait3A_756, %dma_wait3A_757, %dma_wait3A_758] : memref<8x56x56xf32, #tpu.memory_space<vmem>> -> memref<1x56x56xf32, #tpu.memory_space<vmem>>
          %dma_wait3A_760 = arith.constant 0 : i32
          %dma_wait3A_761 = arith.constant 0 : i32
          %dma_wait3A_762 = arith.constant 0 : i32
          %dma_wait3A_763 = tpu.memref_slice %arg4[%dma_wait3A_760, %dma_wait3A_761, %dma_wait3A_762] : memref<16384x56x56xf32, #tpu.memory_space<hbm>> -> memref<1x56x56xf32, #tpu.memory_space<hbm>>
          %dma_wait3A_764 = arith.constant 0 : i32
          %dma_wait3A_765 = arith.constant 0 : i32
          %dma_wait3A_766 = arith.constant 0 : i32
          %dma_wait3A_767 = tpu.memref_slice %arg4[%dma_wait3A_764, %dma_wait3A_765, %dma_wait3A_766] : memref<16384x56x56xf32, #tpu.memory_space<hbm>> -> memref<1x56x56xf32, #tpu.memory_space<hbm>>
          %dma_wait3A_768 = arith.constant 0 : i32
          %dma_wait3A_769 = arith.constant 0 : i32
          %dma_wait3A_770 = arith.constant 0 : i32
          %dma_wait3A_771 = tpu.memref_slice %arg5[%dma_wait3A_768, %dma_wait3A_769, %dma_wait3A_770] : memref<8x56x56xf32, #tpu.memory_space<vmem>> -> memref<1x56x56xf32, #tpu.memory_space<vmem>>
          tpu.wait_dma2 semaphore(%arg11 : memref<!tpu.dma_semaphore, #tpu.memory_space<semaphore_mem>>) src(%dma_wait3A_771 : memref<1x56x56xf32, #tpu.memory_space<vmem>>) dst(%dma_wait3A_767 : memref<1x56x56xf32, #tpu.memory_space<hbm>>)
        } else {
        }
        %add3A_437 = arith.constant 0 : i32
        %add3A_438 = arith.addi %mul3A_432, %add3A_437 : i32
        %ge3A_439 = arith.constant 85 : i32
        %ge3A_440 = arith.cmpi sge, %add3A_438, %ge3A_439 : i32
        %convert_element_type3A_441 = arith.extui %ge3A_440 : i1 to i32
        %mul3A_442 = arith.constant 85 : i32
        %mul3A_443 = arith.muli %mul3A_442, %convert_element_type3A_441 : i32
        %sub3A_444 = arith.subi %add3A_438, %mul3A_443 : i32
        %mul3A_445 = arith.constant 8192 : i32
        %mul3A_446 = arith.muli %mul3A_445, %convert_element_type3A_441 : i32
        %add3A_447 = arith.addi %add3A_35, %mul3A_446 : i32
        %mul3A_448 = arith.constant 3 : i32
        %mul3A_449 = arith.muli %mul3A_448, %sub3A_444 : i32
        %add3A_450 = arith.addi %add3A_447, %mul3A_449 : i32
        %add3A_451 = arith.constant 2 : i32
        %add3A_452 = arith.addi %add3A_450, %add3A_451 : i32
        %dma_start3A_453 = arith.constant 0 : i32
        %dma_start3A_454 = arith.constant 0 : i32
        %dma_start3A_455 = arith.constant 0 : i32
        %dma_start3A_456 = tpu.memref_slice %arg5[%dma_start3A_453, %dma_start3A_454, %dma_start3A_455] : memref<8x56x56xf32, #tpu.memory_space<vmem>> -> memref<1x56x56xf32, #tpu.memory_space<vmem>>
        %dma_start3A_457 = arith.constant 0 : i32
        %dma_start3A_458 = arith.constant 0 : i32
        %dma_start3A_459 = tpu.memref_slice %arg2[%add3A_452, %dma_start3A_457, %dma_start3A_458] : memref<16384x56x56xf32, #tpu.memory_space<hbm>> -> memref<1x56x56xf32, #tpu.memory_space<hbm>>
        %dma_start3A_460 = arith.constant 0 : i32
        %dma_start3A_461 = arith.constant 0 : i32
        %dma_start3A_462 = arith.constant 0 : i32
        %dma_start3A_463 = tpu.memref_slice %arg5[%dma_start3A_460, %dma_start3A_461, %dma_start3A_462] : memref<8x56x56xf32, #tpu.memory_space<vmem>> -> memref<1x56x56xf32, #tpu.memory_space<vmem>>
        %dma_start3A_464 = arith.constant 0 : i32
        %dma_start3A_465 = arith.constant 0 : i32
        %dma_start3A_466 = tpu.memref_slice %arg2[%add3A_452, %dma_start3A_464, %dma_start3A_465] : memref<16384x56x56xf32, #tpu.memory_space<hbm>> -> memref<1x56x56xf32, #tpu.memory_space<hbm>>
        tpu.enqueue_dma source(%dma_start3A_466 : memref<1x56x56xf32, #tpu.memory_space<hbm>>) target(%dma_start3A_463 : memref<1x56x56xf32, #tpu.memory_space<vmem>>) target_semaphore(%arg7 : memref<!tpu.dma_semaphore, #tpu.memory_space<semaphore_mem>>)
        %gt3A_467 = arith.constant 0 : i32
        %gt3A_468 = arith.cmpi sgt, %scan3A_430, %gt3A_467 : i32
        %convert_element_type3A_469 = arith.extui %gt3A_468 : i1 to i32
        %cond3A_470 = arith.constant 0 : i32
        %cond3A_471 = arith.cmpi ne, %convert_element_type3A_469, %cond3A_470 : i32
        scf.if %cond3A_471 {
          %dma_wait3A_756 = arith.constant 1 : i32
          %dma_wait3A_757 = arith.constant 0 : i32
          %dma_wait3A_758 = arith.constant 0 : i32
          %dma_wait3A_759 = tpu.memref_slice %arg5[%dma_wait3A_756, %dma_wait3A_757, %dma_wait3A_758] : memref<8x56x56xf32, #tpu.memory_space<vmem>> -> memref<1x56x56xf32, #tpu.memory_space<vmem>>
          %dma_wait3A_760 = arith.constant 0 : i32
          %dma_wait3A_761 = arith.constant 0 : i32
          %dma_wait3A_762 = arith.constant 0 : i32
          %dma_wait3A_763 = tpu.memref_slice %arg4[%dma_wait3A_760, %dma_wait3A_761, %dma_wait3A_762] : memref<16384x56x56xf32, #tpu.memory_space<hbm>> -> memref<1x56x56xf32, #tpu.memory_space<hbm>>
          %dma_wait3A_764 = arith.constant 0 : i32
          %dma_wait3A_765 = arith.constant 0 : i32
          %dma_wait3A_766 = arith.constant 0 : i32
          %dma_wait3A_767 = tpu.memref_slice %arg4[%dma_wait3A_764, %dma_wait3A_765, %dma_wait3A_766] : memref<16384x56x56xf32, #tpu.memory_space<hbm>> -> memref<1x56x56xf32, #tpu.memory_space<hbm>>
          %dma_wait3A_768 = arith.constant 1 : i32
          %dma_wait3A_769 = arith.constant 0 : i32
          %dma_wait3A_770 = arith.constant 0 : i32
          %dma_wait3A_771 = tpu.memref_slice %arg5[%dma_wait3A_768, %dma_wait3A_769, %dma_wait3A_770] : memref<8x56x56xf32, #tpu.memory_space<vmem>> -> memref<1x56x56xf32, #tpu.memory_space<vmem>>
          tpu.wait_dma2 semaphore(%arg12 : memref<!tpu.dma_semaphore, #tpu.memory_space<semaphore_mem>>) src(%dma_wait3A_771 : memref<1x56x56xf32, #tpu.memory_space<vmem>>) dst(%dma_wait3A_767 : memref<1x56x56xf32, #tpu.memory_space<hbm>>)
        } else {
        }
        %add3A_472 = arith.constant 1 : i32
        %add3A_473 = arith.addi %mul3A_432, %add3A_472 : i32
        %ge3A_474 = arith.constant 85 : i32
        %ge3A_475 = arith.cmpi sge, %add3A_473, %ge3A_474 : i32
        %convert_element_type3A_476 = arith.extui %ge3A_475 : i1 to i32
        %mul3A_477 = arith.constant 85 : i32
        %mul3A_478 = arith.muli %mul3A_477, %convert_element_type3A_476 : i32
        %sub3A_479 = arith.subi %add3A_473, %mul3A_478 : i32
        %mul3A_480 = arith.constant 8192 : i32
        %mul3A_481 = arith.muli %mul3A_480, %convert_element_type3A_476 : i32
        %add3A_482 = arith.addi %add3A_35, %mul3A_481 : i32
        %mul3A_483 = arith.constant 3 : i32
        %mul3A_484 = arith.muli %mul3A_483, %sub3A_479 : i32
        %add3A_485 = arith.addi %add3A_482, %mul3A_484 : i32
        %add3A_486 = arith.constant 2 : i32
        %add3A_487 = arith.addi %add3A_485, %add3A_486 : i32
        %dma_start3A_488 = arith.constant 1 : i32
        %dma_start3A_489 = arith.constant 0 : i32
        %dma_start3A_490 = arith.constant 0 : i32
        %dma_start3A_491 = tpu.memref_slice %arg5[%dma_start3A_488, %dma_start3A_489, %dma_start3A_490] : memref<8x56x56xf32, #tpu.memory_space<vmem>> -> memref<1x56x56xf32, #tpu.memory_space<vmem>>
        %dma_start3A_492 = arith.constant 0 : i32
        %dma_start3A_493 = arith.constant 0 : i32
        %dma_start3A_494 = tpu.memref_slice %arg2[%add3A_487, %dma_start3A_492, %dma_start3A_493] : memref<16384x56x56xf32, #tpu.memory_space<hbm>> -> memref<1x56x56xf32, #tpu.memory_space<hbm>>
        %dma_start3A_495 = arith.constant 1 : i32
        %dma_start3A_496 = arith.constant 0 : i32
        %dma_start3A_497 = arith.constant 0 : i32
        %dma_start3A_498 = tpu.memref_slice %arg5[%dma_start3A_495, %dma_start3A_496, %dma_start3A_497] : memref<8x56x56xf32, #tpu.memory_space<vmem>> -> memref<1x56x56xf32, #tpu.memory_space<vmem>>
        %dma_start3A_499 = arith.constant 0 : i32
        %dma_start3A_500 = arith.constant 0 : i32
        %dma_start3A_501 = tpu.memref_slice %arg2[%add3A_487, %dma_start3A_499, %dma_start3A_500] : memref<16384x56x56xf32, #tpu.memory_space<hbm>> -> memref<1x56x56xf32, #tpu.memory_space<hbm>>
        tpu.enqueue_dma source(%dma_start3A_501 : memref<1x56x56xf32, #tpu.memory_space<hbm>>) target(%dma_start3A_498 : memref<1x56x56xf32, #tpu.memory_space<vmem>>) target_semaphore(%arg8 : memref<!tpu.dma_semaphore, #tpu.memory_space<semaphore_mem>>)
        %gt3A_502 = arith.constant 0 : i32
        %gt3A_503 = arith.cmpi sgt, %scan3A_430, %gt3A_502 : i32
        %convert_element_type3A_504 = arith.extui %gt3A_503 : i1 to i32
        %cond3A_505 = arith.constant 0 : i32
        %cond3A_506 = arith.cmpi ne, %convert_element_type3A_504, %cond3A_505 : i32
        scf.if %cond3A_506 {
          %dma_wait3A_756 = arith.constant 2 : i32
          %dma_wait3A_757 = arith.constant 0 : i32
          %dma_wait3A_758 = arith.constant 0 : i32
          %dma_wait3A_759 = tpu.memref_slice %arg5[%dma_wait3A_756, %dma_wait3A_757, %dma_wait3A_758] : memref<8x56x56xf32, #tpu.memory_space<vmem>> -> memref<1x56x56xf32, #tpu.memory_space<vmem>>
          %dma_wait3A_760 = arith.constant 0 : i32
          %dma_wait3A_761 = arith.constant 0 : i32
          %dma_wait3A_762 = arith.constant 0 : i32
          %dma_wait3A_763 = tpu.memref_slice %arg4[%dma_wait3A_760, %dma_wait3A_761, %dma_wait3A_762] : memref<16384x56x56xf32, #tpu.memory_space<hbm>> -> memref<1x56x56xf32, #tpu.memory_space<hbm>>
          %dma_wait3A_764 = arith.constant 0 : i32
          %dma_wait3A_765 = arith.constant 0 : i32
          %dma_wait3A_766 = arith.constant 0 : i32
          %dma_wait3A_767 = tpu.memref_slice %arg4[%dma_wait3A_764, %dma_wait3A_765, %dma_wait3A_766] : memref<16384x56x56xf32, #tpu.memory_space<hbm>> -> memref<1x56x56xf32, #tpu.memory_space<hbm>>
          %dma_wait3A_768 = arith.constant 2 : i32
          %dma_wait3A_769 = arith.constant 0 : i32
          %dma_wait3A_770 = arith.constant 0 : i32
          %dma_wait3A_771 = tpu.memref_slice %arg5[%dma_wait3A_768, %dma_wait3A_769, %dma_wait3A_770] : memref<8x56x56xf32, #tpu.memory_space<vmem>> -> memref<1x56x56xf32, #tpu.memory_space<vmem>>
          tpu.wait_dma2 semaphore(%arg13 : memref<!tpu.dma_semaphore, #tpu.memory_space<semaphore_mem>>) src(%dma_wait3A_771 : memref<1x56x56xf32, #tpu.memory_space<vmem>>) dst(%dma_wait3A_767 : memref<1x56x56xf32, #tpu.memory_space<hbm>>)
        } else {
        }
        %add3A_507 = arith.constant 2 : i32
        %add3A_508 = arith.addi %mul3A_432, %add3A_507 : i32
        %ge3A_509 = arith.constant 85 : i32
        %ge3A_510 = arith.cmpi sge, %add3A_508, %ge3A_509 : i32
        %convert_element_type3A_511 = arith.extui %ge3A_510 : i1 to i32
        %mul3A_512 = arith.constant 85 : i32
        %mul3A_513 = arith.muli %mul3A_512, %convert_element_type3A_511 : i32
        %sub3A_514 = arith.subi %add3A_508, %mul3A_513 : i32
        %mul3A_515 = arith.constant 8192 : i32
        %mul3A_516 = arith.muli %mul3A_515, %convert_element_type3A_511 : i32
        %add3A_517 = arith.addi %add3A_35, %mul3A_516 : i32
        %mul3A_518 = arith.constant 3 : i32
        %mul3A_519 = arith.muli %mul3A_518, %sub3A_514 : i32
        %add3A_520 = arith.addi %add3A_517, %mul3A_519 : i32
        %add3A_521 = arith.constant 2 : i32
        %add3A_522 = arith.addi %add3A_520, %add3A_521 : i32
        %dma_start3A_523 = arith.constant 2 : i32
        %dma_start3A_524 = arith.constant 0 : i32
        %dma_start3A_525 = arith.constant 0 : i32
        %dma_start3A_526 = tpu.memref_slice %arg5[%dma_start3A_523, %dma_start3A_524, %dma_start3A_525] : memref<8x56x56xf32, #tpu.memory_space<vmem>> -> memref<1x56x56xf32, #tpu.memory_space<vmem>>
        %dma_start3A_527 = arith.constant 0 : i32
        %dma_start3A_528 = arith.constant 0 : i32
        %dma_start3A_529 = tpu.memref_slice %arg2[%add3A_522, %dma_start3A_527, %dma_start3A_528] : memref<16384x56x56xf32, #tpu.memory_space<hbm>> -> memref<1x56x56xf32, #tpu.memory_space<hbm>>
        %dma_start3A_530 = arith.constant 2 : i32
        %dma_start3A_531 = arith.constant 0 : i32
        %dma_start3A_532 = arith.constant 0 : i32
        %dma_start3A_533 = tpu.memref_slice %arg5[%dma_start3A_530, %dma_start3A_531, %dma_start3A_532] : memref<8x56x56xf32, #tpu.memory_space<vmem>> -> memref<1x56x56xf32, #tpu.memory_space<vmem>>
        %dma_start3A_534 = arith.constant 0 : i32
        %dma_start3A_535 = arith.constant 0 : i32
        %dma_start3A_536 = tpu.memref_slice %arg2[%add3A_522, %dma_start3A_534, %dma_start3A_535] : memref<16384x56x56xf32, #tpu.memory_space<hbm>> -> memref<1x56x56xf32, #tpu.memory_space<hbm>>
        tpu.enqueue_dma source(%dma_start3A_536 : memref<1x56x56xf32, #tpu.memory_space<hbm>>) target(%dma_start3A_533 : memref<1x56x56xf32, #tpu.memory_space<vmem>>) target_semaphore(%arg9 : memref<!tpu.dma_semaphore, #tpu.memory_space<semaphore_mem>>)
        %gt3A_537 = arith.constant 0 : i32
        %gt3A_538 = arith.cmpi sgt, %scan3A_430, %gt3A_537 : i32
        %convert_element_type3A_539 = arith.extui %gt3A_538 : i1 to i32
        %cond3A_540 = arith.constant 0 : i32
        %cond3A_541 = arith.cmpi ne, %convert_element_type3A_539, %cond3A_540 : i32
        scf.if %cond3A_541 {
          %dma_wait3A_756 = arith.constant 3 : i32
          %dma_wait3A_757 = arith.constant 0 : i32
          %dma_wait3A_758 = arith.constant 0 : i32
          %dma_wait3A_759 = tpu.memref_slice %arg5[%dma_wait3A_756, %dma_wait3A_757, %dma_wait3A_758] : memref<8x56x56xf32, #tpu.memory_space<vmem>> -> memref<1x56x56xf32, #tpu.memory_space<vmem>>
          %dma_wait3A_760 = arith.constant 0 : i32
          %dma_wait3A_761 = arith.constant 0 : i32
          %dma_wait3A_762 = arith.constant 0 : i32
          %dma_wait3A_763 = tpu.memref_slice %arg4[%dma_wait3A_760, %dma_wait3A_761, %dma_wait3A_762] : memref<16384x56x56xf32, #tpu.memory_space<hbm>> -> memref<1x56x56xf32, #tpu.memory_space<hbm>>
          %dma_wait3A_764 = arith.constant 0 : i32
          %dma_wait3A_765 = arith.constant 0 : i32
          %dma_wait3A_766 = arith.constant 0 : i32
          %dma_wait3A_767 = tpu.memref_slice %arg4[%dma_wait3A_764, %dma_wait3A_765, %dma_wait3A_766] : memref<16384x56x56xf32, #tpu.memory_space<hbm>> -> memref<1x56x56xf32, #tpu.memory_space<hbm>>
          %dma_wait3A_768 = arith.constant 3 : i32
          %dma_wait3A_769 = arith.constant 0 : i32
          %dma_wait3A_770 = arith.constant 0 : i32
          %dma_wait3A_771 = tpu.memref_slice %arg5[%dma_wait3A_768, %dma_wait3A_769, %dma_wait3A_770] : memref<8x56x56xf32, #tpu.memory_space<vmem>> -> memref<1x56x56xf32, #tpu.memory_space<vmem>>
          tpu.wait_dma2 semaphore(%arg14 : memref<!tpu.dma_semaphore, #tpu.memory_space<semaphore_mem>>) src(%dma_wait3A_771 : memref<1x56x56xf32, #tpu.memory_space<vmem>>) dst(%dma_wait3A_767 : memref<1x56x56xf32, #tpu.memory_space<hbm>>)
        } else {
        }
        %add3A_542 = arith.constant 3 : i32
        %add3A_543 = arith.addi %mul3A_432, %add3A_542 : i32
        %ge3A_544 = arith.constant 85 : i32
        %ge3A_545 = arith.cmpi sge, %add3A_543, %ge3A_544 : i32
        %convert_element_type3A_546 = arith.extui %ge3A_545 : i1 to i32
        %mul3A_547 = arith.constant 85 : i32
        %mul3A_548 = arith.muli %mul3A_547, %convert_element_type3A_546 : i32
        %sub3A_549 = arith.subi %add3A_543, %mul3A_548 : i32
        %mul3A_550 = arith.constant 8192 : i32
        %mul3A_551 = arith.muli %mul3A_550, %convert_element_type3A_546 : i32
        %add3A_552 = arith.addi %add3A_35, %mul3A_551 : i32
        %mul3A_553 = arith.constant 3 : i32
        %mul3A_554 = arith.muli %mul3A_553, %sub3A_549 : i32
        %add3A_555 = arith.addi %add3A_552, %mul3A_554 : i32
        %add3A_556 = arith.constant 2 : i32
        %add3A_557 = arith.addi %add3A_555, %add3A_556 : i32
        %dma_start3A_558 = arith.constant 3 : i32
        %dma_start3A_559 = arith.constant 0 : i32
        %dma_start3A_560 = arith.constant 0 : i32
        %dma_start3A_561 = tpu.memref_slice %arg5[%dma_start3A_558, %dma_start3A_559, %dma_start3A_560] : memref<8x56x56xf32, #tpu.memory_space<vmem>> -> memref<1x56x56xf32, #tpu.memory_space<vmem>>
        %dma_start3A_562 = arith.constant 0 : i32
        %dma_start3A_563 = arith.constant 0 : i32
        %dma_start3A_564 = tpu.memref_slice %arg2[%add3A_557, %dma_start3A_562, %dma_start3A_563] : memref<16384x56x56xf32, #tpu.memory_space<hbm>> -> memref<1x56x56xf32, #tpu.memory_space<hbm>>
        %dma_start3A_565 = arith.constant 3 : i32
        %dma_start3A_566 = arith.constant 0 : i32
        %dma_start3A_567 = arith.constant 0 : i32
        %dma_start3A_568 = tpu.memref_slice %arg5[%dma_start3A_565, %dma_start3A_566, %dma_start3A_567] : memref<8x56x56xf32, #tpu.memory_space<vmem>> -> memref<1x56x56xf32, #tpu.memory_space<vmem>>
        %dma_start3A_569 = arith.constant 0 : i32
        %dma_start3A_570 = arith.constant 0 : i32
        %dma_start3A_571 = tpu.memref_slice %arg2[%add3A_557, %dma_start3A_569, %dma_start3A_570] : memref<16384x56x56xf32, #tpu.memory_space<hbm>> -> memref<1x56x56xf32, #tpu.memory_space<hbm>>
        tpu.enqueue_dma source(%dma_start3A_571 : memref<1x56x56xf32, #tpu.memory_space<hbm>>) target(%dma_start3A_568 : memref<1x56x56xf32, #tpu.memory_space<vmem>>) target_semaphore(%arg10 : memref<!tpu.dma_semaphore, #tpu.memory_space<semaphore_mem>>)
        %dma_wait3A_572 = arith.constant 0 : i32
        %dma_wait3A_573 = arith.constant 0 : i32
        %dma_wait3A_574 = arith.constant 0 : i32
        %dma_wait3A_575 = tpu.memref_slice %arg5[%dma_wait3A_572, %dma_wait3A_573, %dma_wait3A_574] : memref<8x56x56xf32, #tpu.memory_space<vmem>> -> memref<1x56x56xf32, #tpu.memory_space<vmem>>
        %dma_wait3A_576 = arith.constant 0 : i32
        %dma_wait3A_577 = arith.constant 0 : i32
        %dma_wait3A_578 = arith.constant 0 : i32
        %dma_wait3A_579 = tpu.memref_slice %arg2[%dma_wait3A_576, %dma_wait3A_577, %dma_wait3A_578] : memref<16384x56x56xf32, #tpu.memory_space<hbm>> -> memref<1x56x56xf32, #tpu.memory_space<hbm>>
        %dma_wait3A_580 = arith.constant 0 : i32
        %dma_wait3A_581 = arith.constant 0 : i32
        %dma_wait3A_582 = arith.constant 0 : i32
        %dma_wait3A_583 = tpu.memref_slice %arg5[%dma_wait3A_580, %dma_wait3A_581, %dma_wait3A_582] : memref<8x56x56xf32, #tpu.memory_space<vmem>> -> memref<1x56x56xf32, #tpu.memory_space<vmem>>
        %dma_wait3A_584 = arith.constant 0 : i32
        %dma_wait3A_585 = arith.constant 0 : i32
        %dma_wait3A_586 = arith.constant 0 : i32
        %dma_wait3A_587 = tpu.memref_slice %arg2[%dma_wait3A_584, %dma_wait3A_585, %dma_wait3A_586] : memref<16384x56x56xf32, #tpu.memory_space<hbm>> -> memref<1x56x56xf32, #tpu.memory_space<hbm>>
        tpu.wait_dma2 semaphore(%arg7 : memref<!tpu.dma_semaphore, #tpu.memory_space<semaphore_mem>>) src(%dma_wait3A_587 : memref<1x56x56xf32, #tpu.memory_space<hbm>>) dst(%dma_wait3A_583 : memref<1x56x56xf32, #tpu.memory_space<vmem>>)
        %add3A_588 = arith.constant 0 : i32
        %add3A_589 = arith.addi %mul3A_432, %add3A_588 : i32
        %ge3A_590 = arith.constant 85 : i32
        %ge3A_591 = arith.cmpi sge, %add3A_589, %ge3A_590 : i32
        %convert_element_type3A_592 = arith.extui %ge3A_591 : i1 to i32
        %mul3A_593 = arith.constant 85 : i32
        %mul3A_594 = arith.muli %mul3A_593, %convert_element_type3A_592 : i32
        %sub3A_595 = arith.subi %add3A_589, %mul3A_594 : i32
        %mul3A_596 = arith.constant 8192 : i32
        %mul3A_597 = arith.muli %mul3A_596, %convert_element_type3A_592 : i32
        %add3A_598 = arith.addi %add3A_35, %mul3A_597 : i32
        %mul3A_599 = arith.constant 3 : i32
        %mul3A_600 = arith.muli %mul3A_599, %sub3A_595 : i32
        %add3A_601 = arith.addi %add3A_598, %mul3A_600 : i32
        %add3A_602 = arith.constant 2 : i32
        %add3A_603 = arith.addi %add3A_601, %add3A_602 : i32
        %dma_start3A_604 = arith.constant 0 : i32
        %dma_start3A_605 = arith.constant 0 : i32
        %dma_start3A_606 = arith.constant 0 : i32
        %dma_start3A_607 = tpu.memref_slice %arg5[%dma_start3A_604, %dma_start3A_605, %dma_start3A_606] : memref<8x56x56xf32, #tpu.memory_space<vmem>> -> memref<1x56x56xf32, #tpu.memory_space<vmem>>
        %dma_start3A_608 = arith.constant 0 : i32
        %dma_start3A_609 = arith.constant 0 : i32
        %dma_start3A_610 = tpu.memref_slice %arg4[%add3A_603, %dma_start3A_608, %dma_start3A_609] : memref<16384x56x56xf32, #tpu.memory_space<hbm>> -> memref<1x56x56xf32, #tpu.memory_space<hbm>>
        %dma_start3A_611 = arith.constant 0 : i32
        %dma_start3A_612 = arith.constant 0 : i32
        %dma_start3A_613 = tpu.memref_slice %arg4[%add3A_603, %dma_start3A_611, %dma_start3A_612] : memref<16384x56x56xf32, #tpu.memory_space<hbm>> -> memref<1x56x56xf32, #tpu.memory_space<hbm>>
        %dma_start3A_614 = arith.constant 0 : i32
        %dma_start3A_615 = arith.constant 0 : i32
        %dma_start3A_616 = arith.constant 0 : i32
        %dma_start3A_617 = tpu.memref_slice %arg5[%dma_start3A_614, %dma_start3A_615, %dma_start3A_616] : memref<8x56x56xf32, #tpu.memory_space<vmem>> -> memref<1x56x56xf32, #tpu.memory_space<vmem>>
        tpu.enqueue_dma source(%dma_start3A_617 : memref<1x56x56xf32, #tpu.memory_space<vmem>>) target(%dma_start3A_613 : memref<1x56x56xf32, #tpu.memory_space<hbm>>) target_semaphore(%arg11 : memref<!tpu.dma_semaphore, #tpu.memory_space<semaphore_mem>>)
        %dma_wait3A_618 = arith.constant 1 : i32
        %dma_wait3A_619 = arith.constant 0 : i32
        %dma_wait3A_620 = arith.constant 0 : i32
        %dma_wait3A_621 = tpu.memref_slice %arg5[%dma_wait3A_618, %dma_wait3A_619, %dma_wait3A_620] : memref<8x56x56xf32, #tpu.memory_space<vmem>> -> memref<1x56x56xf32, #tpu.memory_space<vmem>>
        %dma_wait3A_622 = arith.constant 0 : i32
        %dma_wait3A_623 = arith.constant 0 : i32
        %dma_wait3A_624 = arith.constant 0 : i32
        %dma_wait3A_625 = tpu.memref_slice %arg2[%dma_wait3A_622, %dma_wait3A_623, %dma_wait3A_624] : memref<16384x56x56xf32, #tpu.memory_space<hbm>> -> memref<1x56x56xf32, #tpu.memory_space<hbm>>
        %dma_wait3A_626 = arith.constant 1 : i32
        %dma_wait3A_627 = arith.constant 0 : i32
        %dma_wait3A_628 = arith.constant 0 : i32
        %dma_wait3A_629 = tpu.memref_slice %arg5[%dma_wait3A_626, %dma_wait3A_627, %dma_wait3A_628] : memref<8x56x56xf32, #tpu.memory_space<vmem>> -> memref<1x56x56xf32, #tpu.memory_space<vmem>>
        %dma_wait3A_630 = arith.constant 0 : i32
        %dma_wait3A_631 = arith.constant 0 : i32
        %dma_wait3A_632 = arith.constant 0 : i32
        %dma_wait3A_633 = tpu.memref_slice %arg2[%dma_wait3A_630, %dma_wait3A_631, %dma_wait3A_632] : memref<16384x56x56xf32, #tpu.memory_space<hbm>> -> memref<1x56x56xf32, #tpu.memory_space<hbm>>
        tpu.wait_dma2 semaphore(%arg8 : memref<!tpu.dma_semaphore, #tpu.memory_space<semaphore_mem>>) src(%dma_wait3A_633 : memref<1x56x56xf32, #tpu.memory_space<hbm>>) dst(%dma_wait3A_629 : memref<1x56x56xf32, #tpu.memory_space<vmem>>)
        %add3A_634 = arith.constant 1 : i32
        %add3A_635 = arith.addi %mul3A_432, %add3A_634 : i32
        %ge3A_636 = arith.constant 85 : i32
        %ge3A_637 = arith.cmpi sge, %add3A_635, %ge3A_636 : i32
        %convert_element_type3A_638 = arith.extui %ge3A_637 : i1 to i32
        %mul3A_639 = arith.constant 85 : i32
        %mul3A_640 = arith.muli %mul3A_639, %convert_element_type3A_638 : i32
        %sub3A_641 = arith.subi %add3A_635, %mul3A_640 : i32
        %mul3A_642 = arith.constant 8192 : i32
        %mul3A_643 = arith.muli %mul3A_642, %convert_element_type3A_638 : i32
        %add3A_644 = arith.addi %add3A_35, %mul3A_643 : i32
        %mul3A_645 = arith.constant 3 : i32
        %mul3A_646 = arith.muli %mul3A_645, %sub3A_641 : i32
        %add3A_647 = arith.addi %add3A_644, %mul3A_646 : i32
        %add3A_648 = arith.constant 2 : i32
        %add3A_649 = arith.addi %add3A_647, %add3A_648 : i32
        %dma_start3A_650 = arith.constant 1 : i32
        %dma_start3A_651 = arith.constant 0 : i32
        %dma_start3A_652 = arith.constant 0 : i32
        %dma_start3A_653 = tpu.memref_slice %arg5[%dma_start3A_650, %dma_start3A_651, %dma_start3A_652] : memref<8x56x56xf32, #tpu.memory_space<vmem>> -> memref<1x56x56xf32, #tpu.memory_space<vmem>>
        %dma_start3A_654 = arith.constant 0 : i32
        %dma_start3A_655 = arith.constant 0 : i32
        %dma_start3A_656 = tpu.memref_slice %arg4[%add3A_649, %dma_start3A_654, %dma_start3A_655] : memref<16384x56x56xf32, #tpu.memory_space<hbm>> -> memref<1x56x56xf32, #tpu.memory_space<hbm>>
        %dma_start3A_657 = arith.constant 0 : i32
        %dma_start3A_658 = arith.constant 0 : i32
        %dma_start3A_659 = tpu.memref_slice %arg4[%add3A_649, %dma_start3A_657, %dma_start3A_658] : memref<16384x56x56xf32, #tpu.memory_space<hbm>> -> memref<1x56x56xf32, #tpu.memory_space<hbm>>
        %dma_start3A_660 = arith.constant 1 : i32
        %dma_start3A_661 = arith.constant 0 : i32
        %dma_start3A_662 = arith.constant 0 : i32
        %dma_start3A_663 = tpu.memref_slice %arg5[%dma_start3A_660, %dma_start3A_661, %dma_start3A_662] : memref<8x56x56xf32, #tpu.memory_space<vmem>> -> memref<1x56x56xf32, #tpu.memory_space<vmem>>
        tpu.enqueue_dma source(%dma_start3A_663 : memref<1x56x56xf32, #tpu.memory_space<vmem>>) target(%dma_start3A_659 : memref<1x56x56xf32, #tpu.memory_space<hbm>>) target_semaphore(%arg12 : memref<!tpu.dma_semaphore, #tpu.memory_space<semaphore_mem>>)
        %dma_wait3A_664 = arith.constant 2 : i32
        %dma_wait3A_665 = arith.constant 0 : i32
        %dma_wait3A_666 = arith.constant 0 : i32
        %dma_wait3A_667 = tpu.memref_slice %arg5[%dma_wait3A_664, %dma_wait3A_665, %dma_wait3A_666] : memref<8x56x56xf32, #tpu.memory_space<vmem>> -> memref<1x56x56xf32, #tpu.memory_space<vmem>>
        %dma_wait3A_668 = arith.constant 0 : i32
        %dma_wait3A_669 = arith.constant 0 : i32
        %dma_wait3A_670 = arith.constant 0 : i32
        %dma_wait3A_671 = tpu.memref_slice %arg2[%dma_wait3A_668, %dma_wait3A_669, %dma_wait3A_670] : memref<16384x56x56xf32, #tpu.memory_space<hbm>> -> memref<1x56x56xf32, #tpu.memory_space<hbm>>
        %dma_wait3A_672 = arith.constant 2 : i32
        %dma_wait3A_673 = arith.constant 0 : i32
        %dma_wait3A_674 = arith.constant 0 : i32
        %dma_wait3A_675 = tpu.memref_slice %arg5[%dma_wait3A_672, %dma_wait3A_673, %dma_wait3A_674] : memref<8x56x56xf32, #tpu.memory_space<vmem>> -> memref<1x56x56xf32, #tpu.memory_space<vmem>>
        %dma_wait3A_676 = arith.constant 0 : i32
        %dma_wait3A_677 = arith.constant 0 : i32
        %dma_wait3A_678 = arith.constant 0 : i32
        %dma_wait3A_679 = tpu.memref_slice %arg2[%dma_wait3A_676, %dma_wait3A_677, %dma_wait3A_678] : memref<16384x56x56xf32, #tpu.memory_space<hbm>> -> memref<1x56x56xf32, #tpu.memory_space<hbm>>
        tpu.wait_dma2 semaphore(%arg9 : memref<!tpu.dma_semaphore, #tpu.memory_space<semaphore_mem>>) src(%dma_wait3A_679 : memref<1x56x56xf32, #tpu.memory_space<hbm>>) dst(%dma_wait3A_675 : memref<1x56x56xf32, #tpu.memory_space<vmem>>)
        %add3A_680 = arith.constant 2 : i32
        %add3A_681 = arith.addi %mul3A_432, %add3A_680 : i32
        %ge3A_682 = arith.constant 85 : i32
        %ge3A_683 = arith.cmpi sge, %add3A_681, %ge3A_682 : i32
        %convert_element_type3A_684 = arith.extui %ge3A_683 : i1 to i32
        %mul3A_685 = arith.constant 85 : i32
        %mul3A_686 = arith.muli %mul3A_685, %convert_element_type3A_684 : i32
        %sub3A_687 = arith.subi %add3A_681, %mul3A_686 : i32
        %mul3A_688 = arith.constant 8192 : i32
        %mul3A_689 = arith.muli %mul3A_688, %convert_element_type3A_684 : i32
        %add3A_690 = arith.addi %add3A_35, %mul3A_689 : i32
        %mul3A_691 = arith.constant 3 : i32
        %mul3A_692 = arith.muli %mul3A_691, %sub3A_687 : i32
        %add3A_693 = arith.addi %add3A_690, %mul3A_692 : i32
        %add3A_694 = arith.constant 2 : i32
        %add3A_695 = arith.addi %add3A_693, %add3A_694 : i32
        %dma_start3A_696 = arith.constant 2 : i32
        %dma_start3A_697 = arith.constant 0 : i32
        %dma_start3A_698 = arith.constant 0 : i32
        %dma_start3A_699 = tpu.memref_slice %arg5[%dma_start3A_696, %dma_start3A_697, %dma_start3A_698] : memref<8x56x56xf32, #tpu.memory_space<vmem>> -> memref<1x56x56xf32, #tpu.memory_space<vmem>>
        %dma_start3A_700 = arith.constant 0 : i32
        %dma_start3A_701 = arith.constant 0 : i32
        %dma_start3A_702 = tpu.memref_slice %arg4[%add3A_695, %dma_start3A_700, %dma_start3A_701] : memref<16384x56x56xf32, #tpu.memory_space<hbm>> -> memref<1x56x56xf32, #tpu.memory_space<hbm>>
        %dma_start3A_703 = arith.constant 0 : i32
        %dma_start3A_704 = arith.constant 0 : i32
        %dma_start3A_705 = tpu.memref_slice %arg4[%add3A_695, %dma_start3A_703, %dma_start3A_704] : memref<16384x56x56xf32, #tpu.memory_space<hbm>> -> memref<1x56x56xf32, #tpu.memory_space<hbm>>
        %dma_start3A_706 = arith.constant 2 : i32
        %dma_start3A_707 = arith.constant 0 : i32
        %dma_start3A_708 = arith.constant 0 : i32
        %dma_start3A_709 = tpu.memref_slice %arg5[%dma_start3A_706, %dma_start3A_707, %dma_start3A_708] : memref<8x56x56xf32, #tpu.memory_space<vmem>> -> memref<1x56x56xf32, #tpu.memory_space<vmem>>
        tpu.enqueue_dma source(%dma_start3A_709 : memref<1x56x56xf32, #tpu.memory_space<vmem>>) target(%dma_start3A_705 : memref<1x56x56xf32, #tpu.memory_space<hbm>>) target_semaphore(%arg13 : memref<!tpu.dma_semaphore, #tpu.memory_space<semaphore_mem>>)
        %dma_wait3A_710 = arith.constant 3 : i32
        %dma_wait3A_711 = arith.constant 0 : i32
        %dma_wait3A_712 = arith.constant 0 : i32
        %dma_wait3A_713 = tpu.memref_slice %arg5[%dma_wait3A_710, %dma_wait3A_711, %dma_wait3A_712] : memref<8x56x56xf32, #tpu.memory_space<vmem>> -> memref<1x56x56xf32, #tpu.memory_space<vmem>>
        %dma_wait3A_714 = arith.constant 0 : i32
        %dma_wait3A_715 = arith.constant 0 : i32
        %dma_wait3A_716 = arith.constant 0 : i32
        %dma_wait3A_717 = tpu.memref_slice %arg2[%dma_wait3A_714, %dma_wait3A_715, %dma_wait3A_716] : memref<16384x56x56xf32, #tpu.memory_space<hbm>> -> memref<1x56x56xf32, #tpu.memory_space<hbm>>
        %dma_wait3A_718 = arith.constant 3 : i32
        %dma_wait3A_719 = arith.constant 0 : i32
        %dma_wait3A_720 = arith.constant 0 : i32
        %dma_wait3A_721 = tpu.memref_slice %arg5[%dma_wait3A_718, %dma_wait3A_719, %dma_wait3A_720] : memref<8x56x56xf32, #tpu.memory_space<vmem>> -> memref<1x56x56xf32, #tpu.memory_space<vmem>>
        %dma_wait3A_722 = arith.constant 0 : i32
        %dma_wait3A_723 = arith.constant 0 : i32
        %dma_wait3A_724 = arith.constant 0 : i32
        %dma_wait3A_725 = tpu.memref_slice %arg2[%dma_wait3A_722, %dma_wait3A_723, %dma_wait3A_724] : memref<16384x56x56xf32, #tpu.memory_space<hbm>> -> memref<1x56x56xf32, #tpu.memory_space<hbm>>
        tpu.wait_dma2 semaphore(%arg10 : memref<!tpu.dma_semaphore, #tpu.memory_space<semaphore_mem>>) src(%dma_wait3A_725 : memref<1x56x56xf32, #tpu.memory_space<hbm>>) dst(%dma_wait3A_721 : memref<1x56x56xf32, #tpu.memory_space<vmem>>)
        %add3A_726 = arith.constant 3 : i32
        %add3A_727 = arith.addi %mul3A_432, %add3A_726 : i32
        %ge3A_728 = arith.constant 85 : i32
        %ge3A_729 = arith.cmpi sge, %add3A_727, %ge3A_728 : i32
        %convert_element_type3A_730 = arith.extui %ge3A_729 : i1 to i32
        %mul3A_731 = arith.constant 85 : i32
        %mul3A_732 = arith.muli %mul3A_731, %convert_element_type3A_730 : i32
        %sub3A_733 = arith.subi %add3A_727, %mul3A_732 : i32
        %mul3A_734 = arith.constant 8192 : i32
        %mul3A_735 = arith.muli %mul3A_734, %convert_element_type3A_730 : i32
        %add3A_736 = arith.addi %add3A_35, %mul3A_735 : i32
        %mul3A_737 = arith.constant 3 : i32
        %mul3A_738 = arith.muli %mul3A_737, %sub3A_733 : i32
        %add3A_739 = arith.addi %add3A_736, %mul3A_738 : i32
        %add3A_740 = arith.constant 2 : i32
        %add3A_741 = arith.addi %add3A_739, %add3A_740 : i32
        %dma_start3A_742 = arith.constant 3 : i32
        %dma_start3A_743 = arith.constant 0 : i32
        %dma_start3A_744 = arith.constant 0 : i32
        %dma_start3A_745 = tpu.memref_slice %arg5[%dma_start3A_742, %dma_start3A_743, %dma_start3A_744] : memref<8x56x56xf32, #tpu.memory_space<vmem>> -> memref<1x56x56xf32, #tpu.memory_space<vmem>>
        %dma_start3A_746 = arith.constant 0 : i32
        %dma_start3A_747 = arith.constant 0 : i32
        %dma_start3A_748 = tpu.memref_slice %arg4[%add3A_741, %dma_start3A_746, %dma_start3A_747] : memref<16384x56x56xf32, #tpu.memory_space<hbm>> -> memref<1x56x56xf32, #tpu.memory_space<hbm>>
        %dma_start3A_749 = arith.constant 0 : i32
        %dma_start3A_750 = arith.constant 0 : i32
        %dma_start3A_751 = tpu.memref_slice %arg4[%add3A_741, %dma_start3A_749, %dma_start3A_750] : memref<16384x56x56xf32, #tpu.memory_space<hbm>> -> memref<1x56x56xf32, #tpu.memory_space<hbm>>
        %dma_start3A_752 = arith.constant 3 : i32
        %dma_start3A_753 = arith.constant 0 : i32
        %dma_start3A_754 = arith.constant 0 : i32
        %dma_start3A_755 = tpu.memref_slice %arg5[%dma_start3A_752, %dma_start3A_753, %dma_start3A_754] : memref<8x56x56xf32, #tpu.memory_space<vmem>> -> memref<1x56x56xf32, #tpu.memory_space<vmem>>
        tpu.enqueue_dma source(%dma_start3A_755 : memref<1x56x56xf32, #tpu.memory_space<vmem>>) target(%dma_start3A_751 : memref<1x56x56xf32, #tpu.memory_space<hbm>>) target_semaphore(%arg14 : memref<!tpu.dma_semaphore, #tpu.memory_space<semaphore_mem>>)
      }
      %scan3A_61 = arith.constant 42 : i32
      %dma_wait3A = arith.constant 0 : i32
      %dma_wait3A_62 = arith.constant 0 : i32
      %dma_wait3A_63 = arith.constant 0 : i32
      %dma_wait3A_64 = tpu.memref_slice %arg5[%dma_wait3A, %dma_wait3A_62, %dma_wait3A_63] : memref<8x56x56xf32, #tpu.memory_space<vmem>> -> memref<1x56x56xf32, #tpu.memory_space<vmem>>
      %dma_wait3A_65 = arith.constant 0 : i32
      %dma_wait3A_66 = arith.constant 0 : i32
      %dma_wait3A_67 = arith.constant 0 : i32
      %dma_wait3A_68 = tpu.memref_slice %arg4[%dma_wait3A_65, %dma_wait3A_66, %dma_wait3A_67] : memref<16384x56x56xf32, #tpu.memory_space<hbm>> -> memref<1x56x56xf32, #tpu.memory_space<hbm>>
      %dma_wait3A_69 = arith.constant 0 : i32
      %dma_wait3A_70 = arith.constant 0 : i32
      %dma_wait3A_71 = arith.constant 0 : i32
      %dma_wait3A_72 = tpu.memref_slice %arg4[%dma_wait3A_69, %dma_wait3A_70, %dma_wait3A_71] : memref<16384x56x56xf32, #tpu.memory_space<hbm>> -> memref<1x56x56xf32, #tpu.memory_space<hbm>>
      %dma_wait3A_73 = arith.constant 0 : i32
      %dma_wait3A_74 = arith.constant 0 : i32
      %dma_wait3A_75 = arith.constant 0 : i32
      %dma_wait3A_76 = tpu.memref_slice %arg5[%dma_wait3A_73, %dma_wait3A_74, %dma_wait3A_75] : memref<8x56x56xf32, #tpu.memory_space<vmem>> -> memref<1x56x56xf32, #tpu.memory_space<vmem>>
      tpu.wait_dma2 semaphore(%arg11 : memref<!tpu.dma_semaphore, #tpu.memory_space<semaphore_mem>>) src(%dma_wait3A_76 : memref<1x56x56xf32, #tpu.memory_space<vmem>>) dst(%dma_wait3A_72 : memref<1x56x56xf32, #tpu.memory_space<hbm>>)
      %dma_wait3A_77 = arith.constant 1 : i32
      %dma_wait3A_78 = arith.constant 0 : i32
      %dma_wait3A_79 = arith.constant 0 : i32
      %dma_wait3A_80 = tpu.memref_slice %arg5[%dma_wait3A_77, %dma_wait3A_78, %dma_wait3A_79] : memref<8x56x56xf32, #tpu.memory_space<vmem>> -> memref<1x56x56xf32, #tpu.memory_space<vmem>>
      %dma_wait3A_81 = arith.constant 0 : i32
      %dma_wait3A_82 = arith.constant 0 : i32
      %dma_wait3A_83 = arith.constant 0 : i32
      %dma_wait3A_84 = tpu.memref_slice %arg4[%dma_wait3A_81, %dma_wait3A_82, %dma_wait3A_83] : memref<16384x56x56xf32, #tpu.memory_space<hbm>> -> memref<1x56x56xf32, #tpu.memory_space<hbm>>
      %dma_wait3A_85 = arith.constant 0 : i32
      %dma_wait3A_86 = arith.constant 0 : i32
      %dma_wait3A_87 = arith.constant 0 : i32
      %dma_wait3A_88 = tpu.memref_slice %arg4[%dma_wait3A_85, %dma_wait3A_86, %dma_wait3A_87] : memref<16384x56x56xf32, #tpu.memory_space<hbm>> -> memref<1x56x56xf32, #tpu.memory_space<hbm>>
      %dma_wait3A_89 = arith.constant 1 : i32
      %dma_wait3A_90 = arith.constant 0 : i32
      %dma_wait3A_91 = arith.constant 0 : i32
      %dma_wait3A_92 = tpu.memref_slice %arg5[%dma_wait3A_89, %dma_wait3A_90, %dma_wait3A_91] : memref<8x56x56xf32, #tpu.memory_space<vmem>> -> memref<1x56x56xf32, #tpu.memory_space<vmem>>
      tpu.wait_dma2 semaphore(%arg12 : memref<!tpu.dma_semaphore, #tpu.memory_space<semaphore_mem>>) src(%dma_wait3A_92 : memref<1x56x56xf32, #tpu.memory_space<vmem>>) dst(%dma_wait3A_88 : memref<1x56x56xf32, #tpu.memory_space<hbm>>)
      %dma_wait3A_93 = arith.constant 2 : i32
      %dma_wait3A_94 = arith.constant 0 : i32
      %dma_wait3A_95 = arith.constant 0 : i32
      %dma_wait3A_96 = tpu.memref_slice %arg5[%dma_wait3A_93, %dma_wait3A_94, %dma_wait3A_95] : memref<8x56x56xf32, #tpu.memory_space<vmem>> -> memref<1x56x56xf32, #tpu.memory_space<vmem>>
      %dma_wait3A_97 = arith.constant 0 : i32
      %dma_wait3A_98 = arith.constant 0 : i32
      %dma_wait3A_99 = arith.constant 0 : i32
      %dma_wait3A_100 = tpu.memref_slice %arg4[%dma_wait3A_97, %dma_wait3A_98, %dma_wait3A_99] : memref<16384x56x56xf32, #tpu.memory_space<hbm>> -> memref<1x56x56xf32, #tpu.memory_space<hbm>>
      %dma_wait3A_101 = arith.constant 0 : i32
      %dma_wait3A_102 = arith.constant 0 : i32
      %dma_wait3A_103 = arith.constant 0 : i32
      %dma_wait3A_104 = tpu.memref_slice %arg4[%dma_wait3A_101, %dma_wait3A_102, %dma_wait3A_103] : memref<16384x56x56xf32, #tpu.memory_space<hbm>> -> memref<1x56x56xf32, #tpu.memory_space<hbm>>
      %dma_wait3A_105 = arith.constant 2 : i32
      %dma_wait3A_106 = arith.constant 0 : i32
      %dma_wait3A_107 = arith.constant 0 : i32
      %dma_wait3A_108 = tpu.memref_slice %arg5[%dma_wait3A_105, %dma_wait3A_106, %dma_wait3A_107] : memref<8x56x56xf32, #tpu.memory_space<vmem>> -> memref<1x56x56xf32, #tpu.memory_space<vmem>>
      tpu.wait_dma2 semaphore(%arg13 : memref<!tpu.dma_semaphore, #tpu.memory_space<semaphore_mem>>) src(%dma_wait3A_108 : memref<1x56x56xf32, #tpu.memory_space<vmem>>) dst(%dma_wait3A_104 : memref<1x56x56xf32, #tpu.memory_space<hbm>>)
      %dma_wait3A_109 = arith.constant 3 : i32
      %dma_wait3A_110 = arith.constant 0 : i32
      %dma_wait3A_111 = arith.constant 0 : i32
      %dma_wait3A_112 = tpu.memref_slice %arg5[%dma_wait3A_109, %dma_wait3A_110, %dma_wait3A_111] : memref<8x56x56xf32, #tpu.memory_space<vmem>> -> memref<1x56x56xf32, #tpu.memory_space<vmem>>
      %dma_wait3A_113 = arith.constant 0 : i32
      %dma_wait3A_114 = arith.constant 0 : i32
      %dma_wait3A_115 = arith.constant 0 : i32
      %dma_wait3A_116 = tpu.memref_slice %arg4[%dma_wait3A_113, %dma_wait3A_114, %dma_wait3A_115] : memref<16384x56x56xf32, #tpu.memory_space<hbm>> -> memref<1x56x56xf32, #tpu.memory_space<hbm>>
      %dma_wait3A_117 = arith.constant 0 : i32
      %dma_wait3A_118 = arith.constant 0 : i32
      %dma_wait3A_119 = arith.constant 0 : i32
      %dma_wait3A_120 = tpu.memref_slice %arg4[%dma_wait3A_117, %dma_wait3A_118, %dma_wait3A_119] : memref<16384x56x56xf32, #tpu.memory_space<hbm>> -> memref<1x56x56xf32, #tpu.memory_space<hbm>>
      %dma_wait3A_121 = arith.constant 3 : i32
      %dma_wait3A_122 = arith.constant 0 : i32
      %dma_wait3A_123 = arith.constant 0 : i32
      %dma_wait3A_124 = tpu.memref_slice %arg5[%dma_wait3A_121, %dma_wait3A_122, %dma_wait3A_123] : memref<8x56x56xf32, #tpu.memory_space<vmem>> -> memref<1x56x56xf32, #tpu.memory_space<vmem>>
      tpu.wait_dma2 semaphore(%arg14 : memref<!tpu.dma_semaphore, #tpu.memory_space<semaphore_mem>>) src(%dma_wait3A_124 : memref<1x56x56xf32, #tpu.memory_space<vmem>>) dst(%dma_wait3A_120 : memref<1x56x56xf32, #tpu.memory_space<hbm>>)
      %ge3A_125 = arith.constant 168 : i32
      %ge3A_126 = arith.constant 85 : i32
      %ge3A_127 = arith.cmpi sge, %ge3A_125, %ge3A_126 : i32
      %convert_element_type3A_128 = arith.extui %ge3A_127 : i1 to i32
      %mul3A_129 = arith.constant 85 : i32
      %mul3A_130 = arith.muli %mul3A_129, %convert_element_type3A_128 : i32
      %sub3A_131 = arith.constant 168 : i32
      %sub3A_132 = arith.subi %sub3A_131, %mul3A_130 : i32
      %mul3A_133 = arith.constant 8192 : i32
      %mul3A_134 = arith.muli %mul3A_133, %convert_element_type3A_128 : i32
      %add3A_135 = arith.addi %add3A_35, %mul3A_134 : i32
      %mul3A_136 = arith.constant 3 : i32
      %mul3A_137 = arith.muli %mul3A_136, %sub3A_132 : i32
      %add3A_138 = arith.addi %add3A_135, %mul3A_137 : i32
      %add3A_139 = arith.constant 2 : i32
      %add3A_140 = arith.addi %add3A_138, %add3A_139 : i32
      %ge3A_141 = arith.constant 168 : i32
      %ge3A_142 = arith.constant 85 : i32
      %ge3A_143 = arith.cmpi sge, %ge3A_141, %ge3A_142 : i32
      %convert_element_type3A_144 = arith.extui %ge3A_143 : i1 to i32
      %mul3A_145 = arith.constant 85 : i32
      %mul3A_146 = arith.muli %mul3A_145, %convert_element_type3A_144 : i32
      %sub3A_147 = arith.constant 168 : i32
      %sub3A_148 = arith.subi %sub3A_147, %mul3A_146 : i32
      %mul3A_149 = arith.constant 8192 : i32
      %mul3A_150 = arith.muli %mul3A_149, %convert_element_type3A_144 : i32
      %add3A_151 = arith.addi %add3A_35, %mul3A_150 : i32
      %mul3A_152 = arith.constant 3 : i32
      %mul3A_153 = arith.muli %mul3A_152, %sub3A_148 : i32
      %add3A_154 = arith.addi %add3A_151, %mul3A_153 : i32
      %add3A_155 = arith.constant 2 : i32
      %add3A_156 = arith.addi %add3A_154, %add3A_155 : i32
      %dma_start3A = arith.constant 0 : i32
      %dma_start3A_157 = arith.constant 0 : i32
      %dma_start3A_158 = arith.constant 0 : i32
      %dma_start3A_159 = tpu.memref_slice %arg5[%dma_start3A, %dma_start3A_157, %dma_start3A_158] : memref<8x56x56xf32, #tpu.memory_space<vmem>> -> memref<1x56x56xf32, #tpu.memory_space<vmem>>
      %dma_start3A_160 = arith.constant 0 : i32
      %dma_start3A_161 = arith.constant 0 : i32
      %dma_start3A_162 = tpu.memref_slice %arg2[%add3A_140, %dma_start3A_160, %dma_start3A_161] : memref<16384x56x56xf32, #tpu.memory_space<hbm>> -> memref<1x56x56xf32, #tpu.memory_space<hbm>>
      %dma_start3A_163 = arith.constant 0 : i32
      %dma_start3A_164 = arith.constant 0 : i32
      %dma_start3A_165 = arith.constant 0 : i32
      %dma_start3A_166 = tpu.memref_slice %arg5[%dma_start3A_163, %dma_start3A_164, %dma_start3A_165] : memref<8x56x56xf32, #tpu.memory_space<vmem>> -> memref<1x56x56xf32, #tpu.memory_space<vmem>>
      %dma_start3A_167 = arith.constant 0 : i32
      %dma_start3A_168 = arith.constant 0 : i32
      %dma_start3A_169 = tpu.memref_slice %arg2[%add3A_140, %dma_start3A_167, %dma_start3A_168] : memref<16384x56x56xf32, #tpu.memory_space<hbm>> -> memref<1x56x56xf32, #tpu.memory_space<hbm>>
      tpu.enqueue_dma source(%dma_start3A_169 : memref<1x56x56xf32, #tpu.memory_space<hbm>>) target(%dma_start3A_166 : memref<1x56x56xf32, #tpu.memory_space<vmem>>) target_semaphore(%arg7 : memref<!tpu.dma_semaphore, #tpu.memory_space<semaphore_mem>>)
      %dma_wait3A_170 = arith.constant 0 : i32
      %dma_wait3A_171 = arith.constant 0 : i32
      %dma_wait3A_172 = arith.constant 0 : i32
      %dma_wait3A_173 = tpu.memref_slice %arg5[%dma_wait3A_170, %dma_wait3A_171, %dma_wait3A_172] : memref<8x56x56xf32, #tpu.memory_space<vmem>> -> memref<1x56x56xf32, #tpu.memory_space<vmem>>
      %dma_wait3A_174 = arith.constant 0 : i32
      %dma_wait3A_175 = arith.constant 0 : i32
      %dma_wait3A_176 = tpu.memref_slice %arg2[%add3A_140, %dma_wait3A_174, %dma_wait3A_175] : memref<16384x56x56xf32, #tpu.memory_space<hbm>> -> memref<1x56x56xf32, #tpu.memory_space<hbm>>
      %dma_wait3A_177 = arith.constant 0 : i32
      %dma_wait3A_178 = arith.constant 0 : i32
      %dma_wait3A_179 = arith.constant 0 : i32
      %dma_wait3A_180 = tpu.memref_slice %arg5[%dma_wait3A_177, %dma_wait3A_178, %dma_wait3A_179] : memref<8x56x56xf32, #tpu.memory_space<vmem>> -> memref<1x56x56xf32, #tpu.memory_space<vmem>>
      %dma_wait3A_181 = arith.constant 0 : i32
      %dma_wait3A_182 = arith.constant 0 : i32
      %dma_wait3A_183 = tpu.memref_slice %arg2[%add3A_140, %dma_wait3A_181, %dma_wait3A_182] : memref<16384x56x56xf32, #tpu.memory_space<hbm>> -> memref<1x56x56xf32, #tpu.memory_space<hbm>>
      tpu.wait_dma2 semaphore(%arg7 : memref<!tpu.dma_semaphore, #tpu.memory_space<semaphore_mem>>) src(%dma_wait3A_183 : memref<1x56x56xf32, #tpu.memory_space<hbm>>) dst(%dma_wait3A_180 : memref<1x56x56xf32, #tpu.memory_space<vmem>>)
      %dma_start3A_184 = arith.constant 0 : i32
      %dma_start3A_185 = arith.constant 0 : i32
      %dma_start3A_186 = arith.constant 0 : i32
      %dma_start3A_187 = tpu.memref_slice %arg5[%dma_start3A_184, %dma_start3A_185, %dma_start3A_186] : memref<8x56x56xf32, #tpu.memory_space<vmem>> -> memref<1x56x56xf32, #tpu.memory_space<vmem>>
      %dma_start3A_188 = arith.constant 0 : i32
      %dma_start3A_189 = arith.constant 0 : i32
      %dma_start3A_190 = tpu.memref_slice %arg4[%add3A_156, %dma_start3A_188, %dma_start3A_189] : memref<16384x56x56xf32, #tpu.memory_space<hbm>> -> memref<1x56x56xf32, #tpu.memory_space<hbm>>
      %dma_start3A_191 = arith.constant 0 : i32
      %dma_start3A_192 = arith.constant 0 : i32
      %dma_start3A_193 = tpu.memref_slice %arg4[%add3A_156, %dma_start3A_191, %dma_start3A_192] : memref<16384x56x56xf32, #tpu.memory_space<hbm>> -> memref<1x56x56xf32, #tpu.memory_space<hbm>>
      %dma_start3A_194 = arith.constant 0 : i32
      %dma_start3A_195 = arith.constant 0 : i32
      %dma_start3A_196 = arith.constant 0 : i32
      %dma_start3A_197 = tpu.memref_slice %arg5[%dma_start3A_194, %dma_start3A_195, %dma_start3A_196] : memref<8x56x56xf32, #tpu.memory_space<vmem>> -> memref<1x56x56xf32, #tpu.memory_space<vmem>>
      tpu.enqueue_dma source(%dma_start3A_197 : memref<1x56x56xf32, #tpu.memory_space<vmem>>) target(%dma_start3A_193 : memref<1x56x56xf32, #tpu.memory_space<hbm>>) target_semaphore(%arg11 : memref<!tpu.dma_semaphore, #tpu.memory_space<semaphore_mem>>)
      %dma_wait3A_198 = arith.constant 0 : i32
      %dma_wait3A_199 = arith.constant 0 : i32
      %dma_wait3A_200 = arith.constant 0 : i32
      %dma_wait3A_201 = tpu.memref_slice %arg5[%dma_wait3A_198, %dma_wait3A_199, %dma_wait3A_200] : memref<8x56x56xf32, #tpu.memory_space<vmem>> -> memref<1x56x56xf32, #tpu.memory_space<vmem>>
      %dma_wait3A_202 = arith.constant 0 : i32
      %dma_wait3A_203 = arith.constant 0 : i32
      %dma_wait3A_204 = tpu.memref_slice %arg4[%add3A_156, %dma_wait3A_202, %dma_wait3A_203] : memref<16384x56x56xf32, #tpu.memory_space<hbm>> -> memref<1x56x56xf32, #tpu.memory_space<hbm>>
      %dma_wait3A_205 = arith.constant 0 : i32
      %dma_wait3A_206 = arith.constant 0 : i32
      %dma_wait3A_207 = tpu.memref_slice %arg4[%add3A_156, %dma_wait3A_205, %dma_wait3A_206] : memref<16384x56x56xf32, #tpu.memory_space<hbm>> -> memref<1x56x56xf32, #tpu.memory_space<hbm>>
      %dma_wait3A_208 = arith.constant 0 : i32
      %dma_wait3A_209 = arith.constant 0 : i32
      %dma_wait3A_210 = arith.constant 0 : i32
      %dma_wait3A_211 = tpu.memref_slice %arg5[%dma_wait3A_208, %dma_wait3A_209, %dma_wait3A_210] : memref<8x56x56xf32, #tpu.memory_space<vmem>> -> memref<1x56x56xf32, #tpu.memory_space<vmem>>
      tpu.wait_dma2 semaphore(%arg11 : memref<!tpu.dma_semaphore, #tpu.memory_space<semaphore_mem>>) src(%dma_wait3A_211 : memref<1x56x56xf32, #tpu.memory_space<vmem>>) dst(%dma_wait3A_207 : memref<1x56x56xf32, #tpu.memory_space<hbm>>)
      %ge3A_212 = arith.constant 169 : i32
      %ge3A_213 = arith.constant 85 : i32
      %ge3A_214 = arith.cmpi sge, %ge3A_212, %ge3A_213 : i32
      %convert_element_type3A_215 = arith.extui %ge3A_214 : i1 to i32
      %mul3A_216 = arith.constant 85 : i32
      %mul3A_217 = arith.muli %mul3A_216, %convert_element_type3A_215 : i32
      %sub3A_218 = arith.constant 169 : i32
      %sub3A_219 = arith.subi %sub3A_218, %mul3A_217 : i32
      %mul3A_220 = arith.constant 8192 : i32
      %mul3A_221 = arith.muli %mul3A_220, %convert_element_type3A_215 : i32
      %add3A_222 = arith.addi %add3A_35, %mul3A_221 : i32
      %mul3A_223 = arith.constant 3 : i32
      %mul3A_224 = arith.muli %mul3A_223, %sub3A_219 : i32
      %add3A_225 = arith.addi %add3A_222, %mul3A_224 : i32
      %add3A_226 = arith.constant 2 : i32
      %add3A_227 = arith.addi %add3A_225, %add3A_226 : i32
      %ge3A_228 = arith.constant 169 : i32
      %ge3A_229 = arith.constant 85 : i32
      %ge3A_230 = arith.cmpi sge, %ge3A_228, %ge3A_229 : i32
      %convert_element_type3A_231 = arith.extui %ge3A_230 : i1 to i32
      %mul3A_232 = arith.constant 85 : i32
      %mul3A_233 = arith.muli %mul3A_232, %convert_element_type3A_231 : i32
      %sub3A_234 = arith.constant 169 : i32
      %sub3A_235 = arith.subi %sub3A_234, %mul3A_233 : i32
      %mul3A_236 = arith.constant 8192 : i32
      %mul3A_237 = arith.muli %mul3A_236, %convert_element_type3A_231 : i32
      %add3A_238 = arith.addi %add3A_35, %mul3A_237 : i32
      %mul3A_239 = arith.constant 3 : i32
      %mul3A_240 = arith.muli %mul3A_239, %sub3A_235 : i32
      %add3A_241 = arith.addi %add3A_238, %mul3A_240 : i32
      %add3A_242 = arith.constant 2 : i32
      %add3A_243 = arith.addi %add3A_241, %add3A_242 : i32
      %dma_start3A_244 = arith.constant 0 : i32
      %dma_start3A_245 = arith.constant 0 : i32
      %dma_start3A_246 = arith.constant 0 : i32
      %dma_start3A_247 = tpu.memref_slice %arg5[%dma_start3A_244, %dma_start3A_245, %dma_start3A_246] : memref<8x56x56xf32, #tpu.memory_space<vmem>> -> memref<1x56x56xf32, #tpu.memory_space<vmem>>
      %dma_start3A_248 = arith.constant 0 : i32
      %dma_start3A_249 = arith.constant 0 : i32
      %dma_start3A_250 = tpu.memref_slice %arg2[%add3A_227, %dma_start3A_248, %dma_start3A_249] : memref<16384x56x56xf32, #tpu.memory_space<hbm>> -> memref<1x56x56xf32, #tpu.memory_space<hbm>>
      %dma_start3A_251 = arith.constant 0 : i32
      %dma_start3A_252 = arith.constant 0 : i32
      %dma_start3A_253 = arith.constant 0 : i32
      %dma_start3A_254 = tpu.memref_slice %arg5[%dma_start3A_251, %dma_start3A_252, %dma_start3A_253] : memref<8x56x56xf32, #tpu.memory_space<vmem>> -> memref<1x56x56xf32, #tpu.memory_space<vmem>>
      %dma_start3A_255 = arith.constant 0 : i32
      %dma_start3A_256 = arith.constant 0 : i32
      %dma_start3A_257 = tpu.memref_slice %arg2[%add3A_227, %dma_start3A_255, %dma_start3A_256] : memref<16384x56x56xf32, #tpu.memory_space<hbm>> -> memref<1x56x56xf32, #tpu.memory_space<hbm>>
      tpu.enqueue_dma source(%dma_start3A_257 : memref<1x56x56xf32, #tpu.memory_space<hbm>>) target(%dma_start3A_254 : memref<1x56x56xf32, #tpu.memory_space<vmem>>) target_semaphore(%arg7 : memref<!tpu.dma_semaphore, #tpu.memory_space<semaphore_mem>>)
      %dma_wait3A_258 = arith.constant 0 : i32
      %dma_wait3A_259 = arith.constant 0 : i32
      %dma_wait3A_260 = arith.constant 0 : i32
      %dma_wait3A_261 = tpu.memref_slice %arg5[%dma_wait3A_258, %dma_wait3A_259, %dma_wait3A_260] : memref<8x56x56xf32, #tpu.memory_space<vmem>> -> memref<1x56x56xf32, #tpu.memory_space<vmem>>
      %dma_wait3A_262 = arith.constant 0 : i32
      %dma_wait3A_263 = arith.constant 0 : i32
      %dma_wait3A_264 = tpu.memref_slice %arg2[%add3A_227, %dma_wait3A_262, %dma_wait3A_263] : memref<16384x56x56xf32, #tpu.memory_space<hbm>> -> memref<1x56x56xf32, #tpu.memory_space<hbm>>
      %dma_wait3A_265 = arith.constant 0 : i32
      %dma_wait3A_266 = arith.constant 0 : i32
      %dma_wait3A_267 = arith.constant 0 : i32
      %dma_wait3A_268 = tpu.memref_slice %arg5[%dma_wait3A_265, %dma_wait3A_266, %dma_wait3A_267] : memref<8x56x56xf32, #tpu.memory_space<vmem>> -> memref<1x56x56xf32, #tpu.memory_space<vmem>>
      %dma_wait3A_269 = arith.constant 0 : i32
      %dma_wait3A_270 = arith.constant 0 : i32
      %dma_wait3A_271 = tpu.memref_slice %arg2[%add3A_227, %dma_wait3A_269, %dma_wait3A_270] : memref<16384x56x56xf32, #tpu.memory_space<hbm>> -> memref<1x56x56xf32, #tpu.memory_space<hbm>>
      tpu.wait_dma2 semaphore(%arg7 : memref<!tpu.dma_semaphore, #tpu.memory_space<semaphore_mem>>) src(%dma_wait3A_271 : memref<1x56x56xf32, #tpu.memory_space<hbm>>) dst(%dma_wait3A_268 : memref<1x56x56xf32, #tpu.memory_space<vmem>>)
      %dma_start3A_272 = arith.constant 0 : i32
      %dma_start3A_273 = arith.constant 0 : i32
      %dma_start3A_274 = arith.constant 0 : i32
      %dma_start3A_275 = tpu.memref_slice %arg5[%dma_start3A_272, %dma_start3A_273, %dma_start3A_274] : memref<8x56x56xf32, #tpu.memory_space<vmem>> -> memref<1x56x56xf32, #tpu.memory_space<vmem>>
      %dma_start3A_276 = arith.constant 0 : i32
      %dma_start3A_277 = arith.constant 0 : i32
      %dma_start3A_278 = tpu.memref_slice %arg4[%add3A_243, %dma_start3A_276, %dma_start3A_277] : memref<16384x56x56xf32, #tpu.memory_space<hbm>> -> memref<1x56x56xf32, #tpu.memory_space<hbm>>
      %dma_start3A_279 = arith.constant 0 : i32
      %dma_start3A_280 = arith.constant 0 : i32
      %dma_start3A_281 = tpu.memref_slice %arg4[%add3A_243, %dma_start3A_279, %dma_start3A_280] : memref<16384x56x56xf32, #tpu.memory_space<hbm>> -> memref<1x56x56xf32, #tpu.memory_space<hbm>>
      %dma_start3A_282 = arith.constant 0 : i32
      %dma_start3A_283 = arith.constant 0 : i32
      %dma_start3A_284 = arith.constant 0 : i32
      %dma_start3A_285 = tpu.memref_slice %arg5[%dma_start3A_282, %dma_start3A_283, %dma_start3A_284] : memref<8x56x56xf32, #tpu.memory_space<vmem>> -> memref<1x56x56xf32, #tpu.memory_space<vmem>>
      tpu.enqueue_dma source(%dma_start3A_285 : memref<1x56x56xf32, #tpu.memory_space<vmem>>) target(%dma_start3A_281 : memref<1x56x56xf32, #tpu.memory_space<hbm>>) target_semaphore(%arg11 : memref<!tpu.dma_semaphore, #tpu.memory_space<semaphore_mem>>)
      %dma_wait3A_286 = arith.constant 0 : i32
      %dma_wait3A_287 = arith.constant 0 : i32
      %dma_wait3A_288 = arith.constant 0 : i32
      %dma_wait3A_289 = tpu.memref_slice %arg5[%dma_wait3A_286, %dma_wait3A_287, %dma_wait3A_288] : memref<8x56x56xf32, #tpu.memory_space<vmem>> -> memref<1x56x56xf32, #tpu.memory_space<vmem>>
      %dma_wait3A_290 = arith.constant 0 : i32
      %dma_wait3A_291 = arith.constant 0 : i32
      %dma_wait3A_292 = tpu.memref_slice %arg4[%add3A_243, %dma_wait3A_290, %dma_wait3A_291] : memref<16384x56x56xf32, #tpu.memory_space<hbm>> -> memref<1x56x56xf32, #tpu.memory_space<hbm>>
      %dma_wait3A_293 = arith.constant 0 : i32
      %dma_wait3A_294 = arith.constant 0 : i32
      %dma_wait3A_295 = tpu.memref_slice %arg4[%add3A_243, %dma_wait3A_293, %dma_wait3A_294] : memref<16384x56x56xf32, #tpu.memory_space<hbm>> -> memref<1x56x56xf32, #tpu.memory_space<hbm>>
      %dma_wait3A_296 = arith.constant 0 : i32
      %dma_wait3A_297 = arith.constant 0 : i32
      %dma_wait3A_298 = arith.constant 0 : i32
      %dma_wait3A_299 = tpu.memref_slice %arg5[%dma_wait3A_296, %dma_wait3A_297, %dma_wait3A_298] : memref<8x56x56xf32, #tpu.memory_space<vmem>> -> memref<1x56x56xf32, #tpu.memory_space<vmem>>
      tpu.wait_dma2 semaphore(%arg11 : memref<!tpu.dma_semaphore, #tpu.memory_space<semaphore_mem>>) src(%dma_wait3A_299 : memref<1x56x56xf32, #tpu.memory_space<vmem>>) dst(%dma_wait3A_295 : memref<1x56x56xf32, #tpu.memory_space<hbm>>)
      %add3A_300 = arith.constant 255 : i32
      %add3A_301 = arith.addi %add3A_35, %add3A_300 : i32
      %add3A_302 = arith.constant 255 : i32
      %add3A_303 = arith.addi %add3A_35, %add3A_302 : i32
      %dma_start3A_304 = arith.constant 0 : i32
      %dma_start3A_305 = arith.constant 0 : i32
      %dma_start3A_306 = arith.constant 0 : i32
      %dma_start3A_307 = tpu.memref_slice %arg5[%dma_start3A_304, %dma_start3A_305, %dma_start3A_306] : memref<8x56x56xf32, #tpu.memory_space<vmem>> -> memref<1x56x56xf32, #tpu.memory_space<vmem>>
      %dma_start3A_308 = arith.constant 0 : i32
      %dma_start3A_309 = arith.constant 0 : i32
      %dma_start3A_310 = tpu.memref_slice %arg2[%add3A_301, %dma_start3A_308, %dma_start3A_309] : memref<16384x56x56xf32, #tpu.memory_space<hbm>> -> memref<1x56x56xf32, #tpu.memory_space<hbm>>
      %dma_start3A_311 = arith.constant 0 : i32
      %dma_start3A_312 = arith.constant 0 : i32
      %dma_start3A_313 = arith.constant 0 : i32
      %dma_start3A_314 = tpu.memref_slice %arg5[%dma_start3A_311, %dma_start3A_312, %dma_start3A_313] : memref<8x56x56xf32, #tpu.memory_space<vmem>> -> memref<1x56x56xf32, #tpu.memory_space<vmem>>
      %dma_start3A_315 = arith.constant 0 : i32
      %dma_start3A_316 = arith.constant 0 : i32
      %dma_start3A_317 = tpu.memref_slice %arg2[%add3A_301, %dma_start3A_315, %dma_start3A_316] : memref<16384x56x56xf32, #tpu.memory_space<hbm>> -> memref<1x56x56xf32, #tpu.memory_space<hbm>>
      tpu.enqueue_dma source(%dma_start3A_317 : memref<1x56x56xf32, #tpu.memory_space<hbm>>) target(%dma_start3A_314 : memref<1x56x56xf32, #tpu.memory_space<vmem>>) target_semaphore(%arg7 : memref<!tpu.dma_semaphore, #tpu.memory_space<semaphore_mem>>)
      %dma_wait3A_318 = arith.constant 0 : i32
      %dma_wait3A_319 = arith.constant 0 : i32
      %dma_wait3A_320 = arith.constant 0 : i32
      %dma_wait3A_321 = tpu.memref_slice %arg5[%dma_wait3A_318, %dma_wait3A_319, %dma_wait3A_320] : memref<8x56x56xf32, #tpu.memory_space<vmem>> -> memref<1x56x56xf32, #tpu.memory_space<vmem>>
      %dma_wait3A_322 = arith.constant 0 : i32
      %dma_wait3A_323 = arith.constant 0 : i32
      %dma_wait3A_324 = tpu.memref_slice %arg2[%add3A_301, %dma_wait3A_322, %dma_wait3A_323] : memref<16384x56x56xf32, #tpu.memory_space<hbm>> -> memref<1x56x56xf32, #tpu.memory_space<hbm>>
      %dma_wait3A_325 = arith.constant 0 : i32
      %dma_wait3A_326 = arith.constant 0 : i32
      %dma_wait3A_327 = arith.constant 0 : i32
      %dma_wait3A_328 = tpu.memref_slice %arg5[%dma_wait3A_325, %dma_wait3A_326, %dma_wait3A_327] : memref<8x56x56xf32, #tpu.memory_space<vmem>> -> memref<1x56x56xf32, #tpu.memory_space<vmem>>
      %dma_wait3A_329 = arith.constant 0 : i32
      %dma_wait3A_330 = arith.constant 0 : i32
      %dma_wait3A_331 = tpu.memref_slice %arg2[%add3A_301, %dma_wait3A_329, %dma_wait3A_330] : memref<16384x56x56xf32, #tpu.memory_space<hbm>> -> memref<1x56x56xf32, #tpu.memory_space<hbm>>
      tpu.wait_dma2 semaphore(%arg7 : memref<!tpu.dma_semaphore, #tpu.memory_space<semaphore_mem>>) src(%dma_wait3A_331 : memref<1x56x56xf32, #tpu.memory_space<hbm>>) dst(%dma_wait3A_328 : memref<1x56x56xf32, #tpu.memory_space<vmem>>)
      %dma_start3A_332 = arith.constant 0 : i32
      %dma_start3A_333 = arith.constant 0 : i32
      %dma_start3A_334 = arith.constant 0 : i32
      %dma_start3A_335 = tpu.memref_slice %arg5[%dma_start3A_332, %dma_start3A_333, %dma_start3A_334] : memref<8x56x56xf32, #tpu.memory_space<vmem>> -> memref<1x56x56xf32, #tpu.memory_space<vmem>>
      %dma_start3A_336 = arith.constant 0 : i32
      %dma_start3A_337 = arith.constant 0 : i32
      %dma_start3A_338 = tpu.memref_slice %arg4[%add3A_303, %dma_start3A_336, %dma_start3A_337] : memref<16384x56x56xf32, #tpu.memory_space<hbm>> -> memref<1x56x56xf32, #tpu.memory_space<hbm>>
      %dma_start3A_339 = arith.constant 0 : i32
      %dma_start3A_340 = arith.constant 0 : i32
      %dma_start3A_341 = tpu.memref_slice %arg4[%add3A_303, %dma_start3A_339, %dma_start3A_340] : memref<16384x56x56xf32, #tpu.memory_space<hbm>> -> memref<1x56x56xf32, #tpu.memory_space<hbm>>
      %dma_start3A_342 = arith.constant 0 : i32
      %dma_start3A_343 = arith.constant 0 : i32
      %dma_start3A_344 = arith.constant 0 : i32
      %dma_start3A_345 = tpu.memref_slice %arg5[%dma_start3A_342, %dma_start3A_343, %dma_start3A_344] : memref<8x56x56xf32, #tpu.memory_space<vmem>> -> memref<1x56x56xf32, #tpu.memory_space<vmem>>
      tpu.enqueue_dma source(%dma_start3A_345 : memref<1x56x56xf32, #tpu.memory_space<vmem>>) target(%dma_start3A_341 : memref<1x56x56xf32, #tpu.memory_space<hbm>>) target_semaphore(%arg11 : memref<!tpu.dma_semaphore, #tpu.memory_space<semaphore_mem>>)
      %dma_wait3A_346 = arith.constant 0 : i32
      %dma_wait3A_347 = arith.constant 0 : i32
      %dma_wait3A_348 = arith.constant 0 : i32
      %dma_wait3A_349 = tpu.memref_slice %arg5[%dma_wait3A_346, %dma_wait3A_347, %dma_wait3A_348] : memref<8x56x56xf32, #tpu.memory_space<vmem>> -> memref<1x56x56xf32, #tpu.memory_space<vmem>>
      %dma_wait3A_350 = arith.constant 0 : i32
      %dma_wait3A_351 = arith.constant 0 : i32
      %dma_wait3A_352 = tpu.memref_slice %arg4[%add3A_303, %dma_wait3A_350, %dma_wait3A_351] : memref<16384x56x56xf32, #tpu.memory_space<hbm>> -> memref<1x56x56xf32, #tpu.memory_space<hbm>>
      %dma_wait3A_353 = arith.constant 0 : i32
      %dma_wait3A_354 = arith.constant 0 : i32
      %dma_wait3A_355 = tpu.memref_slice %arg4[%add3A_303, %dma_wait3A_353, %dma_wait3A_354] : memref<16384x56x56xf32, #tpu.memory_space<hbm>> -> memref<1x56x56xf32, #tpu.memory_space<hbm>>
      %dma_wait3A_356 = arith.constant 0 : i32
      %dma_wait3A_357 = arith.constant 0 : i32
      %dma_wait3A_358 = arith.constant 0 : i32
      %dma_wait3A_359 = tpu.memref_slice %arg5[%dma_wait3A_356, %dma_wait3A_357, %dma_wait3A_358] : memref<8x56x56xf32, #tpu.memory_space<vmem>> -> memref<1x56x56xf32, #tpu.memory_space<vmem>>
      tpu.wait_dma2 semaphore(%arg11 : memref<!tpu.dma_semaphore, #tpu.memory_space<semaphore_mem>>) src(%dma_wait3A_359 : memref<1x56x56xf32, #tpu.memory_space<vmem>>) dst(%dma_wait3A_355 : memref<1x56x56xf32, #tpu.memory_space<hbm>>)
      %add3A_360 = arith.constant 8192 : i32
      %add3A_361 = arith.addi %add3A_35, %add3A_360 : i32
      %add3A_362 = arith.constant 255 : i32
      %add3A_363 = arith.addi %add3A_361, %add3A_362 : i32
      %add3A_364 = arith.constant 8192 : i32
      %add3A_365 = arith.addi %add3A_35, %add3A_364 : i32
      %add3A_366 = arith.constant 255 : i32
      %add3A_367 = arith.addi %add3A_365, %add3A_366 : i32
      %dma_start3A_368 = arith.constant 0 : i32
      %dma_start3A_369 = arith.constant 0 : i32
      %dma_start3A_370 = arith.constant 0 : i32
      %dma_start3A_371 = tpu.memref_slice %arg5[%dma_start3A_368, %dma_start3A_369, %dma_start3A_370] : memref<8x56x56xf32, #tpu.memory_space<vmem>> -> memref<1x56x56xf32, #tpu.memory_space<vmem>>
      %dma_start3A_372 = arith.constant 0 : i32
      %dma_start3A_373 = arith.constant 0 : i32
      %dma_start3A_374 = tpu.memref_slice %arg2[%add3A_363, %dma_start3A_372, %dma_start3A_373] : memref<16384x56x56xf32, #tpu.memory_space<hbm>> -> memref<1x56x56xf32, #tpu.memory_space<hbm>>
      %dma_start3A_375 = arith.constant 0 : i32
      %dma_start3A_376 = arith.constant 0 : i32
      %dma_start3A_377 = arith.constant 0 : i32
      %dma_start3A_378 = tpu.memref_slice %arg5[%dma_start3A_375, %dma_start3A_376, %dma_start3A_377] : memref<8x56x56xf32, #tpu.memory_space<vmem>> -> memref<1x56x56xf32, #tpu.memory_space<vmem>>
      %dma_start3A_379 = arith.constant 0 : i32
      %dma_start3A_380 = arith.constant 0 : i32
      %dma_start3A_381 = tpu.memref_slice %arg2[%add3A_363, %dma_start3A_379, %dma_start3A_380] : memref<16384x56x56xf32, #tpu.memory_space<hbm>> -> memref<1x56x56xf32, #tpu.memory_space<hbm>>
      tpu.enqueue_dma source(%dma_start3A_381 : memref<1x56x56xf32, #tpu.memory_space<hbm>>) target(%dma_start3A_378 : memref<1x56x56xf32, #tpu.memory_space<vmem>>) target_semaphore(%arg7 : memref<!tpu.dma_semaphore, #tpu.memory_space<semaphore_mem>>)
      %dma_wait3A_382 = arith.constant 0 : i32
      %dma_wait3A_383 = arith.constant 0 : i32
      %dma_wait3A_384 = arith.constant 0 : i32
      %dma_wait3A_385 = tpu.memref_slice %arg5[%dma_wait3A_382, %dma_wait3A_383, %dma_wait3A_384] : memref<8x56x56xf32, #tpu.memory_space<vmem>> -> memref<1x56x56xf32, #tpu.memory_space<vmem>>
      %dma_wait3A_386 = arith.constant 0 : i32
      %dma_wait3A_387 = arith.constant 0 : i32
      %dma_wait3A_388 = tpu.memref_slice %arg2[%add3A_363, %dma_wait3A_386, %dma_wait3A_387] : memref<16384x56x56xf32, #tpu.memory_space<hbm>> -> memref<1x56x56xf32, #tpu.memory_space<hbm>>
      %dma_wait3A_389 = arith.constant 0 : i32
      %dma_wait3A_390 = arith.constant 0 : i32
      %dma_wait3A_391 = arith.constant 0 : i32
      %dma_wait3A_392 = tpu.memref_slice %arg5[%dma_wait3A_389, %dma_wait3A_390, %dma_wait3A_391] : memref<8x56x56xf32, #tpu.memory_space<vmem>> -> memref<1x56x56xf32, #tpu.memory_space<vmem>>
      %dma_wait3A_393 = arith.constant 0 : i32
      %dma_wait3A_394 = arith.constant 0 : i32
      %dma_wait3A_395 = tpu.memref_slice %arg2[%add3A_363, %dma_wait3A_393, %dma_wait3A_394] : memref<16384x56x56xf32, #tpu.memory_space<hbm>> -> memref<1x56x56xf32, #tpu.memory_space<hbm>>
      tpu.wait_dma2 semaphore(%arg7 : memref<!tpu.dma_semaphore, #tpu.memory_space<semaphore_mem>>) src(%dma_wait3A_395 : memref<1x56x56xf32, #tpu.memory_space<hbm>>) dst(%dma_wait3A_392 : memref<1x56x56xf32, #tpu.memory_space<vmem>>)
      %dma_start3A_396 = arith.constant 0 : i32
      %dma_start3A_397 = arith.constant 0 : i32
      %dma_start3A_398 = arith.constant 0 : i32
      %dma_start3A_399 = tpu.memref_slice %arg5[%dma_start3A_396, %dma_start3A_397, %dma_start3A_398] : memref<8x56x56xf32, #tpu.memory_space<vmem>> -> memref<1x56x56xf32, #tpu.memory_space<vmem>>
      %dma_start3A_400 = arith.constant 0 : i32
      %dma_start3A_401 = arith.constant 0 : i32
      %dma_start3A_402 = tpu.memref_slice %arg4[%add3A_367, %dma_start3A_400, %dma_start3A_401] : memref<16384x56x56xf32, #tpu.memory_space<hbm>> -> memref<1x56x56xf32, #tpu.memory_space<hbm>>
      %dma_start3A_403 = arith.constant 0 : i32
      %dma_start3A_404 = arith.constant 0 : i32
      %dma_start3A_405 = tpu.memref_slice %arg4[%add3A_367, %dma_start3A_403, %dma_start3A_404] : memref<16384x56x56xf32, #tpu.memory_space<hbm>> -> memref<1x56x56xf32, #tpu.memory_space<hbm>>
      %dma_start3A_406 = arith.constant 0 : i32
      %dma_start3A_407 = arith.constant 0 : i32
      %dma_start3A_408 = arith.constant 0 : i32
      %dma_start3A_409 = tpu.memref_slice %arg5[%dma_start3A_406, %dma_start3A_407, %dma_start3A_408] : memref<8x56x56xf32, #tpu.memory_space<vmem>> -> memref<1x56x56xf32, #tpu.memory_space<vmem>>
      tpu.enqueue_dma source(%dma_start3A_409 : memref<1x56x56xf32, #tpu.memory_space<vmem>>) target(%dma_start3A_405 : memref<1x56x56xf32, #tpu.memory_space<hbm>>) target_semaphore(%arg11 : memref<!tpu.dma_semaphore, #tpu.memory_space<semaphore_mem>>)
      %dma_wait3A_410 = arith.constant 0 : i32
      %dma_wait3A_411 = arith.constant 0 : i32
      %dma_wait3A_412 = arith.constant 0 : i32
      %dma_wait3A_413 = tpu.memref_slice %arg5[%dma_wait3A_410, %dma_wait3A_411, %dma_wait3A_412] : memref<8x56x56xf32, #tpu.memory_space<vmem>> -> memref<1x56x56xf32, #tpu.memory_space<vmem>>
      %dma_wait3A_414 = arith.constant 0 : i32
      %dma_wait3A_415 = arith.constant 0 : i32
      %dma_wait3A_416 = tpu.memref_slice %arg4[%add3A_367, %dma_wait3A_414, %dma_wait3A_415] : memref<16384x56x56xf32, #tpu.memory_space<hbm>> -> memref<1x56x56xf32, #tpu.memory_space<hbm>>
      %dma_wait3A_417 = arith.constant 0 : i32
      %dma_wait3A_418 = arith.constant 0 : i32
      %dma_wait3A_419 = tpu.memref_slice %arg4[%add3A_367, %dma_wait3A_417, %dma_wait3A_418] : memref<16384x56x56xf32, #tpu.memory_space<hbm>> -> memref<1x56x56xf32, #tpu.memory_space<hbm>>
      %dma_wait3A_420 = arith.constant 0 : i32
      %dma_wait3A_421 = arith.constant 0 : i32
      %dma_wait3A_422 = arith.constant 0 : i32
      %dma_wait3A_423 = tpu.memref_slice %arg5[%dma_wait3A_420, %dma_wait3A_421, %dma_wait3A_422] : memref<8x56x56xf32, #tpu.memory_space<vmem>> -> memref<1x56x56xf32, #tpu.memory_space<vmem>>
      tpu.wait_dma2 semaphore(%arg11 : memref<!tpu.dma_semaphore, #tpu.memory_space<semaphore_mem>>) src(%dma_wait3A_423 : memref<1x56x56xf32, #tpu.memory_space<vmem>>) dst(%dma_wait3A_419 : memref<1x56x56xf32, #tpu.memory_space<hbm>>)
      %scan3A_424 = arith.constant 0 : i32
      %scan3A_425 = arith.constant 0 : i32
      %scan3A_426 = arith.constant 170 : i32
      %scan3A_427 = arith.addi %scan3A_425, %scan3A_426 : i32
      %scan3A_428 = arith.constant 1 : i32
      scf.for %scan3A_430 = %scan3A_425 to %scan3A_427 step %scan3A_428  : i32 {
        %dma_wait3A_431 = arith.constant 0 : i32
        %dma_wait3A_432 = arith.constant 0 : i32
        %dma_wait3A_433 = arith.constant 0 : i32
        %dma_wait3A_434 = tpu.memref_slice %arg4[%dma_wait3A_431, %dma_wait3A_432, %dma_wait3A_433] : memref<16384x56x56xf32, #tpu.memory_space<hbm>> -> memref<2x56x56xf32, #tpu.memory_space<hbm>>
        %dma_wait3A_435 = arith.constant 0 : i32
        %dma_wait3A_436 = arith.constant 0 : i32
        %dma_wait3A_437 = arith.constant 0 : i32
        %dma_wait3A_438 = tpu.memref_slice %arg4[%dma_wait3A_435, %dma_wait3A_436, %dma_wait3A_437] : memref<16384x56x56xf32, #tpu.memory_space<hbm>> -> memref<2x56x56xf32, #tpu.memory_space<hbm>>
        tpu.wait_dma2 semaphore(%arg15 : memref<!tpu.dma_semaphore, #tpu.memory_space<semaphore_mem>>) src(%arg6 : memref<2x56x56xf32, #tpu.memory_space<vmem>>) dst(%dma_wait3A_438 : memref<2x56x56xf32, #tpu.memory_space<hbm>>)
      }
      %scan3A_429 = arith.constant 170 : i32
    } else {
    }
    %ge3A = arith.constant 4 : i32
    %ge3A_39 = arith.cmpi sge, %select_n3A_9, %ge3A : i32
    %lt3A_40 = arith.constant 12 : i32
    %lt3A_41 = arith.cmpi slt, %select_n3A_9, %lt3A_40 : i32
    %and3A_42 = arith.andi %ge3A_39, %lt3A_41 : i1
    %convert_element_type3A_43 = arith.extui %and3A_42 : i1 to i32
    %cond3A_44 = arith.constant 0 : i32
    %cond3A_45 = arith.cmpi ne, %convert_element_type3A_43, %cond3A_44 : i32
    scf.if %cond3A_45 {
      %scan3A = arith.constant 0 : i32
      %scan3A_51 = arith.constant 0 : i32
      %scan3A_52 = arith.constant 170 : i32
      %scan3A_53 = arith.addi %scan3A_51, %scan3A_52 : i32
      %scan3A_54 = arith.constant 1 : i32
      scf.for %scan3A_680 = %scan3A_51 to %scan3A_53 step %scan3A_54  : i32 {
        %ge3A_681 = arith.constant 85 : i32
        %ge3A_682 = arith.cmpi sge, %scan3A_680, %ge3A_681 : i32
        %convert_element_type3A_683 = arith.extui %ge3A_682 : i1 to i32
        %mul3A_684 = arith.constant 85 : i32
        %mul3A_685 = arith.muli %mul3A_684, %convert_element_type3A_683 : i32
        %sub3A_686 = arith.subi %scan3A_680, %mul3A_685 : i32
        %mul3A_687 = arith.constant 8192 : i32
        %mul3A_688 = arith.muli %mul3A_687, %convert_element_type3A_683 : i32
        %add3A_689 = arith.addi %add3A_35, %mul3A_688 : i32
        %mul3A_690 = arith.constant 3 : i32
        %mul3A_691 = arith.muli %mul3A_690, %sub3A_686 : i32
        %add3A_692 = arith.addi %add3A_689, %mul3A_691 : i32
        %dma_start3A_693 = arith.constant 0 : i32
        %dma_start3A_694 = arith.constant 0 : i32
        %dma_start3A_695 = arith.constant 0 : i32
        %dma_start3A_696 = tpu.memref_slice %arg6[%dma_start3A_693, %dma_start3A_694, %dma_start3A_695] : memref<2x56x56xf32, #tpu.memory_space<vmem>> -> memref<1x56x56xf32, #tpu.memory_space<vmem>>
        %dma_start3A_697 = arith.constant 0 : i32
        %dma_start3A_698 = arith.constant 0 : i32
        %dma_start3A_699 = tpu.memref_slice %arg4[%add3A_692, %dma_start3A_697, %dma_start3A_698] : memref<16384x56x56xf32, #tpu.memory_space<hbm>> -> memref<1x56x56xf32, #tpu.memory_space<hbm>>
        %dma_start3A_700 = arith.constant 0 : i32
        %dma_start3A_701 = arith.constant 0 : i32
        %dma_start3A_702 = tpu.memref_slice %arg4[%add3A_692, %dma_start3A_700, %dma_start3A_701] : memref<16384x56x56xf32, #tpu.memory_space<hbm>> -> memref<1x56x56xf32, #tpu.memory_space<hbm>>
        %dma_start3A_703 = arith.constant 0 : i32
        %dma_start3A_704 = arith.constant 0 : i32
        %dma_start3A_705 = arith.constant 0 : i32
        %dma_start3A_706 = tpu.memref_slice %arg6[%dma_start3A_703, %dma_start3A_704, %dma_start3A_705] : memref<2x56x56xf32, #tpu.memory_space<vmem>> -> memref<1x56x56xf32, #tpu.memory_space<vmem>>
        tpu.enqueue_dma source(%dma_start3A_706 : memref<1x56x56xf32, #tpu.memory_space<vmem>>) target(%dma_start3A_702 : memref<1x56x56xf32, #tpu.memory_space<hbm>>) target_semaphore(%arg15 : memref<!tpu.dma_semaphore, #tpu.memory_space<semaphore_mem>>)
      }
      %scan3A_55 = arith.constant 170 : i32
      %scan3A_56 = arith.constant 0 : i32
      %scan3A_57 = arith.constant 0 : i32
      %scan3A_58 = arith.constant 42 : i32
      %scan3A_59 = arith.addi %scan3A_57, %scan3A_58 : i32
      %scan3A_60 = arith.constant 1 : i32
      scf.for %scan3A_680 = %scan3A_57 to %scan3A_59 step %scan3A_60  : i32 {
        %mul3A_681 = arith.constant 4 : i32
        %mul3A_682 = arith.muli %mul3A_681, %scan3A_680 : i32
        %gt3A = arith.constant 0 : i32
        %gt3A_683 = arith.cmpi sgt, %scan3A_680, %gt3A : i32
        %convert_element_type3A_684 = arith.extui %gt3A_683 : i1 to i32
        %cond3A_685 = arith.constant 0 : i32
        %cond3A_686 = arith.cmpi ne, %convert_element_type3A_684, %cond3A_685 : i32
        scf.if %cond3A_686 {
          %dma_wait3A_1014 = arith.constant 0 : i32
          %dma_wait3A_1015 = arith.constant 0 : i32
          %dma_wait3A_1016 = arith.constant 0 : i32
          %dma_wait3A_1017 = tpu.memref_slice %arg5[%dma_wait3A_1014, %dma_wait3A_1015, %dma_wait3A_1016] : memref<8x56x56xf32, #tpu.memory_space<vmem>> -> memref<1x56x56xf32, #tpu.memory_space<vmem>>
          %dma_wait3A_1018 = arith.constant 0 : i32
          %dma_wait3A_1019 = arith.constant 0 : i32
          %dma_wait3A_1020 = arith.constant 0 : i32
          %dma_wait3A_1021 = tpu.memref_slice %arg4[%dma_wait3A_1018, %dma_wait3A_1019, %dma_wait3A_1020] : memref<16384x56x56xf32, #tpu.memory_space<hbm>> -> memref<1x56x56xf32, #tpu.memory_space<hbm>>
          %dma_wait3A_1022 = arith.constant 0 : i32
          %dma_wait3A_1023 = arith.constant 0 : i32
          %dma_wait3A_1024 = arith.constant 0 : i32
          %dma_wait3A_1025 = tpu.memref_slice %arg4[%dma_wait3A_1022, %dma_wait3A_1023, %dma_wait3A_1024] : memref<16384x56x56xf32, #tpu.memory_space<hbm>> -> memref<1x56x56xf32, #tpu.memory_space<hbm>>
          %dma_wait3A_1026 = arith.constant 0 : i32
          %dma_wait3A_1027 = arith.constant 0 : i32
          %dma_wait3A_1028 = arith.constant 0 : i32
          %dma_wait3A_1029 = tpu.memref_slice %arg5[%dma_wait3A_1026, %dma_wait3A_1027, %dma_wait3A_1028] : memref<8x56x56xf32, #tpu.memory_space<vmem>> -> memref<1x56x56xf32, #tpu.memory_space<vmem>>
          tpu.wait_dma2 semaphore(%arg11 : memref<!tpu.dma_semaphore, #tpu.memory_space<semaphore_mem>>) src(%dma_wait3A_1029 : memref<1x56x56xf32, #tpu.memory_space<vmem>>) dst(%dma_wait3A_1025 : memref<1x56x56xf32, #tpu.memory_space<hbm>>)
        } else {
        }
        %add3A_687 = arith.constant 0 : i32
        %add3A_688 = arith.addi %mul3A_682, %add3A_687 : i32
        %ge3A_689 = arith.constant 85 : i32
        %ge3A_690 = arith.cmpi sge, %add3A_688, %ge3A_689 : i32
        %convert_element_type3A_691 = arith.extui %ge3A_690 : i1 to i32
        %mul3A_692 = arith.constant 85 : i32
        %mul3A_693 = arith.muli %mul3A_692, %convert_element_type3A_691 : i32
        %sub3A_694 = arith.subi %add3A_688, %mul3A_693 : i32
        %mul3A_695 = arith.constant 8192 : i32
        %mul3A_696 = arith.muli %mul3A_695, %convert_element_type3A_691 : i32
        %add3A_697 = arith.addi %add3A_35, %mul3A_696 : i32
        %mul3A_698 = arith.constant 3 : i32
        %mul3A_699 = arith.muli %mul3A_698, %sub3A_694 : i32
        %add3A_700 = arith.addi %add3A_697, %mul3A_699 : i32
        %add3A_701 = arith.constant 1 : i32
        %add3A_702 = arith.addi %add3A_700, %add3A_701 : i32
        %sub3A_703 = arith.constant 1024 : i32
        %sub3A_704 = arith.subi %add3A_702, %sub3A_703 : i32
        %dma_start3A_705 = arith.constant 0 : i32
        %dma_start3A_706 = arith.constant 0 : i32
        %dma_start3A_707 = arith.constant 0 : i32
        %dma_start3A_708 = tpu.memref_slice %arg5[%dma_start3A_705, %dma_start3A_706, %dma_start3A_707] : memref<8x56x56xf32, #tpu.memory_space<vmem>> -> memref<1x56x56xf32, #tpu.memory_space<vmem>>
        %dma_start3A_709 = arith.constant 0 : i32
        %dma_start3A_710 = arith.constant 0 : i32
        %dma_start3A_711 = tpu.memref_slice %arg2[%sub3A_704, %dma_start3A_709, %dma_start3A_710] : memref<16384x56x56xf32, #tpu.memory_space<hbm>> -> memref<1x56x56xf32, #tpu.memory_space<hbm>>
        %dma_start3A_712 = arith.constant 0 : i32
        %dma_start3A_713 = arith.constant 0 : i32
        %dma_start3A_714 = arith.constant 0 : i32
        %dma_start3A_715 = tpu.memref_slice %arg5[%dma_start3A_712, %dma_start3A_713, %dma_start3A_714] : memref<8x56x56xf32, #tpu.memory_space<vmem>> -> memref<1x56x56xf32, #tpu.memory_space<vmem>>
        %dma_start3A_716 = arith.constant 0 : i32
        %dma_start3A_717 = arith.constant 0 : i32
        %dma_start3A_718 = tpu.memref_slice %arg2[%sub3A_704, %dma_start3A_716, %dma_start3A_717] : memref<16384x56x56xf32, #tpu.memory_space<hbm>> -> memref<1x56x56xf32, #tpu.memory_space<hbm>>
        tpu.enqueue_dma source(%dma_start3A_718 : memref<1x56x56xf32, #tpu.memory_space<hbm>>) target(%dma_start3A_715 : memref<1x56x56xf32, #tpu.memory_space<vmem>>) target_semaphore(%arg7 : memref<!tpu.dma_semaphore, #tpu.memory_space<semaphore_mem>>)
        %gt3A_719 = arith.constant 0 : i32
        %gt3A_720 = arith.cmpi sgt, %scan3A_680, %gt3A_719 : i32
        %convert_element_type3A_721 = arith.extui %gt3A_720 : i1 to i32
        %cond3A_722 = arith.constant 0 : i32
        %cond3A_723 = arith.cmpi ne, %convert_element_type3A_721, %cond3A_722 : i32
        scf.if %cond3A_723 {
          %dma_wait3A_1014 = arith.constant 1 : i32
          %dma_wait3A_1015 = arith.constant 0 : i32
          %dma_wait3A_1016 = arith.constant 0 : i32
          %dma_wait3A_1017 = tpu.memref_slice %arg5[%dma_wait3A_1014, %dma_wait3A_1015, %dma_wait3A_1016] : memref<8x56x56xf32, #tpu.memory_space<vmem>> -> memref<1x56x56xf32, #tpu.memory_space<vmem>>
          %dma_wait3A_1018 = arith.constant 0 : i32
          %dma_wait3A_1019 = arith.constant 0 : i32
          %dma_wait3A_1020 = arith.constant 0 : i32
          %dma_wait3A_1021 = tpu.memref_slice %arg4[%dma_wait3A_1018, %dma_wait3A_1019, %dma_wait3A_1020] : memref<16384x56x56xf32, #tpu.memory_space<hbm>> -> memref<1x56x56xf32, #tpu.memory_space<hbm>>
          %dma_wait3A_1022 = arith.constant 0 : i32
          %dma_wait3A_1023 = arith.constant 0 : i32
          %dma_wait3A_1024 = arith.constant 0 : i32
          %dma_wait3A_1025 = tpu.memref_slice %arg4[%dma_wait3A_1022, %dma_wait3A_1023, %dma_wait3A_1024] : memref<16384x56x56xf32, #tpu.memory_space<hbm>> -> memref<1x56x56xf32, #tpu.memory_space<hbm>>
          %dma_wait3A_1026 = arith.constant 1 : i32
          %dma_wait3A_1027 = arith.constant 0 : i32
          %dma_wait3A_1028 = arith.constant 0 : i32
          %dma_wait3A_1029 = tpu.memref_slice %arg5[%dma_wait3A_1026, %dma_wait3A_1027, %dma_wait3A_1028] : memref<8x56x56xf32, #tpu.memory_space<vmem>> -> memref<1x56x56xf32, #tpu.memory_space<vmem>>
          tpu.wait_dma2 semaphore(%arg12 : memref<!tpu.dma_semaphore, #tpu.memory_space<semaphore_mem>>) src(%dma_wait3A_1029 : memref<1x56x56xf32, #tpu.memory_space<vmem>>) dst(%dma_wait3A_1025 : memref<1x56x56xf32, #tpu.memory_space<hbm>>)
        } else {
        }
        %add3A_724 = arith.constant 1 : i32
        %add3A_725 = arith.addi %mul3A_682, %add3A_724 : i32
        %ge3A_726 = arith.constant 85 : i32
        %ge3A_727 = arith.cmpi sge, %add3A_725, %ge3A_726 : i32
        %convert_element_type3A_728 = arith.extui %ge3A_727 : i1 to i32
        %mul3A_729 = arith.constant 85 : i32
        %mul3A_730 = arith.muli %mul3A_729, %convert_element_type3A_728 : i32
        %sub3A_731 = arith.subi %add3A_725, %mul3A_730 : i32
        %mul3A_732 = arith.constant 8192 : i32
        %mul3A_733 = arith.muli %mul3A_732, %convert_element_type3A_728 : i32
        %add3A_734 = arith.addi %add3A_35, %mul3A_733 : i32
        %mul3A_735 = arith.constant 3 : i32
        %mul3A_736 = arith.muli %mul3A_735, %sub3A_731 : i32
        %add3A_737 = arith.addi %add3A_734, %mul3A_736 : i32
        %add3A_738 = arith.constant 1 : i32
        %add3A_739 = arith.addi %add3A_737, %add3A_738 : i32
        %sub3A_740 = arith.constant 1024 : i32
        %sub3A_741 = arith.subi %add3A_739, %sub3A_740 : i32
        %dma_start3A_742 = arith.constant 1 : i32
        %dma_start3A_743 = arith.constant 0 : i32
        %dma_start3A_744 = arith.constant 0 : i32
        %dma_start3A_745 = tpu.memref_slice %arg5[%dma_start3A_742, %dma_start3A_743, %dma_start3A_744] : memref<8x56x56xf32, #tpu.memory_space<vmem>> -> memref<1x56x56xf32, #tpu.memory_space<vmem>>
        %dma_start3A_746 = arith.constant 0 : i32
        %dma_start3A_747 = arith.constant 0 : i32
        %dma_start3A_748 = tpu.memref_slice %arg2[%sub3A_741, %dma_start3A_746, %dma_start3A_747] : memref<16384x56x56xf32, #tpu.memory_space<hbm>> -> memref<1x56x56xf32, #tpu.memory_space<hbm>>
        %dma_start3A_749 = arith.constant 1 : i32
        %dma_start3A_750 = arith.constant 0 : i32
        %dma_start3A_751 = arith.constant 0 : i32
        %dma_start3A_752 = tpu.memref_slice %arg5[%dma_start3A_749, %dma_start3A_750, %dma_start3A_751] : memref<8x56x56xf32, #tpu.memory_space<vmem>> -> memref<1x56x56xf32, #tpu.memory_space<vmem>>
        %dma_start3A_753 = arith.constant 0 : i32
        %dma_start3A_754 = arith.constant 0 : i32
        %dma_start3A_755 = tpu.memref_slice %arg2[%sub3A_741, %dma_start3A_753, %dma_start3A_754] : memref<16384x56x56xf32, #tpu.memory_space<hbm>> -> memref<1x56x56xf32, #tpu.memory_space<hbm>>
        tpu.enqueue_dma source(%dma_start3A_755 : memref<1x56x56xf32, #tpu.memory_space<hbm>>) target(%dma_start3A_752 : memref<1x56x56xf32, #tpu.memory_space<vmem>>) target_semaphore(%arg8 : memref<!tpu.dma_semaphore, #tpu.memory_space<semaphore_mem>>)
        %gt3A_756 = arith.constant 0 : i32
        %gt3A_757 = arith.cmpi sgt, %scan3A_680, %gt3A_756 : i32
        %convert_element_type3A_758 = arith.extui %gt3A_757 : i1 to i32
        %cond3A_759 = arith.constant 0 : i32
        %cond3A_760 = arith.cmpi ne, %convert_element_type3A_758, %cond3A_759 : i32
        scf.if %cond3A_760 {
          %dma_wait3A_1014 = arith.constant 2 : i32
          %dma_wait3A_1015 = arith.constant 0 : i32
          %dma_wait3A_1016 = arith.constant 0 : i32
          %dma_wait3A_1017 = tpu.memref_slice %arg5[%dma_wait3A_1014, %dma_wait3A_1015, %dma_wait3A_1016] : memref<8x56x56xf32, #tpu.memory_space<vmem>> -> memref<1x56x56xf32, #tpu.memory_space<vmem>>
          %dma_wait3A_1018 = arith.constant 0 : i32
          %dma_wait3A_1019 = arith.constant 0 : i32
          %dma_wait3A_1020 = arith.constant 0 : i32
          %dma_wait3A_1021 = tpu.memref_slice %arg4[%dma_wait3A_1018, %dma_wait3A_1019, %dma_wait3A_1020] : memref<16384x56x56xf32, #tpu.memory_space<hbm>> -> memref<1x56x56xf32, #tpu.memory_space<hbm>>
          %dma_wait3A_1022 = arith.constant 0 : i32
          %dma_wait3A_1023 = arith.constant 0 : i32
          %dma_wait3A_1024 = arith.constant 0 : i32
          %dma_wait3A_1025 = tpu.memref_slice %arg4[%dma_wait3A_1022, %dma_wait3A_1023, %dma_wait3A_1024] : memref<16384x56x56xf32, #tpu.memory_space<hbm>> -> memref<1x56x56xf32, #tpu.memory_space<hbm>>
          %dma_wait3A_1026 = arith.constant 2 : i32
          %dma_wait3A_1027 = arith.constant 0 : i32
          %dma_wait3A_1028 = arith.constant 0 : i32
          %dma_wait3A_1029 = tpu.memref_slice %arg5[%dma_wait3A_1026, %dma_wait3A_1027, %dma_wait3A_1028] : memref<8x56x56xf32, #tpu.memory_space<vmem>> -> memref<1x56x56xf32, #tpu.memory_space<vmem>>
          tpu.wait_dma2 semaphore(%arg13 : memref<!tpu.dma_semaphore, #tpu.memory_space<semaphore_mem>>) src(%dma_wait3A_1029 : memref<1x56x56xf32, #tpu.memory_space<vmem>>) dst(%dma_wait3A_1025 : memref<1x56x56xf32, #tpu.memory_space<hbm>>)
        } else {
        }
        %add3A_761 = arith.constant 2 : i32
        %add3A_762 = arith.addi %mul3A_682, %add3A_761 : i32
        %ge3A_763 = arith.constant 85 : i32
        %ge3A_764 = arith.cmpi sge, %add3A_762, %ge3A_763 : i32
        %convert_element_type3A_765 = arith.extui %ge3A_764 : i1 to i32
        %mul3A_766 = arith.constant 85 : i32
        %mul3A_767 = arith.muli %mul3A_766, %convert_element_type3A_765 : i32
        %sub3A_768 = arith.subi %add3A_762, %mul3A_767 : i32
        %mul3A_769 = arith.constant 8192 : i32
        %mul3A_770 = arith.muli %mul3A_769, %convert_element_type3A_765 : i32
        %add3A_771 = arith.addi %add3A_35, %mul3A_770 : i32
        %mul3A_772 = arith.constant 3 : i32
        %mul3A_773 = arith.muli %mul3A_772, %sub3A_768 : i32
        %add3A_774 = arith.addi %add3A_771, %mul3A_773 : i32
        %add3A_775 = arith.constant 1 : i32
        %add3A_776 = arith.addi %add3A_774, %add3A_775 : i32
        %sub3A_777 = arith.constant 1024 : i32
        %sub3A_778 = arith.subi %add3A_776, %sub3A_777 : i32
        %dma_start3A_779 = arith.constant 2 : i32
        %dma_start3A_780 = arith.constant 0 : i32
        %dma_start3A_781 = arith.constant 0 : i32
        %dma_start3A_782 = tpu.memref_slice %arg5[%dma_start3A_779, %dma_start3A_780, %dma_start3A_781] : memref<8x56x56xf32, #tpu.memory_space<vmem>> -> memref<1x56x56xf32, #tpu.memory_space<vmem>>
        %dma_start3A_783 = arith.constant 0 : i32
        %dma_start3A_784 = arith.constant 0 : i32
        %dma_start3A_785 = tpu.memref_slice %arg2[%sub3A_778, %dma_start3A_783, %dma_start3A_784] : memref<16384x56x56xf32, #tpu.memory_space<hbm>> -> memref<1x56x56xf32, #tpu.memory_space<hbm>>
        %dma_start3A_786 = arith.constant 2 : i32
        %dma_start3A_787 = arith.constant 0 : i32
        %dma_start3A_788 = arith.constant 0 : i32
        %dma_start3A_789 = tpu.memref_slice %arg5[%dma_start3A_786, %dma_start3A_787, %dma_start3A_788] : memref<8x56x56xf32, #tpu.memory_space<vmem>> -> memref<1x56x56xf32, #tpu.memory_space<vmem>>
        %dma_start3A_790 = arith.constant 0 : i32
        %dma_start3A_791 = arith.constant 0 : i32
        %dma_start3A_792 = tpu.memref_slice %arg2[%sub3A_778, %dma_start3A_790, %dma_start3A_791] : memref<16384x56x56xf32, #tpu.memory_space<hbm>> -> memref<1x56x56xf32, #tpu.memory_space<hbm>>
        tpu.enqueue_dma source(%dma_start3A_792 : memref<1x56x56xf32, #tpu.memory_space<hbm>>) target(%dma_start3A_789 : memref<1x56x56xf32, #tpu.memory_space<vmem>>) target_semaphore(%arg9 : memref<!tpu.dma_semaphore, #tpu.memory_space<semaphore_mem>>)
        %gt3A_793 = arith.constant 0 : i32
        %gt3A_794 = arith.cmpi sgt, %scan3A_680, %gt3A_793 : i32
        %convert_element_type3A_795 = arith.extui %gt3A_794 : i1 to i32
        %cond3A_796 = arith.constant 0 : i32
        %cond3A_797 = arith.cmpi ne, %convert_element_type3A_795, %cond3A_796 : i32
        scf.if %cond3A_797 {
          %dma_wait3A_1014 = arith.constant 3 : i32
          %dma_wait3A_1015 = arith.constant 0 : i32
          %dma_wait3A_1016 = arith.constant 0 : i32
          %dma_wait3A_1017 = tpu.memref_slice %arg5[%dma_wait3A_1014, %dma_wait3A_1015, %dma_wait3A_1016] : memref<8x56x56xf32, #tpu.memory_space<vmem>> -> memref<1x56x56xf32, #tpu.memory_space<vmem>>
          %dma_wait3A_1018 = arith.constant 0 : i32
          %dma_wait3A_1019 = arith.constant 0 : i32
          %dma_wait3A_1020 = arith.constant 0 : i32
          %dma_wait3A_1021 = tpu.memref_slice %arg4[%dma_wait3A_1018, %dma_wait3A_1019, %dma_wait3A_1020] : memref<16384x56x56xf32, #tpu.memory_space<hbm>> -> memref<1x56x56xf32, #tpu.memory_space<hbm>>
          %dma_wait3A_1022 = arith.constant 0 : i32
          %dma_wait3A_1023 = arith.constant 0 : i32
          %dma_wait3A_1024 = arith.constant 0 : i32
          %dma_wait3A_1025 = tpu.memref_slice %arg4[%dma_wait3A_1022, %dma_wait3A_1023, %dma_wait3A_1024] : memref<16384x56x56xf32, #tpu.memory_space<hbm>> -> memref<1x56x56xf32, #tpu.memory_space<hbm>>
          %dma_wait3A_1026 = arith.constant 3 : i32
          %dma_wait3A_1027 = arith.constant 0 : i32
          %dma_wait3A_1028 = arith.constant 0 : i32
          %dma_wait3A_1029 = tpu.memref_slice %arg5[%dma_wait3A_1026, %dma_wait3A_1027, %dma_wait3A_1028] : memref<8x56x56xf32, #tpu.memory_space<vmem>> -> memref<1x56x56xf32, #tpu.memory_space<vmem>>
          tpu.wait_dma2 semaphore(%arg14 : memref<!tpu.dma_semaphore, #tpu.memory_space<semaphore_mem>>) src(%dma_wait3A_1029 : memref<1x56x56xf32, #tpu.memory_space<vmem>>) dst(%dma_wait3A_1025 : memref<1x56x56xf32, #tpu.memory_space<hbm>>)
        } else {
        }
        %add3A_798 = arith.constant 3 : i32
        %add3A_799 = arith.addi %mul3A_682, %add3A_798 : i32
        %ge3A_800 = arith.constant 85 : i32
        %ge3A_801 = arith.cmpi sge, %add3A_799, %ge3A_800 : i32
        %convert_element_type3A_802 = arith.extui %ge3A_801 : i1 to i32
        %mul3A_803 = arith.constant 85 : i32
        %mul3A_804 = arith.muli %mul3A_803, %convert_element_type3A_802 : i32
        %sub3A_805 = arith.subi %add3A_799, %mul3A_804 : i32
        %mul3A_806 = arith.constant 8192 : i32
        %mul3A_807 = arith.muli %mul3A_806, %convert_element_type3A_802 : i32
        %add3A_808 = arith.addi %add3A_35, %mul3A_807 : i32
        %mul3A_809 = arith.constant 3 : i32
        %mul3A_810 = arith.muli %mul3A_809, %sub3A_805 : i32
        %add3A_811 = arith.addi %add3A_808, %mul3A_810 : i32
        %add3A_812 = arith.constant 1 : i32
        %add3A_813 = arith.addi %add3A_811, %add3A_812 : i32
        %sub3A_814 = arith.constant 1024 : i32
        %sub3A_815 = arith.subi %add3A_813, %sub3A_814 : i32
        %dma_start3A_816 = arith.constant 3 : i32
        %dma_start3A_817 = arith.constant 0 : i32
        %dma_start3A_818 = arith.constant 0 : i32
        %dma_start3A_819 = tpu.memref_slice %arg5[%dma_start3A_816, %dma_start3A_817, %dma_start3A_818] : memref<8x56x56xf32, #tpu.memory_space<vmem>> -> memref<1x56x56xf32, #tpu.memory_space<vmem>>
        %dma_start3A_820 = arith.constant 0 : i32
        %dma_start3A_821 = arith.constant 0 : i32
        %dma_start3A_822 = tpu.memref_slice %arg2[%sub3A_815, %dma_start3A_820, %dma_start3A_821] : memref<16384x56x56xf32, #tpu.memory_space<hbm>> -> memref<1x56x56xf32, #tpu.memory_space<hbm>>
        %dma_start3A_823 = arith.constant 3 : i32
        %dma_start3A_824 = arith.constant 0 : i32
        %dma_start3A_825 = arith.constant 0 : i32
        %dma_start3A_826 = tpu.memref_slice %arg5[%dma_start3A_823, %dma_start3A_824, %dma_start3A_825] : memref<8x56x56xf32, #tpu.memory_space<vmem>> -> memref<1x56x56xf32, #tpu.memory_space<vmem>>
        %dma_start3A_827 = arith.constant 0 : i32
        %dma_start3A_828 = arith.constant 0 : i32
        %dma_start3A_829 = tpu.memref_slice %arg2[%sub3A_815, %dma_start3A_827, %dma_start3A_828] : memref<16384x56x56xf32, #tpu.memory_space<hbm>> -> memref<1x56x56xf32, #tpu.memory_space<hbm>>
        tpu.enqueue_dma source(%dma_start3A_829 : memref<1x56x56xf32, #tpu.memory_space<hbm>>) target(%dma_start3A_826 : memref<1x56x56xf32, #tpu.memory_space<vmem>>) target_semaphore(%arg10 : memref<!tpu.dma_semaphore, #tpu.memory_space<semaphore_mem>>)
        %dma_wait3A_830 = arith.constant 0 : i32
        %dma_wait3A_831 = arith.constant 0 : i32
        %dma_wait3A_832 = arith.constant 0 : i32
        %dma_wait3A_833 = tpu.memref_slice %arg5[%dma_wait3A_830, %dma_wait3A_831, %dma_wait3A_832] : memref<8x56x56xf32, #tpu.memory_space<vmem>> -> memref<1x56x56xf32, #tpu.memory_space<vmem>>
        %dma_wait3A_834 = arith.constant 0 : i32
        %dma_wait3A_835 = arith.constant 0 : i32
        %dma_wait3A_836 = arith.constant 0 : i32
        %dma_wait3A_837 = tpu.memref_slice %arg2[%dma_wait3A_834, %dma_wait3A_835, %dma_wait3A_836] : memref<16384x56x56xf32, #tpu.memory_space<hbm>> -> memref<1x56x56xf32, #tpu.memory_space<hbm>>
        %dma_wait3A_838 = arith.constant 0 : i32
        %dma_wait3A_839 = arith.constant 0 : i32
        %dma_wait3A_840 = arith.constant 0 : i32
        %dma_wait3A_841 = tpu.memref_slice %arg5[%dma_wait3A_838, %dma_wait3A_839, %dma_wait3A_840] : memref<8x56x56xf32, #tpu.memory_space<vmem>> -> memref<1x56x56xf32, #tpu.memory_space<vmem>>
        %dma_wait3A_842 = arith.constant 0 : i32
        %dma_wait3A_843 = arith.constant 0 : i32
        %dma_wait3A_844 = arith.constant 0 : i32
        %dma_wait3A_845 = tpu.memref_slice %arg2[%dma_wait3A_842, %dma_wait3A_843, %dma_wait3A_844] : memref<16384x56x56xf32, #tpu.memory_space<hbm>> -> memref<1x56x56xf32, #tpu.memory_space<hbm>>
        tpu.wait_dma2 semaphore(%arg7 : memref<!tpu.dma_semaphore, #tpu.memory_space<semaphore_mem>>) src(%dma_wait3A_845 : memref<1x56x56xf32, #tpu.memory_space<hbm>>) dst(%dma_wait3A_841 : memref<1x56x56xf32, #tpu.memory_space<vmem>>)
        %add3A_846 = arith.constant 0 : i32
        %add3A_847 = arith.addi %mul3A_682, %add3A_846 : i32
        %ge3A_848 = arith.constant 85 : i32
        %ge3A_849 = arith.cmpi sge, %add3A_847, %ge3A_848 : i32
        %convert_element_type3A_850 = arith.extui %ge3A_849 : i1 to i32
        %mul3A_851 = arith.constant 85 : i32
        %mul3A_852 = arith.muli %mul3A_851, %convert_element_type3A_850 : i32
        %sub3A_853 = arith.subi %add3A_847, %mul3A_852 : i32
        %mul3A_854 = arith.constant 8192 : i32
        %mul3A_855 = arith.muli %mul3A_854, %convert_element_type3A_850 : i32
        %add3A_856 = arith.addi %add3A_35, %mul3A_855 : i32
        %mul3A_857 = arith.constant 3 : i32
        %mul3A_858 = arith.muli %mul3A_857, %sub3A_853 : i32
        %add3A_859 = arith.addi %add3A_856, %mul3A_858 : i32
        %add3A_860 = arith.constant 1 : i32
        %add3A_861 = arith.addi %add3A_859, %add3A_860 : i32
        %dma_start3A_862 = arith.constant 0 : i32
        %dma_start3A_863 = arith.constant 0 : i32
        %dma_start3A_864 = arith.constant 0 : i32
        %dma_start3A_865 = tpu.memref_slice %arg5[%dma_start3A_862, %dma_start3A_863, %dma_start3A_864] : memref<8x56x56xf32, #tpu.memory_space<vmem>> -> memref<1x56x56xf32, #tpu.memory_space<vmem>>
        %dma_start3A_866 = arith.constant 0 : i32
        %dma_start3A_867 = arith.constant 0 : i32
        %dma_start3A_868 = tpu.memref_slice %arg4[%add3A_861, %dma_start3A_866, %dma_start3A_867] : memref<16384x56x56xf32, #tpu.memory_space<hbm>> -> memref<1x56x56xf32, #tpu.memory_space<hbm>>
        %dma_start3A_869 = arith.constant 0 : i32
        %dma_start3A_870 = arith.constant 0 : i32
        %dma_start3A_871 = tpu.memref_slice %arg4[%add3A_861, %dma_start3A_869, %dma_start3A_870] : memref<16384x56x56xf32, #tpu.memory_space<hbm>> -> memref<1x56x56xf32, #tpu.memory_space<hbm>>
        %dma_start3A_872 = arith.constant 0 : i32
        %dma_start3A_873 = arith.constant 0 : i32
        %dma_start3A_874 = arith.constant 0 : i32
        %dma_start3A_875 = tpu.memref_slice %arg5[%dma_start3A_872, %dma_start3A_873, %dma_start3A_874] : memref<8x56x56xf32, #tpu.memory_space<vmem>> -> memref<1x56x56xf32, #tpu.memory_space<vmem>>
        tpu.enqueue_dma source(%dma_start3A_875 : memref<1x56x56xf32, #tpu.memory_space<vmem>>) target(%dma_start3A_871 : memref<1x56x56xf32, #tpu.memory_space<hbm>>) target_semaphore(%arg11 : memref<!tpu.dma_semaphore, #tpu.memory_space<semaphore_mem>>)
        %dma_wait3A_876 = arith.constant 1 : i32
        %dma_wait3A_877 = arith.constant 0 : i32
        %dma_wait3A_878 = arith.constant 0 : i32
        %dma_wait3A_879 = tpu.memref_slice %arg5[%dma_wait3A_876, %dma_wait3A_877, %dma_wait3A_878] : memref<8x56x56xf32, #tpu.memory_space<vmem>> -> memref<1x56x56xf32, #tpu.memory_space<vmem>>
        %dma_wait3A_880 = arith.constant 0 : i32
        %dma_wait3A_881 = arith.constant 0 : i32
        %dma_wait3A_882 = arith.constant 0 : i32
        %dma_wait3A_883 = tpu.memref_slice %arg2[%dma_wait3A_880, %dma_wait3A_881, %dma_wait3A_882] : memref<16384x56x56xf32, #tpu.memory_space<hbm>> -> memref<1x56x56xf32, #tpu.memory_space<hbm>>
        %dma_wait3A_884 = arith.constant 1 : i32
        %dma_wait3A_885 = arith.constant 0 : i32
        %dma_wait3A_886 = arith.constant 0 : i32
        %dma_wait3A_887 = tpu.memref_slice %arg5[%dma_wait3A_884, %dma_wait3A_885, %dma_wait3A_886] : memref<8x56x56xf32, #tpu.memory_space<vmem>> -> memref<1x56x56xf32, #tpu.memory_space<vmem>>
        %dma_wait3A_888 = arith.constant 0 : i32
        %dma_wait3A_889 = arith.constant 0 : i32
        %dma_wait3A_890 = arith.constant 0 : i32
        %dma_wait3A_891 = tpu.memref_slice %arg2[%dma_wait3A_888, %dma_wait3A_889, %dma_wait3A_890] : memref<16384x56x56xf32, #tpu.memory_space<hbm>> -> memref<1x56x56xf32, #tpu.memory_space<hbm>>
        tpu.wait_dma2 semaphore(%arg8 : memref<!tpu.dma_semaphore, #tpu.memory_space<semaphore_mem>>) src(%dma_wait3A_891 : memref<1x56x56xf32, #tpu.memory_space<hbm>>) dst(%dma_wait3A_887 : memref<1x56x56xf32, #tpu.memory_space<vmem>>)
        %add3A_892 = arith.constant 1 : i32
        %add3A_893 = arith.addi %mul3A_682, %add3A_892 : i32
        %ge3A_894 = arith.constant 85 : i32
        %ge3A_895 = arith.cmpi sge, %add3A_893, %ge3A_894 : i32
        %convert_element_type3A_896 = arith.extui %ge3A_895 : i1 to i32
        %mul3A_897 = arith.constant 85 : i32
        %mul3A_898 = arith.muli %mul3A_897, %convert_element_type3A_896 : i32
        %sub3A_899 = arith.subi %add3A_893, %mul3A_898 : i32
        %mul3A_900 = arith.constant 8192 : i32
        %mul3A_901 = arith.muli %mul3A_900, %convert_element_type3A_896 : i32
        %add3A_902 = arith.addi %add3A_35, %mul3A_901 : i32
        %mul3A_903 = arith.constant 3 : i32
        %mul3A_904 = arith.muli %mul3A_903, %sub3A_899 : i32
        %add3A_905 = arith.addi %add3A_902, %mul3A_904 : i32
        %add3A_906 = arith.constant 1 : i32
        %add3A_907 = arith.addi %add3A_905, %add3A_906 : i32
        %dma_start3A_908 = arith.constant 1 : i32
        %dma_start3A_909 = arith.constant 0 : i32
        %dma_start3A_910 = arith.constant 0 : i32
        %dma_start3A_911 = tpu.memref_slice %arg5[%dma_start3A_908, %dma_start3A_909, %dma_start3A_910] : memref<8x56x56xf32, #tpu.memory_space<vmem>> -> memref<1x56x56xf32, #tpu.memory_space<vmem>>
        %dma_start3A_912 = arith.constant 0 : i32
        %dma_start3A_913 = arith.constant 0 : i32
        %dma_start3A_914 = tpu.memref_slice %arg4[%add3A_907, %dma_start3A_912, %dma_start3A_913] : memref<16384x56x56xf32, #tpu.memory_space<hbm>> -> memref<1x56x56xf32, #tpu.memory_space<hbm>>
        %dma_start3A_915 = arith.constant 0 : i32
        %dma_start3A_916 = arith.constant 0 : i32
        %dma_start3A_917 = tpu.memref_slice %arg4[%add3A_907, %dma_start3A_915, %dma_start3A_916] : memref<16384x56x56xf32, #tpu.memory_space<hbm>> -> memref<1x56x56xf32, #tpu.memory_space<hbm>>
        %dma_start3A_918 = arith.constant 1 : i32
        %dma_start3A_919 = arith.constant 0 : i32
        %dma_start3A_920 = arith.constant 0 : i32
        %dma_start3A_921 = tpu.memref_slice %arg5[%dma_start3A_918, %dma_start3A_919, %dma_start3A_920] : memref<8x56x56xf32, #tpu.memory_space<vmem>> -> memref<1x56x56xf32, #tpu.memory_space<vmem>>
        tpu.enqueue_dma source(%dma_start3A_921 : memref<1x56x56xf32, #tpu.memory_space<vmem>>) target(%dma_start3A_917 : memref<1x56x56xf32, #tpu.memory_space<hbm>>) target_semaphore(%arg12 : memref<!tpu.dma_semaphore, #tpu.memory_space<semaphore_mem>>)
        %dma_wait3A_922 = arith.constant 2 : i32
        %dma_wait3A_923 = arith.constant 0 : i32
        %dma_wait3A_924 = arith.constant 0 : i32
        %dma_wait3A_925 = tpu.memref_slice %arg5[%dma_wait3A_922, %dma_wait3A_923, %dma_wait3A_924] : memref<8x56x56xf32, #tpu.memory_space<vmem>> -> memref<1x56x56xf32, #tpu.memory_space<vmem>>
        %dma_wait3A_926 = arith.constant 0 : i32
        %dma_wait3A_927 = arith.constant 0 : i32
        %dma_wait3A_928 = arith.constant 0 : i32
        %dma_wait3A_929 = tpu.memref_slice %arg2[%dma_wait3A_926, %dma_wait3A_927, %dma_wait3A_928] : memref<16384x56x56xf32, #tpu.memory_space<hbm>> -> memref<1x56x56xf32, #tpu.memory_space<hbm>>
        %dma_wait3A_930 = arith.constant 2 : i32
        %dma_wait3A_931 = arith.constant 0 : i32
        %dma_wait3A_932 = arith.constant 0 : i32
        %dma_wait3A_933 = tpu.memref_slice %arg5[%dma_wait3A_930, %dma_wait3A_931, %dma_wait3A_932] : memref<8x56x56xf32, #tpu.memory_space<vmem>> -> memref<1x56x56xf32, #tpu.memory_space<vmem>>
        %dma_wait3A_934 = arith.constant 0 : i32
        %dma_wait3A_935 = arith.constant 0 : i32
        %dma_wait3A_936 = arith.constant 0 : i32
        %dma_wait3A_937 = tpu.memref_slice %arg2[%dma_wait3A_934, %dma_wait3A_935, %dma_wait3A_936] : memref<16384x56x56xf32, #tpu.memory_space<hbm>> -> memref<1x56x56xf32, #tpu.memory_space<hbm>>
        tpu.wait_dma2 semaphore(%arg9 : memref<!tpu.dma_semaphore, #tpu.memory_space<semaphore_mem>>) src(%dma_wait3A_937 : memref<1x56x56xf32, #tpu.memory_space<hbm>>) dst(%dma_wait3A_933 : memref<1x56x56xf32, #tpu.memory_space<vmem>>)
        %add3A_938 = arith.constant 2 : i32
        %add3A_939 = arith.addi %mul3A_682, %add3A_938 : i32
        %ge3A_940 = arith.constant 85 : i32
        %ge3A_941 = arith.cmpi sge, %add3A_939, %ge3A_940 : i32
        %convert_element_type3A_942 = arith.extui %ge3A_941 : i1 to i32
        %mul3A_943 = arith.constant 85 : i32
        %mul3A_944 = arith.muli %mul3A_943, %convert_element_type3A_942 : i32
        %sub3A_945 = arith.subi %add3A_939, %mul3A_944 : i32
        %mul3A_946 = arith.constant 8192 : i32
        %mul3A_947 = arith.muli %mul3A_946, %convert_element_type3A_942 : i32
        %add3A_948 = arith.addi %add3A_35, %mul3A_947 : i32
        %mul3A_949 = arith.constant 3 : i32
        %mul3A_950 = arith.muli %mul3A_949, %sub3A_945 : i32
        %add3A_951 = arith.addi %add3A_948, %mul3A_950 : i32
        %add3A_952 = arith.constant 1 : i32
        %add3A_953 = arith.addi %add3A_951, %add3A_952 : i32
        %dma_start3A_954 = arith.constant 2 : i32
        %dma_start3A_955 = arith.constant 0 : i32
        %dma_start3A_956 = arith.constant 0 : i32
        %dma_start3A_957 = tpu.memref_slice %arg5[%dma_start3A_954, %dma_start3A_955, %dma_start3A_956] : memref<8x56x56xf32, #tpu.memory_space<vmem>> -> memref<1x56x56xf32, #tpu.memory_space<vmem>>
        %dma_start3A_958 = arith.constant 0 : i32
        %dma_start3A_959 = arith.constant 0 : i32
        %dma_start3A_960 = tpu.memref_slice %arg4[%add3A_953, %dma_start3A_958, %dma_start3A_959] : memref<16384x56x56xf32, #tpu.memory_space<hbm>> -> memref<1x56x56xf32, #tpu.memory_space<hbm>>
        %dma_start3A_961 = arith.constant 0 : i32
        %dma_start3A_962 = arith.constant 0 : i32
        %dma_start3A_963 = tpu.memref_slice %arg4[%add3A_953, %dma_start3A_961, %dma_start3A_962] : memref<16384x56x56xf32, #tpu.memory_space<hbm>> -> memref<1x56x56xf32, #tpu.memory_space<hbm>>
        %dma_start3A_964 = arith.constant 2 : i32
        %dma_start3A_965 = arith.constant 0 : i32
        %dma_start3A_966 = arith.constant 0 : i32
        %dma_start3A_967 = tpu.memref_slice %arg5[%dma_start3A_964, %dma_start3A_965, %dma_start3A_966] : memref<8x56x56xf32, #tpu.memory_space<vmem>> -> memref<1x56x56xf32, #tpu.memory_space<vmem>>
        tpu.enqueue_dma source(%dma_start3A_967 : memref<1x56x56xf32, #tpu.memory_space<vmem>>) target(%dma_start3A_963 : memref<1x56x56xf32, #tpu.memory_space<hbm>>) target_semaphore(%arg13 : memref<!tpu.dma_semaphore, #tpu.memory_space<semaphore_mem>>)
        %dma_wait3A_968 = arith.constant 3 : i32
        %dma_wait3A_969 = arith.constant 0 : i32
        %dma_wait3A_970 = arith.constant 0 : i32
        %dma_wait3A_971 = tpu.memref_slice %arg5[%dma_wait3A_968, %dma_wait3A_969, %dma_wait3A_970] : memref<8x56x56xf32, #tpu.memory_space<vmem>> -> memref<1x56x56xf32, #tpu.memory_space<vmem>>
        %dma_wait3A_972 = arith.constant 0 : i32
        %dma_wait3A_973 = arith.constant 0 : i32
        %dma_wait3A_974 = arith.constant 0 : i32
        %dma_wait3A_975 = tpu.memref_slice %arg2[%dma_wait3A_972, %dma_wait3A_973, %dma_wait3A_974] : memref<16384x56x56xf32, #tpu.memory_space<hbm>> -> memref<1x56x56xf32, #tpu.memory_space<hbm>>
        %dma_wait3A_976 = arith.constant 3 : i32
        %dma_wait3A_977 = arith.constant 0 : i32
        %dma_wait3A_978 = arith.constant 0 : i32
        %dma_wait3A_979 = tpu.memref_slice %arg5[%dma_wait3A_976, %dma_wait3A_977, %dma_wait3A_978] : memref<8x56x56xf32, #tpu.memory_space<vmem>> -> memref<1x56x56xf32, #tpu.memory_space<vmem>>
        %dma_wait3A_980 = arith.constant 0 : i32
        %dma_wait3A_981 = arith.constant 0 : i32
        %dma_wait3A_982 = arith.constant 0 : i32
        %dma_wait3A_983 = tpu.memref_slice %arg2[%dma_wait3A_980, %dma_wait3A_981, %dma_wait3A_982] : memref<16384x56x56xf32, #tpu.memory_space<hbm>> -> memref<1x56x56xf32, #tpu.memory_space<hbm>>
        tpu.wait_dma2 semaphore(%arg10 : memref<!tpu.dma_semaphore, #tpu.memory_space<semaphore_mem>>) src(%dma_wait3A_983 : memref<1x56x56xf32, #tpu.memory_space<hbm>>) dst(%dma_wait3A_979 : memref<1x56x56xf32, #tpu.memory_space<vmem>>)
        %add3A_984 = arith.constant 3 : i32
        %add3A_985 = arith.addi %mul3A_682, %add3A_984 : i32
        %ge3A_986 = arith.constant 85 : i32
        %ge3A_987 = arith.cmpi sge, %add3A_985, %ge3A_986 : i32
        %convert_element_type3A_988 = arith.extui %ge3A_987 : i1 to i32
        %mul3A_989 = arith.constant 85 : i32
        %mul3A_990 = arith.muli %mul3A_989, %convert_element_type3A_988 : i32
        %sub3A_991 = arith.subi %add3A_985, %mul3A_990 : i32
        %mul3A_992 = arith.constant 8192 : i32
        %mul3A_993 = arith.muli %mul3A_992, %convert_element_type3A_988 : i32
        %add3A_994 = arith.addi %add3A_35, %mul3A_993 : i32
        %mul3A_995 = arith.constant 3 : i32
        %mul3A_996 = arith.muli %mul3A_995, %sub3A_991 : i32
        %add3A_997 = arith.addi %add3A_994, %mul3A_996 : i32
        %add3A_998 = arith.constant 1 : i32
        %add3A_999 = arith.addi %add3A_997, %add3A_998 : i32
        %dma_start3A_1000 = arith.constant 3 : i32
        %dma_start3A_1001 = arith.constant 0 : i32
        %dma_start3A_1002 = arith.constant 0 : i32
        %dma_start3A_1003 = tpu.memref_slice %arg5[%dma_start3A_1000, %dma_start3A_1001, %dma_start3A_1002] : memref<8x56x56xf32, #tpu.memory_space<vmem>> -> memref<1x56x56xf32, #tpu.memory_space<vmem>>
        %dma_start3A_1004 = arith.constant 0 : i32
        %dma_start3A_1005 = arith.constant 0 : i32
        %dma_start3A_1006 = tpu.memref_slice %arg4[%add3A_999, %dma_start3A_1004, %dma_start3A_1005] : memref<16384x56x56xf32, #tpu.memory_space<hbm>> -> memref<1x56x56xf32, #tpu.memory_space<hbm>>
        %dma_start3A_1007 = arith.constant 0 : i32
        %dma_start3A_1008 = arith.constant 0 : i32
        %dma_start3A_1009 = tpu.memref_slice %arg4[%add3A_999, %dma_start3A_1007, %dma_start3A_1008] : memref<16384x56x56xf32, #tpu.memory_space<hbm>> -> memref<1x56x56xf32, #tpu.memory_space<hbm>>
        %dma_start3A_1010 = arith.constant 3 : i32
        %dma_start3A_1011 = arith.constant 0 : i32
        %dma_start3A_1012 = arith.constant 0 : i32
        %dma_start3A_1013 = tpu.memref_slice %arg5[%dma_start3A_1010, %dma_start3A_1011, %dma_start3A_1012] : memref<8x56x56xf32, #tpu.memory_space<vmem>> -> memref<1x56x56xf32, #tpu.memory_space<vmem>>
        tpu.enqueue_dma source(%dma_start3A_1013 : memref<1x56x56xf32, #tpu.memory_space<vmem>>) target(%dma_start3A_1009 : memref<1x56x56xf32, #tpu.memory_space<hbm>>) target_semaphore(%arg14 : memref<!tpu.dma_semaphore, #tpu.memory_space<semaphore_mem>>)
      }
      %scan3A_61 = arith.constant 42 : i32
      %dma_wait3A = arith.constant 0 : i32
      %dma_wait3A_62 = arith.constant 0 : i32
      %dma_wait3A_63 = arith.constant 0 : i32
      %dma_wait3A_64 = tpu.memref_slice %arg5[%dma_wait3A, %dma_wait3A_62, %dma_wait3A_63] : memref<8x56x56xf32, #tpu.memory_space<vmem>> -> memref<1x56x56xf32, #tpu.memory_space<vmem>>
      %dma_wait3A_65 = arith.constant 0 : i32
      %dma_wait3A_66 = arith.constant 0 : i32
      %dma_wait3A_67 = arith.constant 0 : i32
      %dma_wait3A_68 = tpu.memref_slice %arg4[%dma_wait3A_65, %dma_wait3A_66, %dma_wait3A_67] : memref<16384x56x56xf32, #tpu.memory_space<hbm>> -> memref<1x56x56xf32, #tpu.memory_space<hbm>>
      %dma_wait3A_69 = arith.constant 0 : i32
      %dma_wait3A_70 = arith.constant 0 : i32
      %dma_wait3A_71 = arith.constant 0 : i32
      %dma_wait3A_72 = tpu.memref_slice %arg4[%dma_wait3A_69, %dma_wait3A_70, %dma_wait3A_71] : memref<16384x56x56xf32, #tpu.memory_space<hbm>> -> memref<1x56x56xf32, #tpu.memory_space<hbm>>
      %dma_wait3A_73 = arith.constant 0 : i32
      %dma_wait3A_74 = arith.constant 0 : i32
      %dma_wait3A_75 = arith.constant 0 : i32
      %dma_wait3A_76 = tpu.memref_slice %arg5[%dma_wait3A_73, %dma_wait3A_74, %dma_wait3A_75] : memref<8x56x56xf32, #tpu.memory_space<vmem>> -> memref<1x56x56xf32, #tpu.memory_space<vmem>>
      tpu.wait_dma2 semaphore(%arg11 : memref<!tpu.dma_semaphore, #tpu.memory_space<semaphore_mem>>) src(%dma_wait3A_76 : memref<1x56x56xf32, #tpu.memory_space<vmem>>) dst(%dma_wait3A_72 : memref<1x56x56xf32, #tpu.memory_space<hbm>>)
      %dma_wait3A_77 = arith.constant 1 : i32
      %dma_wait3A_78 = arith.constant 0 : i32
      %dma_wait3A_79 = arith.constant 0 : i32
      %dma_wait3A_80 = tpu.memref_slice %arg5[%dma_wait3A_77, %dma_wait3A_78, %dma_wait3A_79] : memref<8x56x56xf32, #tpu.memory_space<vmem>> -> memref<1x56x56xf32, #tpu.memory_space<vmem>>
      %dma_wait3A_81 = arith.constant 0 : i32
      %dma_wait3A_82 = arith.constant 0 : i32
      %dma_wait3A_83 = arith.constant 0 : i32
      %dma_wait3A_84 = tpu.memref_slice %arg4[%dma_wait3A_81, %dma_wait3A_82, %dma_wait3A_83] : memref<16384x56x56xf32, #tpu.memory_space<hbm>> -> memref<1x56x56xf32, #tpu.memory_space<hbm>>
      %dma_wait3A_85 = arith.constant 0 : i32
      %dma_wait3A_86 = arith.constant 0 : i32
      %dma_wait3A_87 = arith.constant 0 : i32
      %dma_wait3A_88 = tpu.memref_slice %arg4[%dma_wait3A_85, %dma_wait3A_86, %dma_wait3A_87] : memref<16384x56x56xf32, #tpu.memory_space<hbm>> -> memref<1x56x56xf32, #tpu.memory_space<hbm>>
      %dma_wait3A_89 = arith.constant 1 : i32
      %dma_wait3A_90 = arith.constant 0 : i32
      %dma_wait3A_91 = arith.constant 0 : i32
      %dma_wait3A_92 = tpu.memref_slice %arg5[%dma_wait3A_89, %dma_wait3A_90, %dma_wait3A_91] : memref<8x56x56xf32, #tpu.memory_space<vmem>> -> memref<1x56x56xf32, #tpu.memory_space<vmem>>
      tpu.wait_dma2 semaphore(%arg12 : memref<!tpu.dma_semaphore, #tpu.memory_space<semaphore_mem>>) src(%dma_wait3A_92 : memref<1x56x56xf32, #tpu.memory_space<vmem>>) dst(%dma_wait3A_88 : memref<1x56x56xf32, #tpu.memory_space<hbm>>)
      %dma_wait3A_93 = arith.constant 2 : i32
      %dma_wait3A_94 = arith.constant 0 : i32
      %dma_wait3A_95 = arith.constant 0 : i32
      %dma_wait3A_96 = tpu.memref_slice %arg5[%dma_wait3A_93, %dma_wait3A_94, %dma_wait3A_95] : memref<8x56x56xf32, #tpu.memory_space<vmem>> -> memref<1x56x56xf32, #tpu.memory_space<vmem>>
      %dma_wait3A_97 = arith.constant 0 : i32
      %dma_wait3A_98 = arith.constant 0 : i32
      %dma_wait3A_99 = arith.constant 0 : i32
      %dma_wait3A_100 = tpu.memref_slice %arg4[%dma_wait3A_97, %dma_wait3A_98, %dma_wait3A_99] : memref<16384x56x56xf32, #tpu.memory_space<hbm>> -> memref<1x56x56xf32, #tpu.memory_space<hbm>>
      %dma_wait3A_101 = arith.constant 0 : i32
      %dma_wait3A_102 = arith.constant 0 : i32
      %dma_wait3A_103 = arith.constant 0 : i32
      %dma_wait3A_104 = tpu.memref_slice %arg4[%dma_wait3A_101, %dma_wait3A_102, %dma_wait3A_103] : memref<16384x56x56xf32, #tpu.memory_space<hbm>> -> memref<1x56x56xf32, #tpu.memory_space<hbm>>
      %dma_wait3A_105 = arith.constant 2 : i32
      %dma_wait3A_106 = arith.constant 0 : i32
      %dma_wait3A_107 = arith.constant 0 : i32
      %dma_wait3A_108 = tpu.memref_slice %arg5[%dma_wait3A_105, %dma_wait3A_106, %dma_wait3A_107] : memref<8x56x56xf32, #tpu.memory_space<vmem>> -> memref<1x56x56xf32, #tpu.memory_space<vmem>>
      tpu.wait_dma2 semaphore(%arg13 : memref<!tpu.dma_semaphore, #tpu.memory_space<semaphore_mem>>) src(%dma_wait3A_108 : memref<1x56x56xf32, #tpu.memory_space<vmem>>) dst(%dma_wait3A_104 : memref<1x56x56xf32, #tpu.memory_space<hbm>>)
      %dma_wait3A_109 = arith.constant 3 : i32
      %dma_wait3A_110 = arith.constant 0 : i32
      %dma_wait3A_111 = arith.constant 0 : i32
      %dma_wait3A_112 = tpu.memref_slice %arg5[%dma_wait3A_109, %dma_wait3A_110, %dma_wait3A_111] : memref<8x56x56xf32, #tpu.memory_space<vmem>> -> memref<1x56x56xf32, #tpu.memory_space<vmem>>
      %dma_wait3A_113 = arith.constant 0 : i32
      %dma_wait3A_114 = arith.constant 0 : i32
      %dma_wait3A_115 = arith.constant 0 : i32
      %dma_wait3A_116 = tpu.memref_slice %arg4[%dma_wait3A_113, %dma_wait3A_114, %dma_wait3A_115] : memref<16384x56x56xf32, #tpu.memory_space<hbm>> -> memref<1x56x56xf32, #tpu.memory_space<hbm>>
      %dma_wait3A_117 = arith.constant 0 : i32
      %dma_wait3A_118 = arith.constant 0 : i32
      %dma_wait3A_119 = arith.constant 0 : i32
      %dma_wait3A_120 = tpu.memref_slice %arg4[%dma_wait3A_117, %dma_wait3A_118, %dma_wait3A_119] : memref<16384x56x56xf32, #tpu.memory_space<hbm>> -> memref<1x56x56xf32, #tpu.memory_space<hbm>>
      %dma_wait3A_121 = arith.constant 3 : i32
      %dma_wait3A_122 = arith.constant 0 : i32
      %dma_wait3A_123 = arith.constant 0 : i32
      %dma_wait3A_124 = tpu.memref_slice %arg5[%dma_wait3A_121, %dma_wait3A_122, %dma_wait3A_123] : memref<8x56x56xf32, #tpu.memory_space<vmem>> -> memref<1x56x56xf32, #tpu.memory_space<vmem>>
      tpu.wait_dma2 semaphore(%arg14 : memref<!tpu.dma_semaphore, #tpu.memory_space<semaphore_mem>>) src(%dma_wait3A_124 : memref<1x56x56xf32, #tpu.memory_space<vmem>>) dst(%dma_wait3A_120 : memref<1x56x56xf32, #tpu.memory_space<hbm>>)
      %ge3A_125 = arith.constant 168 : i32
      %ge3A_126 = arith.constant 85 : i32
      %ge3A_127 = arith.cmpi sge, %ge3A_125, %ge3A_126 : i32
      %convert_element_type3A_128 = arith.extui %ge3A_127 : i1 to i32
      %mul3A_129 = arith.constant 85 : i32
      %mul3A_130 = arith.muli %mul3A_129, %convert_element_type3A_128 : i32
      %sub3A_131 = arith.constant 168 : i32
      %sub3A_132 = arith.subi %sub3A_131, %mul3A_130 : i32
      %mul3A_133 = arith.constant 8192 : i32
      %mul3A_134 = arith.muli %mul3A_133, %convert_element_type3A_128 : i32
      %add3A_135 = arith.addi %add3A_35, %mul3A_134 : i32
      %mul3A_136 = arith.constant 3 : i32
      %mul3A_137 = arith.muli %mul3A_136, %sub3A_132 : i32
      %add3A_138 = arith.addi %add3A_135, %mul3A_137 : i32
      %add3A_139 = arith.constant 1 : i32
      %add3A_140 = arith.addi %add3A_138, %add3A_139 : i32
      %sub3A_141 = arith.constant 1024 : i32
      %sub3A_142 = arith.subi %add3A_140, %sub3A_141 : i32
      %ge3A_143 = arith.constant 168 : i32
      %ge3A_144 = arith.constant 85 : i32
      %ge3A_145 = arith.cmpi sge, %ge3A_143, %ge3A_144 : i32
      %convert_element_type3A_146 = arith.extui %ge3A_145 : i1 to i32
      %mul3A_147 = arith.constant 85 : i32
      %mul3A_148 = arith.muli %mul3A_147, %convert_element_type3A_146 : i32
      %sub3A_149 = arith.constant 168 : i32
      %sub3A_150 = arith.subi %sub3A_149, %mul3A_148 : i32
      %mul3A_151 = arith.constant 8192 : i32
      %mul3A_152 = arith.muli %mul3A_151, %convert_element_type3A_146 : i32
      %add3A_153 = arith.addi %add3A_35, %mul3A_152 : i32
      %mul3A_154 = arith.constant 3 : i32
      %mul3A_155 = arith.muli %mul3A_154, %sub3A_150 : i32
      %add3A_156 = arith.addi %add3A_153, %mul3A_155 : i32
      %add3A_157 = arith.constant 1 : i32
      %add3A_158 = arith.addi %add3A_156, %add3A_157 : i32
      %dma_start3A = arith.constant 0 : i32
      %dma_start3A_159 = arith.constant 0 : i32
      %dma_start3A_160 = arith.constant 0 : i32
      %dma_start3A_161 = tpu.memref_slice %arg5[%dma_start3A, %dma_start3A_159, %dma_start3A_160] : memref<8x56x56xf32, #tpu.memory_space<vmem>> -> memref<1x56x56xf32, #tpu.memory_space<vmem>>
      %dma_start3A_162 = arith.constant 0 : i32
      %dma_start3A_163 = arith.constant 0 : i32
      %dma_start3A_164 = tpu.memref_slice %arg2[%sub3A_142, %dma_start3A_162, %dma_start3A_163] : memref<16384x56x56xf32, #tpu.memory_space<hbm>> -> memref<1x56x56xf32, #tpu.memory_space<hbm>>
      %dma_start3A_165 = arith.constant 0 : i32
      %dma_start3A_166 = arith.constant 0 : i32
      %dma_start3A_167 = arith.constant 0 : i32
      %dma_start3A_168 = tpu.memref_slice %arg5[%dma_start3A_165, %dma_start3A_166, %dma_start3A_167] : memref<8x56x56xf32, #tpu.memory_space<vmem>> -> memref<1x56x56xf32, #tpu.memory_space<vmem>>
      %dma_start3A_169 = arith.constant 0 : i32
      %dma_start3A_170 = arith.constant 0 : i32
      %dma_start3A_171 = tpu.memref_slice %arg2[%sub3A_142, %dma_start3A_169, %dma_start3A_170] : memref<16384x56x56xf32, #tpu.memory_space<hbm>> -> memref<1x56x56xf32, #tpu.memory_space<hbm>>
      tpu.enqueue_dma source(%dma_start3A_171 : memref<1x56x56xf32, #tpu.memory_space<hbm>>) target(%dma_start3A_168 : memref<1x56x56xf32, #tpu.memory_space<vmem>>) target_semaphore(%arg7 : memref<!tpu.dma_semaphore, #tpu.memory_space<semaphore_mem>>)
      %dma_wait3A_172 = arith.constant 0 : i32
      %dma_wait3A_173 = arith.constant 0 : i32
      %dma_wait3A_174 = arith.constant 0 : i32
      %dma_wait3A_175 = tpu.memref_slice %arg5[%dma_wait3A_172, %dma_wait3A_173, %dma_wait3A_174] : memref<8x56x56xf32, #tpu.memory_space<vmem>> -> memref<1x56x56xf32, #tpu.memory_space<vmem>>
      %dma_wait3A_176 = arith.constant 0 : i32
      %dma_wait3A_177 = arith.constant 0 : i32
      %dma_wait3A_178 = tpu.memref_slice %arg2[%sub3A_142, %dma_wait3A_176, %dma_wait3A_177] : memref<16384x56x56xf32, #tpu.memory_space<hbm>> -> memref<1x56x56xf32, #tpu.memory_space<hbm>>
      %dma_wait3A_179 = arith.constant 0 : i32
      %dma_wait3A_180 = arith.constant 0 : i32
      %dma_wait3A_181 = arith.constant 0 : i32
      %dma_wait3A_182 = tpu.memref_slice %arg5[%dma_wait3A_179, %dma_wait3A_180, %dma_wait3A_181] : memref<8x56x56xf32, #tpu.memory_space<vmem>> -> memref<1x56x56xf32, #tpu.memory_space<vmem>>
      %dma_wait3A_183 = arith.constant 0 : i32
      %dma_wait3A_184 = arith.constant 0 : i32
      %dma_wait3A_185 = tpu.memref_slice %arg2[%sub3A_142, %dma_wait3A_183, %dma_wait3A_184] : memref<16384x56x56xf32, #tpu.memory_space<hbm>> -> memref<1x56x56xf32, #tpu.memory_space<hbm>>
      tpu.wait_dma2 semaphore(%arg7 : memref<!tpu.dma_semaphore, #tpu.memory_space<semaphore_mem>>) src(%dma_wait3A_185 : memref<1x56x56xf32, #tpu.memory_space<hbm>>) dst(%dma_wait3A_182 : memref<1x56x56xf32, #tpu.memory_space<vmem>>)
      %dma_start3A_186 = arith.constant 0 : i32
      %dma_start3A_187 = arith.constant 0 : i32
      %dma_start3A_188 = arith.constant 0 : i32
      %dma_start3A_189 = tpu.memref_slice %arg5[%dma_start3A_186, %dma_start3A_187, %dma_start3A_188] : memref<8x56x56xf32, #tpu.memory_space<vmem>> -> memref<1x56x56xf32, #tpu.memory_space<vmem>>
      %dma_start3A_190 = arith.constant 0 : i32
      %dma_start3A_191 = arith.constant 0 : i32
      %dma_start3A_192 = tpu.memref_slice %arg4[%add3A_158, %dma_start3A_190, %dma_start3A_191] : memref<16384x56x56xf32, #tpu.memory_space<hbm>> -> memref<1x56x56xf32, #tpu.memory_space<hbm>>
      %dma_start3A_193 = arith.constant 0 : i32
      %dma_start3A_194 = arith.constant 0 : i32
      %dma_start3A_195 = tpu.memref_slice %arg4[%add3A_158, %dma_start3A_193, %dma_start3A_194] : memref<16384x56x56xf32, #tpu.memory_space<hbm>> -> memref<1x56x56xf32, #tpu.memory_space<hbm>>
      %dma_start3A_196 = arith.constant 0 : i32
      %dma_start3A_197 = arith.constant 0 : i32
      %dma_start3A_198 = arith.constant 0 : i32
      %dma_start3A_199 = tpu.memref_slice %arg5[%dma_start3A_196, %dma_start3A_197, %dma_start3A_198] : memref<8x56x56xf32, #tpu.memory_space<vmem>> -> memref<1x56x56xf32, #tpu.memory_space<vmem>>
      tpu.enqueue_dma source(%dma_start3A_199 : memref<1x56x56xf32, #tpu.memory_space<vmem>>) target(%dma_start3A_195 : memref<1x56x56xf32, #tpu.memory_space<hbm>>) target_semaphore(%arg11 : memref<!tpu.dma_semaphore, #tpu.memory_space<semaphore_mem>>)
      %dma_wait3A_200 = arith.constant 0 : i32
      %dma_wait3A_201 = arith.constant 0 : i32
      %dma_wait3A_202 = arith.constant 0 : i32
      %dma_wait3A_203 = tpu.memref_slice %arg5[%dma_wait3A_200, %dma_wait3A_201, %dma_wait3A_202] : memref<8x56x56xf32, #tpu.memory_space<vmem>> -> memref<1x56x56xf32, #tpu.memory_space<vmem>>
      %dma_wait3A_204 = arith.constant 0 : i32
      %dma_wait3A_205 = arith.constant 0 : i32
      %dma_wait3A_206 = tpu.memref_slice %arg4[%add3A_158, %dma_wait3A_204, %dma_wait3A_205] : memref<16384x56x56xf32, #tpu.memory_space<hbm>> -> memref<1x56x56xf32, #tpu.memory_space<hbm>>
      %dma_wait3A_207 = arith.constant 0 : i32
      %dma_wait3A_208 = arith.constant 0 : i32
      %dma_wait3A_209 = tpu.memref_slice %arg4[%add3A_158, %dma_wait3A_207, %dma_wait3A_208] : memref<16384x56x56xf32, #tpu.memory_space<hbm>> -> memref<1x56x56xf32, #tpu.memory_space<hbm>>
      %dma_wait3A_210 = arith.constant 0 : i32
      %dma_wait3A_211 = arith.constant 0 : i32
      %dma_wait3A_212 = arith.constant 0 : i32
      %dma_wait3A_213 = tpu.memref_slice %arg5[%dma_wait3A_210, %dma_wait3A_211, %dma_wait3A_212] : memref<8x56x56xf32, #tpu.memory_space<vmem>> -> memref<1x56x56xf32, #tpu.memory_space<vmem>>
      tpu.wait_dma2 semaphore(%arg11 : memref<!tpu.dma_semaphore, #tpu.memory_space<semaphore_mem>>) src(%dma_wait3A_213 : memref<1x56x56xf32, #tpu.memory_space<vmem>>) dst(%dma_wait3A_209 : memref<1x56x56xf32, #tpu.memory_space<hbm>>)
      %ge3A_214 = arith.constant 169 : i32
      %ge3A_215 = arith.constant 85 : i32
      %ge3A_216 = arith.cmpi sge, %ge3A_214, %ge3A_215 : i32
      %convert_element_type3A_217 = arith.extui %ge3A_216 : i1 to i32
      %mul3A_218 = arith.constant 85 : i32
      %mul3A_219 = arith.muli %mul3A_218, %convert_element_type3A_217 : i32
      %sub3A_220 = arith.constant 169 : i32
      %sub3A_221 = arith.subi %sub3A_220, %mul3A_219 : i32
      %mul3A_222 = arith.constant 8192 : i32
      %mul3A_223 = arith.muli %mul3A_222, %convert_element_type3A_217 : i32
      %add3A_224 = arith.addi %add3A_35, %mul3A_223 : i32
      %mul3A_225 = arith.constant 3 : i32
      %mul3A_226 = arith.muli %mul3A_225, %sub3A_221 : i32
      %add3A_227 = arith.addi %add3A_224, %mul3A_226 : i32
      %add3A_228 = arith.constant 1 : i32
      %add3A_229 = arith.addi %add3A_227, %add3A_228 : i32
      %sub3A_230 = arith.constant 1024 : i32
      %sub3A_231 = arith.subi %add3A_229, %sub3A_230 : i32
      %ge3A_232 = arith.constant 169 : i32
      %ge3A_233 = arith.constant 85 : i32
      %ge3A_234 = arith.cmpi sge, %ge3A_232, %ge3A_233 : i32
      %convert_element_type3A_235 = arith.extui %ge3A_234 : i1 to i32
      %mul3A_236 = arith.constant 85 : i32
      %mul3A_237 = arith.muli %mul3A_236, %convert_element_type3A_235 : i32
      %sub3A_238 = arith.constant 169 : i32
      %sub3A_239 = arith.subi %sub3A_238, %mul3A_237 : i32
      %mul3A_240 = arith.constant 8192 : i32
      %mul3A_241 = arith.muli %mul3A_240, %convert_element_type3A_235 : i32
      %add3A_242 = arith.addi %add3A_35, %mul3A_241 : i32
      %mul3A_243 = arith.constant 3 : i32
      %mul3A_244 = arith.muli %mul3A_243, %sub3A_239 : i32
      %add3A_245 = arith.addi %add3A_242, %mul3A_244 : i32
      %add3A_246 = arith.constant 1 : i32
      %add3A_247 = arith.addi %add3A_245, %add3A_246 : i32
      %dma_start3A_248 = arith.constant 0 : i32
      %dma_start3A_249 = arith.constant 0 : i32
      %dma_start3A_250 = arith.constant 0 : i32
      %dma_start3A_251 = tpu.memref_slice %arg5[%dma_start3A_248, %dma_start3A_249, %dma_start3A_250] : memref<8x56x56xf32, #tpu.memory_space<vmem>> -> memref<1x56x56xf32, #tpu.memory_space<vmem>>
      %dma_start3A_252 = arith.constant 0 : i32
      %dma_start3A_253 = arith.constant 0 : i32
      %dma_start3A_254 = tpu.memref_slice %arg2[%sub3A_231, %dma_start3A_252, %dma_start3A_253] : memref<16384x56x56xf32, #tpu.memory_space<hbm>> -> memref<1x56x56xf32, #tpu.memory_space<hbm>>
      %dma_start3A_255 = arith.constant 0 : i32
      %dma_start3A_256 = arith.constant 0 : i32
      %dma_start3A_257 = arith.constant 0 : i32
      %dma_start3A_258 = tpu.memref_slice %arg5[%dma_start3A_255, %dma_start3A_256, %dma_start3A_257] : memref<8x56x56xf32, #tpu.memory_space<vmem>> -> memref<1x56x56xf32, #tpu.memory_space<vmem>>
      %dma_start3A_259 = arith.constant 0 : i32
      %dma_start3A_260 = arith.constant 0 : i32
      %dma_start3A_261 = tpu.memref_slice %arg2[%sub3A_231, %dma_start3A_259, %dma_start3A_260] : memref<16384x56x56xf32, #tpu.memory_space<hbm>> -> memref<1x56x56xf32, #tpu.memory_space<hbm>>
      tpu.enqueue_dma source(%dma_start3A_261 : memref<1x56x56xf32, #tpu.memory_space<hbm>>) target(%dma_start3A_258 : memref<1x56x56xf32, #tpu.memory_space<vmem>>) target_semaphore(%arg7 : memref<!tpu.dma_semaphore, #tpu.memory_space<semaphore_mem>>)
      %dma_wait3A_262 = arith.constant 0 : i32
      %dma_wait3A_263 = arith.constant 0 : i32
      %dma_wait3A_264 = arith.constant 0 : i32
      %dma_wait3A_265 = tpu.memref_slice %arg5[%dma_wait3A_262, %dma_wait3A_263, %dma_wait3A_264] : memref<8x56x56xf32, #tpu.memory_space<vmem>> -> memref<1x56x56xf32, #tpu.memory_space<vmem>>
      %dma_wait3A_266 = arith.constant 0 : i32
      %dma_wait3A_267 = arith.constant 0 : i32
      %dma_wait3A_268 = tpu.memref_slice %arg2[%sub3A_231, %dma_wait3A_266, %dma_wait3A_267] : memref<16384x56x56xf32, #tpu.memory_space<hbm>> -> memref<1x56x56xf32, #tpu.memory_space<hbm>>
      %dma_wait3A_269 = arith.constant 0 : i32
      %dma_wait3A_270 = arith.constant 0 : i32
      %dma_wait3A_271 = arith.constant 0 : i32
      %dma_wait3A_272 = tpu.memref_slice %arg5[%dma_wait3A_269, %dma_wait3A_270, %dma_wait3A_271] : memref<8x56x56xf32, #tpu.memory_space<vmem>> -> memref<1x56x56xf32, #tpu.memory_space<vmem>>
      %dma_wait3A_273 = arith.constant 0 : i32
      %dma_wait3A_274 = arith.constant 0 : i32
      %dma_wait3A_275 = tpu.memref_slice %arg2[%sub3A_231, %dma_wait3A_273, %dma_wait3A_274] : memref<16384x56x56xf32, #tpu.memory_space<hbm>> -> memref<1x56x56xf32, #tpu.memory_space<hbm>>
      tpu.wait_dma2 semaphore(%arg7 : memref<!tpu.dma_semaphore, #tpu.memory_space<semaphore_mem>>) src(%dma_wait3A_275 : memref<1x56x56xf32, #tpu.memory_space<hbm>>) dst(%dma_wait3A_272 : memref<1x56x56xf32, #tpu.memory_space<vmem>>)
      %dma_start3A_276 = arith.constant 0 : i32
      %dma_start3A_277 = arith.constant 0 : i32
      %dma_start3A_278 = arith.constant 0 : i32
      %dma_start3A_279 = tpu.memref_slice %arg5[%dma_start3A_276, %dma_start3A_277, %dma_start3A_278] : memref<8x56x56xf32, #tpu.memory_space<vmem>> -> memref<1x56x56xf32, #tpu.memory_space<vmem>>
      %dma_start3A_280 = arith.constant 0 : i32
      %dma_start3A_281 = arith.constant 0 : i32
      %dma_start3A_282 = tpu.memref_slice %arg4[%add3A_247, %dma_start3A_280, %dma_start3A_281] : memref<16384x56x56xf32, #tpu.memory_space<hbm>> -> memref<1x56x56xf32, #tpu.memory_space<hbm>>
      %dma_start3A_283 = arith.constant 0 : i32
      %dma_start3A_284 = arith.constant 0 : i32
      %dma_start3A_285 = tpu.memref_slice %arg4[%add3A_247, %dma_start3A_283, %dma_start3A_284] : memref<16384x56x56xf32, #tpu.memory_space<hbm>> -> memref<1x56x56xf32, #tpu.memory_space<hbm>>
      %dma_start3A_286 = arith.constant 0 : i32
      %dma_start3A_287 = arith.constant 0 : i32
      %dma_start3A_288 = arith.constant 0 : i32
      %dma_start3A_289 = tpu.memref_slice %arg5[%dma_start3A_286, %dma_start3A_287, %dma_start3A_288] : memref<8x56x56xf32, #tpu.memory_space<vmem>> -> memref<1x56x56xf32, #tpu.memory_space<vmem>>
      tpu.enqueue_dma source(%dma_start3A_289 : memref<1x56x56xf32, #tpu.memory_space<vmem>>) target(%dma_start3A_285 : memref<1x56x56xf32, #tpu.memory_space<hbm>>) target_semaphore(%arg11 : memref<!tpu.dma_semaphore, #tpu.memory_space<semaphore_mem>>)
      %dma_wait3A_290 = arith.constant 0 : i32
      %dma_wait3A_291 = arith.constant 0 : i32
      %dma_wait3A_292 = arith.constant 0 : i32
      %dma_wait3A_293 = tpu.memref_slice %arg5[%dma_wait3A_290, %dma_wait3A_291, %dma_wait3A_292] : memref<8x56x56xf32, #tpu.memory_space<vmem>> -> memref<1x56x56xf32, #tpu.memory_space<vmem>>
      %dma_wait3A_294 = arith.constant 0 : i32
      %dma_wait3A_295 = arith.constant 0 : i32
      %dma_wait3A_296 = tpu.memref_slice %arg4[%add3A_247, %dma_wait3A_294, %dma_wait3A_295] : memref<16384x56x56xf32, #tpu.memory_space<hbm>> -> memref<1x56x56xf32, #tpu.memory_space<hbm>>
      %dma_wait3A_297 = arith.constant 0 : i32
      %dma_wait3A_298 = arith.constant 0 : i32
      %dma_wait3A_299 = tpu.memref_slice %arg4[%add3A_247, %dma_wait3A_297, %dma_wait3A_298] : memref<16384x56x56xf32, #tpu.memory_space<hbm>> -> memref<1x56x56xf32, #tpu.memory_space<hbm>>
      %dma_wait3A_300 = arith.constant 0 : i32
      %dma_wait3A_301 = arith.constant 0 : i32
      %dma_wait3A_302 = arith.constant 0 : i32
      %dma_wait3A_303 = tpu.memref_slice %arg5[%dma_wait3A_300, %dma_wait3A_301, %dma_wait3A_302] : memref<8x56x56xf32, #tpu.memory_space<vmem>> -> memref<1x56x56xf32, #tpu.memory_space<vmem>>
      tpu.wait_dma2 semaphore(%arg11 : memref<!tpu.dma_semaphore, #tpu.memory_space<semaphore_mem>>) src(%dma_wait3A_303 : memref<1x56x56xf32, #tpu.memory_space<vmem>>) dst(%dma_wait3A_299 : memref<1x56x56xf32, #tpu.memory_space<hbm>>)
      %scan3A_304 = arith.constant 0 : i32
      %scan3A_305 = arith.constant 0 : i32
      %scan3A_306 = arith.constant 42 : i32
      %scan3A_307 = arith.addi %scan3A_305, %scan3A_306 : i32
      %scan3A_308 = arith.constant 1 : i32
      scf.for %scan3A_680 = %scan3A_305 to %scan3A_307 step %scan3A_308  : i32 {
        %mul3A_681 = arith.constant 4 : i32
        %mul3A_682 = arith.muli %mul3A_681, %scan3A_680 : i32
        %gt3A = arith.constant 0 : i32
        %gt3A_683 = arith.cmpi sgt, %scan3A_680, %gt3A : i32
        %convert_element_type3A_684 = arith.extui %gt3A_683 : i1 to i32
        %cond3A_685 = arith.constant 0 : i32
        %cond3A_686 = arith.cmpi ne, %convert_element_type3A_684, %cond3A_685 : i32
        scf.if %cond3A_686 {
          %dma_wait3A_1006 = arith.constant 0 : i32
          %dma_wait3A_1007 = arith.constant 0 : i32
          %dma_wait3A_1008 = arith.constant 0 : i32
          %dma_wait3A_1009 = tpu.memref_slice %arg5[%dma_wait3A_1006, %dma_wait3A_1007, %dma_wait3A_1008] : memref<8x56x56xf32, #tpu.memory_space<vmem>> -> memref<1x56x56xf32, #tpu.memory_space<vmem>>
          %dma_wait3A_1010 = arith.constant 0 : i32
          %dma_wait3A_1011 = arith.constant 0 : i32
          %dma_wait3A_1012 = arith.constant 0 : i32
          %dma_wait3A_1013 = tpu.memref_slice %arg4[%dma_wait3A_1010, %dma_wait3A_1011, %dma_wait3A_1012] : memref<16384x56x56xf32, #tpu.memory_space<hbm>> -> memref<1x56x56xf32, #tpu.memory_space<hbm>>
          %dma_wait3A_1014 = arith.constant 0 : i32
          %dma_wait3A_1015 = arith.constant 0 : i32
          %dma_wait3A_1016 = arith.constant 0 : i32
          %dma_wait3A_1017 = tpu.memref_slice %arg4[%dma_wait3A_1014, %dma_wait3A_1015, %dma_wait3A_1016] : memref<16384x56x56xf32, #tpu.memory_space<hbm>> -> memref<1x56x56xf32, #tpu.memory_space<hbm>>
          %dma_wait3A_1018 = arith.constant 0 : i32
          %dma_wait3A_1019 = arith.constant 0 : i32
          %dma_wait3A_1020 = arith.constant 0 : i32
          %dma_wait3A_1021 = tpu.memref_slice %arg5[%dma_wait3A_1018, %dma_wait3A_1019, %dma_wait3A_1020] : memref<8x56x56xf32, #tpu.memory_space<vmem>> -> memref<1x56x56xf32, #tpu.memory_space<vmem>>
          tpu.wait_dma2 semaphore(%arg11 : memref<!tpu.dma_semaphore, #tpu.memory_space<semaphore_mem>>) src(%dma_wait3A_1021 : memref<1x56x56xf32, #tpu.memory_space<vmem>>) dst(%dma_wait3A_1017 : memref<1x56x56xf32, #tpu.memory_space<hbm>>)
        } else {
        }
        %add3A_687 = arith.constant 0 : i32
        %add3A_688 = arith.addi %mul3A_682, %add3A_687 : i32
        %ge3A_689 = arith.constant 85 : i32
        %ge3A_690 = arith.cmpi sge, %add3A_688, %ge3A_689 : i32
        %convert_element_type3A_691 = arith.extui %ge3A_690 : i1 to i32
        %mul3A_692 = arith.constant 85 : i32
        %mul3A_693 = arith.muli %mul3A_692, %convert_element_type3A_691 : i32
        %sub3A_694 = arith.subi %add3A_688, %mul3A_693 : i32
        %mul3A_695 = arith.constant 8192 : i32
        %mul3A_696 = arith.muli %mul3A_695, %convert_element_type3A_691 : i32
        %add3A_697 = arith.addi %add3A_35, %mul3A_696 : i32
        %mul3A_698 = arith.constant 3 : i32
        %mul3A_699 = arith.muli %mul3A_698, %sub3A_694 : i32
        %add3A_700 = arith.addi %add3A_697, %mul3A_699 : i32
        %add3A_701 = arith.constant 2 : i32
        %add3A_702 = arith.addi %add3A_700, %add3A_701 : i32
        %dma_start3A_703 = arith.constant 0 : i32
        %dma_start3A_704 = arith.constant 0 : i32
        %dma_start3A_705 = arith.constant 0 : i32
        %dma_start3A_706 = tpu.memref_slice %arg5[%dma_start3A_703, %dma_start3A_704, %dma_start3A_705] : memref<8x56x56xf32, #tpu.memory_space<vmem>> -> memref<1x56x56xf32, #tpu.memory_space<vmem>>
        %dma_start3A_707 = arith.constant 0 : i32
        %dma_start3A_708 = arith.constant 0 : i32
        %dma_start3A_709 = tpu.memref_slice %arg2[%add3A_702, %dma_start3A_707, %dma_start3A_708] : memref<16384x56x56xf32, #tpu.memory_space<hbm>> -> memref<1x56x56xf32, #tpu.memory_space<hbm>>
        %dma_start3A_710 = arith.constant 0 : i32
        %dma_start3A_711 = arith.constant 0 : i32
        %dma_start3A_712 = arith.constant 0 : i32
        %dma_start3A_713 = tpu.memref_slice %arg5[%dma_start3A_710, %dma_start3A_711, %dma_start3A_712] : memref<8x56x56xf32, #tpu.memory_space<vmem>> -> memref<1x56x56xf32, #tpu.memory_space<vmem>>
        %dma_start3A_714 = arith.constant 0 : i32
        %dma_start3A_715 = arith.constant 0 : i32
        %dma_start3A_716 = tpu.memref_slice %arg2[%add3A_702, %dma_start3A_714, %dma_start3A_715] : memref<16384x56x56xf32, #tpu.memory_space<hbm>> -> memref<1x56x56xf32, #tpu.memory_space<hbm>>
        tpu.enqueue_dma source(%dma_start3A_716 : memref<1x56x56xf32, #tpu.memory_space<hbm>>) target(%dma_start3A_713 : memref<1x56x56xf32, #tpu.memory_space<vmem>>) target_semaphore(%arg7 : memref<!tpu.dma_semaphore, #tpu.memory_space<semaphore_mem>>)
        %gt3A_717 = arith.constant 0 : i32
        %gt3A_718 = arith.cmpi sgt, %scan3A_680, %gt3A_717 : i32
        %convert_element_type3A_719 = arith.extui %gt3A_718 : i1 to i32
        %cond3A_720 = arith.constant 0 : i32
        %cond3A_721 = arith.cmpi ne, %convert_element_type3A_719, %cond3A_720 : i32
        scf.if %cond3A_721 {
          %dma_wait3A_1006 = arith.constant 1 : i32
          %dma_wait3A_1007 = arith.constant 0 : i32
          %dma_wait3A_1008 = arith.constant 0 : i32
          %dma_wait3A_1009 = tpu.memref_slice %arg5[%dma_wait3A_1006, %dma_wait3A_1007, %dma_wait3A_1008] : memref<8x56x56xf32, #tpu.memory_space<vmem>> -> memref<1x56x56xf32, #tpu.memory_space<vmem>>
          %dma_wait3A_1010 = arith.constant 0 : i32
          %dma_wait3A_1011 = arith.constant 0 : i32
          %dma_wait3A_1012 = arith.constant 0 : i32
          %dma_wait3A_1013 = tpu.memref_slice %arg4[%dma_wait3A_1010, %dma_wait3A_1011, %dma_wait3A_1012] : memref<16384x56x56xf32, #tpu.memory_space<hbm>> -> memref<1x56x56xf32, #tpu.memory_space<hbm>>
          %dma_wait3A_1014 = arith.constant 0 : i32
          %dma_wait3A_1015 = arith.constant 0 : i32
          %dma_wait3A_1016 = arith.constant 0 : i32
          %dma_wait3A_1017 = tpu.memref_slice %arg4[%dma_wait3A_1014, %dma_wait3A_1015, %dma_wait3A_1016] : memref<16384x56x56xf32, #tpu.memory_space<hbm>> -> memref<1x56x56xf32, #tpu.memory_space<hbm>>
          %dma_wait3A_1018 = arith.constant 1 : i32
          %dma_wait3A_1019 = arith.constant 0 : i32
          %dma_wait3A_1020 = arith.constant 0 : i32
          %dma_wait3A_1021 = tpu.memref_slice %arg5[%dma_wait3A_1018, %dma_wait3A_1019, %dma_wait3A_1020] : memref<8x56x56xf32, #tpu.memory_space<vmem>> -> memref<1x56x56xf32, #tpu.memory_space<vmem>>
          tpu.wait_dma2 semaphore(%arg12 : memref<!tpu.dma_semaphore, #tpu.memory_space<semaphore_mem>>) src(%dma_wait3A_1021 : memref<1x56x56xf32, #tpu.memory_space<vmem>>) dst(%dma_wait3A_1017 : memref<1x56x56xf32, #tpu.memory_space<hbm>>)
        } else {
        }
        %add3A_722 = arith.constant 1 : i32
        %add3A_723 = arith.addi %mul3A_682, %add3A_722 : i32
        %ge3A_724 = arith.constant 85 : i32
        %ge3A_725 = arith.cmpi sge, %add3A_723, %ge3A_724 : i32
        %convert_element_type3A_726 = arith.extui %ge3A_725 : i1 to i32
        %mul3A_727 = arith.constant 85 : i32
        %mul3A_728 = arith.muli %mul3A_727, %convert_element_type3A_726 : i32
        %sub3A_729 = arith.subi %add3A_723, %mul3A_728 : i32
        %mul3A_730 = arith.constant 8192 : i32
        %mul3A_731 = arith.muli %mul3A_730, %convert_element_type3A_726 : i32
        %add3A_732 = arith.addi %add3A_35, %mul3A_731 : i32
        %mul3A_733 = arith.constant 3 : i32
        %mul3A_734 = arith.muli %mul3A_733, %sub3A_729 : i32
        %add3A_735 = arith.addi %add3A_732, %mul3A_734 : i32
        %add3A_736 = arith.constant 2 : i32
        %add3A_737 = arith.addi %add3A_735, %add3A_736 : i32
        %dma_start3A_738 = arith.constant 1 : i32
        %dma_start3A_739 = arith.constant 0 : i32
        %dma_start3A_740 = arith.constant 0 : i32
        %dma_start3A_741 = tpu.memref_slice %arg5[%dma_start3A_738, %dma_start3A_739, %dma_start3A_740] : memref<8x56x56xf32, #tpu.memory_space<vmem>> -> memref<1x56x56xf32, #tpu.memory_space<vmem>>
        %dma_start3A_742 = arith.constant 0 : i32
        %dma_start3A_743 = arith.constant 0 : i32
        %dma_start3A_744 = tpu.memref_slice %arg2[%add3A_737, %dma_start3A_742, %dma_start3A_743] : memref<16384x56x56xf32, #tpu.memory_space<hbm>> -> memref<1x56x56xf32, #tpu.memory_space<hbm>>
        %dma_start3A_745 = arith.constant 1 : i32
        %dma_start3A_746 = arith.constant 0 : i32
        %dma_start3A_747 = arith.constant 0 : i32
        %dma_start3A_748 = tpu.memref_slice %arg5[%dma_start3A_745, %dma_start3A_746, %dma_start3A_747] : memref<8x56x56xf32, #tpu.memory_space<vmem>> -> memref<1x56x56xf32, #tpu.memory_space<vmem>>
        %dma_start3A_749 = arith.constant 0 : i32
        %dma_start3A_750 = arith.constant 0 : i32
        %dma_start3A_751 = tpu.memref_slice %arg2[%add3A_737, %dma_start3A_749, %dma_start3A_750] : memref<16384x56x56xf32, #tpu.memory_space<hbm>> -> memref<1x56x56xf32, #tpu.memory_space<hbm>>
        tpu.enqueue_dma source(%dma_start3A_751 : memref<1x56x56xf32, #tpu.memory_space<hbm>>) target(%dma_start3A_748 : memref<1x56x56xf32, #tpu.memory_space<vmem>>) target_semaphore(%arg8 : memref<!tpu.dma_semaphore, #tpu.memory_space<semaphore_mem>>)
        %gt3A_752 = arith.constant 0 : i32
        %gt3A_753 = arith.cmpi sgt, %scan3A_680, %gt3A_752 : i32
        %convert_element_type3A_754 = arith.extui %gt3A_753 : i1 to i32
        %cond3A_755 = arith.constant 0 : i32
        %cond3A_756 = arith.cmpi ne, %convert_element_type3A_754, %cond3A_755 : i32
        scf.if %cond3A_756 {
          %dma_wait3A_1006 = arith.constant 2 : i32
          %dma_wait3A_1007 = arith.constant 0 : i32
          %dma_wait3A_1008 = arith.constant 0 : i32
          %dma_wait3A_1009 = tpu.memref_slice %arg5[%dma_wait3A_1006, %dma_wait3A_1007, %dma_wait3A_1008] : memref<8x56x56xf32, #tpu.memory_space<vmem>> -> memref<1x56x56xf32, #tpu.memory_space<vmem>>
          %dma_wait3A_1010 = arith.constant 0 : i32
          %dma_wait3A_1011 = arith.constant 0 : i32
          %dma_wait3A_1012 = arith.constant 0 : i32
          %dma_wait3A_1013 = tpu.memref_slice %arg4[%dma_wait3A_1010, %dma_wait3A_1011, %dma_wait3A_1012] : memref<16384x56x56xf32, #tpu.memory_space<hbm>> -> memref<1x56x56xf32, #tpu.memory_space<hbm>>
          %dma_wait3A_1014 = arith.constant 0 : i32
          %dma_wait3A_1015 = arith.constant 0 : i32
          %dma_wait3A_1016 = arith.constant 0 : i32
          %dma_wait3A_1017 = tpu.memref_slice %arg4[%dma_wait3A_1014, %dma_wait3A_1015, %dma_wait3A_1016] : memref<16384x56x56xf32, #tpu.memory_space<hbm>> -> memref<1x56x56xf32, #tpu.memory_space<hbm>>
          %dma_wait3A_1018 = arith.constant 2 : i32
          %dma_wait3A_1019 = arith.constant 0 : i32
          %dma_wait3A_1020 = arith.constant 0 : i32
          %dma_wait3A_1021 = tpu.memref_slice %arg5[%dma_wait3A_1018, %dma_wait3A_1019, %dma_wait3A_1020] : memref<8x56x56xf32, #tpu.memory_space<vmem>> -> memref<1x56x56xf32, #tpu.memory_space<vmem>>
          tpu.wait_dma2 semaphore(%arg13 : memref<!tpu.dma_semaphore, #tpu.memory_space<semaphore_mem>>) src(%dma_wait3A_1021 : memref<1x56x56xf32, #tpu.memory_space<vmem>>) dst(%dma_wait3A_1017 : memref<1x56x56xf32, #tpu.memory_space<hbm>>)
        } else {
        }
        %add3A_757 = arith.constant 2 : i32
        %add3A_758 = arith.addi %mul3A_682, %add3A_757 : i32
        %ge3A_759 = arith.constant 85 : i32
        %ge3A_760 = arith.cmpi sge, %add3A_758, %ge3A_759 : i32
        %convert_element_type3A_761 = arith.extui %ge3A_760 : i1 to i32
        %mul3A_762 = arith.constant 85 : i32
        %mul3A_763 = arith.muli %mul3A_762, %convert_element_type3A_761 : i32
        %sub3A_764 = arith.subi %add3A_758, %mul3A_763 : i32
        %mul3A_765 = arith.constant 8192 : i32
        %mul3A_766 = arith.muli %mul3A_765, %convert_element_type3A_761 : i32
        %add3A_767 = arith.addi %add3A_35, %mul3A_766 : i32
        %mul3A_768 = arith.constant 3 : i32
        %mul3A_769 = arith.muli %mul3A_768, %sub3A_764 : i32
        %add3A_770 = arith.addi %add3A_767, %mul3A_769 : i32
        %add3A_771 = arith.constant 2 : i32
        %add3A_772 = arith.addi %add3A_770, %add3A_771 : i32
        %dma_start3A_773 = arith.constant 2 : i32
        %dma_start3A_774 = arith.constant 0 : i32
        %dma_start3A_775 = arith.constant 0 : i32
        %dma_start3A_776 = tpu.memref_slice %arg5[%dma_start3A_773, %dma_start3A_774, %dma_start3A_775] : memref<8x56x56xf32, #tpu.memory_space<vmem>> -> memref<1x56x56xf32, #tpu.memory_space<vmem>>
        %dma_start3A_777 = arith.constant 0 : i32
        %dma_start3A_778 = arith.constant 0 : i32
        %dma_start3A_779 = tpu.memref_slice %arg2[%add3A_772, %dma_start3A_777, %dma_start3A_778] : memref<16384x56x56xf32, #tpu.memory_space<hbm>> -> memref<1x56x56xf32, #tpu.memory_space<hbm>>
        %dma_start3A_780 = arith.constant 2 : i32
        %dma_start3A_781 = arith.constant 0 : i32
        %dma_start3A_782 = arith.constant 0 : i32
        %dma_start3A_783 = tpu.memref_slice %arg5[%dma_start3A_780, %dma_start3A_781, %dma_start3A_782] : memref<8x56x56xf32, #tpu.memory_space<vmem>> -> memref<1x56x56xf32, #tpu.memory_space<vmem>>
        %dma_start3A_784 = arith.constant 0 : i32
        %dma_start3A_785 = arith.constant 0 : i32
        %dma_start3A_786 = tpu.memref_slice %arg2[%add3A_772, %dma_start3A_784, %dma_start3A_785] : memref<16384x56x56xf32, #tpu.memory_space<hbm>> -> memref<1x56x56xf32, #tpu.memory_space<hbm>>
        tpu.enqueue_dma source(%dma_start3A_786 : memref<1x56x56xf32, #tpu.memory_space<hbm>>) target(%dma_start3A_783 : memref<1x56x56xf32, #tpu.memory_space<vmem>>) target_semaphore(%arg9 : memref<!tpu.dma_semaphore, #tpu.memory_space<semaphore_mem>>)
        %gt3A_787 = arith.constant 0 : i32
        %gt3A_788 = arith.cmpi sgt, %scan3A_680, %gt3A_787 : i32
        %convert_element_type3A_789 = arith.extui %gt3A_788 : i1 to i32
        %cond3A_790 = arith.constant 0 : i32
        %cond3A_791 = arith.cmpi ne, %convert_element_type3A_789, %cond3A_790 : i32
        scf.if %cond3A_791 {
          %dma_wait3A_1006 = arith.constant 3 : i32
          %dma_wait3A_1007 = arith.constant 0 : i32
          %dma_wait3A_1008 = arith.constant 0 : i32
          %dma_wait3A_1009 = tpu.memref_slice %arg5[%dma_wait3A_1006, %dma_wait3A_1007, %dma_wait3A_1008] : memref<8x56x56xf32, #tpu.memory_space<vmem>> -> memref<1x56x56xf32, #tpu.memory_space<vmem>>
          %dma_wait3A_1010 = arith.constant 0 : i32
          %dma_wait3A_1011 = arith.constant 0 : i32
          %dma_wait3A_1012 = arith.constant 0 : i32
          %dma_wait3A_1013 = tpu.memref_slice %arg4[%dma_wait3A_1010, %dma_wait3A_1011, %dma_wait3A_1012] : memref<16384x56x56xf32, #tpu.memory_space<hbm>> -> memref<1x56x56xf32, #tpu.memory_space<hbm>>
          %dma_wait3A_1014 = arith.constant 0 : i32
          %dma_wait3A_1015 = arith.constant 0 : i32
          %dma_wait3A_1016 = arith.constant 0 : i32
          %dma_wait3A_1017 = tpu.memref_slice %arg4[%dma_wait3A_1014, %dma_wait3A_1015, %dma_wait3A_1016] : memref<16384x56x56xf32, #tpu.memory_space<hbm>> -> memref<1x56x56xf32, #tpu.memory_space<hbm>>
          %dma_wait3A_1018 = arith.constant 3 : i32
          %dma_wait3A_1019 = arith.constant 0 : i32
          %dma_wait3A_1020 = arith.constant 0 : i32
          %dma_wait3A_1021 = tpu.memref_slice %arg5[%dma_wait3A_1018, %dma_wait3A_1019, %dma_wait3A_1020] : memref<8x56x56xf32, #tpu.memory_space<vmem>> -> memref<1x56x56xf32, #tpu.memory_space<vmem>>
          tpu.wait_dma2 semaphore(%arg14 : memref<!tpu.dma_semaphore, #tpu.memory_space<semaphore_mem>>) src(%dma_wait3A_1021 : memref<1x56x56xf32, #tpu.memory_space<vmem>>) dst(%dma_wait3A_1017 : memref<1x56x56xf32, #tpu.memory_space<hbm>>)
        } else {
        }
        %add3A_792 = arith.constant 3 : i32
        %add3A_793 = arith.addi %mul3A_682, %add3A_792 : i32
        %ge3A_794 = arith.constant 85 : i32
        %ge3A_795 = arith.cmpi sge, %add3A_793, %ge3A_794 : i32
        %convert_element_type3A_796 = arith.extui %ge3A_795 : i1 to i32
        %mul3A_797 = arith.constant 85 : i32
        %mul3A_798 = arith.muli %mul3A_797, %convert_element_type3A_796 : i32
        %sub3A_799 = arith.subi %add3A_793, %mul3A_798 : i32
        %mul3A_800 = arith.constant 8192 : i32
        %mul3A_801 = arith.muli %mul3A_800, %convert_element_type3A_796 : i32
        %add3A_802 = arith.addi %add3A_35, %mul3A_801 : i32
        %mul3A_803 = arith.constant 3 : i32
        %mul3A_804 = arith.muli %mul3A_803, %sub3A_799 : i32
        %add3A_805 = arith.addi %add3A_802, %mul3A_804 : i32
        %add3A_806 = arith.constant 2 : i32
        %add3A_807 = arith.addi %add3A_805, %add3A_806 : i32
        %dma_start3A_808 = arith.constant 3 : i32
        %dma_start3A_809 = arith.constant 0 : i32
        %dma_start3A_810 = arith.constant 0 : i32
        %dma_start3A_811 = tpu.memref_slice %arg5[%dma_start3A_808, %dma_start3A_809, %dma_start3A_810] : memref<8x56x56xf32, #tpu.memory_space<vmem>> -> memref<1x56x56xf32, #tpu.memory_space<vmem>>
        %dma_start3A_812 = arith.constant 0 : i32
        %dma_start3A_813 = arith.constant 0 : i32
        %dma_start3A_814 = tpu.memref_slice %arg2[%add3A_807, %dma_start3A_812, %dma_start3A_813] : memref<16384x56x56xf32, #tpu.memory_space<hbm>> -> memref<1x56x56xf32, #tpu.memory_space<hbm>>
        %dma_start3A_815 = arith.constant 3 : i32
        %dma_start3A_816 = arith.constant 0 : i32
        %dma_start3A_817 = arith.constant 0 : i32
        %dma_start3A_818 = tpu.memref_slice %arg5[%dma_start3A_815, %dma_start3A_816, %dma_start3A_817] : memref<8x56x56xf32, #tpu.memory_space<vmem>> -> memref<1x56x56xf32, #tpu.memory_space<vmem>>
        %dma_start3A_819 = arith.constant 0 : i32
        %dma_start3A_820 = arith.constant 0 : i32
        %dma_start3A_821 = tpu.memref_slice %arg2[%add3A_807, %dma_start3A_819, %dma_start3A_820] : memref<16384x56x56xf32, #tpu.memory_space<hbm>> -> memref<1x56x56xf32, #tpu.memory_space<hbm>>
        tpu.enqueue_dma source(%dma_start3A_821 : memref<1x56x56xf32, #tpu.memory_space<hbm>>) target(%dma_start3A_818 : memref<1x56x56xf32, #tpu.memory_space<vmem>>) target_semaphore(%arg10 : memref<!tpu.dma_semaphore, #tpu.memory_space<semaphore_mem>>)
        %dma_wait3A_822 = arith.constant 0 : i32
        %dma_wait3A_823 = arith.constant 0 : i32
        %dma_wait3A_824 = arith.constant 0 : i32
        %dma_wait3A_825 = tpu.memref_slice %arg5[%dma_wait3A_822, %dma_wait3A_823, %dma_wait3A_824] : memref<8x56x56xf32, #tpu.memory_space<vmem>> -> memref<1x56x56xf32, #tpu.memory_space<vmem>>
        %dma_wait3A_826 = arith.constant 0 : i32
        %dma_wait3A_827 = arith.constant 0 : i32
        %dma_wait3A_828 = arith.constant 0 : i32
        %dma_wait3A_829 = tpu.memref_slice %arg2[%dma_wait3A_826, %dma_wait3A_827, %dma_wait3A_828] : memref<16384x56x56xf32, #tpu.memory_space<hbm>> -> memref<1x56x56xf32, #tpu.memory_space<hbm>>
        %dma_wait3A_830 = arith.constant 0 : i32
        %dma_wait3A_831 = arith.constant 0 : i32
        %dma_wait3A_832 = arith.constant 0 : i32
        %dma_wait3A_833 = tpu.memref_slice %arg5[%dma_wait3A_830, %dma_wait3A_831, %dma_wait3A_832] : memref<8x56x56xf32, #tpu.memory_space<vmem>> -> memref<1x56x56xf32, #tpu.memory_space<vmem>>
        %dma_wait3A_834 = arith.constant 0 : i32
        %dma_wait3A_835 = arith.constant 0 : i32
        %dma_wait3A_836 = arith.constant 0 : i32
        %dma_wait3A_837 = tpu.memref_slice %arg2[%dma_wait3A_834, %dma_wait3A_835, %dma_wait3A_836] : memref<16384x56x56xf32, #tpu.memory_space<hbm>> -> memref<1x56x56xf32, #tpu.memory_space<hbm>>
        tpu.wait_dma2 semaphore(%arg7 : memref<!tpu.dma_semaphore, #tpu.memory_space<semaphore_mem>>) src(%dma_wait3A_837 : memref<1x56x56xf32, #tpu.memory_space<hbm>>) dst(%dma_wait3A_833 : memref<1x56x56xf32, #tpu.memory_space<vmem>>)
        %add3A_838 = arith.constant 0 : i32
        %add3A_839 = arith.addi %mul3A_682, %add3A_838 : i32
        %ge3A_840 = arith.constant 85 : i32
        %ge3A_841 = arith.cmpi sge, %add3A_839, %ge3A_840 : i32
        %convert_element_type3A_842 = arith.extui %ge3A_841 : i1 to i32
        %mul3A_843 = arith.constant 85 : i32
        %mul3A_844 = arith.muli %mul3A_843, %convert_element_type3A_842 : i32
        %sub3A_845 = arith.subi %add3A_839, %mul3A_844 : i32
        %mul3A_846 = arith.constant 8192 : i32
        %mul3A_847 = arith.muli %mul3A_846, %convert_element_type3A_842 : i32
        %add3A_848 = arith.addi %add3A_35, %mul3A_847 : i32
        %mul3A_849 = arith.constant 3 : i32
        %mul3A_850 = arith.muli %mul3A_849, %sub3A_845 : i32
        %add3A_851 = arith.addi %add3A_848, %mul3A_850 : i32
        %add3A_852 = arith.constant 2 : i32
        %add3A_853 = arith.addi %add3A_851, %add3A_852 : i32
        %dma_start3A_854 = arith.constant 0 : i32
        %dma_start3A_855 = arith.constant 0 : i32
        %dma_start3A_856 = arith.constant 0 : i32
        %dma_start3A_857 = tpu.memref_slice %arg5[%dma_start3A_854, %dma_start3A_855, %dma_start3A_856] : memref<8x56x56xf32, #tpu.memory_space<vmem>> -> memref<1x56x56xf32, #tpu.memory_space<vmem>>
        %dma_start3A_858 = arith.constant 0 : i32
        %dma_start3A_859 = arith.constant 0 : i32
        %dma_start3A_860 = tpu.memref_slice %arg4[%add3A_853, %dma_start3A_858, %dma_start3A_859] : memref<16384x56x56xf32, #tpu.memory_space<hbm>> -> memref<1x56x56xf32, #tpu.memory_space<hbm>>
        %dma_start3A_861 = arith.constant 0 : i32
        %dma_start3A_862 = arith.constant 0 : i32
        %dma_start3A_863 = tpu.memref_slice %arg4[%add3A_853, %dma_start3A_861, %dma_start3A_862] : memref<16384x56x56xf32, #tpu.memory_space<hbm>> -> memref<1x56x56xf32, #tpu.memory_space<hbm>>
        %dma_start3A_864 = arith.constant 0 : i32
        %dma_start3A_865 = arith.constant 0 : i32
        %dma_start3A_866 = arith.constant 0 : i32
        %dma_start3A_867 = tpu.memref_slice %arg5[%dma_start3A_864, %dma_start3A_865, %dma_start3A_866] : memref<8x56x56xf32, #tpu.memory_space<vmem>> -> memref<1x56x56xf32, #tpu.memory_space<vmem>>
        tpu.enqueue_dma source(%dma_start3A_867 : memref<1x56x56xf32, #tpu.memory_space<vmem>>) target(%dma_start3A_863 : memref<1x56x56xf32, #tpu.memory_space<hbm>>) target_semaphore(%arg11 : memref<!tpu.dma_semaphore, #tpu.memory_space<semaphore_mem>>)
        %dma_wait3A_868 = arith.constant 1 : i32
        %dma_wait3A_869 = arith.constant 0 : i32
        %dma_wait3A_870 = arith.constant 0 : i32
        %dma_wait3A_871 = tpu.memref_slice %arg5[%dma_wait3A_868, %dma_wait3A_869, %dma_wait3A_870] : memref<8x56x56xf32, #tpu.memory_space<vmem>> -> memref<1x56x56xf32, #tpu.memory_space<vmem>>
        %dma_wait3A_872 = arith.constant 0 : i32
        %dma_wait3A_873 = arith.constant 0 : i32
        %dma_wait3A_874 = arith.constant 0 : i32
        %dma_wait3A_875 = tpu.memref_slice %arg2[%dma_wait3A_872, %dma_wait3A_873, %dma_wait3A_874] : memref<16384x56x56xf32, #tpu.memory_space<hbm>> -> memref<1x56x56xf32, #tpu.memory_space<hbm>>
        %dma_wait3A_876 = arith.constant 1 : i32
        %dma_wait3A_877 = arith.constant 0 : i32
        %dma_wait3A_878 = arith.constant 0 : i32
        %dma_wait3A_879 = tpu.memref_slice %arg5[%dma_wait3A_876, %dma_wait3A_877, %dma_wait3A_878] : memref<8x56x56xf32, #tpu.memory_space<vmem>> -> memref<1x56x56xf32, #tpu.memory_space<vmem>>
        %dma_wait3A_880 = arith.constant 0 : i32
        %dma_wait3A_881 = arith.constant 0 : i32
        %dma_wait3A_882 = arith.constant 0 : i32
        %dma_wait3A_883 = tpu.memref_slice %arg2[%dma_wait3A_880, %dma_wait3A_881, %dma_wait3A_882] : memref<16384x56x56xf32, #tpu.memory_space<hbm>> -> memref<1x56x56xf32, #tpu.memory_space<hbm>>
        tpu.wait_dma2 semaphore(%arg8 : memref<!tpu.dma_semaphore, #tpu.memory_space<semaphore_mem>>) src(%dma_wait3A_883 : memref<1x56x56xf32, #tpu.memory_space<hbm>>) dst(%dma_wait3A_879 : memref<1x56x56xf32, #tpu.memory_space<vmem>>)
        %add3A_884 = arith.constant 1 : i32
        %add3A_885 = arith.addi %mul3A_682, %add3A_884 : i32
        %ge3A_886 = arith.constant 85 : i32
        %ge3A_887 = arith.cmpi sge, %add3A_885, %ge3A_886 : i32
        %convert_element_type3A_888 = arith.extui %ge3A_887 : i1 to i32
        %mul3A_889 = arith.constant 85 : i32
        %mul3A_890 = arith.muli %mul3A_889, %convert_element_type3A_888 : i32
        %sub3A_891 = arith.subi %add3A_885, %mul3A_890 : i32
        %mul3A_892 = arith.constant 8192 : i32
        %mul3A_893 = arith.muli %mul3A_892, %convert_element_type3A_888 : i32
        %add3A_894 = arith.addi %add3A_35, %mul3A_893 : i32
        %mul3A_895 = arith.constant 3 : i32
        %mul3A_896 = arith.muli %mul3A_895, %sub3A_891 : i32
        %add3A_897 = arith.addi %add3A_894, %mul3A_896 : i32
        %add3A_898 = arith.constant 2 : i32
        %add3A_899 = arith.addi %add3A_897, %add3A_898 : i32
        %dma_start3A_900 = arith.constant 1 : i32
        %dma_start3A_901 = arith.constant 0 : i32
        %dma_start3A_902 = arith.constant 0 : i32
        %dma_start3A_903 = tpu.memref_slice %arg5[%dma_start3A_900, %dma_start3A_901, %dma_start3A_902] : memref<8x56x56xf32, #tpu.memory_space<vmem>> -> memref<1x56x56xf32, #tpu.memory_space<vmem>>
        %dma_start3A_904 = arith.constant 0 : i32
        %dma_start3A_905 = arith.constant 0 : i32
        %dma_start3A_906 = tpu.memref_slice %arg4[%add3A_899, %dma_start3A_904, %dma_start3A_905] : memref<16384x56x56xf32, #tpu.memory_space<hbm>> -> memref<1x56x56xf32, #tpu.memory_space<hbm>>
        %dma_start3A_907 = arith.constant 0 : i32
        %dma_start3A_908 = arith.constant 0 : i32
        %dma_start3A_909 = tpu.memref_slice %arg4[%add3A_899, %dma_start3A_907, %dma_start3A_908] : memref<16384x56x56xf32, #tpu.memory_space<hbm>> -> memref<1x56x56xf32, #tpu.memory_space<hbm>>
        %dma_start3A_910 = arith.constant 1 : i32
        %dma_start3A_911 = arith.constant 0 : i32
        %dma_start3A_912 = arith.constant 0 : i32
        %dma_start3A_913 = tpu.memref_slice %arg5[%dma_start3A_910, %dma_start3A_911, %dma_start3A_912] : memref<8x56x56xf32, #tpu.memory_space<vmem>> -> memref<1x56x56xf32, #tpu.memory_space<vmem>>
        tpu.enqueue_dma source(%dma_start3A_913 : memref<1x56x56xf32, #tpu.memory_space<vmem>>) target(%dma_start3A_909 : memref<1x56x56xf32, #tpu.memory_space<hbm>>) target_semaphore(%arg12 : memref<!tpu.dma_semaphore, #tpu.memory_space<semaphore_mem>>)
        %dma_wait3A_914 = arith.constant 2 : i32
        %dma_wait3A_915 = arith.constant 0 : i32
        %dma_wait3A_916 = arith.constant 0 : i32
        %dma_wait3A_917 = tpu.memref_slice %arg5[%dma_wait3A_914, %dma_wait3A_915, %dma_wait3A_916] : memref<8x56x56xf32, #tpu.memory_space<vmem>> -> memref<1x56x56xf32, #tpu.memory_space<vmem>>
        %dma_wait3A_918 = arith.constant 0 : i32
        %dma_wait3A_919 = arith.constant 0 : i32
        %dma_wait3A_920 = arith.constant 0 : i32
        %dma_wait3A_921 = tpu.memref_slice %arg2[%dma_wait3A_918, %dma_wait3A_919, %dma_wait3A_920] : memref<16384x56x56xf32, #tpu.memory_space<hbm>> -> memref<1x56x56xf32, #tpu.memory_space<hbm>>
        %dma_wait3A_922 = arith.constant 2 : i32
        %dma_wait3A_923 = arith.constant 0 : i32
        %dma_wait3A_924 = arith.constant 0 : i32
        %dma_wait3A_925 = tpu.memref_slice %arg5[%dma_wait3A_922, %dma_wait3A_923, %dma_wait3A_924] : memref<8x56x56xf32, #tpu.memory_space<vmem>> -> memref<1x56x56xf32, #tpu.memory_space<vmem>>
        %dma_wait3A_926 = arith.constant 0 : i32
        %dma_wait3A_927 = arith.constant 0 : i32
        %dma_wait3A_928 = arith.constant 0 : i32
        %dma_wait3A_929 = tpu.memref_slice %arg2[%dma_wait3A_926, %dma_wait3A_927, %dma_wait3A_928] : memref<16384x56x56xf32, #tpu.memory_space<hbm>> -> memref<1x56x56xf32, #tpu.memory_space<hbm>>
        tpu.wait_dma2 semaphore(%arg9 : memref<!tpu.dma_semaphore, #tpu.memory_space<semaphore_mem>>) src(%dma_wait3A_929 : memref<1x56x56xf32, #tpu.memory_space<hbm>>) dst(%dma_wait3A_925 : memref<1x56x56xf32, #tpu.memory_space<vmem>>)
        %add3A_930 = arith.constant 2 : i32
        %add3A_931 = arith.addi %mul3A_682, %add3A_930 : i32
        %ge3A_932 = arith.constant 85 : i32
        %ge3A_933 = arith.cmpi sge, %add3A_931, %ge3A_932 : i32
        %convert_element_type3A_934 = arith.extui %ge3A_933 : i1 to i32
        %mul3A_935 = arith.constant 85 : i32
        %mul3A_936 = arith.muli %mul3A_935, %convert_element_type3A_934 : i32
        %sub3A_937 = arith.subi %add3A_931, %mul3A_936 : i32
        %mul3A_938 = arith.constant 8192 : i32
        %mul3A_939 = arith.muli %mul3A_938, %convert_element_type3A_934 : i32
        %add3A_940 = arith.addi %add3A_35, %mul3A_939 : i32
        %mul3A_941 = arith.constant 3 : i32
        %mul3A_942 = arith.muli %mul3A_941, %sub3A_937 : i32
        %add3A_943 = arith.addi %add3A_940, %mul3A_942 : i32
        %add3A_944 = arith.constant 2 : i32
        %add3A_945 = arith.addi %add3A_943, %add3A_944 : i32
        %dma_start3A_946 = arith.constant 2 : i32
        %dma_start3A_947 = arith.constant 0 : i32
        %dma_start3A_948 = arith.constant 0 : i32
        %dma_start3A_949 = tpu.memref_slice %arg5[%dma_start3A_946, %dma_start3A_947, %dma_start3A_948] : memref<8x56x56xf32, #tpu.memory_space<vmem>> -> memref<1x56x56xf32, #tpu.memory_space<vmem>>
        %dma_start3A_950 = arith.constant 0 : i32
        %dma_start3A_951 = arith.constant 0 : i32
        %dma_start3A_952 = tpu.memref_slice %arg4[%add3A_945, %dma_start3A_950, %dma_start3A_951] : memref<16384x56x56xf32, #tpu.memory_space<hbm>> -> memref<1x56x56xf32, #tpu.memory_space<hbm>>
        %dma_start3A_953 = arith.constant 0 : i32
        %dma_start3A_954 = arith.constant 0 : i32
        %dma_start3A_955 = tpu.memref_slice %arg4[%add3A_945, %dma_start3A_953, %dma_start3A_954] : memref<16384x56x56xf32, #tpu.memory_space<hbm>> -> memref<1x56x56xf32, #tpu.memory_space<hbm>>
        %dma_start3A_956 = arith.constant 2 : i32
        %dma_start3A_957 = arith.constant 0 : i32
        %dma_start3A_958 = arith.constant 0 : i32
        %dma_start3A_959 = tpu.memref_slice %arg5[%dma_start3A_956, %dma_start3A_957, %dma_start3A_958] : memref<8x56x56xf32, #tpu.memory_space<vmem>> -> memref<1x56x56xf32, #tpu.memory_space<vmem>>
        tpu.enqueue_dma source(%dma_start3A_959 : memref<1x56x56xf32, #tpu.memory_space<vmem>>) target(%dma_start3A_955 : memref<1x56x56xf32, #tpu.memory_space<hbm>>) target_semaphore(%arg13 : memref<!tpu.dma_semaphore, #tpu.memory_space<semaphore_mem>>)
        %dma_wait3A_960 = arith.constant 3 : i32
        %dma_wait3A_961 = arith.constant 0 : i32
        %dma_wait3A_962 = arith.constant 0 : i32
        %dma_wait3A_963 = tpu.memref_slice %arg5[%dma_wait3A_960, %dma_wait3A_961, %dma_wait3A_962] : memref<8x56x56xf32, #tpu.memory_space<vmem>> -> memref<1x56x56xf32, #tpu.memory_space<vmem>>
        %dma_wait3A_964 = arith.constant 0 : i32
        %dma_wait3A_965 = arith.constant 0 : i32
        %dma_wait3A_966 = arith.constant 0 : i32
        %dma_wait3A_967 = tpu.memref_slice %arg2[%dma_wait3A_964, %dma_wait3A_965, %dma_wait3A_966] : memref<16384x56x56xf32, #tpu.memory_space<hbm>> -> memref<1x56x56xf32, #tpu.memory_space<hbm>>
        %dma_wait3A_968 = arith.constant 3 : i32
        %dma_wait3A_969 = arith.constant 0 : i32
        %dma_wait3A_970 = arith.constant 0 : i32
        %dma_wait3A_971 = tpu.memref_slice %arg5[%dma_wait3A_968, %dma_wait3A_969, %dma_wait3A_970] : memref<8x56x56xf32, #tpu.memory_space<vmem>> -> memref<1x56x56xf32, #tpu.memory_space<vmem>>
        %dma_wait3A_972 = arith.constant 0 : i32
        %dma_wait3A_973 = arith.constant 0 : i32
        %dma_wait3A_974 = arith.constant 0 : i32
        %dma_wait3A_975 = tpu.memref_slice %arg2[%dma_wait3A_972, %dma_wait3A_973, %dma_wait3A_974] : memref<16384x56x56xf32, #tpu.memory_space<hbm>> -> memref<1x56x56xf32, #tpu.memory_space<hbm>>
        tpu.wait_dma2 semaphore(%arg10 : memref<!tpu.dma_semaphore, #tpu.memory_space<semaphore_mem>>) src(%dma_wait3A_975 : memref<1x56x56xf32, #tpu.memory_space<hbm>>) dst(%dma_wait3A_971 : memref<1x56x56xf32, #tpu.memory_space<vmem>>)
        %add3A_976 = arith.constant 3 : i32
        %add3A_977 = arith.addi %mul3A_682, %add3A_976 : i32
        %ge3A_978 = arith.constant 85 : i32
        %ge3A_979 = arith.cmpi sge, %add3A_977, %ge3A_978 : i32
        %convert_element_type3A_980 = arith.extui %ge3A_979 : i1 to i32
        %mul3A_981 = arith.constant 85 : i32
        %mul3A_982 = arith.muli %mul3A_981, %convert_element_type3A_980 : i32
        %sub3A_983 = arith.subi %add3A_977, %mul3A_982 : i32
        %mul3A_984 = arith.constant 8192 : i32
        %mul3A_985 = arith.muli %mul3A_984, %convert_element_type3A_980 : i32
        %add3A_986 = arith.addi %add3A_35, %mul3A_985 : i32
        %mul3A_987 = arith.constant 3 : i32
        %mul3A_988 = arith.muli %mul3A_987, %sub3A_983 : i32
        %add3A_989 = arith.addi %add3A_986, %mul3A_988 : i32
        %add3A_990 = arith.constant 2 : i32
        %add3A_991 = arith.addi %add3A_989, %add3A_990 : i32
        %dma_start3A_992 = arith.constant 3 : i32
        %dma_start3A_993 = arith.constant 0 : i32
        %dma_start3A_994 = arith.constant 0 : i32
        %dma_start3A_995 = tpu.memref_slice %arg5[%dma_start3A_992, %dma_start3A_993, %dma_start3A_994] : memref<8x56x56xf32, #tpu.memory_space<vmem>> -> memref<1x56x56xf32, #tpu.memory_space<vmem>>
        %dma_start3A_996 = arith.constant 0 : i32
        %dma_start3A_997 = arith.constant 0 : i32
        %dma_start3A_998 = tpu.memref_slice %arg4[%add3A_991, %dma_start3A_996, %dma_start3A_997] : memref<16384x56x56xf32, #tpu.memory_space<hbm>> -> memref<1x56x56xf32, #tpu.memory_space<hbm>>
        %dma_start3A_999 = arith.constant 0 : i32
        %dma_start3A_1000 = arith.constant 0 : i32
        %dma_start3A_1001 = tpu.memref_slice %arg4[%add3A_991, %dma_start3A_999, %dma_start3A_1000] : memref<16384x56x56xf32, #tpu.memory_space<hbm>> -> memref<1x56x56xf32, #tpu.memory_space<hbm>>
        %dma_start3A_1002 = arith.constant 3 : i32
        %dma_start3A_1003 = arith.constant 0 : i32
        %dma_start3A_1004 = arith.constant 0 : i32
        %dma_start3A_1005 = tpu.memref_slice %arg5[%dma_start3A_1002, %dma_start3A_1003, %dma_start3A_1004] : memref<8x56x56xf32, #tpu.memory_space<vmem>> -> memref<1x56x56xf32, #tpu.memory_space<vmem>>
        tpu.enqueue_dma source(%dma_start3A_1005 : memref<1x56x56xf32, #tpu.memory_space<vmem>>) target(%dma_start3A_1001 : memref<1x56x56xf32, #tpu.memory_space<hbm>>) target_semaphore(%arg14 : memref<!tpu.dma_semaphore, #tpu.memory_space<semaphore_mem>>)
      }
      %scan3A_309 = arith.constant 42 : i32
      %dma_wait3A_310 = arith.constant 0 : i32
      %dma_wait3A_311 = arith.constant 0 : i32
      %dma_wait3A_312 = arith.constant 0 : i32
      %dma_wait3A_313 = tpu.memref_slice %arg5[%dma_wait3A_310, %dma_wait3A_311, %dma_wait3A_312] : memref<8x56x56xf32, #tpu.memory_space<vmem>> -> memref<1x56x56xf32, #tpu.memory_space<vmem>>
      %dma_wait3A_314 = arith.constant 0 : i32
      %dma_wait3A_315 = arith.constant 0 : i32
      %dma_wait3A_316 = arith.constant 0 : i32
      %dma_wait3A_317 = tpu.memref_slice %arg4[%dma_wait3A_314, %dma_wait3A_315, %dma_wait3A_316] : memref<16384x56x56xf32, #tpu.memory_space<hbm>> -> memref<1x56x56xf32, #tpu.memory_space<hbm>>
      %dma_wait3A_318 = arith.constant 0 : i32
      %dma_wait3A_319 = arith.constant 0 : i32
      %dma_wait3A_320 = arith.constant 0 : i32
      %dma_wait3A_321 = tpu.memref_slice %arg4[%dma_wait3A_318, %dma_wait3A_319, %dma_wait3A_320] : memref<16384x56x56xf32, #tpu.memory_space<hbm>> -> memref<1x56x56xf32, #tpu.memory_space<hbm>>
      %dma_wait3A_322 = arith.constant 0 : i32
      %dma_wait3A_323 = arith.constant 0 : i32
      %dma_wait3A_324 = arith.constant 0 : i32
      %dma_wait3A_325 = tpu.memref_slice %arg5[%dma_wait3A_322, %dma_wait3A_323, %dma_wait3A_324] : memref<8x56x56xf32, #tpu.memory_space<vmem>> -> memref<1x56x56xf32, #tpu.memory_space<vmem>>
      tpu.wait_dma2 semaphore(%arg11 : memref<!tpu.dma_semaphore, #tpu.memory_space<semaphore_mem>>) src(%dma_wait3A_325 : memref<1x56x56xf32, #tpu.memory_space<vmem>>) dst(%dma_wait3A_321 : memref<1x56x56xf32, #tpu.memory_space<hbm>>)
      %dma_wait3A_326 = arith.constant 1 : i32
      %dma_wait3A_327 = arith.constant 0 : i32
      %dma_wait3A_328 = arith.constant 0 : i32
      %dma_wait3A_329 = tpu.memref_slice %arg5[%dma_wait3A_326, %dma_wait3A_327, %dma_wait3A_328] : memref<8x56x56xf32, #tpu.memory_space<vmem>> -> memref<1x56x56xf32, #tpu.memory_space<vmem>>
      %dma_wait3A_330 = arith.constant 0 : i32
      %dma_wait3A_331 = arith.constant 0 : i32
      %dma_wait3A_332 = arith.constant 0 : i32
      %dma_wait3A_333 = tpu.memref_slice %arg4[%dma_wait3A_330, %dma_wait3A_331, %dma_wait3A_332] : memref<16384x56x56xf32, #tpu.memory_space<hbm>> -> memref<1x56x56xf32, #tpu.memory_space<hbm>>
      %dma_wait3A_334 = arith.constant 0 : i32
      %dma_wait3A_335 = arith.constant 0 : i32
      %dma_wait3A_336 = arith.constant 0 : i32
      %dma_wait3A_337 = tpu.memref_slice %arg4[%dma_wait3A_334, %dma_wait3A_335, %dma_wait3A_336] : memref<16384x56x56xf32, #tpu.memory_space<hbm>> -> memref<1x56x56xf32, #tpu.memory_space<hbm>>
      %dma_wait3A_338 = arith.constant 1 : i32
      %dma_wait3A_339 = arith.constant 0 : i32
      %dma_wait3A_340 = arith.constant 0 : i32
      %dma_wait3A_341 = tpu.memref_slice %arg5[%dma_wait3A_338, %dma_wait3A_339, %dma_wait3A_340] : memref<8x56x56xf32, #tpu.memory_space<vmem>> -> memref<1x56x56xf32, #tpu.memory_space<vmem>>
      tpu.wait_dma2 semaphore(%arg12 : memref<!tpu.dma_semaphore, #tpu.memory_space<semaphore_mem>>) src(%dma_wait3A_341 : memref<1x56x56xf32, #tpu.memory_space<vmem>>) dst(%dma_wait3A_337 : memref<1x56x56xf32, #tpu.memory_space<hbm>>)
      %dma_wait3A_342 = arith.constant 2 : i32
      %dma_wait3A_343 = arith.constant 0 : i32
      %dma_wait3A_344 = arith.constant 0 : i32
      %dma_wait3A_345 = tpu.memref_slice %arg5[%dma_wait3A_342, %dma_wait3A_343, %dma_wait3A_344] : memref<8x56x56xf32, #tpu.memory_space<vmem>> -> memref<1x56x56xf32, #tpu.memory_space<vmem>>
      %dma_wait3A_346 = arith.constant 0 : i32
      %dma_wait3A_347 = arith.constant 0 : i32
      %dma_wait3A_348 = arith.constant 0 : i32
      %dma_wait3A_349 = tpu.memref_slice %arg4[%dma_wait3A_346, %dma_wait3A_347, %dma_wait3A_348] : memref<16384x56x56xf32, #tpu.memory_space<hbm>> -> memref<1x56x56xf32, #tpu.memory_space<hbm>>
      %dma_wait3A_350 = arith.constant 0 : i32
      %dma_wait3A_351 = arith.constant 0 : i32
      %dma_wait3A_352 = arith.constant 0 : i32
      %dma_wait3A_353 = tpu.memref_slice %arg4[%dma_wait3A_350, %dma_wait3A_351, %dma_wait3A_352] : memref<16384x56x56xf32, #tpu.memory_space<hbm>> -> memref<1x56x56xf32, #tpu.memory_space<hbm>>
      %dma_wait3A_354 = arith.constant 2 : i32
      %dma_wait3A_355 = arith.constant 0 : i32
      %dma_wait3A_356 = arith.constant 0 : i32
      %dma_wait3A_357 = tpu.memref_slice %arg5[%dma_wait3A_354, %dma_wait3A_355, %dma_wait3A_356] : memref<8x56x56xf32, #tpu.memory_space<vmem>> -> memref<1x56x56xf32, #tpu.memory_space<vmem>>
      tpu.wait_dma2 semaphore(%arg13 : memref<!tpu.dma_semaphore, #tpu.memory_space<semaphore_mem>>) src(%dma_wait3A_357 : memref<1x56x56xf32, #tpu.memory_space<vmem>>) dst(%dma_wait3A_353 : memref<1x56x56xf32, #tpu.memory_space<hbm>>)
      %dma_wait3A_358 = arith.constant 3 : i32
      %dma_wait3A_359 = arith.constant 0 : i32
      %dma_wait3A_360 = arith.constant 0 : i32
      %dma_wait3A_361 = tpu.memref_slice %arg5[%dma_wait3A_358, %dma_wait3A_359, %dma_wait3A_360] : memref<8x56x56xf32, #tpu.memory_space<vmem>> -> memref<1x56x56xf32, #tpu.memory_space<vmem>>
      %dma_wait3A_362 = arith.constant 0 : i32
      %dma_wait3A_363 = arith.constant 0 : i32
      %dma_wait3A_364 = arith.constant 0 : i32
      %dma_wait3A_365 = tpu.memref_slice %arg4[%dma_wait3A_362, %dma_wait3A_363, %dma_wait3A_364] : memref<16384x56x56xf32, #tpu.memory_space<hbm>> -> memref<1x56x56xf32, #tpu.memory_space<hbm>>
      %dma_wait3A_366 = arith.constant 0 : i32
      %dma_wait3A_367 = arith.constant 0 : i32
      %dma_wait3A_368 = arith.constant 0 : i32
      %dma_wait3A_369 = tpu.memref_slice %arg4[%dma_wait3A_366, %dma_wait3A_367, %dma_wait3A_368] : memref<16384x56x56xf32, #tpu.memory_space<hbm>> -> memref<1x56x56xf32, #tpu.memory_space<hbm>>
      %dma_wait3A_370 = arith.constant 3 : i32
      %dma_wait3A_371 = arith.constant 0 : i32
      %dma_wait3A_372 = arith.constant 0 : i32
      %dma_wait3A_373 = tpu.memref_slice %arg5[%dma_wait3A_370, %dma_wait3A_371, %dma_wait3A_372] : memref<8x56x56xf32, #tpu.memory_space<vmem>> -> memref<1x56x56xf32, #tpu.memory_space<vmem>>
      tpu.wait_dma2 semaphore(%arg14 : memref<!tpu.dma_semaphore, #tpu.memory_space<semaphore_mem>>) src(%dma_wait3A_373 : memref<1x56x56xf32, #tpu.memory_space<vmem>>) dst(%dma_wait3A_369 : memref<1x56x56xf32, #tpu.memory_space<hbm>>)
      %ge3A_374 = arith.constant 168 : i32
      %ge3A_375 = arith.constant 85 : i32
      %ge3A_376 = arith.cmpi sge, %ge3A_374, %ge3A_375 : i32
      %convert_element_type3A_377 = arith.extui %ge3A_376 : i1 to i32
      %mul3A_378 = arith.constant 85 : i32
      %mul3A_379 = arith.muli %mul3A_378, %convert_element_type3A_377 : i32
      %sub3A_380 = arith.constant 168 : i32
      %sub3A_381 = arith.subi %sub3A_380, %mul3A_379 : i32
      %mul3A_382 = arith.constant 8192 : i32
      %mul3A_383 = arith.muli %mul3A_382, %convert_element_type3A_377 : i32
      %add3A_384 = arith.addi %add3A_35, %mul3A_383 : i32
      %mul3A_385 = arith.constant 3 : i32
      %mul3A_386 = arith.muli %mul3A_385, %sub3A_381 : i32
      %add3A_387 = arith.addi %add3A_384, %mul3A_386 : i32
      %add3A_388 = arith.constant 2 : i32
      %add3A_389 = arith.addi %add3A_387, %add3A_388 : i32
      %ge3A_390 = arith.constant 168 : i32
      %ge3A_391 = arith.constant 85 : i32
      %ge3A_392 = arith.cmpi sge, %ge3A_390, %ge3A_391 : i32
      %convert_element_type3A_393 = arith.extui %ge3A_392 : i1 to i32
      %mul3A_394 = arith.constant 85 : i32
      %mul3A_395 = arith.muli %mul3A_394, %convert_element_type3A_393 : i32
      %sub3A_396 = arith.constant 168 : i32
      %sub3A_397 = arith.subi %sub3A_396, %mul3A_395 : i32
      %mul3A_398 = arith.constant 8192 : i32
      %mul3A_399 = arith.muli %mul3A_398, %convert_element_type3A_393 : i32
      %add3A_400 = arith.addi %add3A_35, %mul3A_399 : i32
      %mul3A_401 = arith.constant 3 : i32
      %mul3A_402 = arith.muli %mul3A_401, %sub3A_397 : i32
      %add3A_403 = arith.addi %add3A_400, %mul3A_402 : i32
      %add3A_404 = arith.constant 2 : i32
      %add3A_405 = arith.addi %add3A_403, %add3A_404 : i32
      %dma_start3A_406 = arith.constant 0 : i32
      %dma_start3A_407 = arith.constant 0 : i32
      %dma_start3A_408 = arith.constant 0 : i32
      %dma_start3A_409 = tpu.memref_slice %arg5[%dma_start3A_406, %dma_start3A_407, %dma_start3A_408] : memref<8x56x56xf32, #tpu.memory_space<vmem>> -> memref<1x56x56xf32, #tpu.memory_space<vmem>>
      %dma_start3A_410 = arith.constant 0 : i32
      %dma_start3A_411 = arith.constant 0 : i32
      %dma_start3A_412 = tpu.memref_slice %arg2[%add3A_389, %dma_start3A_410, %dma_start3A_411] : memref<16384x56x56xf32, #tpu.memory_space<hbm>> -> memref<1x56x56xf32, #tpu.memory_space<hbm>>
      %dma_start3A_413 = arith.constant 0 : i32
      %dma_start3A_414 = arith.constant 0 : i32
      %dma_start3A_415 = arith.constant 0 : i32
      %dma_start3A_416 = tpu.memref_slice %arg5[%dma_start3A_413, %dma_start3A_414, %dma_start3A_415] : memref<8x56x56xf32, #tpu.memory_space<vmem>> -> memref<1x56x56xf32, #tpu.memory_space<vmem>>
      %dma_start3A_417 = arith.constant 0 : i32
      %dma_start3A_418 = arith.constant 0 : i32
      %dma_start3A_419 = tpu.memref_slice %arg2[%add3A_389, %dma_start3A_417, %dma_start3A_418] : memref<16384x56x56xf32, #tpu.memory_space<hbm>> -> memref<1x56x56xf32, #tpu.memory_space<hbm>>
      tpu.enqueue_dma source(%dma_start3A_419 : memref<1x56x56xf32, #tpu.memory_space<hbm>>) target(%dma_start3A_416 : memref<1x56x56xf32, #tpu.memory_space<vmem>>) target_semaphore(%arg7 : memref<!tpu.dma_semaphore, #tpu.memory_space<semaphore_mem>>)
      %dma_wait3A_420 = arith.constant 0 : i32
      %dma_wait3A_421 = arith.constant 0 : i32
      %dma_wait3A_422 = arith.constant 0 : i32
      %dma_wait3A_423 = tpu.memref_slice %arg5[%dma_wait3A_420, %dma_wait3A_421, %dma_wait3A_422] : memref<8x56x56xf32, #tpu.memory_space<vmem>> -> memref<1x56x56xf32, #tpu.memory_space<vmem>>
      %dma_wait3A_424 = arith.constant 0 : i32
      %dma_wait3A_425 = arith.constant 0 : i32
      %dma_wait3A_426 = tpu.memref_slice %arg2[%add3A_389, %dma_wait3A_424, %dma_wait3A_425] : memref<16384x56x56xf32, #tpu.memory_space<hbm>> -> memref<1x56x56xf32, #tpu.memory_space<hbm>>
      %dma_wait3A_427 = arith.constant 0 : i32
      %dma_wait3A_428 = arith.constant 0 : i32
      %dma_wait3A_429 = arith.constant 0 : i32
      %dma_wait3A_430 = tpu.memref_slice %arg5[%dma_wait3A_427, %dma_wait3A_428, %dma_wait3A_429] : memref<8x56x56xf32, #tpu.memory_space<vmem>> -> memref<1x56x56xf32, #tpu.memory_space<vmem>>
      %dma_wait3A_431 = arith.constant 0 : i32
      %dma_wait3A_432 = arith.constant 0 : i32
      %dma_wait3A_433 = tpu.memref_slice %arg2[%add3A_389, %dma_wait3A_431, %dma_wait3A_432] : memref<16384x56x56xf32, #tpu.memory_space<hbm>> -> memref<1x56x56xf32, #tpu.memory_space<hbm>>
      tpu.wait_dma2 semaphore(%arg7 : memref<!tpu.dma_semaphore, #tpu.memory_space<semaphore_mem>>) src(%dma_wait3A_433 : memref<1x56x56xf32, #tpu.memory_space<hbm>>) dst(%dma_wait3A_430 : memref<1x56x56xf32, #tpu.memory_space<vmem>>)
      %dma_start3A_434 = arith.constant 0 : i32
      %dma_start3A_435 = arith.constant 0 : i32
      %dma_start3A_436 = arith.constant 0 : i32
      %dma_start3A_437 = tpu.memref_slice %arg5[%dma_start3A_434, %dma_start3A_435, %dma_start3A_436] : memref<8x56x56xf32, #tpu.memory_space<vmem>> -> memref<1x56x56xf32, #tpu.memory_space<vmem>>
      %dma_start3A_438 = arith.constant 0 : i32
      %dma_start3A_439 = arith.constant 0 : i32
      %dma_start3A_440 = tpu.memref_slice %arg4[%add3A_405, %dma_start3A_438, %dma_start3A_439] : memref<16384x56x56xf32, #tpu.memory_space<hbm>> -> memref<1x56x56xf32, #tpu.memory_space<hbm>>
      %dma_start3A_441 = arith.constant 0 : i32
      %dma_start3A_442 = arith.constant 0 : i32
      %dma_start3A_443 = tpu.memref_slice %arg4[%add3A_405, %dma_start3A_441, %dma_start3A_442] : memref<16384x56x56xf32, #tpu.memory_space<hbm>> -> memref<1x56x56xf32, #tpu.memory_space<hbm>>
      %dma_start3A_444 = arith.constant 0 : i32
      %dma_start3A_445 = arith.constant 0 : i32
      %dma_start3A_446 = arith.constant 0 : i32
      %dma_start3A_447 = tpu.memref_slice %arg5[%dma_start3A_444, %dma_start3A_445, %dma_start3A_446] : memref<8x56x56xf32, #tpu.memory_space<vmem>> -> memref<1x56x56xf32, #tpu.memory_space<vmem>>
      tpu.enqueue_dma source(%dma_start3A_447 : memref<1x56x56xf32, #tpu.memory_space<vmem>>) target(%dma_start3A_443 : memref<1x56x56xf32, #tpu.memory_space<hbm>>) target_semaphore(%arg11 : memref<!tpu.dma_semaphore, #tpu.memory_space<semaphore_mem>>)
      %dma_wait3A_448 = arith.constant 0 : i32
      %dma_wait3A_449 = arith.constant 0 : i32
      %dma_wait3A_450 = arith.constant 0 : i32
      %dma_wait3A_451 = tpu.memref_slice %arg5[%dma_wait3A_448, %dma_wait3A_449, %dma_wait3A_450] : memref<8x56x56xf32, #tpu.memory_space<vmem>> -> memref<1x56x56xf32, #tpu.memory_space<vmem>>
      %dma_wait3A_452 = arith.constant 0 : i32
      %dma_wait3A_453 = arith.constant 0 : i32
      %dma_wait3A_454 = tpu.memref_slice %arg4[%add3A_405, %dma_wait3A_452, %dma_wait3A_453] : memref<16384x56x56xf32, #tpu.memory_space<hbm>> -> memref<1x56x56xf32, #tpu.memory_space<hbm>>
      %dma_wait3A_455 = arith.constant 0 : i32
      %dma_wait3A_456 = arith.constant 0 : i32
      %dma_wait3A_457 = tpu.memref_slice %arg4[%add3A_405, %dma_wait3A_455, %dma_wait3A_456] : memref<16384x56x56xf32, #tpu.memory_space<hbm>> -> memref<1x56x56xf32, #tpu.memory_space<hbm>>
      %dma_wait3A_458 = arith.constant 0 : i32
      %dma_wait3A_459 = arith.constant 0 : i32
      %dma_wait3A_460 = arith.constant 0 : i32
      %dma_wait3A_461 = tpu.memref_slice %arg5[%dma_wait3A_458, %dma_wait3A_459, %dma_wait3A_460] : memref<8x56x56xf32, #tpu.memory_space<vmem>> -> memref<1x56x56xf32, #tpu.memory_space<vmem>>
      tpu.wait_dma2 semaphore(%arg11 : memref<!tpu.dma_semaphore, #tpu.memory_space<semaphore_mem>>) src(%dma_wait3A_461 : memref<1x56x56xf32, #tpu.memory_space<vmem>>) dst(%dma_wait3A_457 : memref<1x56x56xf32, #tpu.memory_space<hbm>>)
      %ge3A_462 = arith.constant 169 : i32
      %ge3A_463 = arith.constant 85 : i32
      %ge3A_464 = arith.cmpi sge, %ge3A_462, %ge3A_463 : i32
      %convert_element_type3A_465 = arith.extui %ge3A_464 : i1 to i32
      %mul3A_466 = arith.constant 85 : i32
      %mul3A_467 = arith.muli %mul3A_466, %convert_element_type3A_465 : i32
      %sub3A_468 = arith.constant 169 : i32
      %sub3A_469 = arith.subi %sub3A_468, %mul3A_467 : i32
      %mul3A_470 = arith.constant 8192 : i32
      %mul3A_471 = arith.muli %mul3A_470, %convert_element_type3A_465 : i32
      %add3A_472 = arith.addi %add3A_35, %mul3A_471 : i32
      %mul3A_473 = arith.constant 3 : i32
      %mul3A_474 = arith.muli %mul3A_473, %sub3A_469 : i32
      %add3A_475 = arith.addi %add3A_472, %mul3A_474 : i32
      %add3A_476 = arith.constant 2 : i32
      %add3A_477 = arith.addi %add3A_475, %add3A_476 : i32
      %ge3A_478 = arith.constant 169 : i32
      %ge3A_479 = arith.constant 85 : i32
      %ge3A_480 = arith.cmpi sge, %ge3A_478, %ge3A_479 : i32
      %convert_element_type3A_481 = arith.extui %ge3A_480 : i1 to i32
      %mul3A_482 = arith.constant 85 : i32
      %mul3A_483 = arith.muli %mul3A_482, %convert_element_type3A_481 : i32
      %sub3A_484 = arith.constant 169 : i32
      %sub3A_485 = arith.subi %sub3A_484, %mul3A_483 : i32
      %mul3A_486 = arith.constant 8192 : i32
      %mul3A_487 = arith.muli %mul3A_486, %convert_element_type3A_481 : i32
      %add3A_488 = arith.addi %add3A_35, %mul3A_487 : i32
      %mul3A_489 = arith.constant 3 : i32
      %mul3A_490 = arith.muli %mul3A_489, %sub3A_485 : i32
      %add3A_491 = arith.addi %add3A_488, %mul3A_490 : i32
      %add3A_492 = arith.constant 2 : i32
      %add3A_493 = arith.addi %add3A_491, %add3A_492 : i32
      %dma_start3A_494 = arith.constant 0 : i32
      %dma_start3A_495 = arith.constant 0 : i32
      %dma_start3A_496 = arith.constant 0 : i32
      %dma_start3A_497 = tpu.memref_slice %arg5[%dma_start3A_494, %dma_start3A_495, %dma_start3A_496] : memref<8x56x56xf32, #tpu.memory_space<vmem>> -> memref<1x56x56xf32, #tpu.memory_space<vmem>>
      %dma_start3A_498 = arith.constant 0 : i32
      %dma_start3A_499 = arith.constant 0 : i32
      %dma_start3A_500 = tpu.memref_slice %arg2[%add3A_477, %dma_start3A_498, %dma_start3A_499] : memref<16384x56x56xf32, #tpu.memory_space<hbm>> -> memref<1x56x56xf32, #tpu.memory_space<hbm>>
      %dma_start3A_501 = arith.constant 0 : i32
      %dma_start3A_502 = arith.constant 0 : i32
      %dma_start3A_503 = arith.constant 0 : i32
      %dma_start3A_504 = tpu.memref_slice %arg5[%dma_start3A_501, %dma_start3A_502, %dma_start3A_503] : memref<8x56x56xf32, #tpu.memory_space<vmem>> -> memref<1x56x56xf32, #tpu.memory_space<vmem>>
      %dma_start3A_505 = arith.constant 0 : i32
      %dma_start3A_506 = arith.constant 0 : i32
      %dma_start3A_507 = tpu.memref_slice %arg2[%add3A_477, %dma_start3A_505, %dma_start3A_506] : memref<16384x56x56xf32, #tpu.memory_space<hbm>> -> memref<1x56x56xf32, #tpu.memory_space<hbm>>
      tpu.enqueue_dma source(%dma_start3A_507 : memref<1x56x56xf32, #tpu.memory_space<hbm>>) target(%dma_start3A_504 : memref<1x56x56xf32, #tpu.memory_space<vmem>>) target_semaphore(%arg7 : memref<!tpu.dma_semaphore, #tpu.memory_space<semaphore_mem>>)
      %dma_wait3A_508 = arith.constant 0 : i32
      %dma_wait3A_509 = arith.constant 0 : i32
      %dma_wait3A_510 = arith.constant 0 : i32
      %dma_wait3A_511 = tpu.memref_slice %arg5[%dma_wait3A_508, %dma_wait3A_509, %dma_wait3A_510] : memref<8x56x56xf32, #tpu.memory_space<vmem>> -> memref<1x56x56xf32, #tpu.memory_space<vmem>>
      %dma_wait3A_512 = arith.constant 0 : i32
      %dma_wait3A_513 = arith.constant 0 : i32
      %dma_wait3A_514 = tpu.memref_slice %arg2[%add3A_477, %dma_wait3A_512, %dma_wait3A_513] : memref<16384x56x56xf32, #tpu.memory_space<hbm>> -> memref<1x56x56xf32, #tpu.memory_space<hbm>>
      %dma_wait3A_515 = arith.constant 0 : i32
      %dma_wait3A_516 = arith.constant 0 : i32
      %dma_wait3A_517 = arith.constant 0 : i32
      %dma_wait3A_518 = tpu.memref_slice %arg5[%dma_wait3A_515, %dma_wait3A_516, %dma_wait3A_517] : memref<8x56x56xf32, #tpu.memory_space<vmem>> -> memref<1x56x56xf32, #tpu.memory_space<vmem>>
      %dma_wait3A_519 = arith.constant 0 : i32
      %dma_wait3A_520 = arith.constant 0 : i32
      %dma_wait3A_521 = tpu.memref_slice %arg2[%add3A_477, %dma_wait3A_519, %dma_wait3A_520] : memref<16384x56x56xf32, #tpu.memory_space<hbm>> -> memref<1x56x56xf32, #tpu.memory_space<hbm>>
      tpu.wait_dma2 semaphore(%arg7 : memref<!tpu.dma_semaphore, #tpu.memory_space<semaphore_mem>>) src(%dma_wait3A_521 : memref<1x56x56xf32, #tpu.memory_space<hbm>>) dst(%dma_wait3A_518 : memref<1x56x56xf32, #tpu.memory_space<vmem>>)
      %dma_start3A_522 = arith.constant 0 : i32
      %dma_start3A_523 = arith.constant 0 : i32
      %dma_start3A_524 = arith.constant 0 : i32
      %dma_start3A_525 = tpu.memref_slice %arg5[%dma_start3A_522, %dma_start3A_523, %dma_start3A_524] : memref<8x56x56xf32, #tpu.memory_space<vmem>> -> memref<1x56x56xf32, #tpu.memory_space<vmem>>
      %dma_start3A_526 = arith.constant 0 : i32
      %dma_start3A_527 = arith.constant 0 : i32
      %dma_start3A_528 = tpu.memref_slice %arg4[%add3A_493, %dma_start3A_526, %dma_start3A_527] : memref<16384x56x56xf32, #tpu.memory_space<hbm>> -> memref<1x56x56xf32, #tpu.memory_space<hbm>>
      %dma_start3A_529 = arith.constant 0 : i32
      %dma_start3A_530 = arith.constant 0 : i32
      %dma_start3A_531 = tpu.memref_slice %arg4[%add3A_493, %dma_start3A_529, %dma_start3A_530] : memref<16384x56x56xf32, #tpu.memory_space<hbm>> -> memref<1x56x56xf32, #tpu.memory_space<hbm>>
      %dma_start3A_532 = arith.constant 0 : i32
      %dma_start3A_533 = arith.constant 0 : i32
      %dma_start3A_534 = arith.constant 0 : i32
      %dma_start3A_535 = tpu.memref_slice %arg5[%dma_start3A_532, %dma_start3A_533, %dma_start3A_534] : memref<8x56x56xf32, #tpu.memory_space<vmem>> -> memref<1x56x56xf32, #tpu.memory_space<vmem>>
      tpu.enqueue_dma source(%dma_start3A_535 : memref<1x56x56xf32, #tpu.memory_space<vmem>>) target(%dma_start3A_531 : memref<1x56x56xf32, #tpu.memory_space<hbm>>) target_semaphore(%arg11 : memref<!tpu.dma_semaphore, #tpu.memory_space<semaphore_mem>>)
      %dma_wait3A_536 = arith.constant 0 : i32
      %dma_wait3A_537 = arith.constant 0 : i32
      %dma_wait3A_538 = arith.constant 0 : i32
      %dma_wait3A_539 = tpu.memref_slice %arg5[%dma_wait3A_536, %dma_wait3A_537, %dma_wait3A_538] : memref<8x56x56xf32, #tpu.memory_space<vmem>> -> memref<1x56x56xf32, #tpu.memory_space<vmem>>
      %dma_wait3A_540 = arith.constant 0 : i32
      %dma_wait3A_541 = arith.constant 0 : i32
      %dma_wait3A_542 = tpu.memref_slice %arg4[%add3A_493, %dma_wait3A_540, %dma_wait3A_541] : memref<16384x56x56xf32, #tpu.memory_space<hbm>> -> memref<1x56x56xf32, #tpu.memory_space<hbm>>
      %dma_wait3A_543 = arith.constant 0 : i32
      %dma_wait3A_544 = arith.constant 0 : i32
      %dma_wait3A_545 = tpu.memref_slice %arg4[%add3A_493, %dma_wait3A_543, %dma_wait3A_544] : memref<16384x56x56xf32, #tpu.memory_space<hbm>> -> memref<1x56x56xf32, #tpu.memory_space<hbm>>
      %dma_wait3A_546 = arith.constant 0 : i32
      %dma_wait3A_547 = arith.constant 0 : i32
      %dma_wait3A_548 = arith.constant 0 : i32
      %dma_wait3A_549 = tpu.memref_slice %arg5[%dma_wait3A_546, %dma_wait3A_547, %dma_wait3A_548] : memref<8x56x56xf32, #tpu.memory_space<vmem>> -> memref<1x56x56xf32, #tpu.memory_space<vmem>>
      tpu.wait_dma2 semaphore(%arg11 : memref<!tpu.dma_semaphore, #tpu.memory_space<semaphore_mem>>) src(%dma_wait3A_549 : memref<1x56x56xf32, #tpu.memory_space<vmem>>) dst(%dma_wait3A_545 : memref<1x56x56xf32, #tpu.memory_space<hbm>>)
      %add3A_550 = arith.constant 255 : i32
      %add3A_551 = arith.addi %add3A_35, %add3A_550 : i32
      %add3A_552 = arith.constant 255 : i32
      %add3A_553 = arith.addi %add3A_35, %add3A_552 : i32
      %dma_start3A_554 = arith.constant 0 : i32
      %dma_start3A_555 = arith.constant 0 : i32
      %dma_start3A_556 = arith.constant 0 : i32
      %dma_start3A_557 = tpu.memref_slice %arg5[%dma_start3A_554, %dma_start3A_555, %dma_start3A_556] : memref<8x56x56xf32, #tpu.memory_space<vmem>> -> memref<1x56x56xf32, #tpu.memory_space<vmem>>
      %dma_start3A_558 = arith.constant 0 : i32
      %dma_start3A_559 = arith.constant 0 : i32
      %dma_start3A_560 = tpu.memref_slice %arg2[%add3A_551, %dma_start3A_558, %dma_start3A_559] : memref<16384x56x56xf32, #tpu.memory_space<hbm>> -> memref<1x56x56xf32, #tpu.memory_space<hbm>>
      %dma_start3A_561 = arith.constant 0 : i32
      %dma_start3A_562 = arith.constant 0 : i32
      %dma_start3A_563 = arith.constant 0 : i32
      %dma_start3A_564 = tpu.memref_slice %arg5[%dma_start3A_561, %dma_start3A_562, %dma_start3A_563] : memref<8x56x56xf32, #tpu.memory_space<vmem>> -> memref<1x56x56xf32, #tpu.memory_space<vmem>>
      %dma_start3A_565 = arith.constant 0 : i32
      %dma_start3A_566 = arith.constant 0 : i32
      %dma_start3A_567 = tpu.memref_slice %arg2[%add3A_551, %dma_start3A_565, %dma_start3A_566] : memref<16384x56x56xf32, #tpu.memory_space<hbm>> -> memref<1x56x56xf32, #tpu.memory_space<hbm>>
      tpu.enqueue_dma source(%dma_start3A_567 : memref<1x56x56xf32, #tpu.memory_space<hbm>>) target(%dma_start3A_564 : memref<1x56x56xf32, #tpu.memory_space<vmem>>) target_semaphore(%arg7 : memref<!tpu.dma_semaphore, #tpu.memory_space<semaphore_mem>>)
      %dma_wait3A_568 = arith.constant 0 : i32
      %dma_wait3A_569 = arith.constant 0 : i32
      %dma_wait3A_570 = arith.constant 0 : i32
      %dma_wait3A_571 = tpu.memref_slice %arg5[%dma_wait3A_568, %dma_wait3A_569, %dma_wait3A_570] : memref<8x56x56xf32, #tpu.memory_space<vmem>> -> memref<1x56x56xf32, #tpu.memory_space<vmem>>
      %dma_wait3A_572 = arith.constant 0 : i32
      %dma_wait3A_573 = arith.constant 0 : i32
      %dma_wait3A_574 = tpu.memref_slice %arg2[%add3A_551, %dma_wait3A_572, %dma_wait3A_573] : memref<16384x56x56xf32, #tpu.memory_space<hbm>> -> memref<1x56x56xf32, #tpu.memory_space<hbm>>
      %dma_wait3A_575 = arith.constant 0 : i32
      %dma_wait3A_576 = arith.constant 0 : i32
      %dma_wait3A_577 = arith.constant 0 : i32
      %dma_wait3A_578 = tpu.memref_slice %arg5[%dma_wait3A_575, %dma_wait3A_576, %dma_wait3A_577] : memref<8x56x56xf32, #tpu.memory_space<vmem>> -> memref<1x56x56xf32, #tpu.memory_space<vmem>>
      %dma_wait3A_579 = arith.constant 0 : i32
      %dma_wait3A_580 = arith.constant 0 : i32
      %dma_wait3A_581 = tpu.memref_slice %arg2[%add3A_551, %dma_wait3A_579, %dma_wait3A_580] : memref<16384x56x56xf32, #tpu.memory_space<hbm>> -> memref<1x56x56xf32, #tpu.memory_space<hbm>>
      tpu.wait_dma2 semaphore(%arg7 : memref<!tpu.dma_semaphore, #tpu.memory_space<semaphore_mem>>) src(%dma_wait3A_581 : memref<1x56x56xf32, #tpu.memory_space<hbm>>) dst(%dma_wait3A_578 : memref<1x56x56xf32, #tpu.memory_space<vmem>>)
      %dma_start3A_582 = arith.constant 0 : i32
      %dma_start3A_583 = arith.constant 0 : i32
      %dma_start3A_584 = arith.constant 0 : i32
      %dma_start3A_585 = tpu.memref_slice %arg5[%dma_start3A_582, %dma_start3A_583, %dma_start3A_584] : memref<8x56x56xf32, #tpu.memory_space<vmem>> -> memref<1x56x56xf32, #tpu.memory_space<vmem>>
      %dma_start3A_586 = arith.constant 0 : i32
      %dma_start3A_587 = arith.constant 0 : i32
      %dma_start3A_588 = tpu.memref_slice %arg4[%add3A_553, %dma_start3A_586, %dma_start3A_587] : memref<16384x56x56xf32, #tpu.memory_space<hbm>> -> memref<1x56x56xf32, #tpu.memory_space<hbm>>
      %dma_start3A_589 = arith.constant 0 : i32
      %dma_start3A_590 = arith.constant 0 : i32
      %dma_start3A_591 = tpu.memref_slice %arg4[%add3A_553, %dma_start3A_589, %dma_start3A_590] : memref<16384x56x56xf32, #tpu.memory_space<hbm>> -> memref<1x56x56xf32, #tpu.memory_space<hbm>>
      %dma_start3A_592 = arith.constant 0 : i32
      %dma_start3A_593 = arith.constant 0 : i32
      %dma_start3A_594 = arith.constant 0 : i32
      %dma_start3A_595 = tpu.memref_slice %arg5[%dma_start3A_592, %dma_start3A_593, %dma_start3A_594] : memref<8x56x56xf32, #tpu.memory_space<vmem>> -> memref<1x56x56xf32, #tpu.memory_space<vmem>>
      tpu.enqueue_dma source(%dma_start3A_595 : memref<1x56x56xf32, #tpu.memory_space<vmem>>) target(%dma_start3A_591 : memref<1x56x56xf32, #tpu.memory_space<hbm>>) target_semaphore(%arg11 : memref<!tpu.dma_semaphore, #tpu.memory_space<semaphore_mem>>)
      %dma_wait3A_596 = arith.constant 0 : i32
      %dma_wait3A_597 = arith.constant 0 : i32
      %dma_wait3A_598 = arith.constant 0 : i32
      %dma_wait3A_599 = tpu.memref_slice %arg5[%dma_wait3A_596, %dma_wait3A_597, %dma_wait3A_598] : memref<8x56x56xf32, #tpu.memory_space<vmem>> -> memref<1x56x56xf32, #tpu.memory_space<vmem>>
      %dma_wait3A_600 = arith.constant 0 : i32
      %dma_wait3A_601 = arith.constant 0 : i32
      %dma_wait3A_602 = tpu.memref_slice %arg4[%add3A_553, %dma_wait3A_600, %dma_wait3A_601] : memref<16384x56x56xf32, #tpu.memory_space<hbm>> -> memref<1x56x56xf32, #tpu.memory_space<hbm>>
      %dma_wait3A_603 = arith.constant 0 : i32
      %dma_wait3A_604 = arith.constant 0 : i32
      %dma_wait3A_605 = tpu.memref_slice %arg4[%add3A_553, %dma_wait3A_603, %dma_wait3A_604] : memref<16384x56x56xf32, #tpu.memory_space<hbm>> -> memref<1x56x56xf32, #tpu.memory_space<hbm>>
      %dma_wait3A_606 = arith.constant 0 : i32
      %dma_wait3A_607 = arith.constant 0 : i32
      %dma_wait3A_608 = arith.constant 0 : i32
      %dma_wait3A_609 = tpu.memref_slice %arg5[%dma_wait3A_606, %dma_wait3A_607, %dma_wait3A_608] : memref<8x56x56xf32, #tpu.memory_space<vmem>> -> memref<1x56x56xf32, #tpu.memory_space<vmem>>
      tpu.wait_dma2 semaphore(%arg11 : memref<!tpu.dma_semaphore, #tpu.memory_space<semaphore_mem>>) src(%dma_wait3A_609 : memref<1x56x56xf32, #tpu.memory_space<vmem>>) dst(%dma_wait3A_605 : memref<1x56x56xf32, #tpu.memory_space<hbm>>)
      %add3A_610 = arith.constant 8192 : i32
      %add3A_611 = arith.addi %add3A_35, %add3A_610 : i32
      %add3A_612 = arith.constant 255 : i32
      %add3A_613 = arith.addi %add3A_611, %add3A_612 : i32
      %add3A_614 = arith.constant 8192 : i32
      %add3A_615 = arith.addi %add3A_35, %add3A_614 : i32
      %add3A_616 = arith.constant 255 : i32
      %add3A_617 = arith.addi %add3A_615, %add3A_616 : i32
      %dma_start3A_618 = arith.constant 0 : i32
      %dma_start3A_619 = arith.constant 0 : i32
      %dma_start3A_620 = arith.constant 0 : i32
      %dma_start3A_621 = tpu.memref_slice %arg5[%dma_start3A_618, %dma_start3A_619, %dma_start3A_620] : memref<8x56x56xf32, #tpu.memory_space<vmem>> -> memref<1x56x56xf32, #tpu.memory_space<vmem>>
      %dma_start3A_622 = arith.constant 0 : i32
      %dma_start3A_623 = arith.constant 0 : i32
      %dma_start3A_624 = tpu.memref_slice %arg2[%add3A_613, %dma_start3A_622, %dma_start3A_623] : memref<16384x56x56xf32, #tpu.memory_space<hbm>> -> memref<1x56x56xf32, #tpu.memory_space<hbm>>
      %dma_start3A_625 = arith.constant 0 : i32
      %dma_start3A_626 = arith.constant 0 : i32
      %dma_start3A_627 = arith.constant 0 : i32
      %dma_start3A_628 = tpu.memref_slice %arg5[%dma_start3A_625, %dma_start3A_626, %dma_start3A_627] : memref<8x56x56xf32, #tpu.memory_space<vmem>> -> memref<1x56x56xf32, #tpu.memory_space<vmem>>
      %dma_start3A_629 = arith.constant 0 : i32
      %dma_start3A_630 = arith.constant 0 : i32
      %dma_start3A_631 = tpu.memref_slice %arg2[%add3A_613, %dma_start3A_629, %dma_start3A_630] : memref<16384x56x56xf32, #tpu.memory_space<hbm>> -> memref<1x56x56xf32, #tpu.memory_space<hbm>>
      tpu.enqueue_dma source(%dma_start3A_631 : memref<1x56x56xf32, #tpu.memory_space<hbm>>) target(%dma_start3A_628 : memref<1x56x56xf32, #tpu.memory_space<vmem>>) target_semaphore(%arg7 : memref<!tpu.dma_semaphore, #tpu.memory_space<semaphore_mem>>)
      %dma_wait3A_632 = arith.constant 0 : i32
      %dma_wait3A_633 = arith.constant 0 : i32
      %dma_wait3A_634 = arith.constant 0 : i32
      %dma_wait3A_635 = tpu.memref_slice %arg5[%dma_wait3A_632, %dma_wait3A_633, %dma_wait3A_634] : memref<8x56x56xf32, #tpu.memory_space<vmem>> -> memref<1x56x56xf32, #tpu.memory_space<vmem>>
      %dma_wait3A_636 = arith.constant 0 : i32
      %dma_wait3A_637 = arith.constant 0 : i32
      %dma_wait3A_638 = tpu.memref_slice %arg2[%add3A_613, %dma_wait3A_636, %dma_wait3A_637] : memref<16384x56x56xf32, #tpu.memory_space<hbm>> -> memref<1x56x56xf32, #tpu.memory_space<hbm>>
      %dma_wait3A_639 = arith.constant 0 : i32
      %dma_wait3A_640 = arith.constant 0 : i32
      %dma_wait3A_641 = arith.constant 0 : i32
      %dma_wait3A_642 = tpu.memref_slice %arg5[%dma_wait3A_639, %dma_wait3A_640, %dma_wait3A_641] : memref<8x56x56xf32, #tpu.memory_space<vmem>> -> memref<1x56x56xf32, #tpu.memory_space<vmem>>
      %dma_wait3A_643 = arith.constant 0 : i32
      %dma_wait3A_644 = arith.constant 0 : i32
      %dma_wait3A_645 = tpu.memref_slice %arg2[%add3A_613, %dma_wait3A_643, %dma_wait3A_644] : memref<16384x56x56xf32, #tpu.memory_space<hbm>> -> memref<1x56x56xf32, #tpu.memory_space<hbm>>
      tpu.wait_dma2 semaphore(%arg7 : memref<!tpu.dma_semaphore, #tpu.memory_space<semaphore_mem>>) src(%dma_wait3A_645 : memref<1x56x56xf32, #tpu.memory_space<hbm>>) dst(%dma_wait3A_642 : memref<1x56x56xf32, #tpu.memory_space<vmem>>)
      %dma_start3A_646 = arith.constant 0 : i32
      %dma_start3A_647 = arith.constant 0 : i32
      %dma_start3A_648 = arith.constant 0 : i32
      %dma_start3A_649 = tpu.memref_slice %arg5[%dma_start3A_646, %dma_start3A_647, %dma_start3A_648] : memref<8x56x56xf32, #tpu.memory_space<vmem>> -> memref<1x56x56xf32, #tpu.memory_space<vmem>>
      %dma_start3A_650 = arith.constant 0 : i32
      %dma_start3A_651 = arith.constant 0 : i32
      %dma_start3A_652 = tpu.memref_slice %arg4[%add3A_617, %dma_start3A_650, %dma_start3A_651] : memref<16384x56x56xf32, #tpu.memory_space<hbm>> -> memref<1x56x56xf32, #tpu.memory_space<hbm>>
      %dma_start3A_653 = arith.constant 0 : i32
      %dma_start3A_654 = arith.constant 0 : i32
      %dma_start3A_655 = tpu.memref_slice %arg4[%add3A_617, %dma_start3A_653, %dma_start3A_654] : memref<16384x56x56xf32, #tpu.memory_space<hbm>> -> memref<1x56x56xf32, #tpu.memory_space<hbm>>
      %dma_start3A_656 = arith.constant 0 : i32
      %dma_start3A_657 = arith.constant 0 : i32
      %dma_start3A_658 = arith.constant 0 : i32
      %dma_start3A_659 = tpu.memref_slice %arg5[%dma_start3A_656, %dma_start3A_657, %dma_start3A_658] : memref<8x56x56xf32, #tpu.memory_space<vmem>> -> memref<1x56x56xf32, #tpu.memory_space<vmem>>
      tpu.enqueue_dma source(%dma_start3A_659 : memref<1x56x56xf32, #tpu.memory_space<vmem>>) target(%dma_start3A_655 : memref<1x56x56xf32, #tpu.memory_space<hbm>>) target_semaphore(%arg11 : memref<!tpu.dma_semaphore, #tpu.memory_space<semaphore_mem>>)
      %dma_wait3A_660 = arith.constant 0 : i32
      %dma_wait3A_661 = arith.constant 0 : i32
      %dma_wait3A_662 = arith.constant 0 : i32
      %dma_wait3A_663 = tpu.memref_slice %arg5[%dma_wait3A_660, %dma_wait3A_661, %dma_wait3A_662] : memref<8x56x56xf32, #tpu.memory_space<vmem>> -> memref<1x56x56xf32, #tpu.memory_space<vmem>>
      %dma_wait3A_664 = arith.constant 0 : i32
      %dma_wait3A_665 = arith.constant 0 : i32
      %dma_wait3A_666 = tpu.memref_slice %arg4[%add3A_617, %dma_wait3A_664, %dma_wait3A_665] : memref<16384x56x56xf32, #tpu.memory_space<hbm>> -> memref<1x56x56xf32, #tpu.memory_space<hbm>>
      %dma_wait3A_667 = arith.constant 0 : i32
      %dma_wait3A_668 = arith.constant 0 : i32
      %dma_wait3A_669 = tpu.memref_slice %arg4[%add3A_617, %dma_wait3A_667, %dma_wait3A_668] : memref<16384x56x56xf32, #tpu.memory_space<hbm>> -> memref<1x56x56xf32, #tpu.memory_space<hbm>>
      %dma_wait3A_670 = arith.constant 0 : i32
      %dma_wait3A_671 = arith.constant 0 : i32
      %dma_wait3A_672 = arith.constant 0 : i32
      %dma_wait3A_673 = tpu.memref_slice %arg5[%dma_wait3A_670, %dma_wait3A_671, %dma_wait3A_672] : memref<8x56x56xf32, #tpu.memory_space<vmem>> -> memref<1x56x56xf32, #tpu.memory_space<vmem>>
      tpu.wait_dma2 semaphore(%arg11 : memref<!tpu.dma_semaphore, #tpu.memory_space<semaphore_mem>>) src(%dma_wait3A_673 : memref<1x56x56xf32, #tpu.memory_space<vmem>>) dst(%dma_wait3A_669 : memref<1x56x56xf32, #tpu.memory_space<hbm>>)
      %scan3A_674 = arith.constant 0 : i32
      %scan3A_675 = arith.constant 0 : i32
      %scan3A_676 = arith.constant 170 : i32
      %scan3A_677 = arith.addi %scan3A_675, %scan3A_676 : i32
      %scan3A_678 = arith.constant 1 : i32
      scf.for %scan3A_680 = %scan3A_675 to %scan3A_677 step %scan3A_678  : i32 {
        %dma_wait3A_681 = arith.constant 0 : i32
        %dma_wait3A_682 = arith.constant 0 : i32
        %dma_wait3A_683 = arith.constant 0 : i32
        %dma_wait3A_684 = tpu.memref_slice %arg6[%dma_wait3A_681, %dma_wait3A_682, %dma_wait3A_683] : memref<2x56x56xf32, #tpu.memory_space<vmem>> -> memref<1x56x56xf32, #tpu.memory_space<vmem>>
        %dma_wait3A_685 = arith.constant 0 : i32
        %dma_wait3A_686 = arith.constant 0 : i32
        %dma_wait3A_687 = arith.constant 0 : i32
        %dma_wait3A_688 = tpu.memref_slice %arg4[%dma_wait3A_685, %dma_wait3A_686, %dma_wait3A_687] : memref<16384x56x56xf32, #tpu.memory_space<hbm>> -> memref<1x56x56xf32, #tpu.memory_space<hbm>>
        %dma_wait3A_689 = arith.constant 0 : i32
        %dma_wait3A_690 = arith.constant 0 : i32
        %dma_wait3A_691 = arith.constant 0 : i32
        %dma_wait3A_692 = tpu.memref_slice %arg4[%dma_wait3A_689, %dma_wait3A_690, %dma_wait3A_691] : memref<16384x56x56xf32, #tpu.memory_space<hbm>> -> memref<1x56x56xf32, #tpu.memory_space<hbm>>
        %dma_wait3A_693 = arith.constant 0 : i32
        %dma_wait3A_694 = arith.constant 0 : i32
        %dma_wait3A_695 = arith.constant 0 : i32
        %dma_wait3A_696 = tpu.memref_slice %arg6[%dma_wait3A_693, %dma_wait3A_694, %dma_wait3A_695] : memref<2x56x56xf32, #tpu.memory_space<vmem>> -> memref<1x56x56xf32, #tpu.memory_space<vmem>>
        tpu.wait_dma2 semaphore(%arg15 : memref<!tpu.dma_semaphore, #tpu.memory_space<semaphore_mem>>) src(%dma_wait3A_696 : memref<1x56x56xf32, #tpu.memory_space<vmem>>) dst(%dma_wait3A_692 : memref<1x56x56xf32, #tpu.memory_space<hbm>>)
      }
      %scan3A_679 = arith.constant 170 : i32
    } else {
    }
    %ge3A_46 = arith.constant 12 : i32
    %ge3A_47 = arith.cmpi sge, %select_n3A_9, %ge3A_46 : i32
    %convert_element_type3A_48 = arith.extui %ge3A_47 : i1 to i32
    %cond3A_49 = arith.constant 0 : i32
    %cond3A_50 = arith.cmpi ne, %convert_element_type3A_48, %cond3A_49 : i32
    scf.if %cond3A_50 {
      %scan3A = arith.constant 0 : i32
      %scan3A_51 = arith.constant 0 : i32
      %scan3A_52 = arith.constant 42 : i32
      %scan3A_53 = arith.addi %scan3A_51, %scan3A_52 : i32
      %scan3A_54 = arith.constant 1 : i32
      scf.for %scan3A_676 = %scan3A_51 to %scan3A_53 step %scan3A_54  : i32 {
        %mul3A_677 = arith.constant 4 : i32
        %mul3A_678 = arith.muli %mul3A_677, %scan3A_676 : i32
        %gt3A = arith.constant 0 : i32
        %gt3A_679 = arith.cmpi sgt, %scan3A_676, %gt3A : i32
        %convert_element_type3A_680 = arith.extui %gt3A_679 : i1 to i32
        %cond3A_681 = arith.constant 0 : i32
        %cond3A_682 = arith.cmpi ne, %convert_element_type3A_680, %cond3A_681 : i32
        scf.if %cond3A_682 {
          %dma_wait3A_1010 = arith.constant 0 : i32
          %dma_wait3A_1011 = arith.constant 0 : i32
          %dma_wait3A_1012 = arith.constant 0 : i32
          %dma_wait3A_1013 = tpu.memref_slice %arg5[%dma_wait3A_1010, %dma_wait3A_1011, %dma_wait3A_1012] : memref<8x56x56xf32, #tpu.memory_space<vmem>> -> memref<1x56x56xf32, #tpu.memory_space<vmem>>
          %dma_wait3A_1014 = arith.constant 0 : i32
          %dma_wait3A_1015 = arith.constant 0 : i32
          %dma_wait3A_1016 = arith.constant 0 : i32
          %dma_wait3A_1017 = tpu.memref_slice %arg4[%dma_wait3A_1014, %dma_wait3A_1015, %dma_wait3A_1016] : memref<16384x56x56xf32, #tpu.memory_space<hbm>> -> memref<1x56x56xf32, #tpu.memory_space<hbm>>
          %dma_wait3A_1018 = arith.constant 0 : i32
          %dma_wait3A_1019 = arith.constant 0 : i32
          %dma_wait3A_1020 = arith.constant 0 : i32
          %dma_wait3A_1021 = tpu.memref_slice %arg4[%dma_wait3A_1018, %dma_wait3A_1019, %dma_wait3A_1020] : memref<16384x56x56xf32, #tpu.memory_space<hbm>> -> memref<1x56x56xf32, #tpu.memory_space<hbm>>
          %dma_wait3A_1022 = arith.constant 0 : i32
          %dma_wait3A_1023 = arith.constant 0 : i32
          %dma_wait3A_1024 = arith.constant 0 : i32
          %dma_wait3A_1025 = tpu.memref_slice %arg5[%dma_wait3A_1022, %dma_wait3A_1023, %dma_wait3A_1024] : memref<8x56x56xf32, #tpu.memory_space<vmem>> -> memref<1x56x56xf32, #tpu.memory_space<vmem>>
          tpu.wait_dma2 semaphore(%arg11 : memref<!tpu.dma_semaphore, #tpu.memory_space<semaphore_mem>>) src(%dma_wait3A_1025 : memref<1x56x56xf32, #tpu.memory_space<vmem>>) dst(%dma_wait3A_1021 : memref<1x56x56xf32, #tpu.memory_space<hbm>>)
        } else {
        }
        %add3A_683 = arith.constant 0 : i32
        %add3A_684 = arith.addi %mul3A_678, %add3A_683 : i32
        %ge3A_685 = arith.constant 85 : i32
        %ge3A_686 = arith.cmpi sge, %add3A_684, %ge3A_685 : i32
        %convert_element_type3A_687 = arith.extui %ge3A_686 : i1 to i32
        %mul3A_688 = arith.constant 85 : i32
        %mul3A_689 = arith.muli %mul3A_688, %convert_element_type3A_687 : i32
        %sub3A_690 = arith.subi %add3A_684, %mul3A_689 : i32
        %mul3A_691 = arith.constant 8192 : i32
        %mul3A_692 = arith.muli %mul3A_691, %convert_element_type3A_687 : i32
        %add3A_693 = arith.addi %add3A_35, %mul3A_692 : i32
        %mul3A_694 = arith.constant 3 : i32
        %mul3A_695 = arith.muli %mul3A_694, %sub3A_690 : i32
        %add3A_696 = arith.addi %add3A_693, %mul3A_695 : i32
        %add3A_697 = arith.constant 1 : i32
        %add3A_698 = arith.addi %add3A_696, %add3A_697 : i32
        %sub3A_699 = arith.constant 1024 : i32
        %sub3A_700 = arith.subi %add3A_698, %sub3A_699 : i32
        %dma_start3A_701 = arith.constant 0 : i32
        %dma_start3A_702 = arith.constant 0 : i32
        %dma_start3A_703 = arith.constant 0 : i32
        %dma_start3A_704 = tpu.memref_slice %arg5[%dma_start3A_701, %dma_start3A_702, %dma_start3A_703] : memref<8x56x56xf32, #tpu.memory_space<vmem>> -> memref<1x56x56xf32, #tpu.memory_space<vmem>>
        %dma_start3A_705 = arith.constant 0 : i32
        %dma_start3A_706 = arith.constant 0 : i32
        %dma_start3A_707 = tpu.memref_slice %arg2[%sub3A_700, %dma_start3A_705, %dma_start3A_706] : memref<16384x56x56xf32, #tpu.memory_space<hbm>> -> memref<1x56x56xf32, #tpu.memory_space<hbm>>
        %dma_start3A_708 = arith.constant 0 : i32
        %dma_start3A_709 = arith.constant 0 : i32
        %dma_start3A_710 = arith.constant 0 : i32
        %dma_start3A_711 = tpu.memref_slice %arg5[%dma_start3A_708, %dma_start3A_709, %dma_start3A_710] : memref<8x56x56xf32, #tpu.memory_space<vmem>> -> memref<1x56x56xf32, #tpu.memory_space<vmem>>
        %dma_start3A_712 = arith.constant 0 : i32
        %dma_start3A_713 = arith.constant 0 : i32
        %dma_start3A_714 = tpu.memref_slice %arg2[%sub3A_700, %dma_start3A_712, %dma_start3A_713] : memref<16384x56x56xf32, #tpu.memory_space<hbm>> -> memref<1x56x56xf32, #tpu.memory_space<hbm>>
        tpu.enqueue_dma source(%dma_start3A_714 : memref<1x56x56xf32, #tpu.memory_space<hbm>>) target(%dma_start3A_711 : memref<1x56x56xf32, #tpu.memory_space<vmem>>) target_semaphore(%arg7 : memref<!tpu.dma_semaphore, #tpu.memory_space<semaphore_mem>>)
        %gt3A_715 = arith.constant 0 : i32
        %gt3A_716 = arith.cmpi sgt, %scan3A_676, %gt3A_715 : i32
        %convert_element_type3A_717 = arith.extui %gt3A_716 : i1 to i32
        %cond3A_718 = arith.constant 0 : i32
        %cond3A_719 = arith.cmpi ne, %convert_element_type3A_717, %cond3A_718 : i32
        scf.if %cond3A_719 {
          %dma_wait3A_1010 = arith.constant 1 : i32
          %dma_wait3A_1011 = arith.constant 0 : i32
          %dma_wait3A_1012 = arith.constant 0 : i32
          %dma_wait3A_1013 = tpu.memref_slice %arg5[%dma_wait3A_1010, %dma_wait3A_1011, %dma_wait3A_1012] : memref<8x56x56xf32, #tpu.memory_space<vmem>> -> memref<1x56x56xf32, #tpu.memory_space<vmem>>
          %dma_wait3A_1014 = arith.constant 0 : i32
          %dma_wait3A_1015 = arith.constant 0 : i32
          %dma_wait3A_1016 = arith.constant 0 : i32
          %dma_wait3A_1017 = tpu.memref_slice %arg4[%dma_wait3A_1014, %dma_wait3A_1015, %dma_wait3A_1016] : memref<16384x56x56xf32, #tpu.memory_space<hbm>> -> memref<1x56x56xf32, #tpu.memory_space<hbm>>
          %dma_wait3A_1018 = arith.constant 0 : i32
          %dma_wait3A_1019 = arith.constant 0 : i32
          %dma_wait3A_1020 = arith.constant 0 : i32
          %dma_wait3A_1021 = tpu.memref_slice %arg4[%dma_wait3A_1018, %dma_wait3A_1019, %dma_wait3A_1020] : memref<16384x56x56xf32, #tpu.memory_space<hbm>> -> memref<1x56x56xf32, #tpu.memory_space<hbm>>
          %dma_wait3A_1022 = arith.constant 1 : i32
          %dma_wait3A_1023 = arith.constant 0 : i32
          %dma_wait3A_1024 = arith.constant 0 : i32
          %dma_wait3A_1025 = tpu.memref_slice %arg5[%dma_wait3A_1022, %dma_wait3A_1023, %dma_wait3A_1024] : memref<8x56x56xf32, #tpu.memory_space<vmem>> -> memref<1x56x56xf32, #tpu.memory_space<vmem>>
          tpu.wait_dma2 semaphore(%arg12 : memref<!tpu.dma_semaphore, #tpu.memory_space<semaphore_mem>>) src(%dma_wait3A_1025 : memref<1x56x56xf32, #tpu.memory_space<vmem>>) dst(%dma_wait3A_1021 : memref<1x56x56xf32, #tpu.memory_space<hbm>>)
        } else {
        }
        %add3A_720 = arith.constant 1 : i32
        %add3A_721 = arith.addi %mul3A_678, %add3A_720 : i32
        %ge3A_722 = arith.constant 85 : i32
        %ge3A_723 = arith.cmpi sge, %add3A_721, %ge3A_722 : i32
        %convert_element_type3A_724 = arith.extui %ge3A_723 : i1 to i32
        %mul3A_725 = arith.constant 85 : i32
        %mul3A_726 = arith.muli %mul3A_725, %convert_element_type3A_724 : i32
        %sub3A_727 = arith.subi %add3A_721, %mul3A_726 : i32
        %mul3A_728 = arith.constant 8192 : i32
        %mul3A_729 = arith.muli %mul3A_728, %convert_element_type3A_724 : i32
        %add3A_730 = arith.addi %add3A_35, %mul3A_729 : i32
        %mul3A_731 = arith.constant 3 : i32
        %mul3A_732 = arith.muli %mul3A_731, %sub3A_727 : i32
        %add3A_733 = arith.addi %add3A_730, %mul3A_732 : i32
        %add3A_734 = arith.constant 1 : i32
        %add3A_735 = arith.addi %add3A_733, %add3A_734 : i32
        %sub3A_736 = arith.constant 1024 : i32
        %sub3A_737 = arith.subi %add3A_735, %sub3A_736 : i32
        %dma_start3A_738 = arith.constant 1 : i32
        %dma_start3A_739 = arith.constant 0 : i32
        %dma_start3A_740 = arith.constant 0 : i32
        %dma_start3A_741 = tpu.memref_slice %arg5[%dma_start3A_738, %dma_start3A_739, %dma_start3A_740] : memref<8x56x56xf32, #tpu.memory_space<vmem>> -> memref<1x56x56xf32, #tpu.memory_space<vmem>>
        %dma_start3A_742 = arith.constant 0 : i32
        %dma_start3A_743 = arith.constant 0 : i32
        %dma_start3A_744 = tpu.memref_slice %arg2[%sub3A_737, %dma_start3A_742, %dma_start3A_743] : memref<16384x56x56xf32, #tpu.memory_space<hbm>> -> memref<1x56x56xf32, #tpu.memory_space<hbm>>
        %dma_start3A_745 = arith.constant 1 : i32
        %dma_start3A_746 = arith.constant 0 : i32
        %dma_start3A_747 = arith.constant 0 : i32
        %dma_start3A_748 = tpu.memref_slice %arg5[%dma_start3A_745, %dma_start3A_746, %dma_start3A_747] : memref<8x56x56xf32, #tpu.memory_space<vmem>> -> memref<1x56x56xf32, #tpu.memory_space<vmem>>
        %dma_start3A_749 = arith.constant 0 : i32
        %dma_start3A_750 = arith.constant 0 : i32
        %dma_start3A_751 = tpu.memref_slice %arg2[%sub3A_737, %dma_start3A_749, %dma_start3A_750] : memref<16384x56x56xf32, #tpu.memory_space<hbm>> -> memref<1x56x56xf32, #tpu.memory_space<hbm>>
        tpu.enqueue_dma source(%dma_start3A_751 : memref<1x56x56xf32, #tpu.memory_space<hbm>>) target(%dma_start3A_748 : memref<1x56x56xf32, #tpu.memory_space<vmem>>) target_semaphore(%arg8 : memref<!tpu.dma_semaphore, #tpu.memory_space<semaphore_mem>>)
        %gt3A_752 = arith.constant 0 : i32
        %gt3A_753 = arith.cmpi sgt, %scan3A_676, %gt3A_752 : i32
        %convert_element_type3A_754 = arith.extui %gt3A_753 : i1 to i32
        %cond3A_755 = arith.constant 0 : i32
        %cond3A_756 = arith.cmpi ne, %convert_element_type3A_754, %cond3A_755 : i32
        scf.if %cond3A_756 {
          %dma_wait3A_1010 = arith.constant 2 : i32
          %dma_wait3A_1011 = arith.constant 0 : i32
          %dma_wait3A_1012 = arith.constant 0 : i32
          %dma_wait3A_1013 = tpu.memref_slice %arg5[%dma_wait3A_1010, %dma_wait3A_1011, %dma_wait3A_1012] : memref<8x56x56xf32, #tpu.memory_space<vmem>> -> memref<1x56x56xf32, #tpu.memory_space<vmem>>
          %dma_wait3A_1014 = arith.constant 0 : i32
          %dma_wait3A_1015 = arith.constant 0 : i32
          %dma_wait3A_1016 = arith.constant 0 : i32
          %dma_wait3A_1017 = tpu.memref_slice %arg4[%dma_wait3A_1014, %dma_wait3A_1015, %dma_wait3A_1016] : memref<16384x56x56xf32, #tpu.memory_space<hbm>> -> memref<1x56x56xf32, #tpu.memory_space<hbm>>
          %dma_wait3A_1018 = arith.constant 0 : i32
          %dma_wait3A_1019 = arith.constant 0 : i32
          %dma_wait3A_1020 = arith.constant 0 : i32
          %dma_wait3A_1021 = tpu.memref_slice %arg4[%dma_wait3A_1018, %dma_wait3A_1019, %dma_wait3A_1020] : memref<16384x56x56xf32, #tpu.memory_space<hbm>> -> memref<1x56x56xf32, #tpu.memory_space<hbm>>
          %dma_wait3A_1022 = arith.constant 2 : i32
          %dma_wait3A_1023 = arith.constant 0 : i32
          %dma_wait3A_1024 = arith.constant 0 : i32
          %dma_wait3A_1025 = tpu.memref_slice %arg5[%dma_wait3A_1022, %dma_wait3A_1023, %dma_wait3A_1024] : memref<8x56x56xf32, #tpu.memory_space<vmem>> -> memref<1x56x56xf32, #tpu.memory_space<vmem>>
          tpu.wait_dma2 semaphore(%arg13 : memref<!tpu.dma_semaphore, #tpu.memory_space<semaphore_mem>>) src(%dma_wait3A_1025 : memref<1x56x56xf32, #tpu.memory_space<vmem>>) dst(%dma_wait3A_1021 : memref<1x56x56xf32, #tpu.memory_space<hbm>>)
        } else {
        }
        %add3A_757 = arith.constant 2 : i32
        %add3A_758 = arith.addi %mul3A_678, %add3A_757 : i32
        %ge3A_759 = arith.constant 85 : i32
        %ge3A_760 = arith.cmpi sge, %add3A_758, %ge3A_759 : i32
        %convert_element_type3A_761 = arith.extui %ge3A_760 : i1 to i32
        %mul3A_762 = arith.constant 85 : i32
        %mul3A_763 = arith.muli %mul3A_762, %convert_element_type3A_761 : i32
        %sub3A_764 = arith.subi %add3A_758, %mul3A_763 : i32
        %mul3A_765 = arith.constant 8192 : i32
        %mul3A_766 = arith.muli %mul3A_765, %convert_element_type3A_761 : i32
        %add3A_767 = arith.addi %add3A_35, %mul3A_766 : i32
        %mul3A_768 = arith.constant 3 : i32
        %mul3A_769 = arith.muli %mul3A_768, %sub3A_764 : i32
        %add3A_770 = arith.addi %add3A_767, %mul3A_769 : i32
        %add3A_771 = arith.constant 1 : i32
        %add3A_772 = arith.addi %add3A_770, %add3A_771 : i32
        %sub3A_773 = arith.constant 1024 : i32
        %sub3A_774 = arith.subi %add3A_772, %sub3A_773 : i32
        %dma_start3A_775 = arith.constant 2 : i32
        %dma_start3A_776 = arith.constant 0 : i32
        %dma_start3A_777 = arith.constant 0 : i32
        %dma_start3A_778 = tpu.memref_slice %arg5[%dma_start3A_775, %dma_start3A_776, %dma_start3A_777] : memref<8x56x56xf32, #tpu.memory_space<vmem>> -> memref<1x56x56xf32, #tpu.memory_space<vmem>>
        %dma_start3A_779 = arith.constant 0 : i32
        %dma_start3A_780 = arith.constant 0 : i32
        %dma_start3A_781 = tpu.memref_slice %arg2[%sub3A_774, %dma_start3A_779, %dma_start3A_780] : memref<16384x56x56xf32, #tpu.memory_space<hbm>> -> memref<1x56x56xf32, #tpu.memory_space<hbm>>
        %dma_start3A_782 = arith.constant 2 : i32
        %dma_start3A_783 = arith.constant 0 : i32
        %dma_start3A_784 = arith.constant 0 : i32
        %dma_start3A_785 = tpu.memref_slice %arg5[%dma_start3A_782, %dma_start3A_783, %dma_start3A_784] : memref<8x56x56xf32, #tpu.memory_space<vmem>> -> memref<1x56x56xf32, #tpu.memory_space<vmem>>
        %dma_start3A_786 = arith.constant 0 : i32
        %dma_start3A_787 = arith.constant 0 : i32
        %dma_start3A_788 = tpu.memref_slice %arg2[%sub3A_774, %dma_start3A_786, %dma_start3A_787] : memref<16384x56x56xf32, #tpu.memory_space<hbm>> -> memref<1x56x56xf32, #tpu.memory_space<hbm>>
        tpu.enqueue_dma source(%dma_start3A_788 : memref<1x56x56xf32, #tpu.memory_space<hbm>>) target(%dma_start3A_785 : memref<1x56x56xf32, #tpu.memory_space<vmem>>) target_semaphore(%arg9 : memref<!tpu.dma_semaphore, #tpu.memory_space<semaphore_mem>>)
        %gt3A_789 = arith.constant 0 : i32
        %gt3A_790 = arith.cmpi sgt, %scan3A_676, %gt3A_789 : i32
        %convert_element_type3A_791 = arith.extui %gt3A_790 : i1 to i32
        %cond3A_792 = arith.constant 0 : i32
        %cond3A_793 = arith.cmpi ne, %convert_element_type3A_791, %cond3A_792 : i32
        scf.if %cond3A_793 {
          %dma_wait3A_1010 = arith.constant 3 : i32
          %dma_wait3A_1011 = arith.constant 0 : i32
          %dma_wait3A_1012 = arith.constant 0 : i32
          %dma_wait3A_1013 = tpu.memref_slice %arg5[%dma_wait3A_1010, %dma_wait3A_1011, %dma_wait3A_1012] : memref<8x56x56xf32, #tpu.memory_space<vmem>> -> memref<1x56x56xf32, #tpu.memory_space<vmem>>
          %dma_wait3A_1014 = arith.constant 0 : i32
          %dma_wait3A_1015 = arith.constant 0 : i32
          %dma_wait3A_1016 = arith.constant 0 : i32
          %dma_wait3A_1017 = tpu.memref_slice %arg4[%dma_wait3A_1014, %dma_wait3A_1015, %dma_wait3A_1016] : memref<16384x56x56xf32, #tpu.memory_space<hbm>> -> memref<1x56x56xf32, #tpu.memory_space<hbm>>
          %dma_wait3A_1018 = arith.constant 0 : i32
          %dma_wait3A_1019 = arith.constant 0 : i32
          %dma_wait3A_1020 = arith.constant 0 : i32
          %dma_wait3A_1021 = tpu.memref_slice %arg4[%dma_wait3A_1018, %dma_wait3A_1019, %dma_wait3A_1020] : memref<16384x56x56xf32, #tpu.memory_space<hbm>> -> memref<1x56x56xf32, #tpu.memory_space<hbm>>
          %dma_wait3A_1022 = arith.constant 3 : i32
          %dma_wait3A_1023 = arith.constant 0 : i32
          %dma_wait3A_1024 = arith.constant 0 : i32
          %dma_wait3A_1025 = tpu.memref_slice %arg5[%dma_wait3A_1022, %dma_wait3A_1023, %dma_wait3A_1024] : memref<8x56x56xf32, #tpu.memory_space<vmem>> -> memref<1x56x56xf32, #tpu.memory_space<vmem>>
          tpu.wait_dma2 semaphore(%arg14 : memref<!tpu.dma_semaphore, #tpu.memory_space<semaphore_mem>>) src(%dma_wait3A_1025 : memref<1x56x56xf32, #tpu.memory_space<vmem>>) dst(%dma_wait3A_1021 : memref<1x56x56xf32, #tpu.memory_space<hbm>>)
        } else {
        }
        %add3A_794 = arith.constant 3 : i32
        %add3A_795 = arith.addi %mul3A_678, %add3A_794 : i32
        %ge3A_796 = arith.constant 85 : i32
        %ge3A_797 = arith.cmpi sge, %add3A_795, %ge3A_796 : i32
        %convert_element_type3A_798 = arith.extui %ge3A_797 : i1 to i32
        %mul3A_799 = arith.constant 85 : i32
        %mul3A_800 = arith.muli %mul3A_799, %convert_element_type3A_798 : i32
        %sub3A_801 = arith.subi %add3A_795, %mul3A_800 : i32
        %mul3A_802 = arith.constant 8192 : i32
        %mul3A_803 = arith.muli %mul3A_802, %convert_element_type3A_798 : i32
        %add3A_804 = arith.addi %add3A_35, %mul3A_803 : i32
        %mul3A_805 = arith.constant 3 : i32
        %mul3A_806 = arith.muli %mul3A_805, %sub3A_801 : i32
        %add3A_807 = arith.addi %add3A_804, %mul3A_806 : i32
        %add3A_808 = arith.constant 1 : i32
        %add3A_809 = arith.addi %add3A_807, %add3A_808 : i32
        %sub3A_810 = arith.constant 1024 : i32
        %sub3A_811 = arith.subi %add3A_809, %sub3A_810 : i32
        %dma_start3A_812 = arith.constant 3 : i32
        %dma_start3A_813 = arith.constant 0 : i32
        %dma_start3A_814 = arith.constant 0 : i32
        %dma_start3A_815 = tpu.memref_slice %arg5[%dma_start3A_812, %dma_start3A_813, %dma_start3A_814] : memref<8x56x56xf32, #tpu.memory_space<vmem>> -> memref<1x56x56xf32, #tpu.memory_space<vmem>>
        %dma_start3A_816 = arith.constant 0 : i32
        %dma_start3A_817 = arith.constant 0 : i32
        %dma_start3A_818 = tpu.memref_slice %arg2[%sub3A_811, %dma_start3A_816, %dma_start3A_817] : memref<16384x56x56xf32, #tpu.memory_space<hbm>> -> memref<1x56x56xf32, #tpu.memory_space<hbm>>
        %dma_start3A_819 = arith.constant 3 : i32
        %dma_start3A_820 = arith.constant 0 : i32
        %dma_start3A_821 = arith.constant 0 : i32
        %dma_start3A_822 = tpu.memref_slice %arg5[%dma_start3A_819, %dma_start3A_820, %dma_start3A_821] : memref<8x56x56xf32, #tpu.memory_space<vmem>> -> memref<1x56x56xf32, #tpu.memory_space<vmem>>
        %dma_start3A_823 = arith.constant 0 : i32
        %dma_start3A_824 = arith.constant 0 : i32
        %dma_start3A_825 = tpu.memref_slice %arg2[%sub3A_811, %dma_start3A_823, %dma_start3A_824] : memref<16384x56x56xf32, #tpu.memory_space<hbm>> -> memref<1x56x56xf32, #tpu.memory_space<hbm>>
        tpu.enqueue_dma source(%dma_start3A_825 : memref<1x56x56xf32, #tpu.memory_space<hbm>>) target(%dma_start3A_822 : memref<1x56x56xf32, #tpu.memory_space<vmem>>) target_semaphore(%arg10 : memref<!tpu.dma_semaphore, #tpu.memory_space<semaphore_mem>>)
        %dma_wait3A_826 = arith.constant 0 : i32
        %dma_wait3A_827 = arith.constant 0 : i32
        %dma_wait3A_828 = arith.constant 0 : i32
        %dma_wait3A_829 = tpu.memref_slice %arg5[%dma_wait3A_826, %dma_wait3A_827, %dma_wait3A_828] : memref<8x56x56xf32, #tpu.memory_space<vmem>> -> memref<1x56x56xf32, #tpu.memory_space<vmem>>
        %dma_wait3A_830 = arith.constant 0 : i32
        %dma_wait3A_831 = arith.constant 0 : i32
        %dma_wait3A_832 = arith.constant 0 : i32
        %dma_wait3A_833 = tpu.memref_slice %arg2[%dma_wait3A_830, %dma_wait3A_831, %dma_wait3A_832] : memref<16384x56x56xf32, #tpu.memory_space<hbm>> -> memref<1x56x56xf32, #tpu.memory_space<hbm>>
        %dma_wait3A_834 = arith.constant 0 : i32
        %dma_wait3A_835 = arith.constant 0 : i32
        %dma_wait3A_836 = arith.constant 0 : i32
        %dma_wait3A_837 = tpu.memref_slice %arg5[%dma_wait3A_834, %dma_wait3A_835, %dma_wait3A_836] : memref<8x56x56xf32, #tpu.memory_space<vmem>> -> memref<1x56x56xf32, #tpu.memory_space<vmem>>
        %dma_wait3A_838 = arith.constant 0 : i32
        %dma_wait3A_839 = arith.constant 0 : i32
        %dma_wait3A_840 = arith.constant 0 : i32
        %dma_wait3A_841 = tpu.memref_slice %arg2[%dma_wait3A_838, %dma_wait3A_839, %dma_wait3A_840] : memref<16384x56x56xf32, #tpu.memory_space<hbm>> -> memref<1x56x56xf32, #tpu.memory_space<hbm>>
        tpu.wait_dma2 semaphore(%arg7 : memref<!tpu.dma_semaphore, #tpu.memory_space<semaphore_mem>>) src(%dma_wait3A_841 : memref<1x56x56xf32, #tpu.memory_space<hbm>>) dst(%dma_wait3A_837 : memref<1x56x56xf32, #tpu.memory_space<vmem>>)
        %add3A_842 = arith.constant 0 : i32
        %add3A_843 = arith.addi %mul3A_678, %add3A_842 : i32
        %ge3A_844 = arith.constant 85 : i32
        %ge3A_845 = arith.cmpi sge, %add3A_843, %ge3A_844 : i32
        %convert_element_type3A_846 = arith.extui %ge3A_845 : i1 to i32
        %mul3A_847 = arith.constant 85 : i32
        %mul3A_848 = arith.muli %mul3A_847, %convert_element_type3A_846 : i32
        %sub3A_849 = arith.subi %add3A_843, %mul3A_848 : i32
        %mul3A_850 = arith.constant 8192 : i32
        %mul3A_851 = arith.muli %mul3A_850, %convert_element_type3A_846 : i32
        %add3A_852 = arith.addi %add3A_35, %mul3A_851 : i32
        %mul3A_853 = arith.constant 3 : i32
        %mul3A_854 = arith.muli %mul3A_853, %sub3A_849 : i32
        %add3A_855 = arith.addi %add3A_852, %mul3A_854 : i32
        %add3A_856 = arith.constant 1 : i32
        %add3A_857 = arith.addi %add3A_855, %add3A_856 : i32
        %dma_start3A_858 = arith.constant 0 : i32
        %dma_start3A_859 = arith.constant 0 : i32
        %dma_start3A_860 = arith.constant 0 : i32
        %dma_start3A_861 = tpu.memref_slice %arg5[%dma_start3A_858, %dma_start3A_859, %dma_start3A_860] : memref<8x56x56xf32, #tpu.memory_space<vmem>> -> memref<1x56x56xf32, #tpu.memory_space<vmem>>
        %dma_start3A_862 = arith.constant 0 : i32
        %dma_start3A_863 = arith.constant 0 : i32
        %dma_start3A_864 = tpu.memref_slice %arg4[%add3A_857, %dma_start3A_862, %dma_start3A_863] : memref<16384x56x56xf32, #tpu.memory_space<hbm>> -> memref<1x56x56xf32, #tpu.memory_space<hbm>>
        %dma_start3A_865 = arith.constant 0 : i32
        %dma_start3A_866 = arith.constant 0 : i32
        %dma_start3A_867 = tpu.memref_slice %arg4[%add3A_857, %dma_start3A_865, %dma_start3A_866] : memref<16384x56x56xf32, #tpu.memory_space<hbm>> -> memref<1x56x56xf32, #tpu.memory_space<hbm>>
        %dma_start3A_868 = arith.constant 0 : i32
        %dma_start3A_869 = arith.constant 0 : i32
        %dma_start3A_870 = arith.constant 0 : i32
        %dma_start3A_871 = tpu.memref_slice %arg5[%dma_start3A_868, %dma_start3A_869, %dma_start3A_870] : memref<8x56x56xf32, #tpu.memory_space<vmem>> -> memref<1x56x56xf32, #tpu.memory_space<vmem>>
        tpu.enqueue_dma source(%dma_start3A_871 : memref<1x56x56xf32, #tpu.memory_space<vmem>>) target(%dma_start3A_867 : memref<1x56x56xf32, #tpu.memory_space<hbm>>) target_semaphore(%arg11 : memref<!tpu.dma_semaphore, #tpu.memory_space<semaphore_mem>>)
        %dma_wait3A_872 = arith.constant 1 : i32
        %dma_wait3A_873 = arith.constant 0 : i32
        %dma_wait3A_874 = arith.constant 0 : i32
        %dma_wait3A_875 = tpu.memref_slice %arg5[%dma_wait3A_872, %dma_wait3A_873, %dma_wait3A_874] : memref<8x56x56xf32, #tpu.memory_space<vmem>> -> memref<1x56x56xf32, #tpu.memory_space<vmem>>
        %dma_wait3A_876 = arith.constant 0 : i32
        %dma_wait3A_877 = arith.constant 0 : i32
        %dma_wait3A_878 = arith.constant 0 : i32
        %dma_wait3A_879 = tpu.memref_slice %arg2[%dma_wait3A_876, %dma_wait3A_877, %dma_wait3A_878] : memref<16384x56x56xf32, #tpu.memory_space<hbm>> -> memref<1x56x56xf32, #tpu.memory_space<hbm>>
        %dma_wait3A_880 = arith.constant 1 : i32
        %dma_wait3A_881 = arith.constant 0 : i32
        %dma_wait3A_882 = arith.constant 0 : i32
        %dma_wait3A_883 = tpu.memref_slice %arg5[%dma_wait3A_880, %dma_wait3A_881, %dma_wait3A_882] : memref<8x56x56xf32, #tpu.memory_space<vmem>> -> memref<1x56x56xf32, #tpu.memory_space<vmem>>
        %dma_wait3A_884 = arith.constant 0 : i32
        %dma_wait3A_885 = arith.constant 0 : i32
        %dma_wait3A_886 = arith.constant 0 : i32
        %dma_wait3A_887 = tpu.memref_slice %arg2[%dma_wait3A_884, %dma_wait3A_885, %dma_wait3A_886] : memref<16384x56x56xf32, #tpu.memory_space<hbm>> -> memref<1x56x56xf32, #tpu.memory_space<hbm>>
        tpu.wait_dma2 semaphore(%arg8 : memref<!tpu.dma_semaphore, #tpu.memory_space<semaphore_mem>>) src(%dma_wait3A_887 : memref<1x56x56xf32, #tpu.memory_space<hbm>>) dst(%dma_wait3A_883 : memref<1x56x56xf32, #tpu.memory_space<vmem>>)
        %add3A_888 = arith.constant 1 : i32
        %add3A_889 = arith.addi %mul3A_678, %add3A_888 : i32
        %ge3A_890 = arith.constant 85 : i32
        %ge3A_891 = arith.cmpi sge, %add3A_889, %ge3A_890 : i32
        %convert_element_type3A_892 = arith.extui %ge3A_891 : i1 to i32
        %mul3A_893 = arith.constant 85 : i32
        %mul3A_894 = arith.muli %mul3A_893, %convert_element_type3A_892 : i32
        %sub3A_895 = arith.subi %add3A_889, %mul3A_894 : i32
        %mul3A_896 = arith.constant 8192 : i32
        %mul3A_897 = arith.muli %mul3A_896, %convert_element_type3A_892 : i32
        %add3A_898 = arith.addi %add3A_35, %mul3A_897 : i32
        %mul3A_899 = arith.constant 3 : i32
        %mul3A_900 = arith.muli %mul3A_899, %sub3A_895 : i32
        %add3A_901 = arith.addi %add3A_898, %mul3A_900 : i32
        %add3A_902 = arith.constant 1 : i32
        %add3A_903 = arith.addi %add3A_901, %add3A_902 : i32
        %dma_start3A_904 = arith.constant 1 : i32
        %dma_start3A_905 = arith.constant 0 : i32
        %dma_start3A_906 = arith.constant 0 : i32
        %dma_start3A_907 = tpu.memref_slice %arg5[%dma_start3A_904, %dma_start3A_905, %dma_start3A_906] : memref<8x56x56xf32, #tpu.memory_space<vmem>> -> memref<1x56x56xf32, #tpu.memory_space<vmem>>
        %dma_start3A_908 = arith.constant 0 : i32
        %dma_start3A_909 = arith.constant 0 : i32
        %dma_start3A_910 = tpu.memref_slice %arg4[%add3A_903, %dma_start3A_908, %dma_start3A_909] : memref<16384x56x56xf32, #tpu.memory_space<hbm>> -> memref<1x56x56xf32, #tpu.memory_space<hbm>>
        %dma_start3A_911 = arith.constant 0 : i32
        %dma_start3A_912 = arith.constant 0 : i32
        %dma_start3A_913 = tpu.memref_slice %arg4[%add3A_903, %dma_start3A_911, %dma_start3A_912] : memref<16384x56x56xf32, #tpu.memory_space<hbm>> -> memref<1x56x56xf32, #tpu.memory_space<hbm>>
        %dma_start3A_914 = arith.constant 1 : i32
        %dma_start3A_915 = arith.constant 0 : i32
        %dma_start3A_916 = arith.constant 0 : i32
        %dma_start3A_917 = tpu.memref_slice %arg5[%dma_start3A_914, %dma_start3A_915, %dma_start3A_916] : memref<8x56x56xf32, #tpu.memory_space<vmem>> -> memref<1x56x56xf32, #tpu.memory_space<vmem>>
        tpu.enqueue_dma source(%dma_start3A_917 : memref<1x56x56xf32, #tpu.memory_space<vmem>>) target(%dma_start3A_913 : memref<1x56x56xf32, #tpu.memory_space<hbm>>) target_semaphore(%arg12 : memref<!tpu.dma_semaphore, #tpu.memory_space<semaphore_mem>>)
        %dma_wait3A_918 = arith.constant 2 : i32
        %dma_wait3A_919 = arith.constant 0 : i32
        %dma_wait3A_920 = arith.constant 0 : i32
        %dma_wait3A_921 = tpu.memref_slice %arg5[%dma_wait3A_918, %dma_wait3A_919, %dma_wait3A_920] : memref<8x56x56xf32, #tpu.memory_space<vmem>> -> memref<1x56x56xf32, #tpu.memory_space<vmem>>
        %dma_wait3A_922 = arith.constant 0 : i32
        %dma_wait3A_923 = arith.constant 0 : i32
        %dma_wait3A_924 = arith.constant 0 : i32
        %dma_wait3A_925 = tpu.memref_slice %arg2[%dma_wait3A_922, %dma_wait3A_923, %dma_wait3A_924] : memref<16384x56x56xf32, #tpu.memory_space<hbm>> -> memref<1x56x56xf32, #tpu.memory_space<hbm>>
        %dma_wait3A_926 = arith.constant 2 : i32
        %dma_wait3A_927 = arith.constant 0 : i32
        %dma_wait3A_928 = arith.constant 0 : i32
        %dma_wait3A_929 = tpu.memref_slice %arg5[%dma_wait3A_926, %dma_wait3A_927, %dma_wait3A_928] : memref<8x56x56xf32, #tpu.memory_space<vmem>> -> memref<1x56x56xf32, #tpu.memory_space<vmem>>
        %dma_wait3A_930 = arith.constant 0 : i32
        %dma_wait3A_931 = arith.constant 0 : i32
        %dma_wait3A_932 = arith.constant 0 : i32
        %dma_wait3A_933 = tpu.memref_slice %arg2[%dma_wait3A_930, %dma_wait3A_931, %dma_wait3A_932] : memref<16384x56x56xf32, #tpu.memory_space<hbm>> -> memref<1x56x56xf32, #tpu.memory_space<hbm>>
        tpu.wait_dma2 semaphore(%arg9 : memref<!tpu.dma_semaphore, #tpu.memory_space<semaphore_mem>>) src(%dma_wait3A_933 : memref<1x56x56xf32, #tpu.memory_space<hbm>>) dst(%dma_wait3A_929 : memref<1x56x56xf32, #tpu.memory_space<vmem>>)
        %add3A_934 = arith.constant 2 : i32
        %add3A_935 = arith.addi %mul3A_678, %add3A_934 : i32
        %ge3A_936 = arith.constant 85 : i32
        %ge3A_937 = arith.cmpi sge, %add3A_935, %ge3A_936 : i32
        %convert_element_type3A_938 = arith.extui %ge3A_937 : i1 to i32
        %mul3A_939 = arith.constant 85 : i32
        %mul3A_940 = arith.muli %mul3A_939, %convert_element_type3A_938 : i32
        %sub3A_941 = arith.subi %add3A_935, %mul3A_940 : i32
        %mul3A_942 = arith.constant 8192 : i32
        %mul3A_943 = arith.muli %mul3A_942, %convert_element_type3A_938 : i32
        %add3A_944 = arith.addi %add3A_35, %mul3A_943 : i32
        %mul3A_945 = arith.constant 3 : i32
        %mul3A_946 = arith.muli %mul3A_945, %sub3A_941 : i32
        %add3A_947 = arith.addi %add3A_944, %mul3A_946 : i32
        %add3A_948 = arith.constant 1 : i32
        %add3A_949 = arith.addi %add3A_947, %add3A_948 : i32
        %dma_start3A_950 = arith.constant 2 : i32
        %dma_start3A_951 = arith.constant 0 : i32
        %dma_start3A_952 = arith.constant 0 : i32
        %dma_start3A_953 = tpu.memref_slice %arg5[%dma_start3A_950, %dma_start3A_951, %dma_start3A_952] : memref<8x56x56xf32, #tpu.memory_space<vmem>> -> memref<1x56x56xf32, #tpu.memory_space<vmem>>
        %dma_start3A_954 = arith.constant 0 : i32
        %dma_start3A_955 = arith.constant 0 : i32
        %dma_start3A_956 = tpu.memref_slice %arg4[%add3A_949, %dma_start3A_954, %dma_start3A_955] : memref<16384x56x56xf32, #tpu.memory_space<hbm>> -> memref<1x56x56xf32, #tpu.memory_space<hbm>>
        %dma_start3A_957 = arith.constant 0 : i32
        %dma_start3A_958 = arith.constant 0 : i32
        %dma_start3A_959 = tpu.memref_slice %arg4[%add3A_949, %dma_start3A_957, %dma_start3A_958] : memref<16384x56x56xf32, #tpu.memory_space<hbm>> -> memref<1x56x56xf32, #tpu.memory_space<hbm>>
        %dma_start3A_960 = arith.constant 2 : i32
        %dma_start3A_961 = arith.constant 0 : i32
        %dma_start3A_962 = arith.constant 0 : i32
        %dma_start3A_963 = tpu.memref_slice %arg5[%dma_start3A_960, %dma_start3A_961, %dma_start3A_962] : memref<8x56x56xf32, #tpu.memory_space<vmem>> -> memref<1x56x56xf32, #tpu.memory_space<vmem>>
        tpu.enqueue_dma source(%dma_start3A_963 : memref<1x56x56xf32, #tpu.memory_space<vmem>>) target(%dma_start3A_959 : memref<1x56x56xf32, #tpu.memory_space<hbm>>) target_semaphore(%arg13 : memref<!tpu.dma_semaphore, #tpu.memory_space<semaphore_mem>>)
        %dma_wait3A_964 = arith.constant 3 : i32
        %dma_wait3A_965 = arith.constant 0 : i32
        %dma_wait3A_966 = arith.constant 0 : i32
        %dma_wait3A_967 = tpu.memref_slice %arg5[%dma_wait3A_964, %dma_wait3A_965, %dma_wait3A_966] : memref<8x56x56xf32, #tpu.memory_space<vmem>> -> memref<1x56x56xf32, #tpu.memory_space<vmem>>
        %dma_wait3A_968 = arith.constant 0 : i32
        %dma_wait3A_969 = arith.constant 0 : i32
        %dma_wait3A_970 = arith.constant 0 : i32
        %dma_wait3A_971 = tpu.memref_slice %arg2[%dma_wait3A_968, %dma_wait3A_969, %dma_wait3A_970] : memref<16384x56x56xf32, #tpu.memory_space<hbm>> -> memref<1x56x56xf32, #tpu.memory_space<hbm>>
        %dma_wait3A_972 = arith.constant 3 : i32
        %dma_wait3A_973 = arith.constant 0 : i32
        %dma_wait3A_974 = arith.constant 0 : i32
        %dma_wait3A_975 = tpu.memref_slice %arg5[%dma_wait3A_972, %dma_wait3A_973, %dma_wait3A_974] : memref<8x56x56xf32, #tpu.memory_space<vmem>> -> memref<1x56x56xf32, #tpu.memory_space<vmem>>
        %dma_wait3A_976 = arith.constant 0 : i32
        %dma_wait3A_977 = arith.constant 0 : i32
        %dma_wait3A_978 = arith.constant 0 : i32
        %dma_wait3A_979 = tpu.memref_slice %arg2[%dma_wait3A_976, %dma_wait3A_977, %dma_wait3A_978] : memref<16384x56x56xf32, #tpu.memory_space<hbm>> -> memref<1x56x56xf32, #tpu.memory_space<hbm>>
        tpu.wait_dma2 semaphore(%arg10 : memref<!tpu.dma_semaphore, #tpu.memory_space<semaphore_mem>>) src(%dma_wait3A_979 : memref<1x56x56xf32, #tpu.memory_space<hbm>>) dst(%dma_wait3A_975 : memref<1x56x56xf32, #tpu.memory_space<vmem>>)
        %add3A_980 = arith.constant 3 : i32
        %add3A_981 = arith.addi %mul3A_678, %add3A_980 : i32
        %ge3A_982 = arith.constant 85 : i32
        %ge3A_983 = arith.cmpi sge, %add3A_981, %ge3A_982 : i32
        %convert_element_type3A_984 = arith.extui %ge3A_983 : i1 to i32
        %mul3A_985 = arith.constant 85 : i32
        %mul3A_986 = arith.muli %mul3A_985, %convert_element_type3A_984 : i32
        %sub3A_987 = arith.subi %add3A_981, %mul3A_986 : i32
        %mul3A_988 = arith.constant 8192 : i32
        %mul3A_989 = arith.muli %mul3A_988, %convert_element_type3A_984 : i32
        %add3A_990 = arith.addi %add3A_35, %mul3A_989 : i32
        %mul3A_991 = arith.constant 3 : i32
        %mul3A_992 = arith.muli %mul3A_991, %sub3A_987 : i32
        %add3A_993 = arith.addi %add3A_990, %mul3A_992 : i32
        %add3A_994 = arith.constant 1 : i32
        %add3A_995 = arith.addi %add3A_993, %add3A_994 : i32
        %dma_start3A_996 = arith.constant 3 : i32
        %dma_start3A_997 = arith.constant 0 : i32
        %dma_start3A_998 = arith.constant 0 : i32
        %dma_start3A_999 = tpu.memref_slice %arg5[%dma_start3A_996, %dma_start3A_997, %dma_start3A_998] : memref<8x56x56xf32, #tpu.memory_space<vmem>> -> memref<1x56x56xf32, #tpu.memory_space<vmem>>
        %dma_start3A_1000 = arith.constant 0 : i32
        %dma_start3A_1001 = arith.constant 0 : i32
        %dma_start3A_1002 = tpu.memref_slice %arg4[%add3A_995, %dma_start3A_1000, %dma_start3A_1001] : memref<16384x56x56xf32, #tpu.memory_space<hbm>> -> memref<1x56x56xf32, #tpu.memory_space<hbm>>
        %dma_start3A_1003 = arith.constant 0 : i32
        %dma_start3A_1004 = arith.constant 0 : i32
        %dma_start3A_1005 = tpu.memref_slice %arg4[%add3A_995, %dma_start3A_1003, %dma_start3A_1004] : memref<16384x56x56xf32, #tpu.memory_space<hbm>> -> memref<1x56x56xf32, #tpu.memory_space<hbm>>
        %dma_start3A_1006 = arith.constant 3 : i32
        %dma_start3A_1007 = arith.constant 0 : i32
        %dma_start3A_1008 = arith.constant 0 : i32
        %dma_start3A_1009 = tpu.memref_slice %arg5[%dma_start3A_1006, %dma_start3A_1007, %dma_start3A_1008] : memref<8x56x56xf32, #tpu.memory_space<vmem>> -> memref<1x56x56xf32, #tpu.memory_space<vmem>>
        tpu.enqueue_dma source(%dma_start3A_1009 : memref<1x56x56xf32, #tpu.memory_space<vmem>>) target(%dma_start3A_1005 : memref<1x56x56xf32, #tpu.memory_space<hbm>>) target_semaphore(%arg14 : memref<!tpu.dma_semaphore, #tpu.memory_space<semaphore_mem>>)
      }
      %scan3A_55 = arith.constant 42 : i32
      %dma_wait3A = arith.constant 0 : i32
      %dma_wait3A_56 = arith.constant 0 : i32
      %dma_wait3A_57 = arith.constant 0 : i32
      %dma_wait3A_58 = tpu.memref_slice %arg5[%dma_wait3A, %dma_wait3A_56, %dma_wait3A_57] : memref<8x56x56xf32, #tpu.memory_space<vmem>> -> memref<1x56x56xf32, #tpu.memory_space<vmem>>
      %dma_wait3A_59 = arith.constant 0 : i32
      %dma_wait3A_60 = arith.constant 0 : i32
      %dma_wait3A_61 = arith.constant 0 : i32
      %dma_wait3A_62 = tpu.memref_slice %arg4[%dma_wait3A_59, %dma_wait3A_60, %dma_wait3A_61] : memref<16384x56x56xf32, #tpu.memory_space<hbm>> -> memref<1x56x56xf32, #tpu.memory_space<hbm>>
      %dma_wait3A_63 = arith.constant 0 : i32
      %dma_wait3A_64 = arith.constant 0 : i32
      %dma_wait3A_65 = arith.constant 0 : i32
      %dma_wait3A_66 = tpu.memref_slice %arg4[%dma_wait3A_63, %dma_wait3A_64, %dma_wait3A_65] : memref<16384x56x56xf32, #tpu.memory_space<hbm>> -> memref<1x56x56xf32, #tpu.memory_space<hbm>>
      %dma_wait3A_67 = arith.constant 0 : i32
      %dma_wait3A_68 = arith.constant 0 : i32
      %dma_wait3A_69 = arith.constant 0 : i32
      %dma_wait3A_70 = tpu.memref_slice %arg5[%dma_wait3A_67, %dma_wait3A_68, %dma_wait3A_69] : memref<8x56x56xf32, #tpu.memory_space<vmem>> -> memref<1x56x56xf32, #tpu.memory_space<vmem>>
      tpu.wait_dma2 semaphore(%arg11 : memref<!tpu.dma_semaphore, #tpu.memory_space<semaphore_mem>>) src(%dma_wait3A_70 : memref<1x56x56xf32, #tpu.memory_space<vmem>>) dst(%dma_wait3A_66 : memref<1x56x56xf32, #tpu.memory_space<hbm>>)
      %dma_wait3A_71 = arith.constant 1 : i32
      %dma_wait3A_72 = arith.constant 0 : i32
      %dma_wait3A_73 = arith.constant 0 : i32
      %dma_wait3A_74 = tpu.memref_slice %arg5[%dma_wait3A_71, %dma_wait3A_72, %dma_wait3A_73] : memref<8x56x56xf32, #tpu.memory_space<vmem>> -> memref<1x56x56xf32, #tpu.memory_space<vmem>>
      %dma_wait3A_75 = arith.constant 0 : i32
      %dma_wait3A_76 = arith.constant 0 : i32
      %dma_wait3A_77 = arith.constant 0 : i32
      %dma_wait3A_78 = tpu.memref_slice %arg4[%dma_wait3A_75, %dma_wait3A_76, %dma_wait3A_77] : memref<16384x56x56xf32, #tpu.memory_space<hbm>> -> memref<1x56x56xf32, #tpu.memory_space<hbm>>
      %dma_wait3A_79 = arith.constant 0 : i32
      %dma_wait3A_80 = arith.constant 0 : i32
      %dma_wait3A_81 = arith.constant 0 : i32
      %dma_wait3A_82 = tpu.memref_slice %arg4[%dma_wait3A_79, %dma_wait3A_80, %dma_wait3A_81] : memref<16384x56x56xf32, #tpu.memory_space<hbm>> -> memref<1x56x56xf32, #tpu.memory_space<hbm>>
      %dma_wait3A_83 = arith.constant 1 : i32
      %dma_wait3A_84 = arith.constant 0 : i32
      %dma_wait3A_85 = arith.constant 0 : i32
      %dma_wait3A_86 = tpu.memref_slice %arg5[%dma_wait3A_83, %dma_wait3A_84, %dma_wait3A_85] : memref<8x56x56xf32, #tpu.memory_space<vmem>> -> memref<1x56x56xf32, #tpu.memory_space<vmem>>
      tpu.wait_dma2 semaphore(%arg12 : memref<!tpu.dma_semaphore, #tpu.memory_space<semaphore_mem>>) src(%dma_wait3A_86 : memref<1x56x56xf32, #tpu.memory_space<vmem>>) dst(%dma_wait3A_82 : memref<1x56x56xf32, #tpu.memory_space<hbm>>)
      %dma_wait3A_87 = arith.constant 2 : i32
      %dma_wait3A_88 = arith.constant 0 : i32
      %dma_wait3A_89 = arith.constant 0 : i32
      %dma_wait3A_90 = tpu.memref_slice %arg5[%dma_wait3A_87, %dma_wait3A_88, %dma_wait3A_89] : memref<8x56x56xf32, #tpu.memory_space<vmem>> -> memref<1x56x56xf32, #tpu.memory_space<vmem>>
      %dma_wait3A_91 = arith.constant 0 : i32
      %dma_wait3A_92 = arith.constant 0 : i32
      %dma_wait3A_93 = arith.constant 0 : i32
      %dma_wait3A_94 = tpu.memref_slice %arg4[%dma_wait3A_91, %dma_wait3A_92, %dma_wait3A_93] : memref<16384x56x56xf32, #tpu.memory_space<hbm>> -> memref<1x56x56xf32, #tpu.memory_space<hbm>>
      %dma_wait3A_95 = arith.constant 0 : i32
      %dma_wait3A_96 = arith.constant 0 : i32
      %dma_wait3A_97 = arith.constant 0 : i32
      %dma_wait3A_98 = tpu.memref_slice %arg4[%dma_wait3A_95, %dma_wait3A_96, %dma_wait3A_97] : memref<16384x56x56xf32, #tpu.memory_space<hbm>> -> memref<1x56x56xf32, #tpu.memory_space<hbm>>
      %dma_wait3A_99 = arith.constant 2 : i32
      %dma_wait3A_100 = arith.constant 0 : i32
      %dma_wait3A_101 = arith.constant 0 : i32
      %dma_wait3A_102 = tpu.memref_slice %arg5[%dma_wait3A_99, %dma_wait3A_100, %dma_wait3A_101] : memref<8x56x56xf32, #tpu.memory_space<vmem>> -> memref<1x56x56xf32, #tpu.memory_space<vmem>>
      tpu.wait_dma2 semaphore(%arg13 : memref<!tpu.dma_semaphore, #tpu.memory_space<semaphore_mem>>) src(%dma_wait3A_102 : memref<1x56x56xf32, #tpu.memory_space<vmem>>) dst(%dma_wait3A_98 : memref<1x56x56xf32, #tpu.memory_space<hbm>>)
      %dma_wait3A_103 = arith.constant 3 : i32
      %dma_wait3A_104 = arith.constant 0 : i32
      %dma_wait3A_105 = arith.constant 0 : i32
      %dma_wait3A_106 = tpu.memref_slice %arg5[%dma_wait3A_103, %dma_wait3A_104, %dma_wait3A_105] : memref<8x56x56xf32, #tpu.memory_space<vmem>> -> memref<1x56x56xf32, #tpu.memory_space<vmem>>
      %dma_wait3A_107 = arith.constant 0 : i32
      %dma_wait3A_108 = arith.constant 0 : i32
      %dma_wait3A_109 = arith.constant 0 : i32
      %dma_wait3A_110 = tpu.memref_slice %arg4[%dma_wait3A_107, %dma_wait3A_108, %dma_wait3A_109] : memref<16384x56x56xf32, #tpu.memory_space<hbm>> -> memref<1x56x56xf32, #tpu.memory_space<hbm>>
      %dma_wait3A_111 = arith.constant 0 : i32
      %dma_wait3A_112 = arith.constant 0 : i32
      %dma_wait3A_113 = arith.constant 0 : i32
      %dma_wait3A_114 = tpu.memref_slice %arg4[%dma_wait3A_111, %dma_wait3A_112, %dma_wait3A_113] : memref<16384x56x56xf32, #tpu.memory_space<hbm>> -> memref<1x56x56xf32, #tpu.memory_space<hbm>>
      %dma_wait3A_115 = arith.constant 3 : i32
      %dma_wait3A_116 = arith.constant 0 : i32
      %dma_wait3A_117 = arith.constant 0 : i32
      %dma_wait3A_118 = tpu.memref_slice %arg5[%dma_wait3A_115, %dma_wait3A_116, %dma_wait3A_117] : memref<8x56x56xf32, #tpu.memory_space<vmem>> -> memref<1x56x56xf32, #tpu.memory_space<vmem>>
      tpu.wait_dma2 semaphore(%arg14 : memref<!tpu.dma_semaphore, #tpu.memory_space<semaphore_mem>>) src(%dma_wait3A_118 : memref<1x56x56xf32, #tpu.memory_space<vmem>>) dst(%dma_wait3A_114 : memref<1x56x56xf32, #tpu.memory_space<hbm>>)
      %ge3A_119 = arith.constant 168 : i32
      %ge3A_120 = arith.constant 85 : i32
      %ge3A_121 = arith.cmpi sge, %ge3A_119, %ge3A_120 : i32
      %convert_element_type3A_122 = arith.extui %ge3A_121 : i1 to i32
      %mul3A_123 = arith.constant 85 : i32
      %mul3A_124 = arith.muli %mul3A_123, %convert_element_type3A_122 : i32
      %sub3A_125 = arith.constant 168 : i32
      %sub3A_126 = arith.subi %sub3A_125, %mul3A_124 : i32
      %mul3A_127 = arith.constant 8192 : i32
      %mul3A_128 = arith.muli %mul3A_127, %convert_element_type3A_122 : i32
      %add3A_129 = arith.addi %add3A_35, %mul3A_128 : i32
      %mul3A_130 = arith.constant 3 : i32
      %mul3A_131 = arith.muli %mul3A_130, %sub3A_126 : i32
      %add3A_132 = arith.addi %add3A_129, %mul3A_131 : i32
      %add3A_133 = arith.constant 1 : i32
      %add3A_134 = arith.addi %add3A_132, %add3A_133 : i32
      %sub3A_135 = arith.constant 1024 : i32
      %sub3A_136 = arith.subi %add3A_134, %sub3A_135 : i32
      %ge3A_137 = arith.constant 168 : i32
      %ge3A_138 = arith.constant 85 : i32
      %ge3A_139 = arith.cmpi sge, %ge3A_137, %ge3A_138 : i32
      %convert_element_type3A_140 = arith.extui %ge3A_139 : i1 to i32
      %mul3A_141 = arith.constant 85 : i32
      %mul3A_142 = arith.muli %mul3A_141, %convert_element_type3A_140 : i32
      %sub3A_143 = arith.constant 168 : i32
      %sub3A_144 = arith.subi %sub3A_143, %mul3A_142 : i32
      %mul3A_145 = arith.constant 8192 : i32
      %mul3A_146 = arith.muli %mul3A_145, %convert_element_type3A_140 : i32
      %add3A_147 = arith.addi %add3A_35, %mul3A_146 : i32
      %mul3A_148 = arith.constant 3 : i32
      %mul3A_149 = arith.muli %mul3A_148, %sub3A_144 : i32
      %add3A_150 = arith.addi %add3A_147, %mul3A_149 : i32
      %add3A_151 = arith.constant 1 : i32
      %add3A_152 = arith.addi %add3A_150, %add3A_151 : i32
      %dma_start3A = arith.constant 0 : i32
      %dma_start3A_153 = arith.constant 0 : i32
      %dma_start3A_154 = arith.constant 0 : i32
      %dma_start3A_155 = tpu.memref_slice %arg5[%dma_start3A, %dma_start3A_153, %dma_start3A_154] : memref<8x56x56xf32, #tpu.memory_space<vmem>> -> memref<1x56x56xf32, #tpu.memory_space<vmem>>
      %dma_start3A_156 = arith.constant 0 : i32
      %dma_start3A_157 = arith.constant 0 : i32
      %dma_start3A_158 = tpu.memref_slice %arg2[%sub3A_136, %dma_start3A_156, %dma_start3A_157] : memref<16384x56x56xf32, #tpu.memory_space<hbm>> -> memref<1x56x56xf32, #tpu.memory_space<hbm>>
      %dma_start3A_159 = arith.constant 0 : i32
      %dma_start3A_160 = arith.constant 0 : i32
      %dma_start3A_161 = arith.constant 0 : i32
      %dma_start3A_162 = tpu.memref_slice %arg5[%dma_start3A_159, %dma_start3A_160, %dma_start3A_161] : memref<8x56x56xf32, #tpu.memory_space<vmem>> -> memref<1x56x56xf32, #tpu.memory_space<vmem>>
      %dma_start3A_163 = arith.constant 0 : i32
      %dma_start3A_164 = arith.constant 0 : i32
      %dma_start3A_165 = tpu.memref_slice %arg2[%sub3A_136, %dma_start3A_163, %dma_start3A_164] : memref<16384x56x56xf32, #tpu.memory_space<hbm>> -> memref<1x56x56xf32, #tpu.memory_space<hbm>>
      tpu.enqueue_dma source(%dma_start3A_165 : memref<1x56x56xf32, #tpu.memory_space<hbm>>) target(%dma_start3A_162 : memref<1x56x56xf32, #tpu.memory_space<vmem>>) target_semaphore(%arg7 : memref<!tpu.dma_semaphore, #tpu.memory_space<semaphore_mem>>)
      %dma_wait3A_166 = arith.constant 0 : i32
      %dma_wait3A_167 = arith.constant 0 : i32
      %dma_wait3A_168 = arith.constant 0 : i32
      %dma_wait3A_169 = tpu.memref_slice %arg5[%dma_wait3A_166, %dma_wait3A_167, %dma_wait3A_168] : memref<8x56x56xf32, #tpu.memory_space<vmem>> -> memref<1x56x56xf32, #tpu.memory_space<vmem>>
      %dma_wait3A_170 = arith.constant 0 : i32
      %dma_wait3A_171 = arith.constant 0 : i32
      %dma_wait3A_172 = tpu.memref_slice %arg2[%sub3A_136, %dma_wait3A_170, %dma_wait3A_171] : memref<16384x56x56xf32, #tpu.memory_space<hbm>> -> memref<1x56x56xf32, #tpu.memory_space<hbm>>
      %dma_wait3A_173 = arith.constant 0 : i32
      %dma_wait3A_174 = arith.constant 0 : i32
      %dma_wait3A_175 = arith.constant 0 : i32
      %dma_wait3A_176 = tpu.memref_slice %arg5[%dma_wait3A_173, %dma_wait3A_174, %dma_wait3A_175] : memref<8x56x56xf32, #tpu.memory_space<vmem>> -> memref<1x56x56xf32, #tpu.memory_space<vmem>>
      %dma_wait3A_177 = arith.constant 0 : i32
      %dma_wait3A_178 = arith.constant 0 : i32
      %dma_wait3A_179 = tpu.memref_slice %arg2[%sub3A_136, %dma_wait3A_177, %dma_wait3A_178] : memref<16384x56x56xf32, #tpu.memory_space<hbm>> -> memref<1x56x56xf32, #tpu.memory_space<hbm>>
      tpu.wait_dma2 semaphore(%arg7 : memref<!tpu.dma_semaphore, #tpu.memory_space<semaphore_mem>>) src(%dma_wait3A_179 : memref<1x56x56xf32, #tpu.memory_space<hbm>>) dst(%dma_wait3A_176 : memref<1x56x56xf32, #tpu.memory_space<vmem>>)
      %dma_start3A_180 = arith.constant 0 : i32
      %dma_start3A_181 = arith.constant 0 : i32
      %dma_start3A_182 = arith.constant 0 : i32
      %dma_start3A_183 = tpu.memref_slice %arg5[%dma_start3A_180, %dma_start3A_181, %dma_start3A_182] : memref<8x56x56xf32, #tpu.memory_space<vmem>> -> memref<1x56x56xf32, #tpu.memory_space<vmem>>
      %dma_start3A_184 = arith.constant 0 : i32
      %dma_start3A_185 = arith.constant 0 : i32
      %dma_start3A_186 = tpu.memref_slice %arg4[%add3A_152, %dma_start3A_184, %dma_start3A_185] : memref<16384x56x56xf32, #tpu.memory_space<hbm>> -> memref<1x56x56xf32, #tpu.memory_space<hbm>>
      %dma_start3A_187 = arith.constant 0 : i32
      %dma_start3A_188 = arith.constant 0 : i32
      %dma_start3A_189 = tpu.memref_slice %arg4[%add3A_152, %dma_start3A_187, %dma_start3A_188] : memref<16384x56x56xf32, #tpu.memory_space<hbm>> -> memref<1x56x56xf32, #tpu.memory_space<hbm>>
      %dma_start3A_190 = arith.constant 0 : i32
      %dma_start3A_191 = arith.constant 0 : i32
      %dma_start3A_192 = arith.constant 0 : i32
      %dma_start3A_193 = tpu.memref_slice %arg5[%dma_start3A_190, %dma_start3A_191, %dma_start3A_192] : memref<8x56x56xf32, #tpu.memory_space<vmem>> -> memref<1x56x56xf32, #tpu.memory_space<vmem>>
      tpu.enqueue_dma source(%dma_start3A_193 : memref<1x56x56xf32, #tpu.memory_space<vmem>>) target(%dma_start3A_189 : memref<1x56x56xf32, #tpu.memory_space<hbm>>) target_semaphore(%arg11 : memref<!tpu.dma_semaphore, #tpu.memory_space<semaphore_mem>>)
      %dma_wait3A_194 = arith.constant 0 : i32
      %dma_wait3A_195 = arith.constant 0 : i32
      %dma_wait3A_196 = arith.constant 0 : i32
      %dma_wait3A_197 = tpu.memref_slice %arg5[%dma_wait3A_194, %dma_wait3A_195, %dma_wait3A_196] : memref<8x56x56xf32, #tpu.memory_space<vmem>> -> memref<1x56x56xf32, #tpu.memory_space<vmem>>
      %dma_wait3A_198 = arith.constant 0 : i32
      %dma_wait3A_199 = arith.constant 0 : i32
      %dma_wait3A_200 = tpu.memref_slice %arg4[%add3A_152, %dma_wait3A_198, %dma_wait3A_199] : memref<16384x56x56xf32, #tpu.memory_space<hbm>> -> memref<1x56x56xf32, #tpu.memory_space<hbm>>
      %dma_wait3A_201 = arith.constant 0 : i32
      %dma_wait3A_202 = arith.constant 0 : i32
      %dma_wait3A_203 = tpu.memref_slice %arg4[%add3A_152, %dma_wait3A_201, %dma_wait3A_202] : memref<16384x56x56xf32, #tpu.memory_space<hbm>> -> memref<1x56x56xf32, #tpu.memory_space<hbm>>
      %dma_wait3A_204 = arith.constant 0 : i32
      %dma_wait3A_205 = arith.constant 0 : i32
      %dma_wait3A_206 = arith.constant 0 : i32
      %dma_wait3A_207 = tpu.memref_slice %arg5[%dma_wait3A_204, %dma_wait3A_205, %dma_wait3A_206] : memref<8x56x56xf32, #tpu.memory_space<vmem>> -> memref<1x56x56xf32, #tpu.memory_space<vmem>>
      tpu.wait_dma2 semaphore(%arg11 : memref<!tpu.dma_semaphore, #tpu.memory_space<semaphore_mem>>) src(%dma_wait3A_207 : memref<1x56x56xf32, #tpu.memory_space<vmem>>) dst(%dma_wait3A_203 : memref<1x56x56xf32, #tpu.memory_space<hbm>>)
      %ge3A_208 = arith.constant 169 : i32
      %ge3A_209 = arith.constant 85 : i32
      %ge3A_210 = arith.cmpi sge, %ge3A_208, %ge3A_209 : i32
      %convert_element_type3A_211 = arith.extui %ge3A_210 : i1 to i32
      %mul3A_212 = arith.constant 85 : i32
      %mul3A_213 = arith.muli %mul3A_212, %convert_element_type3A_211 : i32
      %sub3A_214 = arith.constant 169 : i32
      %sub3A_215 = arith.subi %sub3A_214, %mul3A_213 : i32
      %mul3A_216 = arith.constant 8192 : i32
      %mul3A_217 = arith.muli %mul3A_216, %convert_element_type3A_211 : i32
      %add3A_218 = arith.addi %add3A_35, %mul3A_217 : i32
      %mul3A_219 = arith.constant 3 : i32
      %mul3A_220 = arith.muli %mul3A_219, %sub3A_215 : i32
      %add3A_221 = arith.addi %add3A_218, %mul3A_220 : i32
      %add3A_222 = arith.constant 1 : i32
      %add3A_223 = arith.addi %add3A_221, %add3A_222 : i32
      %sub3A_224 = arith.constant 1024 : i32
      %sub3A_225 = arith.subi %add3A_223, %sub3A_224 : i32
      %ge3A_226 = arith.constant 169 : i32
      %ge3A_227 = arith.constant 85 : i32
      %ge3A_228 = arith.cmpi sge, %ge3A_226, %ge3A_227 : i32
      %convert_element_type3A_229 = arith.extui %ge3A_228 : i1 to i32
      %mul3A_230 = arith.constant 85 : i32
      %mul3A_231 = arith.muli %mul3A_230, %convert_element_type3A_229 : i32
      %sub3A_232 = arith.constant 169 : i32
      %sub3A_233 = arith.subi %sub3A_232, %mul3A_231 : i32
      %mul3A_234 = arith.constant 8192 : i32
      %mul3A_235 = arith.muli %mul3A_234, %convert_element_type3A_229 : i32
      %add3A_236 = arith.addi %add3A_35, %mul3A_235 : i32
      %mul3A_237 = arith.constant 3 : i32
      %mul3A_238 = arith.muli %mul3A_237, %sub3A_233 : i32
      %add3A_239 = arith.addi %add3A_236, %mul3A_238 : i32
      %add3A_240 = arith.constant 1 : i32
      %add3A_241 = arith.addi %add3A_239, %add3A_240 : i32
      %dma_start3A_242 = arith.constant 0 : i32
      %dma_start3A_243 = arith.constant 0 : i32
      %dma_start3A_244 = arith.constant 0 : i32
      %dma_start3A_245 = tpu.memref_slice %arg5[%dma_start3A_242, %dma_start3A_243, %dma_start3A_244] : memref<8x56x56xf32, #tpu.memory_space<vmem>> -> memref<1x56x56xf32, #tpu.memory_space<vmem>>
      %dma_start3A_246 = arith.constant 0 : i32
      %dma_start3A_247 = arith.constant 0 : i32
      %dma_start3A_248 = tpu.memref_slice %arg2[%sub3A_225, %dma_start3A_246, %dma_start3A_247] : memref<16384x56x56xf32, #tpu.memory_space<hbm>> -> memref<1x56x56xf32, #tpu.memory_space<hbm>>
      %dma_start3A_249 = arith.constant 0 : i32
      %dma_start3A_250 = arith.constant 0 : i32
      %dma_start3A_251 = arith.constant 0 : i32
      %dma_start3A_252 = tpu.memref_slice %arg5[%dma_start3A_249, %dma_start3A_250, %dma_start3A_251] : memref<8x56x56xf32, #tpu.memory_space<vmem>> -> memref<1x56x56xf32, #tpu.memory_space<vmem>>
      %dma_start3A_253 = arith.constant 0 : i32
      %dma_start3A_254 = arith.constant 0 : i32
      %dma_start3A_255 = tpu.memref_slice %arg2[%sub3A_225, %dma_start3A_253, %dma_start3A_254] : memref<16384x56x56xf32, #tpu.memory_space<hbm>> -> memref<1x56x56xf32, #tpu.memory_space<hbm>>
      tpu.enqueue_dma source(%dma_start3A_255 : memref<1x56x56xf32, #tpu.memory_space<hbm>>) target(%dma_start3A_252 : memref<1x56x56xf32, #tpu.memory_space<vmem>>) target_semaphore(%arg7 : memref<!tpu.dma_semaphore, #tpu.memory_space<semaphore_mem>>)
      %dma_wait3A_256 = arith.constant 0 : i32
      %dma_wait3A_257 = arith.constant 0 : i32
      %dma_wait3A_258 = arith.constant 0 : i32
      %dma_wait3A_259 = tpu.memref_slice %arg5[%dma_wait3A_256, %dma_wait3A_257, %dma_wait3A_258] : memref<8x56x56xf32, #tpu.memory_space<vmem>> -> memref<1x56x56xf32, #tpu.memory_space<vmem>>
      %dma_wait3A_260 = arith.constant 0 : i32
      %dma_wait3A_261 = arith.constant 0 : i32
      %dma_wait3A_262 = tpu.memref_slice %arg2[%sub3A_225, %dma_wait3A_260, %dma_wait3A_261] : memref<16384x56x56xf32, #tpu.memory_space<hbm>> -> memref<1x56x56xf32, #tpu.memory_space<hbm>>
      %dma_wait3A_263 = arith.constant 0 : i32
      %dma_wait3A_264 = arith.constant 0 : i32
      %dma_wait3A_265 = arith.constant 0 : i32
      %dma_wait3A_266 = tpu.memref_slice %arg5[%dma_wait3A_263, %dma_wait3A_264, %dma_wait3A_265] : memref<8x56x56xf32, #tpu.memory_space<vmem>> -> memref<1x56x56xf32, #tpu.memory_space<vmem>>
      %dma_wait3A_267 = arith.constant 0 : i32
      %dma_wait3A_268 = arith.constant 0 : i32
      %dma_wait3A_269 = tpu.memref_slice %arg2[%sub3A_225, %dma_wait3A_267, %dma_wait3A_268] : memref<16384x56x56xf32, #tpu.memory_space<hbm>> -> memref<1x56x56xf32, #tpu.memory_space<hbm>>
      tpu.wait_dma2 semaphore(%arg7 : memref<!tpu.dma_semaphore, #tpu.memory_space<semaphore_mem>>) src(%dma_wait3A_269 : memref<1x56x56xf32, #tpu.memory_space<hbm>>) dst(%dma_wait3A_266 : memref<1x56x56xf32, #tpu.memory_space<vmem>>)
      %dma_start3A_270 = arith.constant 0 : i32
      %dma_start3A_271 = arith.constant 0 : i32
      %dma_start3A_272 = arith.constant 0 : i32
      %dma_start3A_273 = tpu.memref_slice %arg5[%dma_start3A_270, %dma_start3A_271, %dma_start3A_272] : memref<8x56x56xf32, #tpu.memory_space<vmem>> -> memref<1x56x56xf32, #tpu.memory_space<vmem>>
      %dma_start3A_274 = arith.constant 0 : i32
      %dma_start3A_275 = arith.constant 0 : i32
      %dma_start3A_276 = tpu.memref_slice %arg4[%add3A_241, %dma_start3A_274, %dma_start3A_275] : memref<16384x56x56xf32, #tpu.memory_space<hbm>> -> memref<1x56x56xf32, #tpu.memory_space<hbm>>
      %dma_start3A_277 = arith.constant 0 : i32
      %dma_start3A_278 = arith.constant 0 : i32
      %dma_start3A_279 = tpu.memref_slice %arg4[%add3A_241, %dma_start3A_277, %dma_start3A_278] : memref<16384x56x56xf32, #tpu.memory_space<hbm>> -> memref<1x56x56xf32, #tpu.memory_space<hbm>>
      %dma_start3A_280 = arith.constant 0 : i32
      %dma_start3A_281 = arith.constant 0 : i32
      %dma_start3A_282 = arith.constant 0 : i32
      %dma_start3A_283 = tpu.memref_slice %arg5[%dma_start3A_280, %dma_start3A_281, %dma_start3A_282] : memref<8x56x56xf32, #tpu.memory_space<vmem>> -> memref<1x56x56xf32, #tpu.memory_space<vmem>>
      tpu.enqueue_dma source(%dma_start3A_283 : memref<1x56x56xf32, #tpu.memory_space<vmem>>) target(%dma_start3A_279 : memref<1x56x56xf32, #tpu.memory_space<hbm>>) target_semaphore(%arg11 : memref<!tpu.dma_semaphore, #tpu.memory_space<semaphore_mem>>)
      %dma_wait3A_284 = arith.constant 0 : i32
      %dma_wait3A_285 = arith.constant 0 : i32
      %dma_wait3A_286 = arith.constant 0 : i32
      %dma_wait3A_287 = tpu.memref_slice %arg5[%dma_wait3A_284, %dma_wait3A_285, %dma_wait3A_286] : memref<8x56x56xf32, #tpu.memory_space<vmem>> -> memref<1x56x56xf32, #tpu.memory_space<vmem>>
      %dma_wait3A_288 = arith.constant 0 : i32
      %dma_wait3A_289 = arith.constant 0 : i32
      %dma_wait3A_290 = tpu.memref_slice %arg4[%add3A_241, %dma_wait3A_288, %dma_wait3A_289] : memref<16384x56x56xf32, #tpu.memory_space<hbm>> -> memref<1x56x56xf32, #tpu.memory_space<hbm>>
      %dma_wait3A_291 = arith.constant 0 : i32
      %dma_wait3A_292 = arith.constant 0 : i32
      %dma_wait3A_293 = tpu.memref_slice %arg4[%add3A_241, %dma_wait3A_291, %dma_wait3A_292] : memref<16384x56x56xf32, #tpu.memory_space<hbm>> -> memref<1x56x56xf32, #tpu.memory_space<hbm>>
      %dma_wait3A_294 = arith.constant 0 : i32
      %dma_wait3A_295 = arith.constant 0 : i32
      %dma_wait3A_296 = arith.constant 0 : i32
      %dma_wait3A_297 = tpu.memref_slice %arg5[%dma_wait3A_294, %dma_wait3A_295, %dma_wait3A_296] : memref<8x56x56xf32, #tpu.memory_space<vmem>> -> memref<1x56x56xf32, #tpu.memory_space<vmem>>
      tpu.wait_dma2 semaphore(%arg11 : memref<!tpu.dma_semaphore, #tpu.memory_space<semaphore_mem>>) src(%dma_wait3A_297 : memref<1x56x56xf32, #tpu.memory_space<vmem>>) dst(%dma_wait3A_293 : memref<1x56x56xf32, #tpu.memory_space<hbm>>)
      %scan3A_298 = arith.constant 0 : i32
      %scan3A_299 = arith.constant 0 : i32
      %scan3A_300 = arith.constant 42 : i32
      %scan3A_301 = arith.addi %scan3A_299, %scan3A_300 : i32
      %scan3A_302 = arith.constant 1 : i32
      scf.for %scan3A_676 = %scan3A_299 to %scan3A_301 step %scan3A_302  : i32 {
        %mul3A_677 = arith.constant 4 : i32
        %mul3A_678 = arith.muli %mul3A_677, %scan3A_676 : i32
        %gt3A = arith.constant 0 : i32
        %gt3A_679 = arith.cmpi sgt, %scan3A_676, %gt3A : i32
        %convert_element_type3A_680 = arith.extui %gt3A_679 : i1 to i32
        %cond3A_681 = arith.constant 0 : i32
        %cond3A_682 = arith.cmpi ne, %convert_element_type3A_680, %cond3A_681 : i32
        scf.if %cond3A_682 {
          %dma_wait3A_1034 = arith.constant 0 : i32
          %dma_wait3A_1035 = arith.constant 0 : i32
          %dma_wait3A_1036 = arith.constant 0 : i32
          %dma_wait3A_1037 = tpu.memref_slice %arg5[%dma_wait3A_1034, %dma_wait3A_1035, %dma_wait3A_1036] : memref<8x56x56xf32, #tpu.memory_space<vmem>> -> memref<2x56x56xf32, #tpu.memory_space<vmem>>
          %dma_wait3A_1038 = arith.constant 0 : i32
          %dma_wait3A_1039 = arith.constant 0 : i32
          %dma_wait3A_1040 = arith.constant 0 : i32
          %dma_wait3A_1041 = tpu.memref_slice %arg4[%dma_wait3A_1038, %dma_wait3A_1039, %dma_wait3A_1040] : memref<16384x56x56xf32, #tpu.memory_space<hbm>> -> memref<2x56x56xf32, #tpu.memory_space<hbm>>
          %dma_wait3A_1042 = arith.constant 0 : i32
          %dma_wait3A_1043 = arith.constant 0 : i32
          %dma_wait3A_1044 = arith.constant 0 : i32
          %dma_wait3A_1045 = tpu.memref_slice %arg4[%dma_wait3A_1042, %dma_wait3A_1043, %dma_wait3A_1044] : memref<16384x56x56xf32, #tpu.memory_space<hbm>> -> memref<2x56x56xf32, #tpu.memory_space<hbm>>
          %dma_wait3A_1046 = arith.constant 0 : i32
          %dma_wait3A_1047 = arith.constant 0 : i32
          %dma_wait3A_1048 = arith.constant 0 : i32
          %dma_wait3A_1049 = tpu.memref_slice %arg5[%dma_wait3A_1046, %dma_wait3A_1047, %dma_wait3A_1048] : memref<8x56x56xf32, #tpu.memory_space<vmem>> -> memref<2x56x56xf32, #tpu.memory_space<vmem>>
          tpu.wait_dma2 semaphore(%arg11 : memref<!tpu.dma_semaphore, #tpu.memory_space<semaphore_mem>>) src(%dma_wait3A_1049 : memref<2x56x56xf32, #tpu.memory_space<vmem>>) dst(%dma_wait3A_1045 : memref<2x56x56xf32, #tpu.memory_space<hbm>>)
        } else {
        }
        %add3A_683 = arith.constant 0 : i32
        %add3A_684 = arith.addi %mul3A_678, %add3A_683 : i32
        %ge3A_685 = arith.constant 85 : i32
        %ge3A_686 = arith.cmpi sge, %add3A_684, %ge3A_685 : i32
        %convert_element_type3A_687 = arith.extui %ge3A_686 : i1 to i32
        %mul3A_688 = arith.constant 85 : i32
        %mul3A_689 = arith.muli %mul3A_688, %convert_element_type3A_687 : i32
        %sub3A_690 = arith.subi %add3A_684, %mul3A_689 : i32
        %mul3A_691 = arith.constant 8192 : i32
        %mul3A_692 = arith.muli %mul3A_691, %convert_element_type3A_687 : i32
        %add3A_693 = arith.addi %add3A_35, %mul3A_692 : i32
        %eq3A_694 = arith.constant 84 : i32
        %eq3A_695 = arith.cmpi eq, %sub3A_690, %eq3A_694 : i32
        %mul3A_696 = arith.constant 3 : i32
        %mul3A_697 = arith.muli %mul3A_696, %sub3A_690 : i32
        %add3A_698 = arith.constant 2 : i32
        %add3A_699 = arith.addi %mul3A_697, %add3A_698 : i32
        %jit3A_700 = arith.constant 254 : i32
        %select_n3A_701 = arith.select %eq3A_695, %jit3A_700, %add3A_699 : i32
        %add3A_702 = arith.addi %add3A_693, %select_n3A_701 : i32
        %dma_start3A_703 = arith.constant 0 : i32
        %dma_start3A_704 = arith.constant 0 : i32
        %dma_start3A_705 = arith.constant 0 : i32
        %dma_start3A_706 = tpu.memref_slice %arg5[%dma_start3A_703, %dma_start3A_704, %dma_start3A_705] : memref<8x56x56xf32, #tpu.memory_space<vmem>> -> memref<2x56x56xf32, #tpu.memory_space<vmem>>
        %dma_start3A_707 = arith.constant 0 : i32
        %dma_start3A_708 = arith.constant 0 : i32
        %dma_start3A_709 = tpu.memref_slice %arg2[%add3A_702, %dma_start3A_707, %dma_start3A_708] : memref<16384x56x56xf32, #tpu.memory_space<hbm>> -> memref<2x56x56xf32, #tpu.memory_space<hbm>>
        %dma_start3A_710 = arith.constant 0 : i32
        %dma_start3A_711 = arith.constant 0 : i32
        %dma_start3A_712 = arith.constant 0 : i32
        %dma_start3A_713 = tpu.memref_slice %arg5[%dma_start3A_710, %dma_start3A_711, %dma_start3A_712] : memref<8x56x56xf32, #tpu.memory_space<vmem>> -> memref<2x56x56xf32, #tpu.memory_space<vmem>>
        %dma_start3A_714 = arith.constant 0 : i32
        %dma_start3A_715 = arith.constant 0 : i32
        %dma_start3A_716 = tpu.memref_slice %arg2[%add3A_702, %dma_start3A_714, %dma_start3A_715] : memref<16384x56x56xf32, #tpu.memory_space<hbm>> -> memref<2x56x56xf32, #tpu.memory_space<hbm>>
        tpu.enqueue_dma source(%dma_start3A_716 : memref<2x56x56xf32, #tpu.memory_space<hbm>>) target(%dma_start3A_713 : memref<2x56x56xf32, #tpu.memory_space<vmem>>) target_semaphore(%arg7 : memref<!tpu.dma_semaphore, #tpu.memory_space<semaphore_mem>>)
        %gt3A_717 = arith.constant 0 : i32
        %gt3A_718 = arith.cmpi sgt, %scan3A_676, %gt3A_717 : i32
        %convert_element_type3A_719 = arith.extui %gt3A_718 : i1 to i32
        %cond3A_720 = arith.constant 0 : i32
        %cond3A_721 = arith.cmpi ne, %convert_element_type3A_719, %cond3A_720 : i32
        scf.if %cond3A_721 {
          %dma_wait3A_1034 = arith.constant 2 : i32
          %dma_wait3A_1035 = arith.constant 0 : i32
          %dma_wait3A_1036 = arith.constant 0 : i32
          %dma_wait3A_1037 = tpu.memref_slice %arg5[%dma_wait3A_1034, %dma_wait3A_1035, %dma_wait3A_1036] : memref<8x56x56xf32, #tpu.memory_space<vmem>> -> memref<2x56x56xf32, #tpu.memory_space<vmem>>
          %dma_wait3A_1038 = arith.constant 0 : i32
          %dma_wait3A_1039 = arith.constant 0 : i32
          %dma_wait3A_1040 = arith.constant 0 : i32
          %dma_wait3A_1041 = tpu.memref_slice %arg4[%dma_wait3A_1038, %dma_wait3A_1039, %dma_wait3A_1040] : memref<16384x56x56xf32, #tpu.memory_space<hbm>> -> memref<2x56x56xf32, #tpu.memory_space<hbm>>
          %dma_wait3A_1042 = arith.constant 0 : i32
          %dma_wait3A_1043 = arith.constant 0 : i32
          %dma_wait3A_1044 = arith.constant 0 : i32
          %dma_wait3A_1045 = tpu.memref_slice %arg4[%dma_wait3A_1042, %dma_wait3A_1043, %dma_wait3A_1044] : memref<16384x56x56xf32, #tpu.memory_space<hbm>> -> memref<2x56x56xf32, #tpu.memory_space<hbm>>
          %dma_wait3A_1046 = arith.constant 2 : i32
          %dma_wait3A_1047 = arith.constant 0 : i32
          %dma_wait3A_1048 = arith.constant 0 : i32
          %dma_wait3A_1049 = tpu.memref_slice %arg5[%dma_wait3A_1046, %dma_wait3A_1047, %dma_wait3A_1048] : memref<8x56x56xf32, #tpu.memory_space<vmem>> -> memref<2x56x56xf32, #tpu.memory_space<vmem>>
          tpu.wait_dma2 semaphore(%arg12 : memref<!tpu.dma_semaphore, #tpu.memory_space<semaphore_mem>>) src(%dma_wait3A_1049 : memref<2x56x56xf32, #tpu.memory_space<vmem>>) dst(%dma_wait3A_1045 : memref<2x56x56xf32, #tpu.memory_space<hbm>>)
        } else {
        }
        %add3A_722 = arith.constant 1 : i32
        %add3A_723 = arith.addi %mul3A_678, %add3A_722 : i32
        %ge3A_724 = arith.constant 85 : i32
        %ge3A_725 = arith.cmpi sge, %add3A_723, %ge3A_724 : i32
        %convert_element_type3A_726 = arith.extui %ge3A_725 : i1 to i32
        %mul3A_727 = arith.constant 85 : i32
        %mul3A_728 = arith.muli %mul3A_727, %convert_element_type3A_726 : i32
        %sub3A_729 = arith.subi %add3A_723, %mul3A_728 : i32
        %mul3A_730 = arith.constant 8192 : i32
        %mul3A_731 = arith.muli %mul3A_730, %convert_element_type3A_726 : i32
        %add3A_732 = arith.addi %add3A_35, %mul3A_731 : i32
        %eq3A_733 = arith.constant 84 : i32
        %eq3A_734 = arith.cmpi eq, %sub3A_729, %eq3A_733 : i32
        %mul3A_735 = arith.constant 3 : i32
        %mul3A_736 = arith.muli %mul3A_735, %sub3A_729 : i32
        %add3A_737 = arith.constant 2 : i32
        %add3A_738 = arith.addi %mul3A_736, %add3A_737 : i32
        %jit3A_739 = arith.constant 254 : i32
        %select_n3A_740 = arith.select %eq3A_734, %jit3A_739, %add3A_738 : i32
        %add3A_741 = arith.addi %add3A_732, %select_n3A_740 : i32
        %dma_start3A_742 = arith.constant 2 : i32
        %dma_start3A_743 = arith.constant 0 : i32
        %dma_start3A_744 = arith.constant 0 : i32
        %dma_start3A_745 = tpu.memref_slice %arg5[%dma_start3A_742, %dma_start3A_743, %dma_start3A_744] : memref<8x56x56xf32, #tpu.memory_space<vmem>> -> memref<2x56x56xf32, #tpu.memory_space<vmem>>
        %dma_start3A_746 = arith.constant 0 : i32
        %dma_start3A_747 = arith.constant 0 : i32
        %dma_start3A_748 = tpu.memref_slice %arg2[%add3A_741, %dma_start3A_746, %dma_start3A_747] : memref<16384x56x56xf32, #tpu.memory_space<hbm>> -> memref<2x56x56xf32, #tpu.memory_space<hbm>>
        %dma_start3A_749 = arith.constant 2 : i32
        %dma_start3A_750 = arith.constant 0 : i32
        %dma_start3A_751 = arith.constant 0 : i32
        %dma_start3A_752 = tpu.memref_slice %arg5[%dma_start3A_749, %dma_start3A_750, %dma_start3A_751] : memref<8x56x56xf32, #tpu.memory_space<vmem>> -> memref<2x56x56xf32, #tpu.memory_space<vmem>>
        %dma_start3A_753 = arith.constant 0 : i32
        %dma_start3A_754 = arith.constant 0 : i32
        %dma_start3A_755 = tpu.memref_slice %arg2[%add3A_741, %dma_start3A_753, %dma_start3A_754] : memref<16384x56x56xf32, #tpu.memory_space<hbm>> -> memref<2x56x56xf32, #tpu.memory_space<hbm>>
        tpu.enqueue_dma source(%dma_start3A_755 : memref<2x56x56xf32, #tpu.memory_space<hbm>>) target(%dma_start3A_752 : memref<2x56x56xf32, #tpu.memory_space<vmem>>) target_semaphore(%arg8 : memref<!tpu.dma_semaphore, #tpu.memory_space<semaphore_mem>>)
        %gt3A_756 = arith.constant 0 : i32
        %gt3A_757 = arith.cmpi sgt, %scan3A_676, %gt3A_756 : i32
        %convert_element_type3A_758 = arith.extui %gt3A_757 : i1 to i32
        %cond3A_759 = arith.constant 0 : i32
        %cond3A_760 = arith.cmpi ne, %convert_element_type3A_758, %cond3A_759 : i32
        scf.if %cond3A_760 {
          %dma_wait3A_1034 = arith.constant 4 : i32
          %dma_wait3A_1035 = arith.constant 0 : i32
          %dma_wait3A_1036 = arith.constant 0 : i32
          %dma_wait3A_1037 = tpu.memref_slice %arg5[%dma_wait3A_1034, %dma_wait3A_1035, %dma_wait3A_1036] : memref<8x56x56xf32, #tpu.memory_space<vmem>> -> memref<2x56x56xf32, #tpu.memory_space<vmem>>
          %dma_wait3A_1038 = arith.constant 0 : i32
          %dma_wait3A_1039 = arith.constant 0 : i32
          %dma_wait3A_1040 = arith.constant 0 : i32
          %dma_wait3A_1041 = tpu.memref_slice %arg4[%dma_wait3A_1038, %dma_wait3A_1039, %dma_wait3A_1040] : memref<16384x56x56xf32, #tpu.memory_space<hbm>> -> memref<2x56x56xf32, #tpu.memory_space<hbm>>
          %dma_wait3A_1042 = arith.constant 0 : i32
          %dma_wait3A_1043 = arith.constant 0 : i32
          %dma_wait3A_1044 = arith.constant 0 : i32
          %dma_wait3A_1045 = tpu.memref_slice %arg4[%dma_wait3A_1042, %dma_wait3A_1043, %dma_wait3A_1044] : memref<16384x56x56xf32, #tpu.memory_space<hbm>> -> memref<2x56x56xf32, #tpu.memory_space<hbm>>
          %dma_wait3A_1046 = arith.constant 4 : i32
          %dma_wait3A_1047 = arith.constant 0 : i32
          %dma_wait3A_1048 = arith.constant 0 : i32
          %dma_wait3A_1049 = tpu.memref_slice %arg5[%dma_wait3A_1046, %dma_wait3A_1047, %dma_wait3A_1048] : memref<8x56x56xf32, #tpu.memory_space<vmem>> -> memref<2x56x56xf32, #tpu.memory_space<vmem>>
          tpu.wait_dma2 semaphore(%arg13 : memref<!tpu.dma_semaphore, #tpu.memory_space<semaphore_mem>>) src(%dma_wait3A_1049 : memref<2x56x56xf32, #tpu.memory_space<vmem>>) dst(%dma_wait3A_1045 : memref<2x56x56xf32, #tpu.memory_space<hbm>>)
        } else {
        }
        %add3A_761 = arith.constant 2 : i32
        %add3A_762 = arith.addi %mul3A_678, %add3A_761 : i32
        %ge3A_763 = arith.constant 85 : i32
        %ge3A_764 = arith.cmpi sge, %add3A_762, %ge3A_763 : i32
        %convert_element_type3A_765 = arith.extui %ge3A_764 : i1 to i32
        %mul3A_766 = arith.constant 85 : i32
        %mul3A_767 = arith.muli %mul3A_766, %convert_element_type3A_765 : i32
        %sub3A_768 = arith.subi %add3A_762, %mul3A_767 : i32
        %mul3A_769 = arith.constant 8192 : i32
        %mul3A_770 = arith.muli %mul3A_769, %convert_element_type3A_765 : i32
        %add3A_771 = arith.addi %add3A_35, %mul3A_770 : i32
        %eq3A_772 = arith.constant 84 : i32
        %eq3A_773 = arith.cmpi eq, %sub3A_768, %eq3A_772 : i32
        %mul3A_774 = arith.constant 3 : i32
        %mul3A_775 = arith.muli %mul3A_774, %sub3A_768 : i32
        %add3A_776 = arith.constant 2 : i32
        %add3A_777 = arith.addi %mul3A_775, %add3A_776 : i32
        %jit3A_778 = arith.constant 254 : i32
        %select_n3A_779 = arith.select %eq3A_773, %jit3A_778, %add3A_777 : i32
        %add3A_780 = arith.addi %add3A_771, %select_n3A_779 : i32
        %dma_start3A_781 = arith.constant 4 : i32
        %dma_start3A_782 = arith.constant 0 : i32
        %dma_start3A_783 = arith.constant 0 : i32
        %dma_start3A_784 = tpu.memref_slice %arg5[%dma_start3A_781, %dma_start3A_782, %dma_start3A_783] : memref<8x56x56xf32, #tpu.memory_space<vmem>> -> memref<2x56x56xf32, #tpu.memory_space<vmem>>
        %dma_start3A_785 = arith.constant 0 : i32
        %dma_start3A_786 = arith.constant 0 : i32
        %dma_start3A_787 = tpu.memref_slice %arg2[%add3A_780, %dma_start3A_785, %dma_start3A_786] : memref<16384x56x56xf32, #tpu.memory_space<hbm>> -> memref<2x56x56xf32, #tpu.memory_space<hbm>>
        %dma_start3A_788 = arith.constant 4 : i32
        %dma_start3A_789 = arith.constant 0 : i32
        %dma_start3A_790 = arith.constant 0 : i32
        %dma_start3A_791 = tpu.memref_slice %arg5[%dma_start3A_788, %dma_start3A_789, %dma_start3A_790] : memref<8x56x56xf32, #tpu.memory_space<vmem>> -> memref<2x56x56xf32, #tpu.memory_space<vmem>>
        %dma_start3A_792 = arith.constant 0 : i32
        %dma_start3A_793 = arith.constant 0 : i32
        %dma_start3A_794 = tpu.memref_slice %arg2[%add3A_780, %dma_start3A_792, %dma_start3A_793] : memref<16384x56x56xf32, #tpu.memory_space<hbm>> -> memref<2x56x56xf32, #tpu.memory_space<hbm>>
        tpu.enqueue_dma source(%dma_start3A_794 : memref<2x56x56xf32, #tpu.memory_space<hbm>>) target(%dma_start3A_791 : memref<2x56x56xf32, #tpu.memory_space<vmem>>) target_semaphore(%arg9 : memref<!tpu.dma_semaphore, #tpu.memory_space<semaphore_mem>>)
        %gt3A_795 = arith.constant 0 : i32
        %gt3A_796 = arith.cmpi sgt, %scan3A_676, %gt3A_795 : i32
        %convert_element_type3A_797 = arith.extui %gt3A_796 : i1 to i32
        %cond3A_798 = arith.constant 0 : i32
        %cond3A_799 = arith.cmpi ne, %convert_element_type3A_797, %cond3A_798 : i32
        scf.if %cond3A_799 {
          %dma_wait3A_1034 = arith.constant 6 : i32
          %dma_wait3A_1035 = arith.constant 0 : i32
          %dma_wait3A_1036 = arith.constant 0 : i32
          %dma_wait3A_1037 = tpu.memref_slice %arg5[%dma_wait3A_1034, %dma_wait3A_1035, %dma_wait3A_1036] : memref<8x56x56xf32, #tpu.memory_space<vmem>> -> memref<2x56x56xf32, #tpu.memory_space<vmem>>
          %dma_wait3A_1038 = arith.constant 0 : i32
          %dma_wait3A_1039 = arith.constant 0 : i32
          %dma_wait3A_1040 = arith.constant 0 : i32
          %dma_wait3A_1041 = tpu.memref_slice %arg4[%dma_wait3A_1038, %dma_wait3A_1039, %dma_wait3A_1040] : memref<16384x56x56xf32, #tpu.memory_space<hbm>> -> memref<2x56x56xf32, #tpu.memory_space<hbm>>
          %dma_wait3A_1042 = arith.constant 0 : i32
          %dma_wait3A_1043 = arith.constant 0 : i32
          %dma_wait3A_1044 = arith.constant 0 : i32
          %dma_wait3A_1045 = tpu.memref_slice %arg4[%dma_wait3A_1042, %dma_wait3A_1043, %dma_wait3A_1044] : memref<16384x56x56xf32, #tpu.memory_space<hbm>> -> memref<2x56x56xf32, #tpu.memory_space<hbm>>
          %dma_wait3A_1046 = arith.constant 6 : i32
          %dma_wait3A_1047 = arith.constant 0 : i32
          %dma_wait3A_1048 = arith.constant 0 : i32
          %dma_wait3A_1049 = tpu.memref_slice %arg5[%dma_wait3A_1046, %dma_wait3A_1047, %dma_wait3A_1048] : memref<8x56x56xf32, #tpu.memory_space<vmem>> -> memref<2x56x56xf32, #tpu.memory_space<vmem>>
          tpu.wait_dma2 semaphore(%arg14 : memref<!tpu.dma_semaphore, #tpu.memory_space<semaphore_mem>>) src(%dma_wait3A_1049 : memref<2x56x56xf32, #tpu.memory_space<vmem>>) dst(%dma_wait3A_1045 : memref<2x56x56xf32, #tpu.memory_space<hbm>>)
        } else {
        }
        %add3A_800 = arith.constant 3 : i32
        %add3A_801 = arith.addi %mul3A_678, %add3A_800 : i32
        %ge3A_802 = arith.constant 85 : i32
        %ge3A_803 = arith.cmpi sge, %add3A_801, %ge3A_802 : i32
        %convert_element_type3A_804 = arith.extui %ge3A_803 : i1 to i32
        %mul3A_805 = arith.constant 85 : i32
        %mul3A_806 = arith.muli %mul3A_805, %convert_element_type3A_804 : i32
        %sub3A_807 = arith.subi %add3A_801, %mul3A_806 : i32
        %mul3A_808 = arith.constant 8192 : i32
        %mul3A_809 = arith.muli %mul3A_808, %convert_element_type3A_804 : i32
        %add3A_810 = arith.addi %add3A_35, %mul3A_809 : i32
        %eq3A_811 = arith.constant 84 : i32
        %eq3A_812 = arith.cmpi eq, %sub3A_807, %eq3A_811 : i32
        %mul3A_813 = arith.constant 3 : i32
        %mul3A_814 = arith.muli %mul3A_813, %sub3A_807 : i32
        %add3A_815 = arith.constant 2 : i32
        %add3A_816 = arith.addi %mul3A_814, %add3A_815 : i32
        %jit3A_817 = arith.constant 254 : i32
        %select_n3A_818 = arith.select %eq3A_812, %jit3A_817, %add3A_816 : i32
        %add3A_819 = arith.addi %add3A_810, %select_n3A_818 : i32
        %dma_start3A_820 = arith.constant 6 : i32
        %dma_start3A_821 = arith.constant 0 : i32
        %dma_start3A_822 = arith.constant 0 : i32
        %dma_start3A_823 = tpu.memref_slice %arg5[%dma_start3A_820, %dma_start3A_821, %dma_start3A_822] : memref<8x56x56xf32, #tpu.memory_space<vmem>> -> memref<2x56x56xf32, #tpu.memory_space<vmem>>
        %dma_start3A_824 = arith.constant 0 : i32
        %dma_start3A_825 = arith.constant 0 : i32
        %dma_start3A_826 = tpu.memref_slice %arg2[%add3A_819, %dma_start3A_824, %dma_start3A_825] : memref<16384x56x56xf32, #tpu.memory_space<hbm>> -> memref<2x56x56xf32, #tpu.memory_space<hbm>>
        %dma_start3A_827 = arith.constant 6 : i32
        %dma_start3A_828 = arith.constant 0 : i32
        %dma_start3A_829 = arith.constant 0 : i32
        %dma_start3A_830 = tpu.memref_slice %arg5[%dma_start3A_827, %dma_start3A_828, %dma_start3A_829] : memref<8x56x56xf32, #tpu.memory_space<vmem>> -> memref<2x56x56xf32, #tpu.memory_space<vmem>>
        %dma_start3A_831 = arith.constant 0 : i32
        %dma_start3A_832 = arith.constant 0 : i32
        %dma_start3A_833 = tpu.memref_slice %arg2[%add3A_819, %dma_start3A_831, %dma_start3A_832] : memref<16384x56x56xf32, #tpu.memory_space<hbm>> -> memref<2x56x56xf32, #tpu.memory_space<hbm>>
        tpu.enqueue_dma source(%dma_start3A_833 : memref<2x56x56xf32, #tpu.memory_space<hbm>>) target(%dma_start3A_830 : memref<2x56x56xf32, #tpu.memory_space<vmem>>) target_semaphore(%arg10 : memref<!tpu.dma_semaphore, #tpu.memory_space<semaphore_mem>>)
        %dma_wait3A_834 = arith.constant 0 : i32
        %dma_wait3A_835 = arith.constant 0 : i32
        %dma_wait3A_836 = arith.constant 0 : i32
        %dma_wait3A_837 = tpu.memref_slice %arg5[%dma_wait3A_834, %dma_wait3A_835, %dma_wait3A_836] : memref<8x56x56xf32, #tpu.memory_space<vmem>> -> memref<2x56x56xf32, #tpu.memory_space<vmem>>
        %dma_wait3A_838 = arith.constant 0 : i32
        %dma_wait3A_839 = arith.constant 0 : i32
        %dma_wait3A_840 = arith.constant 0 : i32
        %dma_wait3A_841 = tpu.memref_slice %arg2[%dma_wait3A_838, %dma_wait3A_839, %dma_wait3A_840] : memref<16384x56x56xf32, #tpu.memory_space<hbm>> -> memref<2x56x56xf32, #tpu.memory_space<hbm>>
        %dma_wait3A_842 = arith.constant 0 : i32
        %dma_wait3A_843 = arith.constant 0 : i32
        %dma_wait3A_844 = arith.constant 0 : i32
        %dma_wait3A_845 = tpu.memref_slice %arg5[%dma_wait3A_842, %dma_wait3A_843, %dma_wait3A_844] : memref<8x56x56xf32, #tpu.memory_space<vmem>> -> memref<2x56x56xf32, #tpu.memory_space<vmem>>
        %dma_wait3A_846 = arith.constant 0 : i32
        %dma_wait3A_847 = arith.constant 0 : i32
        %dma_wait3A_848 = arith.constant 0 : i32
        %dma_wait3A_849 = tpu.memref_slice %arg2[%dma_wait3A_846, %dma_wait3A_847, %dma_wait3A_848] : memref<16384x56x56xf32, #tpu.memory_space<hbm>> -> memref<2x56x56xf32, #tpu.memory_space<hbm>>
        tpu.wait_dma2 semaphore(%arg7 : memref<!tpu.dma_semaphore, #tpu.memory_space<semaphore_mem>>) src(%dma_wait3A_849 : memref<2x56x56xf32, #tpu.memory_space<hbm>>) dst(%dma_wait3A_845 : memref<2x56x56xf32, #tpu.memory_space<vmem>>)
        %add3A_850 = arith.constant 0 : i32
        %add3A_851 = arith.addi %mul3A_678, %add3A_850 : i32
        %ge3A_852 = arith.constant 85 : i32
        %ge3A_853 = arith.cmpi sge, %add3A_851, %ge3A_852 : i32
        %convert_element_type3A_854 = arith.extui %ge3A_853 : i1 to i32
        %mul3A_855 = arith.constant 85 : i32
        %mul3A_856 = arith.muli %mul3A_855, %convert_element_type3A_854 : i32
        %sub3A_857 = arith.subi %add3A_851, %mul3A_856 : i32
        %mul3A_858 = arith.constant 8192 : i32
        %mul3A_859 = arith.muli %mul3A_858, %convert_element_type3A_854 : i32
        %add3A_860 = arith.addi %add3A_35, %mul3A_859 : i32
        %eq3A_861 = arith.constant 84 : i32
        %eq3A_862 = arith.cmpi eq, %sub3A_857, %eq3A_861 : i32
        %mul3A_863 = arith.constant 3 : i32
        %mul3A_864 = arith.muli %mul3A_863, %sub3A_857 : i32
        %add3A_865 = arith.constant 2 : i32
        %add3A_866 = arith.addi %mul3A_864, %add3A_865 : i32
        %jit3A_867 = arith.constant 254 : i32
        %select_n3A_868 = arith.select %eq3A_862, %jit3A_867, %add3A_866 : i32
        %add3A_869 = arith.addi %add3A_860, %select_n3A_868 : i32
        %dma_start3A_870 = arith.constant 0 : i32
        %dma_start3A_871 = arith.constant 0 : i32
        %dma_start3A_872 = arith.constant 0 : i32
        %dma_start3A_873 = tpu.memref_slice %arg5[%dma_start3A_870, %dma_start3A_871, %dma_start3A_872] : memref<8x56x56xf32, #tpu.memory_space<vmem>> -> memref<2x56x56xf32, #tpu.memory_space<vmem>>
        %dma_start3A_874 = arith.constant 0 : i32
        %dma_start3A_875 = arith.constant 0 : i32
        %dma_start3A_876 = tpu.memref_slice %arg4[%add3A_869, %dma_start3A_874, %dma_start3A_875] : memref<16384x56x56xf32, #tpu.memory_space<hbm>> -> memref<2x56x56xf32, #tpu.memory_space<hbm>>
        %dma_start3A_877 = arith.constant 0 : i32
        %dma_start3A_878 = arith.constant 0 : i32
        %dma_start3A_879 = tpu.memref_slice %arg4[%add3A_869, %dma_start3A_877, %dma_start3A_878] : memref<16384x56x56xf32, #tpu.memory_space<hbm>> -> memref<2x56x56xf32, #tpu.memory_space<hbm>>
        %dma_start3A_880 = arith.constant 0 : i32
        %dma_start3A_881 = arith.constant 0 : i32
        %dma_start3A_882 = arith.constant 0 : i32
        %dma_start3A_883 = tpu.memref_slice %arg5[%dma_start3A_880, %dma_start3A_881, %dma_start3A_882] : memref<8x56x56xf32, #tpu.memory_space<vmem>> -> memref<2x56x56xf32, #tpu.memory_space<vmem>>
        tpu.enqueue_dma source(%dma_start3A_883 : memref<2x56x56xf32, #tpu.memory_space<vmem>>) target(%dma_start3A_879 : memref<2x56x56xf32, #tpu.memory_space<hbm>>) target_semaphore(%arg11 : memref<!tpu.dma_semaphore, #tpu.memory_space<semaphore_mem>>)
        %dma_wait3A_884 = arith.constant 2 : i32
        %dma_wait3A_885 = arith.constant 0 : i32
        %dma_wait3A_886 = arith.constant 0 : i32
        %dma_wait3A_887 = tpu.memref_slice %arg5[%dma_wait3A_884, %dma_wait3A_885, %dma_wait3A_886] : memref<8x56x56xf32, #tpu.memory_space<vmem>> -> memref<2x56x56xf32, #tpu.memory_space<vmem>>
        %dma_wait3A_888 = arith.constant 0 : i32
        %dma_wait3A_889 = arith.constant 0 : i32
        %dma_wait3A_890 = arith.constant 0 : i32
        %dma_wait3A_891 = tpu.memref_slice %arg2[%dma_wait3A_888, %dma_wait3A_889, %dma_wait3A_890] : memref<16384x56x56xf32, #tpu.memory_space<hbm>> -> memref<2x56x56xf32, #tpu.memory_space<hbm>>
        %dma_wait3A_892 = arith.constant 2 : i32
        %dma_wait3A_893 = arith.constant 0 : i32
        %dma_wait3A_894 = arith.constant 0 : i32
        %dma_wait3A_895 = tpu.memref_slice %arg5[%dma_wait3A_892, %dma_wait3A_893, %dma_wait3A_894] : memref<8x56x56xf32, #tpu.memory_space<vmem>> -> memref<2x56x56xf32, #tpu.memory_space<vmem>>
        %dma_wait3A_896 = arith.constant 0 : i32
        %dma_wait3A_897 = arith.constant 0 : i32
        %dma_wait3A_898 = arith.constant 0 : i32
        %dma_wait3A_899 = tpu.memref_slice %arg2[%dma_wait3A_896, %dma_wait3A_897, %dma_wait3A_898] : memref<16384x56x56xf32, #tpu.memory_space<hbm>> -> memref<2x56x56xf32, #tpu.memory_space<hbm>>
        tpu.wait_dma2 semaphore(%arg8 : memref<!tpu.dma_semaphore, #tpu.memory_space<semaphore_mem>>) src(%dma_wait3A_899 : memref<2x56x56xf32, #tpu.memory_space<hbm>>) dst(%dma_wait3A_895 : memref<2x56x56xf32, #tpu.memory_space<vmem>>)
        %add3A_900 = arith.constant 1 : i32
        %add3A_901 = arith.addi %mul3A_678, %add3A_900 : i32
        %ge3A_902 = arith.constant 85 : i32
        %ge3A_903 = arith.cmpi sge, %add3A_901, %ge3A_902 : i32
        %convert_element_type3A_904 = arith.extui %ge3A_903 : i1 to i32
        %mul3A_905 = arith.constant 85 : i32
        %mul3A_906 = arith.muli %mul3A_905, %convert_element_type3A_904 : i32
        %sub3A_907 = arith.subi %add3A_901, %mul3A_906 : i32
        %mul3A_908 = arith.constant 8192 : i32
        %mul3A_909 = arith.muli %mul3A_908, %convert_element_type3A_904 : i32
        %add3A_910 = arith.addi %add3A_35, %mul3A_909 : i32
        %eq3A_911 = arith.constant 84 : i32
        %eq3A_912 = arith.cmpi eq, %sub3A_907, %eq3A_911 : i32
        %mul3A_913 = arith.constant 3 : i32
        %mul3A_914 = arith.muli %mul3A_913, %sub3A_907 : i32
        %add3A_915 = arith.constant 2 : i32
        %add3A_916 = arith.addi %mul3A_914, %add3A_915 : i32
        %jit3A_917 = arith.constant 254 : i32
        %select_n3A_918 = arith.select %eq3A_912, %jit3A_917, %add3A_916 : i32
        %add3A_919 = arith.addi %add3A_910, %select_n3A_918 : i32
        %dma_start3A_920 = arith.constant 2 : i32
        %dma_start3A_921 = arith.constant 0 : i32
        %dma_start3A_922 = arith.constant 0 : i32
        %dma_start3A_923 = tpu.memref_slice %arg5[%dma_start3A_920, %dma_start3A_921, %dma_start3A_922] : memref<8x56x56xf32, #tpu.memory_space<vmem>> -> memref<2x56x56xf32, #tpu.memory_space<vmem>>
        %dma_start3A_924 = arith.constant 0 : i32
        %dma_start3A_925 = arith.constant 0 : i32
        %dma_start3A_926 = tpu.memref_slice %arg4[%add3A_919, %dma_start3A_924, %dma_start3A_925] : memref<16384x56x56xf32, #tpu.memory_space<hbm>> -> memref<2x56x56xf32, #tpu.memory_space<hbm>>
        %dma_start3A_927 = arith.constant 0 : i32
        %dma_start3A_928 = arith.constant 0 : i32
        %dma_start3A_929 = tpu.memref_slice %arg4[%add3A_919, %dma_start3A_927, %dma_start3A_928] : memref<16384x56x56xf32, #tpu.memory_space<hbm>> -> memref<2x56x56xf32, #tpu.memory_space<hbm>>
        %dma_start3A_930 = arith.constant 2 : i32
        %dma_start3A_931 = arith.constant 0 : i32
        %dma_start3A_932 = arith.constant 0 : i32
        %dma_start3A_933 = tpu.memref_slice %arg5[%dma_start3A_930, %dma_start3A_931, %dma_start3A_932] : memref<8x56x56xf32, #tpu.memory_space<vmem>> -> memref<2x56x56xf32, #tpu.memory_space<vmem>>
        tpu.enqueue_dma source(%dma_start3A_933 : memref<2x56x56xf32, #tpu.memory_space<vmem>>) target(%dma_start3A_929 : memref<2x56x56xf32, #tpu.memory_space<hbm>>) target_semaphore(%arg12 : memref<!tpu.dma_semaphore, #tpu.memory_space<semaphore_mem>>)
        %dma_wait3A_934 = arith.constant 4 : i32
        %dma_wait3A_935 = arith.constant 0 : i32
        %dma_wait3A_936 = arith.constant 0 : i32
        %dma_wait3A_937 = tpu.memref_slice %arg5[%dma_wait3A_934, %dma_wait3A_935, %dma_wait3A_936] : memref<8x56x56xf32, #tpu.memory_space<vmem>> -> memref<2x56x56xf32, #tpu.memory_space<vmem>>
        %dma_wait3A_938 = arith.constant 0 : i32
        %dma_wait3A_939 = arith.constant 0 : i32
        %dma_wait3A_940 = arith.constant 0 : i32
        %dma_wait3A_941 = tpu.memref_slice %arg2[%dma_wait3A_938, %dma_wait3A_939, %dma_wait3A_940] : memref<16384x56x56xf32, #tpu.memory_space<hbm>> -> memref<2x56x56xf32, #tpu.memory_space<hbm>>
        %dma_wait3A_942 = arith.constant 4 : i32
        %dma_wait3A_943 = arith.constant 0 : i32
        %dma_wait3A_944 = arith.constant 0 : i32
        %dma_wait3A_945 = tpu.memref_slice %arg5[%dma_wait3A_942, %dma_wait3A_943, %dma_wait3A_944] : memref<8x56x56xf32, #tpu.memory_space<vmem>> -> memref<2x56x56xf32, #tpu.memory_space<vmem>>
        %dma_wait3A_946 = arith.constant 0 : i32
        %dma_wait3A_947 = arith.constant 0 : i32
        %dma_wait3A_948 = arith.constant 0 : i32
        %dma_wait3A_949 = tpu.memref_slice %arg2[%dma_wait3A_946, %dma_wait3A_947, %dma_wait3A_948] : memref<16384x56x56xf32, #tpu.memory_space<hbm>> -> memref<2x56x56xf32, #tpu.memory_space<hbm>>
        tpu.wait_dma2 semaphore(%arg9 : memref<!tpu.dma_semaphore, #tpu.memory_space<semaphore_mem>>) src(%dma_wait3A_949 : memref<2x56x56xf32, #tpu.memory_space<hbm>>) dst(%dma_wait3A_945 : memref<2x56x56xf32, #tpu.memory_space<vmem>>)
        %add3A_950 = arith.constant 2 : i32
        %add3A_951 = arith.addi %mul3A_678, %add3A_950 : i32
        %ge3A_952 = arith.constant 85 : i32
        %ge3A_953 = arith.cmpi sge, %add3A_951, %ge3A_952 : i32
        %convert_element_type3A_954 = arith.extui %ge3A_953 : i1 to i32
        %mul3A_955 = arith.constant 85 : i32
        %mul3A_956 = arith.muli %mul3A_955, %convert_element_type3A_954 : i32
        %sub3A_957 = arith.subi %add3A_951, %mul3A_956 : i32
        %mul3A_958 = arith.constant 8192 : i32
        %mul3A_959 = arith.muli %mul3A_958, %convert_element_type3A_954 : i32
        %add3A_960 = arith.addi %add3A_35, %mul3A_959 : i32
        %eq3A_961 = arith.constant 84 : i32
        %eq3A_962 = arith.cmpi eq, %sub3A_957, %eq3A_961 : i32
        %mul3A_963 = arith.constant 3 : i32
        %mul3A_964 = arith.muli %mul3A_963, %sub3A_957 : i32
        %add3A_965 = arith.constant 2 : i32
        %add3A_966 = arith.addi %mul3A_964, %add3A_965 : i32
        %jit3A_967 = arith.constant 254 : i32
        %select_n3A_968 = arith.select %eq3A_962, %jit3A_967, %add3A_966 : i32
        %add3A_969 = arith.addi %add3A_960, %select_n3A_968 : i32
        %dma_start3A_970 = arith.constant 4 : i32
        %dma_start3A_971 = arith.constant 0 : i32
        %dma_start3A_972 = arith.constant 0 : i32
        %dma_start3A_973 = tpu.memref_slice %arg5[%dma_start3A_970, %dma_start3A_971, %dma_start3A_972] : memref<8x56x56xf32, #tpu.memory_space<vmem>> -> memref<2x56x56xf32, #tpu.memory_space<vmem>>
        %dma_start3A_974 = arith.constant 0 : i32
        %dma_start3A_975 = arith.constant 0 : i32
        %dma_start3A_976 = tpu.memref_slice %arg4[%add3A_969, %dma_start3A_974, %dma_start3A_975] : memref<16384x56x56xf32, #tpu.memory_space<hbm>> -> memref<2x56x56xf32, #tpu.memory_space<hbm>>
        %dma_start3A_977 = arith.constant 0 : i32
        %dma_start3A_978 = arith.constant 0 : i32
        %dma_start3A_979 = tpu.memref_slice %arg4[%add3A_969, %dma_start3A_977, %dma_start3A_978] : memref<16384x56x56xf32, #tpu.memory_space<hbm>> -> memref<2x56x56xf32, #tpu.memory_space<hbm>>
        %dma_start3A_980 = arith.constant 4 : i32
        %dma_start3A_981 = arith.constant 0 : i32
        %dma_start3A_982 = arith.constant 0 : i32
        %dma_start3A_983 = tpu.memref_slice %arg5[%dma_start3A_980, %dma_start3A_981, %dma_start3A_982] : memref<8x56x56xf32, #tpu.memory_space<vmem>> -> memref<2x56x56xf32, #tpu.memory_space<vmem>>
        tpu.enqueue_dma source(%dma_start3A_983 : memref<2x56x56xf32, #tpu.memory_space<vmem>>) target(%dma_start3A_979 : memref<2x56x56xf32, #tpu.memory_space<hbm>>) target_semaphore(%arg13 : memref<!tpu.dma_semaphore, #tpu.memory_space<semaphore_mem>>)
        %dma_wait3A_984 = arith.constant 6 : i32
        %dma_wait3A_985 = arith.constant 0 : i32
        %dma_wait3A_986 = arith.constant 0 : i32
        %dma_wait3A_987 = tpu.memref_slice %arg5[%dma_wait3A_984, %dma_wait3A_985, %dma_wait3A_986] : memref<8x56x56xf32, #tpu.memory_space<vmem>> -> memref<2x56x56xf32, #tpu.memory_space<vmem>>
        %dma_wait3A_988 = arith.constant 0 : i32
        %dma_wait3A_989 = arith.constant 0 : i32
        %dma_wait3A_990 = arith.constant 0 : i32
        %dma_wait3A_991 = tpu.memref_slice %arg2[%dma_wait3A_988, %dma_wait3A_989, %dma_wait3A_990] : memref<16384x56x56xf32, #tpu.memory_space<hbm>> -> memref<2x56x56xf32, #tpu.memory_space<hbm>>
        %dma_wait3A_992 = arith.constant 6 : i32
        %dma_wait3A_993 = arith.constant 0 : i32
        %dma_wait3A_994 = arith.constant 0 : i32
        %dma_wait3A_995 = tpu.memref_slice %arg5[%dma_wait3A_992, %dma_wait3A_993, %dma_wait3A_994] : memref<8x56x56xf32, #tpu.memory_space<vmem>> -> memref<2x56x56xf32, #tpu.memory_space<vmem>>
        %dma_wait3A_996 = arith.constant 0 : i32
        %dma_wait3A_997 = arith.constant 0 : i32
        %dma_wait3A_998 = arith.constant 0 : i32
        %dma_wait3A_999 = tpu.memref_slice %arg2[%dma_wait3A_996, %dma_wait3A_997, %dma_wait3A_998] : memref<16384x56x56xf32, #tpu.memory_space<hbm>> -> memref<2x56x56xf32, #tpu.memory_space<hbm>>
        tpu.wait_dma2 semaphore(%arg10 : memref<!tpu.dma_semaphore, #tpu.memory_space<semaphore_mem>>) src(%dma_wait3A_999 : memref<2x56x56xf32, #tpu.memory_space<hbm>>) dst(%dma_wait3A_995 : memref<2x56x56xf32, #tpu.memory_space<vmem>>)
        %add3A_1000 = arith.constant 3 : i32
        %add3A_1001 = arith.addi %mul3A_678, %add3A_1000 : i32
        %ge3A_1002 = arith.constant 85 : i32
        %ge3A_1003 = arith.cmpi sge, %add3A_1001, %ge3A_1002 : i32
        %convert_element_type3A_1004 = arith.extui %ge3A_1003 : i1 to i32
        %mul3A_1005 = arith.constant 85 : i32
        %mul3A_1006 = arith.muli %mul3A_1005, %convert_element_type3A_1004 : i32
        %sub3A_1007 = arith.subi %add3A_1001, %mul3A_1006 : i32
        %mul3A_1008 = arith.constant 8192 : i32
        %mul3A_1009 = arith.muli %mul3A_1008, %convert_element_type3A_1004 : i32
        %add3A_1010 = arith.addi %add3A_35, %mul3A_1009 : i32
        %eq3A_1011 = arith.constant 84 : i32
        %eq3A_1012 = arith.cmpi eq, %sub3A_1007, %eq3A_1011 : i32
        %mul3A_1013 = arith.constant 3 : i32
        %mul3A_1014 = arith.muli %mul3A_1013, %sub3A_1007 : i32
        %add3A_1015 = arith.constant 2 : i32
        %add3A_1016 = arith.addi %mul3A_1014, %add3A_1015 : i32
        %jit3A_1017 = arith.constant 254 : i32
        %select_n3A_1018 = arith.select %eq3A_1012, %jit3A_1017, %add3A_1016 : i32
        %add3A_1019 = arith.addi %add3A_1010, %select_n3A_1018 : i32
        %dma_start3A_1020 = arith.constant 6 : i32
        %dma_start3A_1021 = arith.constant 0 : i32
        %dma_start3A_1022 = arith.constant 0 : i32
        %dma_start3A_1023 = tpu.memref_slice %arg5[%dma_start3A_1020, %dma_start3A_1021, %dma_start3A_1022] : memref<8x56x56xf32, #tpu.memory_space<vmem>> -> memref<2x56x56xf32, #tpu.memory_space<vmem>>
        %dma_start3A_1024 = arith.constant 0 : i32
        %dma_start3A_1025 = arith.constant 0 : i32
        %dma_start3A_1026 = tpu.memref_slice %arg4[%add3A_1019, %dma_start3A_1024, %dma_start3A_1025] : memref<16384x56x56xf32, #tpu.memory_space<hbm>> -> memref<2x56x56xf32, #tpu.memory_space<hbm>>
        %dma_start3A_1027 = arith.constant 0 : i32
        %dma_start3A_1028 = arith.constant 0 : i32
        %dma_start3A_1029 = tpu.memref_slice %arg4[%add3A_1019, %dma_start3A_1027, %dma_start3A_1028] : memref<16384x56x56xf32, #tpu.memory_space<hbm>> -> memref<2x56x56xf32, #tpu.memory_space<hbm>>
        %dma_start3A_1030 = arith.constant 6 : i32
        %dma_start3A_1031 = arith.constant 0 : i32
        %dma_start3A_1032 = arith.constant 0 : i32
        %dma_start3A_1033 = tpu.memref_slice %arg5[%dma_start3A_1030, %dma_start3A_1031, %dma_start3A_1032] : memref<8x56x56xf32, #tpu.memory_space<vmem>> -> memref<2x56x56xf32, #tpu.memory_space<vmem>>
        tpu.enqueue_dma source(%dma_start3A_1033 : memref<2x56x56xf32, #tpu.memory_space<vmem>>) target(%dma_start3A_1029 : memref<2x56x56xf32, #tpu.memory_space<hbm>>) target_semaphore(%arg14 : memref<!tpu.dma_semaphore, #tpu.memory_space<semaphore_mem>>)
      }
      %scan3A_303 = arith.constant 42 : i32
      %dma_wait3A_304 = arith.constant 0 : i32
      %dma_wait3A_305 = arith.constant 0 : i32
      %dma_wait3A_306 = arith.constant 0 : i32
      %dma_wait3A_307 = tpu.memref_slice %arg5[%dma_wait3A_304, %dma_wait3A_305, %dma_wait3A_306] : memref<8x56x56xf32, #tpu.memory_space<vmem>> -> memref<2x56x56xf32, #tpu.memory_space<vmem>>
      %dma_wait3A_308 = arith.constant 0 : i32
      %dma_wait3A_309 = arith.constant 0 : i32
      %dma_wait3A_310 = arith.constant 0 : i32
      %dma_wait3A_311 = tpu.memref_slice %arg4[%dma_wait3A_308, %dma_wait3A_309, %dma_wait3A_310] : memref<16384x56x56xf32, #tpu.memory_space<hbm>> -> memref<2x56x56xf32, #tpu.memory_space<hbm>>
      %dma_wait3A_312 = arith.constant 0 : i32
      %dma_wait3A_313 = arith.constant 0 : i32
      %dma_wait3A_314 = arith.constant 0 : i32
      %dma_wait3A_315 = tpu.memref_slice %arg4[%dma_wait3A_312, %dma_wait3A_313, %dma_wait3A_314] : memref<16384x56x56xf32, #tpu.memory_space<hbm>> -> memref<2x56x56xf32, #tpu.memory_space<hbm>>
      %dma_wait3A_316 = arith.constant 0 : i32
      %dma_wait3A_317 = arith.constant 0 : i32
      %dma_wait3A_318 = arith.constant 0 : i32
      %dma_wait3A_319 = tpu.memref_slice %arg5[%dma_wait3A_316, %dma_wait3A_317, %dma_wait3A_318] : memref<8x56x56xf32, #tpu.memory_space<vmem>> -> memref<2x56x56xf32, #tpu.memory_space<vmem>>
      tpu.wait_dma2 semaphore(%arg11 : memref<!tpu.dma_semaphore, #tpu.memory_space<semaphore_mem>>) src(%dma_wait3A_319 : memref<2x56x56xf32, #tpu.memory_space<vmem>>) dst(%dma_wait3A_315 : memref<2x56x56xf32, #tpu.memory_space<hbm>>)
      %dma_wait3A_320 = arith.constant 2 : i32
      %dma_wait3A_321 = arith.constant 0 : i32
      %dma_wait3A_322 = arith.constant 0 : i32
      %dma_wait3A_323 = tpu.memref_slice %arg5[%dma_wait3A_320, %dma_wait3A_321, %dma_wait3A_322] : memref<8x56x56xf32, #tpu.memory_space<vmem>> -> memref<2x56x56xf32, #tpu.memory_space<vmem>>
      %dma_wait3A_324 = arith.constant 0 : i32
      %dma_wait3A_325 = arith.constant 0 : i32
      %dma_wait3A_326 = arith.constant 0 : i32
      %dma_wait3A_327 = tpu.memref_slice %arg4[%dma_wait3A_324, %dma_wait3A_325, %dma_wait3A_326] : memref<16384x56x56xf32, #tpu.memory_space<hbm>> -> memref<2x56x56xf32, #tpu.memory_space<hbm>>
      %dma_wait3A_328 = arith.constant 0 : i32
      %dma_wait3A_329 = arith.constant 0 : i32
      %dma_wait3A_330 = arith.constant 0 : i32
      %dma_wait3A_331 = tpu.memref_slice %arg4[%dma_wait3A_328, %dma_wait3A_329, %dma_wait3A_330] : memref<16384x56x56xf32, #tpu.memory_space<hbm>> -> memref<2x56x56xf32, #tpu.memory_space<hbm>>
      %dma_wait3A_332 = arith.constant 2 : i32
      %dma_wait3A_333 = arith.constant 0 : i32
      %dma_wait3A_334 = arith.constant 0 : i32
      %dma_wait3A_335 = tpu.memref_slice %arg5[%dma_wait3A_332, %dma_wait3A_333, %dma_wait3A_334] : memref<8x56x56xf32, #tpu.memory_space<vmem>> -> memref<2x56x56xf32, #tpu.memory_space<vmem>>
      tpu.wait_dma2 semaphore(%arg12 : memref<!tpu.dma_semaphore, #tpu.memory_space<semaphore_mem>>) src(%dma_wait3A_335 : memref<2x56x56xf32, #tpu.memory_space<vmem>>) dst(%dma_wait3A_331 : memref<2x56x56xf32, #tpu.memory_space<hbm>>)
      %dma_wait3A_336 = arith.constant 4 : i32
      %dma_wait3A_337 = arith.constant 0 : i32
      %dma_wait3A_338 = arith.constant 0 : i32
      %dma_wait3A_339 = tpu.memref_slice %arg5[%dma_wait3A_336, %dma_wait3A_337, %dma_wait3A_338] : memref<8x56x56xf32, #tpu.memory_space<vmem>> -> memref<2x56x56xf32, #tpu.memory_space<vmem>>
      %dma_wait3A_340 = arith.constant 0 : i32
      %dma_wait3A_341 = arith.constant 0 : i32
      %dma_wait3A_342 = arith.constant 0 : i32
      %dma_wait3A_343 = tpu.memref_slice %arg4[%dma_wait3A_340, %dma_wait3A_341, %dma_wait3A_342] : memref<16384x56x56xf32, #tpu.memory_space<hbm>> -> memref<2x56x56xf32, #tpu.memory_space<hbm>>
      %dma_wait3A_344 = arith.constant 0 : i32
      %dma_wait3A_345 = arith.constant 0 : i32
      %dma_wait3A_346 = arith.constant 0 : i32
      %dma_wait3A_347 = tpu.memref_slice %arg4[%dma_wait3A_344, %dma_wait3A_345, %dma_wait3A_346] : memref<16384x56x56xf32, #tpu.memory_space<hbm>> -> memref<2x56x56xf32, #tpu.memory_space<hbm>>
      %dma_wait3A_348 = arith.constant 4 : i32
      %dma_wait3A_349 = arith.constant 0 : i32
      %dma_wait3A_350 = arith.constant 0 : i32
      %dma_wait3A_351 = tpu.memref_slice %arg5[%dma_wait3A_348, %dma_wait3A_349, %dma_wait3A_350] : memref<8x56x56xf32, #tpu.memory_space<vmem>> -> memref<2x56x56xf32, #tpu.memory_space<vmem>>
      tpu.wait_dma2 semaphore(%arg13 : memref<!tpu.dma_semaphore, #tpu.memory_space<semaphore_mem>>) src(%dma_wait3A_351 : memref<2x56x56xf32, #tpu.memory_space<vmem>>) dst(%dma_wait3A_347 : memref<2x56x56xf32, #tpu.memory_space<hbm>>)
      %dma_wait3A_352 = arith.constant 6 : i32
      %dma_wait3A_353 = arith.constant 0 : i32
      %dma_wait3A_354 = arith.constant 0 : i32
      %dma_wait3A_355 = tpu.memref_slice %arg5[%dma_wait3A_352, %dma_wait3A_353, %dma_wait3A_354] : memref<8x56x56xf32, #tpu.memory_space<vmem>> -> memref<2x56x56xf32, #tpu.memory_space<vmem>>
      %dma_wait3A_356 = arith.constant 0 : i32
      %dma_wait3A_357 = arith.constant 0 : i32
      %dma_wait3A_358 = arith.constant 0 : i32
      %dma_wait3A_359 = tpu.memref_slice %arg4[%dma_wait3A_356, %dma_wait3A_357, %dma_wait3A_358] : memref<16384x56x56xf32, #tpu.memory_space<hbm>> -> memref<2x56x56xf32, #tpu.memory_space<hbm>>
      %dma_wait3A_360 = arith.constant 0 : i32
      %dma_wait3A_361 = arith.constant 0 : i32
      %dma_wait3A_362 = arith.constant 0 : i32
      %dma_wait3A_363 = tpu.memref_slice %arg4[%dma_wait3A_360, %dma_wait3A_361, %dma_wait3A_362] : memref<16384x56x56xf32, #tpu.memory_space<hbm>> -> memref<2x56x56xf32, #tpu.memory_space<hbm>>
      %dma_wait3A_364 = arith.constant 6 : i32
      %dma_wait3A_365 = arith.constant 0 : i32
      %dma_wait3A_366 = arith.constant 0 : i32
      %dma_wait3A_367 = tpu.memref_slice %arg5[%dma_wait3A_364, %dma_wait3A_365, %dma_wait3A_366] : memref<8x56x56xf32, #tpu.memory_space<vmem>> -> memref<2x56x56xf32, #tpu.memory_space<vmem>>
      tpu.wait_dma2 semaphore(%arg14 : memref<!tpu.dma_semaphore, #tpu.memory_space<semaphore_mem>>) src(%dma_wait3A_367 : memref<2x56x56xf32, #tpu.memory_space<vmem>>) dst(%dma_wait3A_363 : memref<2x56x56xf32, #tpu.memory_space<hbm>>)
      %ge3A_368 = arith.constant 168 : i32
      %ge3A_369 = arith.constant 85 : i32
      %ge3A_370 = arith.cmpi sge, %ge3A_368, %ge3A_369 : i32
      %convert_element_type3A_371 = arith.extui %ge3A_370 : i1 to i32
      %mul3A_372 = arith.constant 85 : i32
      %mul3A_373 = arith.muli %mul3A_372, %convert_element_type3A_371 : i32
      %sub3A_374 = arith.constant 168 : i32
      %sub3A_375 = arith.subi %sub3A_374, %mul3A_373 : i32
      %mul3A_376 = arith.constant 8192 : i32
      %mul3A_377 = arith.muli %mul3A_376, %convert_element_type3A_371 : i32
      %add3A_378 = arith.addi %add3A_35, %mul3A_377 : i32
      %eq3A_379 = arith.constant 84 : i32
      %eq3A_380 = arith.cmpi eq, %sub3A_375, %eq3A_379 : i32
      %mul3A_381 = arith.constant 3 : i32
      %mul3A_382 = arith.muli %mul3A_381, %sub3A_375 : i32
      %add3A_383 = arith.constant 2 : i32
      %add3A_384 = arith.addi %mul3A_382, %add3A_383 : i32
      %jit3A_385 = arith.constant 254 : i32
      %select_n3A_386 = arith.select %eq3A_380, %jit3A_385, %add3A_384 : i32
      %add3A_387 = arith.addi %add3A_378, %select_n3A_386 : i32
      %ge3A_388 = arith.constant 168 : i32
      %ge3A_389 = arith.constant 85 : i32
      %ge3A_390 = arith.cmpi sge, %ge3A_388, %ge3A_389 : i32
      %convert_element_type3A_391 = arith.extui %ge3A_390 : i1 to i32
      %mul3A_392 = arith.constant 85 : i32
      %mul3A_393 = arith.muli %mul3A_392, %convert_element_type3A_391 : i32
      %sub3A_394 = arith.constant 168 : i32
      %sub3A_395 = arith.subi %sub3A_394, %mul3A_393 : i32
      %mul3A_396 = arith.constant 8192 : i32
      %mul3A_397 = arith.muli %mul3A_396, %convert_element_type3A_391 : i32
      %add3A_398 = arith.addi %add3A_35, %mul3A_397 : i32
      %eq3A_399 = arith.constant 84 : i32
      %eq3A_400 = arith.cmpi eq, %sub3A_395, %eq3A_399 : i32
      %mul3A_401 = arith.constant 3 : i32
      %mul3A_402 = arith.muli %mul3A_401, %sub3A_395 : i32
      %add3A_403 = arith.constant 2 : i32
      %add3A_404 = arith.addi %mul3A_402, %add3A_403 : i32
      %jit3A_405 = arith.constant 254 : i32
      %select_n3A_406 = arith.select %eq3A_400, %jit3A_405, %add3A_404 : i32
      %add3A_407 = arith.addi %add3A_398, %select_n3A_406 : i32
      %dma_start3A_408 = arith.constant 0 : i32
      %dma_start3A_409 = arith.constant 0 : i32
      %dma_start3A_410 = arith.constant 0 : i32
      %dma_start3A_411 = tpu.memref_slice %arg5[%dma_start3A_408, %dma_start3A_409, %dma_start3A_410] : memref<8x56x56xf32, #tpu.memory_space<vmem>> -> memref<2x56x56xf32, #tpu.memory_space<vmem>>
      %dma_start3A_412 = arith.constant 0 : i32
      %dma_start3A_413 = arith.constant 0 : i32
      %dma_start3A_414 = tpu.memref_slice %arg2[%add3A_387, %dma_start3A_412, %dma_start3A_413] : memref<16384x56x56xf32, #tpu.memory_space<hbm>> -> memref<2x56x56xf32, #tpu.memory_space<hbm>>
      %dma_start3A_415 = arith.constant 0 : i32
      %dma_start3A_416 = arith.constant 0 : i32
      %dma_start3A_417 = arith.constant 0 : i32
      %dma_start3A_418 = tpu.memref_slice %arg5[%dma_start3A_415, %dma_start3A_416, %dma_start3A_417] : memref<8x56x56xf32, #tpu.memory_space<vmem>> -> memref<2x56x56xf32, #tpu.memory_space<vmem>>
      %dma_start3A_419 = arith.constant 0 : i32
      %dma_start3A_420 = arith.constant 0 : i32
      %dma_start3A_421 = tpu.memref_slice %arg2[%add3A_387, %dma_start3A_419, %dma_start3A_420] : memref<16384x56x56xf32, #tpu.memory_space<hbm>> -> memref<2x56x56xf32, #tpu.memory_space<hbm>>
      tpu.enqueue_dma source(%dma_start3A_421 : memref<2x56x56xf32, #tpu.memory_space<hbm>>) target(%dma_start3A_418 : memref<2x56x56xf32, #tpu.memory_space<vmem>>) target_semaphore(%arg7 : memref<!tpu.dma_semaphore, #tpu.memory_space<semaphore_mem>>)
      %dma_wait3A_422 = arith.constant 0 : i32
      %dma_wait3A_423 = arith.constant 0 : i32
      %dma_wait3A_424 = arith.constant 0 : i32
      %dma_wait3A_425 = tpu.memref_slice %arg5[%dma_wait3A_422, %dma_wait3A_423, %dma_wait3A_424] : memref<8x56x56xf32, #tpu.memory_space<vmem>> -> memref<2x56x56xf32, #tpu.memory_space<vmem>>
      %dma_wait3A_426 = arith.constant 0 : i32
      %dma_wait3A_427 = arith.constant 0 : i32
      %dma_wait3A_428 = tpu.memref_slice %arg2[%add3A_387, %dma_wait3A_426, %dma_wait3A_427] : memref<16384x56x56xf32, #tpu.memory_space<hbm>> -> memref<2x56x56xf32, #tpu.memory_space<hbm>>
      %dma_wait3A_429 = arith.constant 0 : i32
      %dma_wait3A_430 = arith.constant 0 : i32
      %dma_wait3A_431 = arith.constant 0 : i32
      %dma_wait3A_432 = tpu.memref_slice %arg5[%dma_wait3A_429, %dma_wait3A_430, %dma_wait3A_431] : memref<8x56x56xf32, #tpu.memory_space<vmem>> -> memref<2x56x56xf32, #tpu.memory_space<vmem>>
      %dma_wait3A_433 = arith.constant 0 : i32
      %dma_wait3A_434 = arith.constant 0 : i32
      %dma_wait3A_435 = tpu.memref_slice %arg2[%add3A_387, %dma_wait3A_433, %dma_wait3A_434] : memref<16384x56x56xf32, #tpu.memory_space<hbm>> -> memref<2x56x56xf32, #tpu.memory_space<hbm>>
      tpu.wait_dma2 semaphore(%arg7 : memref<!tpu.dma_semaphore, #tpu.memory_space<semaphore_mem>>) src(%dma_wait3A_435 : memref<2x56x56xf32, #tpu.memory_space<hbm>>) dst(%dma_wait3A_432 : memref<2x56x56xf32, #tpu.memory_space<vmem>>)
      %dma_start3A_436 = arith.constant 0 : i32
      %dma_start3A_437 = arith.constant 0 : i32
      %dma_start3A_438 = arith.constant 0 : i32
      %dma_start3A_439 = tpu.memref_slice %arg5[%dma_start3A_436, %dma_start3A_437, %dma_start3A_438] : memref<8x56x56xf32, #tpu.memory_space<vmem>> -> memref<2x56x56xf32, #tpu.memory_space<vmem>>
      %dma_start3A_440 = arith.constant 0 : i32
      %dma_start3A_441 = arith.constant 0 : i32
      %dma_start3A_442 = tpu.memref_slice %arg4[%add3A_407, %dma_start3A_440, %dma_start3A_441] : memref<16384x56x56xf32, #tpu.memory_space<hbm>> -> memref<2x56x56xf32, #tpu.memory_space<hbm>>
      %dma_start3A_443 = arith.constant 0 : i32
      %dma_start3A_444 = arith.constant 0 : i32
      %dma_start3A_445 = tpu.memref_slice %arg4[%add3A_407, %dma_start3A_443, %dma_start3A_444] : memref<16384x56x56xf32, #tpu.memory_space<hbm>> -> memref<2x56x56xf32, #tpu.memory_space<hbm>>
      %dma_start3A_446 = arith.constant 0 : i32
      %dma_start3A_447 = arith.constant 0 : i32
      %dma_start3A_448 = arith.constant 0 : i32
      %dma_start3A_449 = tpu.memref_slice %arg5[%dma_start3A_446, %dma_start3A_447, %dma_start3A_448] : memref<8x56x56xf32, #tpu.memory_space<vmem>> -> memref<2x56x56xf32, #tpu.memory_space<vmem>>
      tpu.enqueue_dma source(%dma_start3A_449 : memref<2x56x56xf32, #tpu.memory_space<vmem>>) target(%dma_start3A_445 : memref<2x56x56xf32, #tpu.memory_space<hbm>>) target_semaphore(%arg11 : memref<!tpu.dma_semaphore, #tpu.memory_space<semaphore_mem>>)
      %dma_wait3A_450 = arith.constant 0 : i32
      %dma_wait3A_451 = arith.constant 0 : i32
      %dma_wait3A_452 = arith.constant 0 : i32
      %dma_wait3A_453 = tpu.memref_slice %arg5[%dma_wait3A_450, %dma_wait3A_451, %dma_wait3A_452] : memref<8x56x56xf32, #tpu.memory_space<vmem>> -> memref<2x56x56xf32, #tpu.memory_space<vmem>>
      %dma_wait3A_454 = arith.constant 0 : i32
      %dma_wait3A_455 = arith.constant 0 : i32
      %dma_wait3A_456 = tpu.memref_slice %arg4[%add3A_407, %dma_wait3A_454, %dma_wait3A_455] : memref<16384x56x56xf32, #tpu.memory_space<hbm>> -> memref<2x56x56xf32, #tpu.memory_space<hbm>>
      %dma_wait3A_457 = arith.constant 0 : i32
      %dma_wait3A_458 = arith.constant 0 : i32
      %dma_wait3A_459 = tpu.memref_slice %arg4[%add3A_407, %dma_wait3A_457, %dma_wait3A_458] : memref<16384x56x56xf32, #tpu.memory_space<hbm>> -> memref<2x56x56xf32, #tpu.memory_space<hbm>>
      %dma_wait3A_460 = arith.constant 0 : i32
      %dma_wait3A_461 = arith.constant 0 : i32
      %dma_wait3A_462 = arith.constant 0 : i32
      %dma_wait3A_463 = tpu.memref_slice %arg5[%dma_wait3A_460, %dma_wait3A_461, %dma_wait3A_462] : memref<8x56x56xf32, #tpu.memory_space<vmem>> -> memref<2x56x56xf32, #tpu.memory_space<vmem>>
      tpu.wait_dma2 semaphore(%arg11 : memref<!tpu.dma_semaphore, #tpu.memory_space<semaphore_mem>>) src(%dma_wait3A_463 : memref<2x56x56xf32, #tpu.memory_space<vmem>>) dst(%dma_wait3A_459 : memref<2x56x56xf32, #tpu.memory_space<hbm>>)
      %ge3A_464 = arith.constant 169 : i32
      %ge3A_465 = arith.constant 85 : i32
      %ge3A_466 = arith.cmpi sge, %ge3A_464, %ge3A_465 : i32
      %convert_element_type3A_467 = arith.extui %ge3A_466 : i1 to i32
      %mul3A_468 = arith.constant 85 : i32
      %mul3A_469 = arith.muli %mul3A_468, %convert_element_type3A_467 : i32
      %sub3A_470 = arith.constant 169 : i32
      %sub3A_471 = arith.subi %sub3A_470, %mul3A_469 : i32
      %mul3A_472 = arith.constant 8192 : i32
      %mul3A_473 = arith.muli %mul3A_472, %convert_element_type3A_467 : i32
      %add3A_474 = arith.addi %add3A_35, %mul3A_473 : i32
      %eq3A_475 = arith.constant 84 : i32
      %eq3A_476 = arith.cmpi eq, %sub3A_471, %eq3A_475 : i32
      %mul3A_477 = arith.constant 3 : i32
      %mul3A_478 = arith.muli %mul3A_477, %sub3A_471 : i32
      %add3A_479 = arith.constant 2 : i32
      %add3A_480 = arith.addi %mul3A_478, %add3A_479 : i32
      %jit3A_481 = arith.constant 254 : i32
      %select_n3A_482 = arith.select %eq3A_476, %jit3A_481, %add3A_480 : i32
      %add3A_483 = arith.addi %add3A_474, %select_n3A_482 : i32
      %ge3A_484 = arith.constant 169 : i32
      %ge3A_485 = arith.constant 85 : i32
      %ge3A_486 = arith.cmpi sge, %ge3A_484, %ge3A_485 : i32
      %convert_element_type3A_487 = arith.extui %ge3A_486 : i1 to i32
      %mul3A_488 = arith.constant 85 : i32
      %mul3A_489 = arith.muli %mul3A_488, %convert_element_type3A_487 : i32
      %sub3A_490 = arith.constant 169 : i32
      %sub3A_491 = arith.subi %sub3A_490, %mul3A_489 : i32
      %mul3A_492 = arith.constant 8192 : i32
      %mul3A_493 = arith.muli %mul3A_492, %convert_element_type3A_487 : i32
      %add3A_494 = arith.addi %add3A_35, %mul3A_493 : i32
      %eq3A_495 = arith.constant 84 : i32
      %eq3A_496 = arith.cmpi eq, %sub3A_491, %eq3A_495 : i32
      %mul3A_497 = arith.constant 3 : i32
      %mul3A_498 = arith.muli %mul3A_497, %sub3A_491 : i32
      %add3A_499 = arith.constant 2 : i32
      %add3A_500 = arith.addi %mul3A_498, %add3A_499 : i32
      %jit3A_501 = arith.constant 254 : i32
      %select_n3A_502 = arith.select %eq3A_496, %jit3A_501, %add3A_500 : i32
      %add3A_503 = arith.addi %add3A_494, %select_n3A_502 : i32
      %dma_start3A_504 = arith.constant 0 : i32
      %dma_start3A_505 = arith.constant 0 : i32
      %dma_start3A_506 = arith.constant 0 : i32
      %dma_start3A_507 = tpu.memref_slice %arg5[%dma_start3A_504, %dma_start3A_505, %dma_start3A_506] : memref<8x56x56xf32, #tpu.memory_space<vmem>> -> memref<2x56x56xf32, #tpu.memory_space<vmem>>
      %dma_start3A_508 = arith.constant 0 : i32
      %dma_start3A_509 = arith.constant 0 : i32
      %dma_start3A_510 = tpu.memref_slice %arg2[%add3A_483, %dma_start3A_508, %dma_start3A_509] : memref<16384x56x56xf32, #tpu.memory_space<hbm>> -> memref<2x56x56xf32, #tpu.memory_space<hbm>>
      %dma_start3A_511 = arith.constant 0 : i32
      %dma_start3A_512 = arith.constant 0 : i32
      %dma_start3A_513 = arith.constant 0 : i32
      %dma_start3A_514 = tpu.memref_slice %arg5[%dma_start3A_511, %dma_start3A_512, %dma_start3A_513] : memref<8x56x56xf32, #tpu.memory_space<vmem>> -> memref<2x56x56xf32, #tpu.memory_space<vmem>>
      %dma_start3A_515 = arith.constant 0 : i32
      %dma_start3A_516 = arith.constant 0 : i32
      %dma_start3A_517 = tpu.memref_slice %arg2[%add3A_483, %dma_start3A_515, %dma_start3A_516] : memref<16384x56x56xf32, #tpu.memory_space<hbm>> -> memref<2x56x56xf32, #tpu.memory_space<hbm>>
      tpu.enqueue_dma source(%dma_start3A_517 : memref<2x56x56xf32, #tpu.memory_space<hbm>>) target(%dma_start3A_514 : memref<2x56x56xf32, #tpu.memory_space<vmem>>) target_semaphore(%arg7 : memref<!tpu.dma_semaphore, #tpu.memory_space<semaphore_mem>>)
      %dma_wait3A_518 = arith.constant 0 : i32
      %dma_wait3A_519 = arith.constant 0 : i32
      %dma_wait3A_520 = arith.constant 0 : i32
      %dma_wait3A_521 = tpu.memref_slice %arg5[%dma_wait3A_518, %dma_wait3A_519, %dma_wait3A_520] : memref<8x56x56xf32, #tpu.memory_space<vmem>> -> memref<2x56x56xf32, #tpu.memory_space<vmem>>
      %dma_wait3A_522 = arith.constant 0 : i32
      %dma_wait3A_523 = arith.constant 0 : i32
      %dma_wait3A_524 = tpu.memref_slice %arg2[%add3A_483, %dma_wait3A_522, %dma_wait3A_523] : memref<16384x56x56xf32, #tpu.memory_space<hbm>> -> memref<2x56x56xf32, #tpu.memory_space<hbm>>
      %dma_wait3A_525 = arith.constant 0 : i32
      %dma_wait3A_526 = arith.constant 0 : i32
      %dma_wait3A_527 = arith.constant 0 : i32
      %dma_wait3A_528 = tpu.memref_slice %arg5[%dma_wait3A_525, %dma_wait3A_526, %dma_wait3A_527] : memref<8x56x56xf32, #tpu.memory_space<vmem>> -> memref<2x56x56xf32, #tpu.memory_space<vmem>>
      %dma_wait3A_529 = arith.constant 0 : i32
      %dma_wait3A_530 = arith.constant 0 : i32
      %dma_wait3A_531 = tpu.memref_slice %arg2[%add3A_483, %dma_wait3A_529, %dma_wait3A_530] : memref<16384x56x56xf32, #tpu.memory_space<hbm>> -> memref<2x56x56xf32, #tpu.memory_space<hbm>>
      tpu.wait_dma2 semaphore(%arg7 : memref<!tpu.dma_semaphore, #tpu.memory_space<semaphore_mem>>) src(%dma_wait3A_531 : memref<2x56x56xf32, #tpu.memory_space<hbm>>) dst(%dma_wait3A_528 : memref<2x56x56xf32, #tpu.memory_space<vmem>>)
      %dma_start3A_532 = arith.constant 0 : i32
      %dma_start3A_533 = arith.constant 0 : i32
      %dma_start3A_534 = arith.constant 0 : i32
      %dma_start3A_535 = tpu.memref_slice %arg5[%dma_start3A_532, %dma_start3A_533, %dma_start3A_534] : memref<8x56x56xf32, #tpu.memory_space<vmem>> -> memref<2x56x56xf32, #tpu.memory_space<vmem>>
      %dma_start3A_536 = arith.constant 0 : i32
      %dma_start3A_537 = arith.constant 0 : i32
      %dma_start3A_538 = tpu.memref_slice %arg4[%add3A_503, %dma_start3A_536, %dma_start3A_537] : memref<16384x56x56xf32, #tpu.memory_space<hbm>> -> memref<2x56x56xf32, #tpu.memory_space<hbm>>
      %dma_start3A_539 = arith.constant 0 : i32
      %dma_start3A_540 = arith.constant 0 : i32
      %dma_start3A_541 = tpu.memref_slice %arg4[%add3A_503, %dma_start3A_539, %dma_start3A_540] : memref<16384x56x56xf32, #tpu.memory_space<hbm>> -> memref<2x56x56xf32, #tpu.memory_space<hbm>>
      %dma_start3A_542 = arith.constant 0 : i32
      %dma_start3A_543 = arith.constant 0 : i32
      %dma_start3A_544 = arith.constant 0 : i32
      %dma_start3A_545 = tpu.memref_slice %arg5[%dma_start3A_542, %dma_start3A_543, %dma_start3A_544] : memref<8x56x56xf32, #tpu.memory_space<vmem>> -> memref<2x56x56xf32, #tpu.memory_space<vmem>>
      tpu.enqueue_dma source(%dma_start3A_545 : memref<2x56x56xf32, #tpu.memory_space<vmem>>) target(%dma_start3A_541 : memref<2x56x56xf32, #tpu.memory_space<hbm>>) target_semaphore(%arg11 : memref<!tpu.dma_semaphore, #tpu.memory_space<semaphore_mem>>)
      %dma_wait3A_546 = arith.constant 0 : i32
      %dma_wait3A_547 = arith.constant 0 : i32
      %dma_wait3A_548 = arith.constant 0 : i32
      %dma_wait3A_549 = tpu.memref_slice %arg5[%dma_wait3A_546, %dma_wait3A_547, %dma_wait3A_548] : memref<8x56x56xf32, #tpu.memory_space<vmem>> -> memref<2x56x56xf32, #tpu.memory_space<vmem>>
      %dma_wait3A_550 = arith.constant 0 : i32
      %dma_wait3A_551 = arith.constant 0 : i32
      %dma_wait3A_552 = tpu.memref_slice %arg4[%add3A_503, %dma_wait3A_550, %dma_wait3A_551] : memref<16384x56x56xf32, #tpu.memory_space<hbm>> -> memref<2x56x56xf32, #tpu.memory_space<hbm>>
      %dma_wait3A_553 = arith.constant 0 : i32
      %dma_wait3A_554 = arith.constant 0 : i32
      %dma_wait3A_555 = tpu.memref_slice %arg4[%add3A_503, %dma_wait3A_553, %dma_wait3A_554] : memref<16384x56x56xf32, #tpu.memory_space<hbm>> -> memref<2x56x56xf32, #tpu.memory_space<hbm>>
      %dma_wait3A_556 = arith.constant 0 : i32
      %dma_wait3A_557 = arith.constant 0 : i32
      %dma_wait3A_558 = arith.constant 0 : i32
      %dma_wait3A_559 = tpu.memref_slice %arg5[%dma_wait3A_556, %dma_wait3A_557, %dma_wait3A_558] : memref<8x56x56xf32, #tpu.memory_space<vmem>> -> memref<2x56x56xf32, #tpu.memory_space<vmem>>
      tpu.wait_dma2 semaphore(%arg11 : memref<!tpu.dma_semaphore, #tpu.memory_space<semaphore_mem>>) src(%dma_wait3A_559 : memref<2x56x56xf32, #tpu.memory_space<vmem>>) dst(%dma_wait3A_555 : memref<2x56x56xf32, #tpu.memory_space<hbm>>)
      %dma_start3A_560 = arith.constant 0 : i32
      %dma_start3A_561 = arith.constant 0 : i32
      %dma_start3A_562 = arith.constant 0 : i32
      %dma_start3A_563 = tpu.memref_slice %arg5[%dma_start3A_560, %dma_start3A_561, %dma_start3A_562] : memref<8x56x56xf32, #tpu.memory_space<vmem>> -> memref<1x56x56xf32, #tpu.memory_space<vmem>>
      %dma_start3A_564 = arith.constant 0 : i32
      %dma_start3A_565 = arith.constant 0 : i32
      %dma_start3A_566 = tpu.memref_slice %arg2[%add3A_35, %dma_start3A_564, %dma_start3A_565] : memref<16384x56x56xf32, #tpu.memory_space<hbm>> -> memref<1x56x56xf32, #tpu.memory_space<hbm>>
      %dma_start3A_567 = arith.constant 0 : i32
      %dma_start3A_568 = arith.constant 0 : i32
      %dma_start3A_569 = arith.constant 0 : i32
      %dma_start3A_570 = tpu.memref_slice %arg5[%dma_start3A_567, %dma_start3A_568, %dma_start3A_569] : memref<8x56x56xf32, #tpu.memory_space<vmem>> -> memref<1x56x56xf32, #tpu.memory_space<vmem>>
      %dma_start3A_571 = arith.constant 0 : i32
      %dma_start3A_572 = arith.constant 0 : i32
      %dma_start3A_573 = tpu.memref_slice %arg2[%add3A_35, %dma_start3A_571, %dma_start3A_572] : memref<16384x56x56xf32, #tpu.memory_space<hbm>> -> memref<1x56x56xf32, #tpu.memory_space<hbm>>
      tpu.enqueue_dma source(%dma_start3A_573 : memref<1x56x56xf32, #tpu.memory_space<hbm>>) target(%dma_start3A_570 : memref<1x56x56xf32, #tpu.memory_space<vmem>>) target_semaphore(%arg7 : memref<!tpu.dma_semaphore, #tpu.memory_space<semaphore_mem>>)
      %dma_wait3A_574 = arith.constant 0 : i32
      %dma_wait3A_575 = arith.constant 0 : i32
      %dma_wait3A_576 = arith.constant 0 : i32
      %dma_wait3A_577 = tpu.memref_slice %arg5[%dma_wait3A_574, %dma_wait3A_575, %dma_wait3A_576] : memref<8x56x56xf32, #tpu.memory_space<vmem>> -> memref<1x56x56xf32, #tpu.memory_space<vmem>>
      %dma_wait3A_578 = arith.constant 0 : i32
      %dma_wait3A_579 = arith.constant 0 : i32
      %dma_wait3A_580 = tpu.memref_slice %arg2[%add3A_35, %dma_wait3A_578, %dma_wait3A_579] : memref<16384x56x56xf32, #tpu.memory_space<hbm>> -> memref<1x56x56xf32, #tpu.memory_space<hbm>>
      %dma_wait3A_581 = arith.constant 0 : i32
      %dma_wait3A_582 = arith.constant 0 : i32
      %dma_wait3A_583 = arith.constant 0 : i32
      %dma_wait3A_584 = tpu.memref_slice %arg5[%dma_wait3A_581, %dma_wait3A_582, %dma_wait3A_583] : memref<8x56x56xf32, #tpu.memory_space<vmem>> -> memref<1x56x56xf32, #tpu.memory_space<vmem>>
      %dma_wait3A_585 = arith.constant 0 : i32
      %dma_wait3A_586 = arith.constant 0 : i32
      %dma_wait3A_587 = tpu.memref_slice %arg2[%add3A_35, %dma_wait3A_585, %dma_wait3A_586] : memref<16384x56x56xf32, #tpu.memory_space<hbm>> -> memref<1x56x56xf32, #tpu.memory_space<hbm>>
      tpu.wait_dma2 semaphore(%arg7 : memref<!tpu.dma_semaphore, #tpu.memory_space<semaphore_mem>>) src(%dma_wait3A_587 : memref<1x56x56xf32, #tpu.memory_space<hbm>>) dst(%dma_wait3A_584 : memref<1x56x56xf32, #tpu.memory_space<vmem>>)
      %dma_start3A_588 = arith.constant 0 : i32
      %dma_start3A_589 = arith.constant 0 : i32
      %dma_start3A_590 = arith.constant 0 : i32
      %dma_start3A_591 = tpu.memref_slice %arg5[%dma_start3A_588, %dma_start3A_589, %dma_start3A_590] : memref<8x56x56xf32, #tpu.memory_space<vmem>> -> memref<1x56x56xf32, #tpu.memory_space<vmem>>
      %dma_start3A_592 = arith.constant 0 : i32
      %dma_start3A_593 = arith.constant 0 : i32
      %dma_start3A_594 = tpu.memref_slice %arg4[%add3A_35, %dma_start3A_592, %dma_start3A_593] : memref<16384x56x56xf32, #tpu.memory_space<hbm>> -> memref<1x56x56xf32, #tpu.memory_space<hbm>>
      %dma_start3A_595 = arith.constant 0 : i32
      %dma_start3A_596 = arith.constant 0 : i32
      %dma_start3A_597 = tpu.memref_slice %arg4[%add3A_35, %dma_start3A_595, %dma_start3A_596] : memref<16384x56x56xf32, #tpu.memory_space<hbm>> -> memref<1x56x56xf32, #tpu.memory_space<hbm>>
      %dma_start3A_598 = arith.constant 0 : i32
      %dma_start3A_599 = arith.constant 0 : i32
      %dma_start3A_600 = arith.constant 0 : i32
      %dma_start3A_601 = tpu.memref_slice %arg5[%dma_start3A_598, %dma_start3A_599, %dma_start3A_600] : memref<8x56x56xf32, #tpu.memory_space<vmem>> -> memref<1x56x56xf32, #tpu.memory_space<vmem>>
      tpu.enqueue_dma source(%dma_start3A_601 : memref<1x56x56xf32, #tpu.memory_space<vmem>>) target(%dma_start3A_597 : memref<1x56x56xf32, #tpu.memory_space<hbm>>) target_semaphore(%arg11 : memref<!tpu.dma_semaphore, #tpu.memory_space<semaphore_mem>>)
      %dma_wait3A_602 = arith.constant 0 : i32
      %dma_wait3A_603 = arith.constant 0 : i32
      %dma_wait3A_604 = arith.constant 0 : i32
      %dma_wait3A_605 = tpu.memref_slice %arg5[%dma_wait3A_602, %dma_wait3A_603, %dma_wait3A_604] : memref<8x56x56xf32, #tpu.memory_space<vmem>> -> memref<1x56x56xf32, #tpu.memory_space<vmem>>
      %dma_wait3A_606 = arith.constant 0 : i32
      %dma_wait3A_607 = arith.constant 0 : i32
      %dma_wait3A_608 = tpu.memref_slice %arg4[%add3A_35, %dma_wait3A_606, %dma_wait3A_607] : memref<16384x56x56xf32, #tpu.memory_space<hbm>> -> memref<1x56x56xf32, #tpu.memory_space<hbm>>
      %dma_wait3A_609 = arith.constant 0 : i32
      %dma_wait3A_610 = arith.constant 0 : i32
      %dma_wait3A_611 = tpu.memref_slice %arg4[%add3A_35, %dma_wait3A_609, %dma_wait3A_610] : memref<16384x56x56xf32, #tpu.memory_space<hbm>> -> memref<1x56x56xf32, #tpu.memory_space<hbm>>
      %dma_wait3A_612 = arith.constant 0 : i32
      %dma_wait3A_613 = arith.constant 0 : i32
      %dma_wait3A_614 = arith.constant 0 : i32
      %dma_wait3A_615 = tpu.memref_slice %arg5[%dma_wait3A_612, %dma_wait3A_613, %dma_wait3A_614] : memref<8x56x56xf32, #tpu.memory_space<vmem>> -> memref<1x56x56xf32, #tpu.memory_space<vmem>>
      tpu.wait_dma2 semaphore(%arg11 : memref<!tpu.dma_semaphore, #tpu.memory_space<semaphore_mem>>) src(%dma_wait3A_615 : memref<1x56x56xf32, #tpu.memory_space<vmem>>) dst(%dma_wait3A_611 : memref<1x56x56xf32, #tpu.memory_space<hbm>>)
      %add3A_616 = arith.constant 8192 : i32
      %add3A_617 = arith.addi %add3A_35, %add3A_616 : i32
      %add3A_618 = arith.constant 8192 : i32
      %add3A_619 = arith.addi %add3A_35, %add3A_618 : i32
      %dma_start3A_620 = arith.constant 0 : i32
      %dma_start3A_621 = arith.constant 0 : i32
      %dma_start3A_622 = arith.constant 0 : i32
      %dma_start3A_623 = tpu.memref_slice %arg5[%dma_start3A_620, %dma_start3A_621, %dma_start3A_622] : memref<8x56x56xf32, #tpu.memory_space<vmem>> -> memref<1x56x56xf32, #tpu.memory_space<vmem>>
      %dma_start3A_624 = arith.constant 0 : i32
      %dma_start3A_625 = arith.constant 0 : i32
      %dma_start3A_626 = tpu.memref_slice %arg2[%add3A_617, %dma_start3A_624, %dma_start3A_625] : memref<16384x56x56xf32, #tpu.memory_space<hbm>> -> memref<1x56x56xf32, #tpu.memory_space<hbm>>
      %dma_start3A_627 = arith.constant 0 : i32
      %dma_start3A_628 = arith.constant 0 : i32
      %dma_start3A_629 = arith.constant 0 : i32
      %dma_start3A_630 = tpu.memref_slice %arg5[%dma_start3A_627, %dma_start3A_628, %dma_start3A_629] : memref<8x56x56xf32, #tpu.memory_space<vmem>> -> memref<1x56x56xf32, #tpu.memory_space<vmem>>
      %dma_start3A_631 = arith.constant 0 : i32
      %dma_start3A_632 = arith.constant 0 : i32
      %dma_start3A_633 = tpu.memref_slice %arg2[%add3A_617, %dma_start3A_631, %dma_start3A_632] : memref<16384x56x56xf32, #tpu.memory_space<hbm>> -> memref<1x56x56xf32, #tpu.memory_space<hbm>>
      tpu.enqueue_dma source(%dma_start3A_633 : memref<1x56x56xf32, #tpu.memory_space<hbm>>) target(%dma_start3A_630 : memref<1x56x56xf32, #tpu.memory_space<vmem>>) target_semaphore(%arg7 : memref<!tpu.dma_semaphore, #tpu.memory_space<semaphore_mem>>)
      %dma_wait3A_634 = arith.constant 0 : i32
      %dma_wait3A_635 = arith.constant 0 : i32
      %dma_wait3A_636 = arith.constant 0 : i32
      %dma_wait3A_637 = tpu.memref_slice %arg5[%dma_wait3A_634, %dma_wait3A_635, %dma_wait3A_636] : memref<8x56x56xf32, #tpu.memory_space<vmem>> -> memref<1x56x56xf32, #tpu.memory_space<vmem>>
      %dma_wait3A_638 = arith.constant 0 : i32
      %dma_wait3A_639 = arith.constant 0 : i32
      %dma_wait3A_640 = tpu.memref_slice %arg2[%add3A_617, %dma_wait3A_638, %dma_wait3A_639] : memref<16384x56x56xf32, #tpu.memory_space<hbm>> -> memref<1x56x56xf32, #tpu.memory_space<hbm>>
      %dma_wait3A_641 = arith.constant 0 : i32
      %dma_wait3A_642 = arith.constant 0 : i32
      %dma_wait3A_643 = arith.constant 0 : i32
      %dma_wait3A_644 = tpu.memref_slice %arg5[%dma_wait3A_641, %dma_wait3A_642, %dma_wait3A_643] : memref<8x56x56xf32, #tpu.memory_space<vmem>> -> memref<1x56x56xf32, #tpu.memory_space<vmem>>
      %dma_wait3A_645 = arith.constant 0 : i32
      %dma_wait3A_646 = arith.constant 0 : i32
      %dma_wait3A_647 = tpu.memref_slice %arg2[%add3A_617, %dma_wait3A_645, %dma_wait3A_646] : memref<16384x56x56xf32, #tpu.memory_space<hbm>> -> memref<1x56x56xf32, #tpu.memory_space<hbm>>
      tpu.wait_dma2 semaphore(%arg7 : memref<!tpu.dma_semaphore, #tpu.memory_space<semaphore_mem>>) src(%dma_wait3A_647 : memref<1x56x56xf32, #tpu.memory_space<hbm>>) dst(%dma_wait3A_644 : memref<1x56x56xf32, #tpu.memory_space<vmem>>)
      %dma_start3A_648 = arith.constant 0 : i32
      %dma_start3A_649 = arith.constant 0 : i32
      %dma_start3A_650 = arith.constant 0 : i32
      %dma_start3A_651 = tpu.memref_slice %arg5[%dma_start3A_648, %dma_start3A_649, %dma_start3A_650] : memref<8x56x56xf32, #tpu.memory_space<vmem>> -> memref<1x56x56xf32, #tpu.memory_space<vmem>>
      %dma_start3A_652 = arith.constant 0 : i32
      %dma_start3A_653 = arith.constant 0 : i32
      %dma_start3A_654 = tpu.memref_slice %arg4[%add3A_619, %dma_start3A_652, %dma_start3A_653] : memref<16384x56x56xf32, #tpu.memory_space<hbm>> -> memref<1x56x56xf32, #tpu.memory_space<hbm>>
      %dma_start3A_655 = arith.constant 0 : i32
      %dma_start3A_656 = arith.constant 0 : i32
      %dma_start3A_657 = tpu.memref_slice %arg4[%add3A_619, %dma_start3A_655, %dma_start3A_656] : memref<16384x56x56xf32, #tpu.memory_space<hbm>> -> memref<1x56x56xf32, #tpu.memory_space<hbm>>
      %dma_start3A_658 = arith.constant 0 : i32
      %dma_start3A_659 = arith.constant 0 : i32
      %dma_start3A_660 = arith.constant 0 : i32
      %dma_start3A_661 = tpu.memref_slice %arg5[%dma_start3A_658, %dma_start3A_659, %dma_start3A_660] : memref<8x56x56xf32, #tpu.memory_space<vmem>> -> memref<1x56x56xf32, #tpu.memory_space<vmem>>
      tpu.enqueue_dma source(%dma_start3A_661 : memref<1x56x56xf32, #tpu.memory_space<vmem>>) target(%dma_start3A_657 : memref<1x56x56xf32, #tpu.memory_space<hbm>>) target_semaphore(%arg11 : memref<!tpu.dma_semaphore, #tpu.memory_space<semaphore_mem>>)
      %dma_wait3A_662 = arith.constant 0 : i32
      %dma_wait3A_663 = arith.constant 0 : i32
      %dma_wait3A_664 = arith.constant 0 : i32
      %dma_wait3A_665 = tpu.memref_slice %arg5[%dma_wait3A_662, %dma_wait3A_663, %dma_wait3A_664] : memref<8x56x56xf32, #tpu.memory_space<vmem>> -> memref<1x56x56xf32, #tpu.memory_space<vmem>>
      %dma_wait3A_666 = arith.constant 0 : i32
      %dma_wait3A_667 = arith.constant 0 : i32
      %dma_wait3A_668 = tpu.memref_slice %arg4[%add3A_619, %dma_wait3A_666, %dma_wait3A_667] : memref<16384x56x56xf32, #tpu.memory_space<hbm>> -> memref<1x56x56xf32, #tpu.memory_space<hbm>>
      %dma_wait3A_669 = arith.constant 0 : i32
      %dma_wait3A_670 = arith.constant 0 : i32
      %dma_wait3A_671 = tpu.memref_slice %arg4[%add3A_619, %dma_wait3A_669, %dma_wait3A_670] : memref<16384x56x56xf32, #tpu.memory_space<hbm>> -> memref<1x56x56xf32, #tpu.memory_space<hbm>>
      %dma_wait3A_672 = arith.constant 0 : i32
      %dma_wait3A_673 = arith.constant 0 : i32
      %dma_wait3A_674 = arith.constant 0 : i32
      %dma_wait3A_675 = tpu.memref_slice %arg5[%dma_wait3A_672, %dma_wait3A_673, %dma_wait3A_674] : memref<8x56x56xf32, #tpu.memory_space<vmem>> -> memref<1x56x56xf32, #tpu.memory_space<vmem>>
      tpu.wait_dma2 semaphore(%arg11 : memref<!tpu.dma_semaphore, #tpu.memory_space<semaphore_mem>>) src(%dma_wait3A_675 : memref<1x56x56xf32, #tpu.memory_space<vmem>>) dst(%dma_wait3A_671 : memref<1x56x56xf32, #tpu.memory_space<hbm>>)
    } else {
    }
    return
  }
}

</mosaic_0001>

<sc_bundles>
// kernel: kernel.3.cloned.1.call-start
scs
__scs_entry_jumppad:
0x0: {  	(pc) =	sbr.rel $0x88, $3  }
0x1: {  	(tag) =	ssettag $0x0;
	lr =	simm.s32 $0x1  }
0x2: {  	[smem:$0x3FA0] =	sst lr;
	_ =	strace $0xD0000000  }
0x3: {  	_ = 	snop  }
0x4: {  	_ = 	snop  }
0x5: {  	_ = 	snop  }
0x6: {  	_ = 	snop  }
0x7: {  	_ = 	snop  }
__scs_overlays_trampoline_lowered:
0x8: {  	[smem:$0x3FAF] =	sst s0  }
0x9: {  	[smem:$0x3FB0] =	sst s1  }
0xa: {  	[smem:$0x3FB1] =	sst s2  }
0xb: {  	[smem:$0x3FB2] =	sst s3  }
0xc: {  	[smem:$0x3FB3] =	sst s4  }
0xd: {  	[smem:$0x3FB4] =	sst s5  }
0xe: {  	[smem:$0x3FB5] =	sst s6  }
0xf: {  	[smem:$0x3FB6] =	sst s7  }
0x10: {  	[smem:$0x3FB7] =	sst s8  }
0x11: {  	[smem:$0x3FB8] =	sst s9;
	s0 =	simm.s32 @!p0 $0x0  }
0x12: {  	s1 =	sld [smem:$0x3F9E];
	s0 =	simm.s32 @p0 $0x1  }
0x13: {  	[smem:$0x3FB9] =	sst s0;
	s0 =	simm.s32 @!p1 $0x0  }
0x14: {  	s2 =	sld [smem:$0x3F9D];
	s0 =	simm.s32 @p1 $0x1  }
0x15: {  	[smem:$0x3FBA] =	sst s0;
	s0 =	simm.s32 @!p2 $0x0  }
0x16: {  	s3 =	sld [smem:$0x3FDB];
	s0 =	simm.s32 @p2 $0x1  }
0x17: {  	s4 =	simm.s32 $0x1BF5;
	[smem:$0x3FBC] =	sst s0  }
0x18: {  	s0 =	sld [smem:$0x3F9F];
	_ =	swait.ge [sflag:s4], $0x0  }
0x19: {  	s7 =	sld [smem:$0x3FA0]  }
0x1a: {  	s8 =	sadd.s32 $0xFFFFE003, lr  }
0x1b: {  	s9 =	sadd.s32 $0xFFFFFEF7, lr;
	s5 =	simm.s32 $0xFFFFFFFF;
	p2 =	slt.u32 s8, $0xFFFFF086  }
0x1c: {  	p1 =	slt.u32 s9, $0xF7A;
	s5 =	simm.s32 @!p2 $0x0  }
0x1d: {  	s5 =	simm.s32 @p1 $0x1;
	p0 =	seq.s32 s7, s2  }
0x1e: {  	s7 =	smul.u32 @!p0 $0xF7A, s2;
	p2 =	seq.s32 @!p0 s5, $0x0  }
0x1f: {  	s9 =	smul.u32 $0xF7A, s1;
	s8 =	simm.s32 @!p0 $0x1BF5;
	p2 =	por !p2, p0  }
0x20: {  	[sflag:s8] =	ssyncset.s32 @!p0 $0xFFFFF086;
	s6 =	sadd.s32 @!p0 s3, s7;
	s7 =	simm.s32 @!p0 $0x108  }
0x21: {  	s3 =	sadd.s32 s3, s9;
	s6 =	sadd.s32 @!p0 $0x88, s6;
	s7 =	simm.s32 @p2 $0x1082  }
0x22: {  	[simem:s7], [sflag:s8] =	dma.local @!p0 [hbm:s6], $0xF7A  }
0x23: {  	s9 =	sor.u32 $0xD0000000, s2;
	s6 =	simm.s32 $0x108;
	_ =	swait.ge @!p0 [sflag:s8], $0x0  }
0x24: {  	s3 =	sadd.s32 $0x88, s3;
	s6 =	simm.s32 @!p1 $0x1082;
	[sflag:s4] =	ssyncset.s32 $0xFFFFF086  }
0x25: {  	[simem:s6], [sflag:s4] =	dma.local [hbm:s3], $0xF7A  }
0x26: {  	[smem:$0x3FA0] =	sst s1;
	(tag) =	ssettag s2;
	_ =	strace s9  }
0x27: {  	s1 =	sld [smem:$0x3FB0]  }
0x28: {  	s2 =	sld [smem:$0x3FB1]  }
0x29: {  	s4 =	sld [smem:$0x3FB3]  }
0x2a: {  	p0 =	seq.s32 s5, $0x0;
	s5 =	sld [smem:$0x3FB4]  }
0x2b: {  	s6 =	sld [smem:$0x3FB5]  }
0x2c: {  	s7 =	sld [smem:$0x3FB6]  }
0x2d: {  	s3 =	simm.s32 $0x108;
	s8 =	sld [smem:$0x3FB7]  }
0x2e: {  	s3 =	simm.s32 @!p0 $0x1082;
	s9 =	sld [smem:$0x3FB8]  }
0x2f: {  	lr =	sadd.s32 s0, s3;
	s0 =	sld [smem:$0x3FAF]  }
0x30: {  	s3 =	sld [smem:$0x3FB2]  }
0x31: {  	[smem:$0x3FBB] =	sst s10  }
0x32: {  	s10 =	sld [smem:$0x3FB9];
	_ =	sdelay $0x3  }
0x33: {  	p0 =	seq.s32 s10, $0x1;
	s10 =	sld [smem:$0x3FBB];
	_ =	sdelay $0x3  }
0x34: {  	[smem:$0x3FBB] =	sst s10  }
0x35: {  	s10 =	sld [smem:$0x3FBA];
	_ =	sdelay $0x3  }
0x36: {  	p1 =	seq.s32 s10, $0x1;
	s10 =	sld [smem:$0x3FBB];
	_ =	sdelay $0x3  }
0x37: {  	[smem:$0x3FBB] =	sst s10  }
0x38: {  	s10 =	sld [smem:$0x3FBC]  }
0x39: {  	_ = 	snop;
	(pc) =	sbr.ind lr, $3  }
0x3a: {  	_ = 	snop  }
0x3b: {  	_ = 	snop  }
0x3c: {  	p2 =	seq.s32 s10, $0x1;
	s10 =	sld [smem:$0x3FBB]  }
0x3d: {  	_ =	shalt  }
0x3e: {  	_ =	shalt  }
0x3f: {  	_ =	shalt  }
0x40: {  	_ =	shalt  }
0x41: {  	_ =	shalt  }
0x42: {  	_ =	shalt  }
0x43: {  	_ =	shalt  }
0x44: {  	_ =	shalt  }
0x45: {  	_ =	shalt  }
0x46: {  	_ =	shalt  }
0x47: {  	_ =	shalt  }
0x48: {  	_ =	shalt  }
0x49: {  	_ =	shalt  }
0x4a: {  	_ =	shalt  }
0x4b: {  	_ =	shalt  }
0x4c: {  	_ =	shalt  }
0x4d: {  	_ =	shalt  }
0x4e: {  	_ =	shalt  }
0x4f: {  	_ =	shalt  }
0x50: {  	_ =	shalt  }
0x51: {  	_ =	shalt  }
0x52: {  	_ =	shalt  }
0x53: {  	_ =	shalt  }
0x54: {  	_ =	shalt  }
0x55: {  	_ =	shalt  }
0x56: {  	_ =	shalt  }
0x57: {  	_ =	shalt  }
0x58: {  	_ =	shalt  }
0x59: {  	_ =	shalt  }
0x5a: {  	_ =	shalt  }
0x5b: {  	_ =	shalt  }
0x5c: {  	_ =	shalt  }
0x5d: {  	_ =	shalt  }
0x5e: {  	_ =	shalt  }
0x5f: {  	_ =	shalt  }
0x60: {  	_ =	shalt  }
0x61: {  	_ =	shalt  }
0x62: {  	_ =	shalt  }
0x63: {  	_ =	shalt  }
0x64: {  	_ =	shalt  }
0x65: {  	_ =	shalt  }
0x66: {  	_ =	shalt  }
0x67: {  	_ =	shalt  }
0x68: {  	_ =	shalt  }
0x69: {  	_ =	shalt  }
0x6a: {  	_ =	shalt  }
0x6b: {  	_ =	shalt  }
0x6c: {  	_ =	shalt  }
0x6d: {  	_ =	shalt  }
0x6e: {  	_ =	shalt  }
0x6f: {  	_ =	shalt  }
0x70: {  	_ =	shalt  }
0x71: {  	_ =	shalt  }
0x72: {  	_ =	shalt  }
0x73: {  	_ =	shalt  }
0x74: {  	_ =	shalt  }
0x75: {  	_ =	shalt  }
0x76: {  	_ =	shalt  }
0x77: {  	_ =	shalt  }
0x78: {  	_ =	shalt  }
0x79: {  	_ =	shalt  }
0x7a: {  	_ =	shalt  }
0x7b: {  	_ =	shalt  }
0x7c: {  	_ =	shalt  }
0x7d: {  	_ =	shalt  }
0x7e: {  	_ =	shalt  }
0x7f: {  	_ =	shalt  }
0x80: {  	_ =	shalt  }
0x81: {  	_ =	shalt  }
0x82: {  	_ =	shalt  }
0x83: {  	_ =	shalt  }
0x84: {  	_ =	shalt  }
0x85: {  	_ =	shalt  }
0x86: {  	_ =	shalt  }
0x87: {  	_ =	shalt  }
.Lfunc_end0:
.L_simem_size_0:
called_computation.1_lowered:
.L_overlay_start_0:
0x88: {  	s2 =	sld [smem:$0x3FD9]  }
0x89: {  	s3 =	sld [smem:$0x3FFE];
	_ =	sdelay $0x1  }
0x8a: {  	s1 =	srdreg.scid  }
0x8b: {  	s0 =	sand.u32 $0x1, s1  }
0x8c: {  	s17 =	sshll.u32 s0, $0xA;
	s2 =	sadd.s32 s3, s2  }
0x8d: {  	s2 =	sadd.s32 s2, s17  }
0x8e: {  	[smem:$0x3FC7] =	sst s2  }
0x8f: {  	_ = 	snop  }
0x90: {  	s2 =	sld [smem:$0x3FD0];
	(tm) =	ssettm $0x1  }
0x91: {  	s18 =	sld [smem:$0x3FFB];
	_ =	sdelay $0x3  }
0x92: {  	_ =	strace s18  }
0x93: {  	s3 =	sld [smem:$0x3FFC];
	_ =	sdelay $0x3  }
0x94: {  	_ =	strace s3  }
0x95: {  	s3 =	sld [smem:$0x3FFD];
	_ =	sdelay $0x3  }
0x96: {  	_ =	strace s3  }
0x97: {  	_ =	strace $0x8FFFFFFF  }
0x98: {  	s19 =	sld [smem:$0x3FDB];
	_ =	sdelay $0x1  }
0x99: {  	s4 =	simm.s32 $_scs_section_size  }
0x9a: {  	s5 =	simm.s32 $_size__tile_overlayer_lowered;
	s6 =	simm.s32 $_tile_overlayer_lowered  }
0x9b: {  	s22 =	simm.s32 $0x1BFF;
	s21 =	sshll.u32 s6, $0x1;
	s3 =	sadd.s32 s4, s19  }
0x9c: {  	s7 =	simm.s32 $0x0;
	s20 =	sshll.u32 s5, $0x1;
	s5 =	sadd.s32 s21, s3  }
0x9d: {  	[timem:s7], [sflag:s22] =	dma.local [hbm:s5], s20  }
0x9e: {  	_ =	swait.ge [sflag:s22], s20  }
0x9f: {  	s4 =	ssub.s32 $0x0, s20;
	[sflag:s22] =	ssyncset.done $0x0  }
0xa0: {  	[sflag:s22] =	ssyncadd.s32 s4;
	_ =	sdelay $0x1  }
0xa1: {  	s23 =	simm.s32 $0x1B8B  }
0xa2: {  	_ =	swait.ge [sflag:s23], $0x1  }
0xa3: {  	[sflag:s23] =	ssyncset.done $0x0  }
0xa4: {  	s25 =	simm.s32 $0x1B8E;
	s24 =	sld [smem:$0x3FFE];
	[sflag:s23] =	ssyncadd.s32 $0xFFFFFFFF  }
0xa5: {  	s26 =	simm.s32 $execute0_lowered;
	[smem:$0x3FD2] =	sst s25  }
0xa6: {  	s5 =	sshll.u32 s26, $0x1;
	_ =	strace $0x80000046;
	[dreg:$0x1] =	wrdreg $0xFFFFFFFF  }
0xa7: {  	s28 =	simm.s32 $_size_execute0_lowered;
	s3 =	sadd.s32 s3, s5;
	[dreg:$0x0] =	wrdreg $0x0  }
0xa8: {  	s5 =	sshll.u32 s28, $0x1;
	[dreg:$0x2] =	wrdreg s3  }
0xa9: {  	[dreg:$0x3] =	wrdreg s5  }
0xaa: {  	[dreg:$0x4] =	wrdreg $0xC0  }
0xab: {  	_ =	task [dreg:s7], $0x5FFFF  }
0xac: {  	[dreg:$0x1] =	wrdreg $0xFFFFFFFF  }
0xad: {  	[dreg:$0x0] =	wrdreg $0x60  }
0xae: {  	[dreg:$0x2] =	wrdreg s24  }
0xaf: {  	[dreg:$0x3] =	wrdreg s2  }
0xb0: {  	[dreg:$0x4] =	wrdreg $0x9  }
0xb1: {  	_ =	task.clear_ibuf [dreg:s7], $0x5FFFF;
	_ =	strace $0x90000046  }
0xb2: {  	s29 =	simm.s32 $0x9;
	_ =	strace $0x80000048  }
0xb3: {  	_ =	swait.ge [sflag:s29], $0x1  }
0xb4: {  	[sflag:s29] =	ssyncadd.s32 $0xFFFFFFFF  }
0xb5: {  	_ =	strace $0x90000048  }
0xb6: {  	_ =	sfence  }
0xb7: {  	s30 =	sld [smem:$0x0];
	_ =	sdelay $0x2  }
0xb8: {  	s31 =	sshll.u32 s1, $0xD;
	s1 =	sshrl.u32 s1, $0x2  }
0xb9: {  	s3 =	sand.u32 $0x4000, s31;
	s1 =	sadd.s32 s1, s30  }
0xba: {  	s0 =	sor.u32 s3, s0;
	s1 =	sshll.u32 s1, $0x11  }
0xbb: {  	s0 =	sor.u32 s1, s0  }
0xbc: {  	s0 =	sadd.s32 $0x8F2B, s0  }
0xbd: {  	[sflag:s0] =	ssyncadd.remote.s32 $0x1  }
0xbe: {  	_ =	sfence.sel $0xFFFF  }
0xbf: {  	[dreg:$0x0] =	wrdreg $0xFFFFFFFF;
	(pc) =	sbr.abs _section_cstart, $3  }
0xc0: {  	[dreg:$0x1] =	wrdreg $0xFFFFFFFF  }
0xc1: {  	_ =	task.clear_ibuf [dreg:s7], $0x2FFFF;
	_ =	strace $0x9FFFFFFF  }
0xc2: {  	(tm) =	ssettm $0x7FFFFFFF  }
0xc3: {  	_ =	shalt  }
tec
execute0_lowered:
.L_overlay_start_1:
0x0: {  	(tag) =	ssettag $0x1  }
0x1: {  	s3 =	stileid.u32  }
0x2: {  	s0 =	srdreg.scid;
	s6 =	rddreg [dreg:$0x0];
	s1 =	sshll.u32 s3, $0x1  }
0x3: {  	s4 =	simm.s32 $0x0;
	s0 =	sand.u32 $0x1, s0;
	s1 =	sand.u32 $0xE, s1  }
0x4: {  	s28 =	simm.s32 $0x1C00;
	s3 =	sshll.u32 s3, $0x9;
	s2 =	sor.u32 s0, s1  }
0x5: {  	s29 =	simm.s32 $0x3800;
	s3 =	sand.u32 $0x1000, s3;
	s2 =	sshll.u32 s2, $0x8  }
0x6: {  	s30 =	simm.s32 $0x5400;
	s0 =	ssub.s32 $0x2, s0;
	s3 =	sor.u32 s3, s2  }
0x7: {  	s31 =	simm.s32 $0x1;
	s7 =	sshrl.u32 s0, $0x1;
	s2 =	smul.u32 $0x1C00, s3  }
0x8: {  	[smem:$0x7FF] =	sst s4;
	s5 =	sadd.s32 $0x800, s6;
	s0 =	ssub.s32 s0, s7  }
0x9: {  	s6 =	sadd.s32 $0xE00800, s6;
	s0 =	smax.u32 s0, $0x1;
	s2 =	sshrl.u32 s2, $0x3  }
0xa: {  	_ =	strace $0x80000047;
	[dreg:$0x13] =	wrdreg s0;
	s18 =	sadd.s32 s5, s2  }
0xb: {  	s8 =	sadd.s32 $0x736E80, s2;
	s21 =	sadd.s32 s6, s2;
	[dreg:$0x9] =	wrdreg s18  }
0xc: {  	s24 =	sadd.s32 $0xFFFFFFFC, s1;
	s11 =	sadd.s32 s5, s8;
	[dreg:$0xc] =	wrdreg s21  }
0xd: {  	s13 =	sadd.s32 $0x737900, s2;
	s12 =	sadd.s32 s6, s8;
	[dreg:$0x3] =	wrdreg s11  }
0xe: {  	p1 =	sgt.u32 s1, $0x3;
	s9 =	sadd.s32 s5, s13;
	[dreg:$0x4] =	wrdreg s12  }
0xf: {  	s14 =	sadd.s32 $0x37C80, s2;
	s7 =	sadd.s32 s6, s13;
	[dreg:$0x5] =	wrdreg s9  }
0x10: {  	p2 =	slt.u32 s1, $0xC;
	s15 =	sadd.s32 s5, s14;
	[dreg:$0x6] =	wrdreg s7  }
0x11: {  	s17 =	sadd.s32 $0x737C80, s2;
	s16 =	sadd.s32 s6, s14;
	[dreg:$0x7] =	wrdreg s15  }
0x12: {  	s1 =	simm.s32 $0x2;
	s19 =	sadd.s32 s5, s17;
	[dreg:$0x8] =	wrdreg s16  }
0x13: {  	p0 =	sgt.u32 s24, $0x7;
	s20 =	sadd.s32 $0x656B00, s18;
	[dreg:$0xa] =	wrdreg s19  }
0x14: {  	s24 =	sor.u32 $0x2, s3;
	s22 =	sadd.s32 $0x736B00, s21;
	[dreg:$0xb] =	wrdreg s20  }
0x15: {  	s0 =	simm.s32 $0x3;
	s23 =	sadd.s32 $0x657580, s18;
	[dreg:$0xe] =	wrdreg s22  }
0x16: {  	s2 =	sadd.s32 $0x700000, s2;
	s25 =	sadd.s32 $0x737580, s21;
	[dreg:$0xf] =	wrdreg s23  }
.Ltmp0:
0x17: {  	s26 =	sadd.s32 s5, s2;
	[dreg:$0x10] =	wrdreg s25;
	(pc) =	sbr.rel .LBB2_1-.Ltmp0, $4  }
0x18: {  	s2 =	sadd.s32 s6, s2;
	s21 =	simm.s32 $0x5;
	[dreg:$0x11] =	wrdreg s26  }
0x19: {  	s14 =	simm.s32 $0xA800;
	s7 =	sadd.s32 s6, s17;
	[dreg:$0x12] =	wrdreg s2  }
0x1a: {  	s25 =	simm.s32 $0xE000;
	s2 =	simm.s32 $0x4;
	s11 =	simm.s32 $0x9  }
0x1b: {  	s12 =	simm.s32 $0x7000;
	s15 =	simm.s32 $0x0;
	[dreg:$0xd] =	wrdreg s7  }
.LBB2_24:
0x1c: {  	_ =	swait.ge [sflag:s31], $0x3800  }
0x1d: {  	[sflag:s31] =	ssyncset.done $0x0  }
0x1e: {  	s7 =	sadd.s32 s6, s19;
	[sflag:s31] =	ssyncadd.s32 $0xFFFFC800  }
0x1f: {  	[hbm4b:s7+s4] =	stream.linear.scatter [tilespmem:s4], [sflag:$0x5], $0x3800, $0x38;
	[tilespmem:$0x11800] =	vst v63  }
0x20: {  	s7 =	simm.s32 $0x2000  }
0x21: {  	s10 =	smul.u32 $0x3, s10;
	p3 =	sgt.u32 s20, $0x14;
	s7 =	simm.s32 @!p5 $0x0  }
0x22: {  	s8 =	sadd.s32 s6, s8;
	_ =	swait.ge [sflag:s1], $0x3800;
	s7 =	sor.u32 s24, s7  }
0x23: {  	[sflag:s1] =	ssyncset.done $0x0;
	s7 =	sadd.s32 s7, s10;
	s10 =	simm.s32 $0xFFFFFFAB  }
0x24: {  	s9 =	sadd.s32 s6, s9;
	[sflag:s1] =	ssyncadd.s32 $0xFFFFC800;
	s10 =	simm.s32 @!p3 $0x0  }
0x25: {  	[hbm4b:s8+s4] =	stream.linear.scatter [tilespmem:s29], [sflag:$0x6], $0x3800, $0x38;
	[tilespmem:$0x11800] =	vst v63  }
0x26: {  	p4 =	sgt.u32 s17, $0x54;
	s13 =	sadd.s32 s17, s10;
	s10 =	simm.s32 $0x2000  }
0x27: {  	s7 =	smul.u32 $0x1C00, s7;
	_ =	swait.ge [sflag:s0], $0x3800;
	s10 =	simm.s32 @!p3 $0x0  }
0x28: {  	s8 =	smul.u32 $0x3, s13;
	[sflag:s0] =	ssyncset.done $0x0;
	s13 =	sadd.s32 s6, s18  }
0x29: {  	p3 =	seq.s32 s17, $0x3;
	s7 =	sadd.s32 $0xFFFF0400, s7;
	[sflag:s0] =	ssyncadd.s32 $0xFFFFC800  }
0x2a: {  	[hbm4b:s13+s4] =	stream.linear.scatter [tilespmem:s12], [sflag:$0x7], $0x3800, $0x38;
	[tilespmem:$0x11800] =	vst v63  }
0x2b: {  	s10 =	sor.u32 s24, s10;
	s7 =	sshrl.u32 s7, $0x3;
	_ =	swait.ge [sflag:s2], $0x3800  }
0x2c: {  	s8 =	sadd.s32 s10, s8;
	s10 =	simm.s32 @!p3 $0x5;
	[sflag:s2] =	ssyncset.done $0x0  }
0x2d: {  	s13 =	simm.s32 $0xFFFFFFAB;
	s8 =	smul.u32 $0x1C00, s8;
	[sflag:s2] =	ssyncadd.s32 $0xFFFFC800  }
0x2e: {  	[hbm4b:s9+s4] =	stream.linear.scatter [tilespmem:s14], [sflag:$0x8], $0x3800, $0x38;
	[tilespmem:$0x11800] =	vst v63  }
0x2f: {  	s18 =	sadd.s32 s5, s7;
	s13 =	simm.s32 @!p4 $0x0;
	_ =	swait.ge @!p3 [sflag:s10], $0x3800  }
0x30: {  	s13 =	sadd.s32 s17, s13;
	s16 =	sadd.s32 $0xFFFF5800, s8;
	[sflag:s10] =	ssyncset.done @!p3 $0x0  }
0x31: {  	s8 =	sadd.s32 $0xFFFFAC00, s8;
	[sflag:s10] =	ssyncadd.s32 @!p3 $0xFFFFC800;
	s10 =	simm.s32 @!p3 $0x6  }
0x32: {  	[tilespmem:s4], [sflag:$0x1] =	stream.linear.gather [hbm4b:s18+s4], $0x3800, $0x38;
	[tilespmem:$0x11800] =	vst v63  }
0x33: {  	s13 =	smul.u32 $0x3, s13;
	s9 =	sshrl.u32 s16, $0x3;
	_ =	swait.ge @!p3 [sflag:s10], $0x3800  }
0x34: {  	s16 =	simm.s32 $0x2000;
	s19 =	sadd.s32 s5, s9;
	[sflag:s10] =	ssyncset.done @!p3 $0x0  }
0x35: {  	s16 =	simm.s32 @!p4 $0x0;
	[sflag:s10] =	ssyncadd.s32 @!p3 $0xFFFFC800;
	s10 =	simm.s32 @!p3 $0x7  }
0x36: {  	[tilespmem:s29], [sflag:$0x2] =	stream.linear.gather [hbm4b:s19+s4], $0x3800, $0x38;
	[tilespmem:$0x11800] =	vst v63  }
0x37: {  	s8 =	sshrl.u32 s8, $0x3;
	s16 =	sor.u32 s24, s16;
	_ =	swait.ge @!p3 [sflag:s10], $0x3800  }
0x38: {  	s20 =	sadd.s32 s5, s8;
	s13 =	sadd.s32 s13, s16;
	[sflag:s10] =	ssyncset.done @!p3 $0x0  }
0x39: {  	s13 =	smul.u32 $0x1C00, s13;
	[sflag:s10] =	ssyncadd.s32 @!p3 $0xFFFFC800;
	s10 =	simm.s32 @!p3 $0x8  }
0x3a: {  	[tilespmem:s12], [sflag:$0x3] =	stream.linear.gather [hbm4b:s20+s4], $0x3800, $0x38;
	[tilespmem:$0x11800] =	vst v63  }
0x3b: {  	_ =	swait.ge @!p3 [sflag:s10], $0x3800  }
0x3c: {  	s13 =	sshrl.u32 s13, $0x3;
	[sflag:s10] =	ssyncset.done @!p3 $0x0  }
0x3d: {  	s22 =	sadd.s32 s5, s13;
	[sflag:s10] =	ssyncadd.s32 @!p3 $0xFFFFC800  }
0x3e: {  	[tilespmem:s14], [sflag:$0x4] =	stream.linear.gather [hbm4b:s22+s4], $0x3800, $0x38;
	[tilespmem:$0x11800] =	vst v63  }
0x3f: {  	_ =	swait.ge [sflag:s31], $0x3800  }
0x40: {  	[sflag:s31] =	ssyncset.done $0x0  }
0x41: {  	s7 =	sadd.s32 s6, s7;
	[sflag:s31] =	ssyncadd.s32 $0xFFFFC800  }
0x42: {  	[hbm4b:s7+s4] =	stream.linear.scatter [tilespmem:s4], [sflag:$0x5], $0x3800, $0x38;
	[tilespmem:$0x11800] =	vst v63  }
0x43: {  	_ =	swait.ge [sflag:s1], $0x3800  }
0x44: {  	[sflag:s1] =	ssyncset.done $0x0  }
0x45: {  	s23 =	sadd.s32 s6, s9;
	[sflag:s1] =	ssyncadd.s32 $0xFFFFC800  }
0x46: {  	[hbm4b:s23+s4] =	stream.linear.scatter [tilespmem:s29], [sflag:$0x6], $0x3800, $0x38;
	[tilespmem:$0x11800] =	vst v63  }
0x47: {  	_ =	swait.ge [sflag:s0], $0x3800  }
0x48: {  	[sflag:s0] =	ssyncset.done $0x0  }
0x49: {  	s26 =	sadd.s32 s6, s8;
	[sflag:s0] =	ssyncadd.s32 $0xFFFFC800  }
0x4a: {  	[hbm4b:s26+s4] =	stream.linear.scatter [tilespmem:s12], [sflag:$0x7], $0x3800, $0x38;
	[tilespmem:$0x11800] =	vst v63  }
0x4b: {  	_ =	swait.ge [sflag:s2], $0x3800  }
0x4c: {  	[sflag:s2] =	ssyncset.done $0x0  }
0x4d: {  	s8 =	sadd.s32 s6, s13;
	[sflag:s2] =	ssyncadd.s32 $0xFFFFC800  }
0x4e: {  	[hbm4b:s8+s4] =	stream.linear.scatter [tilespmem:s14], [sflag:$0x8], $0x3800, $0x38;
	[tilespmem:$0x11800] =	vst v63  }
0x4f: {  	_ =	swait.ge [sflag:s21], $0x3800  }
0x50: {  	[sflag:s21] =	ssyncset.done $0x0  }
0x51: {  	s9 =	simm.s32 $0x6;
	[sflag:s21] =	ssyncadd.s32 $0xFFFFC800  }
0x52: {  	_ =	swait.ge [sflag:s9], $0x3800  }
0x53: {  	[sflag:s9] =	ssyncset.done $0x0  }
0x54: {  	s10 =	simm.s32 $0x7;
	[sflag:s9] =	ssyncadd.s32 $0xFFFFC800  }
0x55: {  	_ =	swait.ge [sflag:s10], $0x3800  }
0x56: {  	[sflag:s10] =	ssyncset.done $0x0  }
0x57: {  	s13 =	simm.s32 $0x8;
	[sflag:s10] =	ssyncadd.s32 $0xFFFFC800  }
0x58: {  	_ =	swait.ge [sflag:s13], $0x3800  }
0x59: {  	[sflag:s13] =	ssyncset.done $0x0  }
0x5a: {  	s16 =	rddreg [dreg:$0x3];
	[sflag:s13] =	ssyncadd.s32 $0xFFFFC800  }
0x5b: {  	[tilespmem:s4], [sflag:$0x1] =	stream.linear.gather [hbm4b:s16+s4], $0x3800, $0x38;
	[tilespmem:$0x11800] =	vst v63  }
0x5c: {  	_ =	swait.ge [sflag:s31], $0x3800  }
0x5d: {  	[sflag:s31] =	ssyncset.done $0x0  }
0x5e: {  	s17 =	rddreg [dreg:$0x4];
	[sflag:s31] =	ssyncadd.s32 $0xFFFFC800  }
0x5f: {  	[hbm4b:s17+s4] =	stream.linear.scatter [tilespmem:s4], [sflag:$0x5], $0x3800, $0x38;
	[tilespmem:$0x11800] =	vst v63  }
0x60: {  	_ =	swait.ge [sflag:s21], $0x3800  }
0x61: {  	[sflag:s21] =	ssyncset.done $0x0  }
0x62: {  	s18 =	rddreg [dreg:$0x5];
	[sflag:s21] =	ssyncadd.s32 $0xFFFFC800  }
0x63: {  	[tilespmem:s4], [sflag:$0x1] =	stream.linear.gather [hbm4b:s18+s4], $0x3800, $0x38;
	[tilespmem:$0x11800] =	vst v63  }
0x64: {  	_ =	swait.ge [sflag:s31], $0x3800  }
0x65: {  	[sflag:s31] =	ssyncset.done $0x0  }
0x66: {  	s19 =	rddreg [dreg:$0x6];
	[sflag:s31] =	ssyncadd.s32 $0xFFFFC800  }
0x67: {  	[hbm4b:s19+s4] =	stream.linear.scatter [tilespmem:s4], [sflag:$0x5], $0x3800, $0x38;
	[tilespmem:$0x11800] =	vst v63  }
0x68: {  	_ =	swait.ge [sflag:s21], $0x3800  }
0x69: {  	[sflag:s21] =	ssyncset.done $0x0  }
0x6a: {  	s20 =	rddreg [dreg:$0x9];
	[sflag:s21] =	ssyncadd.s32 $0xFFFFC800  }
0x6b: {  	[tilespmem:s4], [sflag:$0x1] =	stream.linear.gather [hbm4b:s20+s4], $0x1C00, $0x38;
	[tilespmem:$0x11800] =	vst v63  }
0x6c: {  	_ =	swait.ge [sflag:s31], $0x1C00  }
0x6d: {  	[sflag:s31] =	ssyncset.done $0x0  }
0x6e: {  	s22 =	rddreg [dreg:$0xc];
	[sflag:s31] =	ssyncadd.s32 $0xFFFFE400  }
0x6f: {  	[hbm4b:s22+s4] =	stream.linear.scatter [tilespmem:s4], [sflag:$0x5], $0x1C00, $0x38;
	[tilespmem:$0x11800] =	vst v63  }
0x70: {  	_ =	swait.ge [sflag:s21], $0x1C00  }
0x71: {  	[sflag:s21] =	ssyncset.done $0x0  }
0x72: {  	s23 =	rddreg [dreg:$0x11];
	[sflag:s21] =	ssyncadd.s32 $0xFFFFE400  }
0x73: {  	[tilespmem:s4], [sflag:$0x1] =	stream.linear.gather [hbm4b:s23+s4], $0x1C00, $0x38;
	[tilespmem:$0x11800] =	vst v63  }
0x74: {  	_ =	swait.ge [sflag:s31], $0x1C00  }
0x75: {  	[sflag:s31] =	ssyncset.done $0x0  }
0x76: {  	s26 =	rddreg [dreg:$0x12];
	[sflag:s31] =	ssyncadd.s32 $0xFFFFE400  }
0x77: {  	[hbm4b:s26+s4] =	stream.linear.scatter [tilespmem:s4], [sflag:$0x5], $0x1C00, $0x38;
	[tilespmem:$0x11800] =	vst v63  }
0x78: {  	_ =	swait.ge [sflag:s21], $0x1C00  }
0x79: {  	[sflag:s21] =	ssyncset.done $0x0  }
0x7a: {  	[sflag:s21] =	ssyncadd.s32 $0xFFFFE400  }
.LBB2_25:
0x7b: {  	s15 =	sadd.s32 $0x1, s15;
	s7 =	rddreg [dreg:$0x13]  }
0x7c: {  	p3 =	sne.s32 s15, s7  }
.Ltmp1:
0x7d: {  	_ = 	snop;
	(pc) =	sbr.rel @!p3 .LBB2_26-.Ltmp1, $1  }
0x7e: {  	_ =	sdelay $0x3  }
.LBB2_1:
.Ltmp2:
0x7f: {  	s7 =	rddreg [dreg:$0x1];
	s26 =	simm.s32 $0xA;
	(pc) =	sbr.rel @p1 .LBB2_9-.Ltmp2, $4  }
0x80: {  	[tilespmem:s25], [sflag:$0xA] =	stream.linear.gather [hbm4b:s7+s4], $0x3800, $0x38;
	[tilespmem:$0x11800] =	vst v63  }
0x81: {  	_ =	swait.ge [sflag:s26], $0x3800  }
0x82: {  	[sflag:s26] =	ssyncset.done $0x0  }
0x83: {  	[sflag:s26] =	ssyncadd.s32 $0xFFFFC800  }
0x84: {  	p3 =	por $0x0, $0x0;
	s7 =	simm.s32 $0xFFFFFFAB  }
0x85: {  	s7 =	simm.s32 @!p3 $0x0  }
0x86: {  	s8 =	simm.s32 $0x2000;
	s10 =	sadd.s32 $0x0, s7  }
0x87: {  	s8 =	simm.s32 @!p3 $0x0;
	s10 =	smul.u32 $0x3, s10  }
0x88: {  	s7 =	simm.s32 $0x1;
	s9 =	sor.u32 s3, s8  }
.LBB2_3:
0x89: {  	p4 =	sgt.u32 s7, $0x54;
	s8 =	sadd.s32 s10, s9  }
0x8a: {  	s9 =	smov.u32 s7;
	p3 =	sne.s32 s7, $0xA9;
	s10 =	smul.u32 $0x1C00, s8  }
.Ltmp3:
0x8b: {  	s7 =	sadd.s32 $0x1, s7;
	s17 =	simm.s32 $0xFFFFFFAB;
	(pc) =	sbr.rel @p3 .LBB2_3-.Ltmp3, $4  }
0x8c: {  	s18 =	simm.s32 $0x2000;
	s17 =	simm.s32 @!p4 $0x0;
	s8 =	simm.s32 $0x0  }
0x8d: {  	s18 =	simm.s32 @!p4 $0x0;
	s17 =	sadd.s32 s9, s17;
	s19 =	sshrl.u32 s10, $0x3  }
0x8e: {  	s9 =	sor.u32 s3, s18;
	s10 =	smul.u32 $0x3, s17;
	s17 =	sadd.s32 s6, s19  }
0x8f: {  	[hbm4b:s17+s8] =	stream.linear.scatter [tilespmem:s25], [sflag:$0x9], $0x3800, $0x38;
	[tilespmem:$0x11800] =	vst v63  }
0x90: {  	s7 =	sadd.s32 s10, s9  }
0x91: {  	s7 =	smul.u32 $0x1C00, s7;
	_ =	sdelay $0x1  }
0x92: {  	s7 =	sshrl.u32 s7, $0x3  }
0x93: {  	p3 =	por $0x0, $0x0;
	s7 =	sadd.s32 s6, s7  }
0x94: {  	[hbm4b:s7+s8] =	stream.linear.scatter [tilespmem:s25], [sflag:$0x9], $0x3800, $0x38;
	[tilespmem:$0x11800] =	vst v63  }
0x95: {  	s9 =	simm.s32 $0xFFFFFFAB;
	s10 =	simm.s32 $0x2000;
	s8 =	simm.s32 $0xFFFFFFAB  }
0x96: {  	s17 =	simm.s32 $0x7;
	p4 =	por $0x0, $0x0;
	s8 =	simm.s32 @!p3 $0x0  }
0x97: {  	s19 =	simm.s32 $0xFFFFFFAB;
	s7 =	simm.s32 $0x2000;
	s8 =	sadd.s32 $0x3, s8  }
0x98: {  	s19 =	simm.s32 @!p4 $0x0;
	s7 =	simm.s32 @!p3 $0x0;
	s8 =	smul.u32 $0x3, s8  }
0x99: {  	s19 =	sadd.s32 $0x3, s19;
	p3 =	por $0x0, $0x0;
	s7 =	sor.u32 s3, s7  }
0x9a: {  	s19 =	smul.u32 $0x3, s19;
	s9 =	simm.s32 @!p3 $0x0;
	s7 =	sadd.s32 s7, s8  }
0x9b: {  	s18 =	simm.s32 $0x2000;
	s9 =	sadd.s32 $0x3, s9;
	s7 =	smul.u32 $0x1C00, s7  }
0x9c: {  	s18 =	simm.s32 @!p4 $0x0;
	s10 =	simm.s32 @!p3 $0x0;
	s9 =	smul.u32 $0x3, s9  }
0x9d: {  	p3 =	por $0x1, $0x1;
	s10 =	sor.u32 s3, s10;
	s7 =	sadd.s32 $0xFFFF3C00, s7  }
0x9e: {  	s8 =	sadd.s32 s10, s9;
	s10 =	sshrl.u32 s7, $0x3;
	s7 =	simm.s32 @!p3 $0x5  }
0x9f: {  	p4 =	por $0x0, $0x0;
	s18 =	sor.u32 s3, s18;
	_ =	swait.ge @!p3 [sflag:s7], $0x1C00  }
0xa0: {  	s19 =	sadd.s32 s19, s18;
	s8 =	smul.u32 $0x1C00, s8;
	[sflag:s7] =	ssyncset.done @!p3 $0x0  }
0xa1: {  	s20 =	sadd.s32 s5, s10;
	[sflag:s7] =	ssyncadd.s32 @!p3 $0xFFFFE400;
	s7 =	simm.s32 @!p3 $0x6  }
0xa2: {  	[tilespmem:s4], [sflag:$0x1] =	stream.linear.gather [hbm4b:s20+s4], $0x1C00, $0x38;
	[tilespmem:$0x11800] =	vst v63  }
0xa3: {  	s18 =	simm.s32 $0xB;
	s13 =	sadd.s32 $0xFFFF9000, s8;
	_ =	swait.ge @!p3 [sflag:s7], $0x1C00  }
0xa4: {  	s19 =	smul.u32 $0x1C00, s19;
	s9 =	sshrl.u32 s13, $0x3;
	[sflag:s7] =	ssyncset.done @!p3 $0x0  }
0xa5: {  	s23 =	simm.s32 @!p3 $0x7;
	s16 =	sadd.s32 s5, s9;
	[sflag:s7] =	ssyncadd.s32 @!p3 $0xFFFFE400  }
0xa6: {  	[tilespmem:s28], [sflag:$0x2] =	stream.linear.gather [hbm4b:s16+s4], $0x1C00, $0x38;
	[tilespmem:$0x11800] =	vst v63  }
0xa7: {  	s22 =	sadd.s32 $0x3800, s19;
	s8 =	sadd.s32 $0xFFFFE400, s8;
	_ =	swait.ge @!p3 [sflag:s23], $0x1C00  }
0xa8: {  	s19 =	simm.s32 $0x1;
	s8 =	sshrl.u32 s8, $0x3;
	[sflag:s23] =	ssyncset.done @!p3 $0x0  }
0xa9: {  	s26 =	sadd.s32 s5, s8;
	[sflag:s23] =	ssyncadd.s32 @!p3 $0xFFFFE400;
	s23 =	simm.s32 @!p3 $0x8  }
0xaa: {  	[tilespmem:s29], [sflag:$0x3] =	stream.linear.gather [hbm4b:s26+s4], $0x1C00, $0x38;
	[tilespmem:$0x11800] =	vst v63  }
0xab: {  	s20 =	sadd.s32 s6, s10;
	s10 =	simm.s32 $0x2000;
	_ =	swait.ge @!p3 [sflag:s23], $0x1C00  }
0xac: {  	s7 =	sadd.s32 s6, s9;
	s9 =	sshrl.u32 s22, $0x3;
	[sflag:s23] =	ssyncset.done @!p3 $0x0  }
0xad: {  	s22 =	simm.s32 $0xFFFFFFAB;
	s26 =	sadd.s32 s5, s9;
	[sflag:s23] =	ssyncadd.s32 @!p3 $0xFFFFE400  }
0xae: {  	[tilespmem:s30], [sflag:$0x4] =	stream.linear.gather [hbm4b:s26+s4], $0x1C00, $0x38;
	[tilespmem:$0x11800] =	vst v63  }
0xaf: {  	s10 =	simm.s32 @!p4 $0x0;
	s22 =	simm.s32 @!p4 $0x0;
	_ =	swait.ge [sflag:s31], $0x1C00  }
0xb0: {  	s10 =	sor.u32 s3, s10;
	s22 =	sadd.s32 $0x7, s22;
	[sflag:s31] =	ssyncset.done $0x0  }
0xb1: {  	s23 =	smul.u32 $0x3, s22;
	p3 =	por $0x0, $0x0;
	[sflag:s31] =	ssyncadd.s32 $0xFFFFE400  }
.LBB2_5:
0xb2: {  	[hbm4b:s20+s4] =	stream.linear.scatter [tilespmem:s4], [sflag:$0x5], $0x1C00, $0x38;
	[tilespmem:$0x11800] =	vst v63  }
0xb3: {  	s20 =	smov.u32 s18;
	s10 =	sadd.s32 s10, s23;
	s8 =	sadd.s32 s6, s8  }
0xb4: {  	p4 =	sgt.u32 s19, $0x14;
	s22 =	simm.s32 $0x2000;
	s26 =	simm.s32 $0xFFFFFFAB  }
0xb5: {  	s9 =	sadd.s32 s6, s9;
	s18 =	sadd.s32 $0x4, s18;
	_ =	swait.ge [sflag:s1], $0x1C00  }
0xb6: {  	p5 =	sgt.u32 s17, $0x54;
	s10 =	smul.u32 $0x1C00, s10;
	[sflag:s1] =	ssyncset.done $0x0  }
0xb7: {  	s22 =	simm.s32 @!p4 $0x0;
	s26 =	simm.s32 @!p4 $0x0;
	[sflag:s1] =	ssyncadd.s32 $0xFFFFE400  }
0xb8: {  	[hbm4b:s7+s4] =	stream.linear.scatter [tilespmem:s28], [sflag:$0x6], $0x1C00, $0x38;
	[tilespmem:$0x11800] =	vst v63  }
0xb9: {  	s19 =	sadd.s32 $0x1, s19;
	s7 =	sadd.s32 $0xFFFF3C00, s10;
	_ =	swait.ge [sflag:s0], $0x1C00  }
0xba: {  	s23 =	sshrl.u32 s7, $0x3;
	s7 =	sadd.s32 s17, s26;
	[sflag:s0] =	ssyncset.done $0x0  }
0xbb: {  	s10 =	sor.u32 s3, s22;
	s7 =	smul.u32 $0x3, s7;
	[sflag:s0] =	ssyncadd.s32 $0xFFFFE400  }
0xbc: {  	[hbm4b:s8+s4] =	stream.linear.scatter [tilespmem:s29], [sflag:$0x7], $0x1C00, $0x38;
	[tilespmem:$0x11800] =	vst v63  }
0xbd: {  	s22 =	simm.s32 @!p3 $0x5;
	s7 =	sadd.s32 s10, s7;
	_ =	swait.ge [sflag:s2], $0x1C00  }
0xbe: {  	p4 =	sne.s32 s18, $0xAB;
	s7 =	smul.u32 $0x1C00, s7;
	[sflag:s2] =	ssyncset.done $0x0  }
0xbf: {  	s26 =	simm.s32 $0xFFFFFFAB;
	s10 =	simm.s32 $0x2000;
	[sflag:s2] =	ssyncadd.s32 $0xFFFFE400  }
0xc0: {  	s26 =	simm.s32 @!p5 $0x0;
	s10 =	simm.s32 @!p5 $0x0;
	s8 =	sadd.s32 $0xFFFF9000, s7  }
0xc1: {  	[hbm4b:s9+s4] =	stream.linear.scatter [tilespmem:s30], [sflag:$0x8], $0x1C00, $0x38;
	[tilespmem:$0x11800] =	vst v63  }
0xc2: {  	s7 =	sadd.s32 $0xFFFFE400, s7;
	s9 =	sshrl.u32 s8, $0x3;
	_ =	swait.ge @!p3 [sflag:s22], $0x1C00  }
0xc3: {  	s13 =	sadd.s32 s5, s23;
	s8 =	sshrl.u32 s7, $0x3;
	[sflag:s22] =	ssyncset.done @!p3 $0x0  }
0xc4: {  	s7 =	sadd.s32 s17, s26;
	[sflag:s22] =	ssyncadd.s32 @!p3 $0xFFFFE400;
	s22 =	simm.s32 @!p3 $0x6  }
0xc5: {  	[tilespmem:s4], [sflag:$0x1] =	stream.linear.gather [hbm4b:s13+s4], $0x1C00, $0x38;
	[tilespmem:$0x11800] =	vst v63  }
0xc6: {  	s13 =	smul.u32 $0x3, s7;
	s7 =	sadd.s32 s6, s9;
	_ =	swait.ge @!p3 [sflag:s22], $0x1C00  }
0xc7: {  	s10 =	sor.u32 s3, s10;
	s9 =	sadd.s32 s5, s9;
	[sflag:s22] =	ssyncset.done @!p3 $0x0  }
0xc8: {  	s10 =	sadd.s32 s13, s10;
	[sflag:s22] =	ssyncadd.s32 @!p3 $0xFFFFE400;
	s22 =	simm.s32 @!p3 $0x7  }
0xc9: {  	[tilespmem:s28], [sflag:$0x2] =	stream.linear.gather [hbm4b:s9+s4], $0x1C00, $0x38;
	[tilespmem:$0x11800] =	vst v63  }
0xca: {  	s17 =	smov.u32 s20;
	s9 =	smul.u32 $0x1C00, s10;
	_ =	swait.ge @!p3 [sflag:s22], $0x1C00  }
0xcb: {  	p5 =	sgt.u32 s19, $0x15;
	[sflag:s22] =	ssyncset.done @!p3 $0x0  }
0xcc: {  	s20 =	sadd.s32 s6, s23;
	s9 =	sadd.s32 $0x3800, s9;
	[sflag:s22] =	ssyncadd.s32 @!p3 $0xFFFFE400  }
0xcd: {  	s13 =	simm.s32 @!p3 $0x8;
	s10 =	sadd.s32 s5, s8;
	s9 =	sshrl.u32 s9, $0x3  }
0xce: {  	[tilespmem:s29], [sflag:$0x3] =	stream.linear.gather [hbm4b:s10+s4], $0x1C00, $0x38;
	[tilespmem:$0x11800] =	vst v63  }
0xcf: {  	s23 =	simm.s32 $0xFFFFFFAB;
	s10 =	sadd.s32 s5, s9;
	_ =	swait.ge @!p3 [sflag:s13], $0x1C00  }
0xd0: {  	s23 =	simm.s32 @!p5 $0x0;
	s22 =	simm.s32 $0x2000;
	[sflag:s13] =	ssyncset.done @!p3 $0x0  }
.Ltmp4:
0xd1: {  	s22 =	simm.s32 @!p5 $0x0;
	[sflag:s13] =	ssyncadd.s32 @!p3 $0xFFFFE400;
	(pc) =	sbr.rel @p4 .LBB2_5-.Ltmp4, $4  }
0xd2: {  	[tilespmem:s30], [sflag:$0x4] =	stream.linear.gather [hbm4b:s10+s4], $0x1C00, $0x38;
	[tilespmem:$0x11800] =	vst v63  }
0xd3: {  	s13 =	sadd.s32 s17, s23;
	s10 =	sor.u32 s3, s22;
	_ =	swait.ge [sflag:s31], $0x1C00  }
0xd4: {  	s23 =	smul.u32 $0x3, s13;
	[sflag:s31] =	ssyncset.done $0x0  }
0xd5: {  	p3 =	seq.s32 s17, $0x3;
	[sflag:s31] =	ssyncadd.s32 $0xFFFFE400  }
0xd6: {  	[hbm4b:s20+s4] =	stream.linear.scatter [tilespmem:s4], [sflag:$0x5], $0x1C00, $0x38;
	[tilespmem:$0x11800] =	vst v63  }
0xd7: {  	_ =	swait.ge [sflag:s1], $0x1C00  }
0xd8: {  	s10 =	sadd.s32 s10, s23;
	s8 =	sadd.s32 s6, s8;
	[sflag:s1] =	ssyncset.done $0x0  }
0xd9: {  	p4 =	sgt.u32 s19, $0x14;
	s13 =	simm.s32 $0x2000;
	[sflag:s1] =	ssyncadd.s32 $0xFFFFE400  }
0xda: {  	[hbm4b:s7+s4] =	stream.linear.scatter [tilespmem:s28], [sflag:$0x6], $0x1C00, $0x38;
	[tilespmem:$0x11800] =	vst v63  }
0xdb: {  	s9 =	sadd.s32 s6, s9;
	s10 =	smul.u32 $0x1C00, s10;
	s7 =	simm.s32 $0xFFFFFFAB  }
0xdc: {  	s13 =	simm.s32 @!p4 $0x0;
	_ =	swait.ge [sflag:s0], $0x1C00;
	s7 =	simm.s32 @!p4 $0x0  }
0xdd: {  	s16 =	sor.u32 s3, s13;
	[sflag:s0] =	ssyncset.done $0x0;
	s7 =	sadd.s32 s17, s7  }
0xde: {  	s13 =	simm.s32 @!p3 $0x5;
	[sflag:s0] =	ssyncadd.s32 $0xFFFFE400;
	s7 =	smul.u32 $0x3, s7  }
0xdf: {  	[hbm4b:s8+s4] =	stream.linear.scatter [tilespmem:s29], [sflag:$0x7], $0x1C00, $0x38;
	[tilespmem:$0x11800] =	vst v63  }
0xe0: {  	s26 =	sadd.s32 $0xFFFF3C00, s10;
	p4 =	sgt.u32 s17, $0x54;
	_ =	swait.ge [sflag:s2], $0x1C00  }
0xe1: {  	s8 =	sshrl.u32 s26, $0x3;
	s7 =	sadd.s32 s16, s7;
	[sflag:s2] =	ssyncset.done $0x0  }
0xe2: {  	s18 =	sadd.s32 s5, s8;
	s7 =	smul.u32 $0x1C00, s7;
	[sflag:s2] =	ssyncadd.s32 $0xFFFFE400  }
0xe3: {  	[hbm4b:s9+s4] =	stream.linear.scatter [tilespmem:s30], [sflag:$0x8], $0x1C00, $0x38;
	[tilespmem:$0x11800] =	vst v63  }
0xe4: {  	s9 =	simm.s32 $0xFFFFFFAB;
	s19 =	sadd.s32 $0xFFFF9000, s7;
	_ =	swait.ge @!p3 [sflag:s13], $0x1C00  }
0xe5: {  	s7 =	sadd.s32 $0xFFFFE400, s7;
	s9 =	simm.s32 @!p4 $0x0;
	[sflag:s13] =	ssyncset.done @!p3 $0x0  }
0xe6: {  	s10 =	sshrl.u32 s19, $0x3;
	[sflag:s13] =	ssyncadd.s32 @!p3 $0xFFFFE400;
	s13 =	simm.s32 @!p3 $0x6  }
0xe7: {  	[tilespmem:s4], [sflag:$0x1] =	stream.linear.gather [hbm4b:s18+s4], $0x1C00, $0x38;
	[tilespmem:$0x11800] =	vst v63  }
0xe8: {  	s9 =	sadd.s32 s17, s9;
	s17 =	simm.s32 $0x2000;
	_ =	swait.ge @!p3 [sflag:s13], $0x1C00  }
0xe9: {  	s20 =	sadd.s32 s5, s10;
	s17 =	simm.s32 @!p4 $0x0;
	[sflag:s13] =	ssyncset.done @!p3 $0x0  }
0xea: {  	s9 =	smul.u32 $0x3, s9;
	[sflag:s13] =	ssyncadd.s32 @!p3 $0xFFFFE400;
	s13 =	simm.s32 @!p3 $0x7  }
0xeb: {  	[tilespmem:s28], [sflag:$0x2] =	stream.linear.gather [hbm4b:s20+s4], $0x1C00, $0x38;
	[tilespmem:$0x11800] =	vst v63  }
0xec: {  	s7 =	sshrl.u32 s7, $0x3;
	s17 =	sor.u32 s3, s17;
	_ =	swait.ge @!p3 [sflag:s13], $0x1C00  }
0xed: {  	s22 =	sadd.s32 s5, s7;
	s9 =	sadd.s32 s9, s17;
	[sflag:s13] =	ssyncset.done @!p3 $0x0  }
0xee: {  	s9 =	smul.u32 $0x1C00, s9;
	[sflag:s13] =	ssyncadd.s32 @!p3 $0xFFFFE400;
	s13 =	simm.s32 @!p3 $0x8  }
0xef: {  	[tilespmem:s29], [sflag:$0x3] =	stream.linear.gather [hbm4b:s22+s4], $0x1C00, $0x38;
	[tilespmem:$0x11800] =	vst v63  }
0xf0: {  	s9 =	sadd.s32 $0x3800, s9;
	_ =	swait.ge @!p3 [sflag:s13], $0x1C00  }
0xf1: {  	s9 =	sshrl.u32 s9, $0x3;
	[sflag:s13] =	ssyncset.done @!p3 $0x0  }
0xf2: {  	s23 =	sadd.s32 s5, s9;
	[sflag:s13] =	ssyncadd.s32 @!p3 $0xFFFFE400  }
0xf3: {  	[tilespmem:s30], [sflag:$0x4] =	stream.linear.gather [hbm4b:s23+s4], $0x1C00, $0x38;
	[tilespmem:$0x11800] =	vst v63  }
0xf4: {  	_ =	swait.ge [sflag:s31], $0x1C00  }
0xf5: {  	[sflag:s31] =	ssyncset.done $0x0  }
0xf6: {  	s8 =	sadd.s32 s6, s8;
	[sflag:s31] =	ssyncadd.s32 $0xFFFFE400  }
0xf7: {  	[hbm4b:s8+s4] =	stream.linear.scatter [tilespmem:s4], [sflag:$0x5], $0x1C00, $0x38;
	[tilespmem:$0x11800] =	vst v63  }
0xf8: {  	_ =	swait.ge [sflag:s1], $0x1C00  }
0xf9: {  	[sflag:s1] =	ssyncset.done $0x0  }
0xfa: {  	s26 =	sadd.s32 s6, s10;
	[sflag:s1] =	ssyncadd.s32 $0xFFFFE400  }
0xfb: {  	[hbm4b:s26+s4] =	stream.linear.scatter [tilespmem:s28], [sflag:$0x6], $0x1C00, $0x38;
	[tilespmem:$0x11800] =	vst v63  }
0xfc: {  	_ =	swait.ge [sflag:s0], $0x1C00  }
0xfd: {  	[sflag:s0] =	ssyncset.done $0x0  }
0xfe: {  	s7 =	sadd.s32 s6, s7;
	[sflag:s0] =	ssyncadd.s32 $0xFFFFE400  }
0xff: {  	[hbm4b:s7+s4] =	stream.linear.scatter [tilespmem:s29], [sflag:$0x7], $0x1C00, $0x38;
	[tilespmem:$0x11800] =	vst v63  }
0x100: {  	_ =	swait.ge [sflag:s2], $0x1C00  }
0x101: {  	[sflag:s2] =	ssyncset.done $0x0  }
0x102: {  	s8 =	sadd.s32 s6, s9;
	[sflag:s2] =	ssyncadd.s32 $0xFFFFE400  }
0x103: {  	[hbm4b:s8+s4] =	stream.linear.scatter [tilespmem:s30], [sflag:$0x8], $0x1C00, $0x38;
	[tilespmem:$0x11800] =	vst v63  }
0x104: {  	_ =	swait.ge [sflag:s21], $0x1C00  }
0x105: {  	[sflag:s21] =	ssyncset.done $0x0  }
0x106: {  	s9 =	simm.s32 $0x6;
	[sflag:s21] =	ssyncadd.s32 $0xFFFFE400  }
0x107: {  	_ =	swait.ge [sflag:s9], $0x1C00  }
0x108: {  	[sflag:s9] =	ssyncset.done $0x0  }
0x109: {  	s10 =	simm.s32 $0x7;
	[sflag:s9] =	ssyncadd.s32 $0xFFFFE400  }
0x10a: {  	_ =	swait.ge [sflag:s10], $0x1C00  }
0x10b: {  	[sflag:s10] =	ssyncset.done $0x0  }
0x10c: {  	s13 =	simm.s32 $0x8;
	[sflag:s10] =	ssyncadd.s32 $0xFFFFE400  }
0x10d: {  	_ =	swait.ge [sflag:s13], $0x1C00  }
0x10e: {  	[sflag:s13] =	ssyncset.done $0x0  }
0x10f: {  	s16 =	rddreg [dreg:$0x3];
	[sflag:s13] =	ssyncadd.s32 $0xFFFFE400  }
0x110: {  	[tilespmem:s4], [sflag:$0x1] =	stream.linear.gather [hbm4b:s16+s4], $0x1C00, $0x38;
	[tilespmem:$0x11800] =	vst v63  }
0x111: {  	_ =	swait.ge [sflag:s31], $0x1C00  }
0x112: {  	[sflag:s31] =	ssyncset.done $0x0  }
0x113: {  	s17 =	rddreg [dreg:$0x4];
	[sflag:s31] =	ssyncadd.s32 $0xFFFFE400  }
0x114: {  	[hbm4b:s17+s4] =	stream.linear.scatter [tilespmem:s4], [sflag:$0x5], $0x1C00, $0x38;
	[tilespmem:$0x11800] =	vst v63  }
0x115: {  	_ =	swait.ge [sflag:s21], $0x1C00  }
0x116: {  	[sflag:s21] =	ssyncset.done $0x0  }
0x117: {  	s18 =	rddreg [dreg:$0x5];
	[sflag:s21] =	ssyncadd.s32 $0xFFFFE400  }
0x118: {  	[tilespmem:s4], [sflag:$0x1] =	stream.linear.gather [hbm4b:s18+s4], $0x1C00, $0x38;
	[tilespmem:$0x11800] =	vst v63  }
0x119: {  	_ =	swait.ge [sflag:s31], $0x1C00  }
0x11a: {  	[sflag:s31] =	ssyncset.done $0x0  }
0x11b: {  	s19 =	rddreg [dreg:$0x6];
	[sflag:s31] =	ssyncadd.s32 $0xFFFFE400  }
0x11c: {  	[hbm4b:s19+s4] =	stream.linear.scatter [tilespmem:s4], [sflag:$0x5], $0x1C00, $0x38;
	[tilespmem:$0x11800] =	vst v63  }
0x11d: {  	_ =	swait.ge [sflag:s21], $0x1C00  }
0x11e: {  	[sflag:s21] =	ssyncset.done $0x0  }
0x11f: {  	s20 =	rddreg [dreg:$0x7];
	[sflag:s21] =	ssyncadd.s32 $0xFFFFE400  }
0x120: {  	[tilespmem:s4], [sflag:$0x1] =	stream.linear.gather [hbm4b:s20+s4], $0x1C00, $0x38;
	[tilespmem:$0x11800] =	vst v63  }
0x121: {  	_ =	swait.ge [sflag:s31], $0x1C00  }
0x122: {  	[sflag:s31] =	ssyncset.done $0x0  }
0x123: {  	s22 =	rddreg [dreg:$0x8];
	[sflag:s31] =	ssyncadd.s32 $0xFFFFE400  }
0x124: {  	[hbm4b:s22+s4] =	stream.linear.scatter [tilespmem:s4], [sflag:$0x5], $0x1C00, $0x38;
	[tilespmem:$0x11800] =	vst v63  }
0x125: {  	_ =	swait.ge [sflag:s21], $0x1C00  }
0x126: {  	[sflag:s21] =	ssyncset.done $0x0  }
0x127: {  	s23 =	rddreg [dreg:$0xa];
	[sflag:s21] =	ssyncadd.s32 $0xFFFFE400  }
0x128: {  	[tilespmem:s4], [sflag:$0x1] =	stream.linear.gather [hbm4b:s23+s4], $0x1C00, $0x38;
	[tilespmem:$0x11800] =	vst v63  }
0x129: {  	_ =	swait.ge [sflag:s31], $0x1C00  }
0x12a: {  	[sflag:s31] =	ssyncset.done $0x0  }
0x12b: {  	s26 =	rddreg [dreg:$0xd];
	[sflag:s31] =	ssyncadd.s32 $0xFFFFE400  }
0x12c: {  	[hbm4b:s26+s4] =	stream.linear.scatter [tilespmem:s4], [sflag:$0x5], $0x1C00, $0x38;
	[tilespmem:$0x11800] =	vst v63  }
0x12d: {  	_ =	swait.ge [sflag:s21], $0x1C00  }
0x12e: {  	[sflag:s21] =	ssyncset.done $0x0  }
0x12f: {  	[sflag:s21] =	ssyncadd.s32 $0xFFFFE400  }
0x130: {  	_ =	swait.ge [sflag:s11], $0x3800  }
0x131: {  	s7 =	simm.s32 $0xA9;
	[sflag:s11] =	ssyncset.done $0x0  }
.LBB2_7:
0x132: {  	p3 =	sne.s32 s7, $0x1;
	s7 =	sadd.s32 $0xFFFFFFFF, s7;
	[sflag:s11] =	ssyncadd.s32 $0xFFFFC800  }
.Ltmp5:
0x133: {  	(pc) =	sbr.rel @p3 .LBB2_7-.Ltmp5, $3  }
0x134: {  	_ =	sdelay $0x1  }
0x135: {  	_ =	swait.ge [sflag:s11], $0x3800  }
0x136: {  	[sflag:s11] =	ssyncset.done $0x0  }
0x137: {  	[sflag:s11] =	ssyncadd.s32 $0xFFFFC800  }
.LBB2_9:
.Ltmp6:
0x138: {  	(pc) =	sbr.rel @p0 .LBB2_19-.Ltmp6, $2  }
0x139: {  	_ =	sdelay $0x2  }
0x13a: {  	s7 =	simm.s32 $0x0  }
0x13b: {  	p3 =	por $0x0, $0x0;
	s8 =	simm.s32 $0xFFFFFFAB  }
0x13c: {  	s8 =	simm.s32 @!p3 $0x0  }
0x13d: {  	s9 =	simm.s32 $0x2000;
	s10 =	sadd.s32 $0x0, s8  }
0x13e: {  	s9 =	simm.s32 @!p3 $0x0;
	s10 =	smul.u32 $0x3, s10  }
0x13f: {  	s8 =	simm.s32 $0x1;
	s9 =	sor.u32 s3, s9  }
.LBB2_11:
0x140: {  	p4 =	sgt.u32 s8, $0x54;
	s9 =	sadd.s32 s10, s9  }
0x141: {  	s10 =	smov.u32 s8;
	p3 =	sne.s32 s8, $0xA9;
	s9 =	smul.u32 $0x1C00, s9  }
.Ltmp7:
0x142: {  	s8 =	sadd.s32 $0x1, s8;
	s13 =	simm.s32 $0xFFFFFFAB;
	(pc) =	sbr.rel @p3 .LBB2_11-.Ltmp7, $4  }
0x143: {  	s17 =	simm.s32 $0x2000;
	s13 =	simm.s32 @!p4 $0x0  }
0x144: {  	s17 =	simm.s32 @!p4 $0x0;
	s10 =	sadd.s32 s10, s13;
	s13 =	sshrl.u32 s9, $0x3  }
0x145: {  	s9 =	sor.u32 s3, s17;
	s10 =	smul.u32 $0x3, s10;
	s13 =	sadd.s32 s6, s13  }
0x146: {  	[hbm4b:s13+s7] =	stream.linear.scatter [tilespmem:s25], [sflag:$0x9], $0x1C00, $0x38;
	[tilespmem:$0x11800] =	vst v63  }
0x147: {  	s8 =	sadd.s32 s10, s9  }
0x148: {  	s8 =	smul.u32 $0x1C00, s8;
	_ =	sdelay $0x1  }
0x149: {  	s17 =	simm.s32 $0x7;
	p4 =	por $0x0, $0x0;
	s8 =	sshrl.u32 s8, $0x3  }
0x14a: {  	p3 =	por $0x1, $0x1;
	s9 =	simm.s32 $0xFFFFFFAB;
	s8 =	sadd.s32 s6, s8  }
0x14b: {  	[hbm4b:s8+s7] =	stream.linear.scatter [tilespmem:s25], [sflag:$0x9], $0x1C00, $0x38;
	[tilespmem:$0x11800] =	vst v63  }
0x14c: {  	s10 =	simm.s32 $0x2000;
	s7 =	simm.s32 $0xFFFFFFAB;
	s8 =	simm.s32 $0x2000  }
0x14d: {  	s7 =	simm.s32 @!p4 $0x0;
	s8 =	simm.s32 @!p4 $0x0;
	p4 =	por $0x0, $0x0  }
0x14e: {  	s13 =	simm.s32 @!p3 $0x5;
	s7 =	sadd.s32 $0x3, s7;
	s9 =	simm.s32 @!p4 $0x0  }
0x14f: {  	_ =	swait.ge @!p3 [sflag:s13], $0x1C00;
	s7 =	smul.u32 $0x3, s7;
	s9 =	sadd.s32 $0x3, s9  }
0x150: {  	s8 =	sor.u32 s3, s8;
	s10 =	simm.s32 @!p4 $0x0;
	s16 =	smul.u32 $0x3, s9  }
0x151: {  	[sflag:s13] =	ssyncset.done @!p3 $0x0;
	s18 =	sor.u32 s3, s10;
	s7 =	sadd.s32 s8, s7  }
0x152: {  	p4 =	por $0x0, $0x0;
	s7 =	smul.u32 $0x1C00, s7;
	s8 =	sadd.s32 s18, s16  }
0x153: {  	s10 =	simm.s32 @!p3 $0x8;
	[sflag:s13] =	ssyncadd.s32 @!p3 $0xFFFFE400;
	s8 =	smul.u32 $0x1C00, s8  }
0x154: {  	s9 =	simm.s32 @!p3 $0x7;
	s18 =	sadd.s32 $0xFF8F2000, s7;
	s7 =	sadd.s32 $0xFFFF0400, s7  }
0x155: {  	s19 =	sshrl.u32 s18, $0x3;
	s18 =	simm.s32 @!p3 $0x6;
	s23 =	sadd.s32 $0xFF8FC800, s8  }
0x156: {  	s7 =	sadd.s32 $0x1C00, s7;
	s13 =	sadd.s32 s5, s19;
	s19 =	sadd.s32 $0xFF8F7400, s8  }
0x157: {  	[tilespmem:s4], [sflag:$0x1] =	stream.linear.gather [hbm4b:s13+s4], $0x1C00, $0x38;
	[tilespmem:$0x11800] =	vst v63  }
0x158: {  	s7 =	sshrl.u32 s7, $0x3;
	s20 =	sshrl.u32 s19, $0x3;
	s19 =	simm.s32 $0xFFFFFFAB  }
0x159: {  	_ =	swait.ge @!p3 [sflag:s18], $0x1C00;
	s13 =	sadd.s32 s5, s20;
	s19 =	simm.s32 @!p4 $0x0  }
0x15a: {  	s20 =	simm.s32 $0x2000;
	[sflag:s18] =	ssyncset.done @!p3 $0x0;
	s19 =	sadd.s32 $0x3, s19  }
0x15b: {  	s20 =	simm.s32 @!p4 $0x0;
	[sflag:s18] =	ssyncadd.s32 @!p3 $0xFFFFE400;
	s22 =	smul.u32 $0x3, s19  }
0x15c: {  	[tilespmem:s28], [sflag:$0x2] =	stream.linear.gather [hbm4b:s13+s4], $0x1C00, $0x38;
	[tilespmem:$0x11800] =	vst v63  }
0x15d: {  	s7 =	sadd.s32 s6, s7;
	s26 =	sor.u32 s3, s20;
	_ =	swait.ge @!p3 [sflag:s9], $0x1C00  }
0x15e: {  	s13 =	sshrl.u32 s23, $0x3;
	s18 =	sadd.s32 s22, s26;
	[sflag:s9] =	ssyncset.done @!p3 $0x0  }
0x15f: {  	s13 =	sadd.s32 s5, s13;
	s16 =	smul.u32 $0x1C00, s18;
	[sflag:s9] =	ssyncadd.s32 @!p3 $0xFFFFE400  }
0x160: {  	[tilespmem:s29], [sflag:$0x3] =	stream.linear.gather [hbm4b:s13+s4], $0x1C00, $0x38;
	[tilespmem:$0x11800] =	vst v63  }
0x161: {  	s19 =	sadd.s32 $0xFFFFAC00, s8;
	s18 =	sadd.s32 $0xFF901C00, s16;
	_ =	swait.ge @!p3 [sflag:s10], $0x1C00  }
0x162: {  	s8 =	sadd.s32 $0xFFFF5800, s8;
	s9 =	sshrl.u32 s18, $0x3;
	[sflag:s10] =	ssyncset.done @!p3 $0x0  }
0x163: {  	s8 =	sadd.s32 $0x1C00, s8;
	s9 =	sadd.s32 s5, s9;
	[sflag:s10] =	ssyncadd.s32 @!p3 $0xFFFFE400  }
0x164: {  	[tilespmem:s30], [sflag:$0x4] =	stream.linear.gather [hbm4b:s9+s4], $0x1C00, $0x38;
	[tilespmem:$0x11800] =	vst v63  }
0x165: {  	p4 =	por $0x0, $0x0;
	s23 =	sshrl.u32 s8, $0x3;
	_ =	swait.ge [sflag:s31], $0x1C00  }
0x166: {  	s20 =	sadd.s32 $0x1C00, s16;
	s18 =	sadd.s32 $0x1C00, s19;
	[sflag:s31] =	ssyncset.done $0x0  }
0x167: {  	s22 =	sshrl.u32 s20, $0x3;
	s19 =	simm.s32 $0x1;
	[sflag:s31] =	ssyncadd.s32 $0xFFFFE400  }
0x168: {  	[hbm4b:s7+s4] =	stream.linear.scatter [tilespmem:s4], [sflag:$0x5], $0x1C00, $0x38;
	[tilespmem:$0x11800] =	vst v63  }
0x169: {  	s26 =	sshrl.u32 s18, $0x3;
	s18 =	simm.s32 $0xB;
	_ =	swait.ge [sflag:s1], $0x1C00  }
0x16a: {  	s8 =	sadd.s32 s6, s22;
	p3 =	por $0x0, $0x0;
	[sflag:s1] =	ssyncset.done $0x0  }
0x16b: {  	s10 =	simm.s32 $0x2000;
	s7 =	sadd.s32 s6, s23;
	[sflag:s1] =	ssyncadd.s32 $0xFFFFE400  }
0x16c: {  	[hbm4b:s7+s4] =	stream.linear.scatter [tilespmem:s28], [sflag:$0x6], $0x1C00, $0x38;
	[tilespmem:$0x11800] =	vst v63  }
0x16d: {  	s9 =	sadd.s32 s6, s26;
	s7 =	simm.s32 $0xFFFFFFAB;
	_ =	swait.ge [sflag:s0], $0x1C00  }
0x16e: {  	s10 =	simm.s32 @!p4 $0x0;
	s7 =	simm.s32 @!p4 $0x0;
	[sflag:s0] =	ssyncset.done $0x0  }
.LBB2_13:
0x16f: {  	s13 =	sadd.s32 s17, s7;
	p4 =	sgt.u32 s19, $0x14;
	[sflag:s0] =	ssyncadd.s32 $0xFFFFE400  }
0x170: {  	s7 =	smov.u32 s18;
	s10 =	sor.u32 s3, s10;
	s20 =	simm.s32 $0x2000  }
0x171: {  	s22 =	simm.s32 @!p3 $0x5;
	s26 =	simm.s32 $0xFFFFFFAB;
	s16 =	simm.s32 $0x2000  }
0x172: {  	[hbm4b:s9+s4] =	stream.linear.scatter [tilespmem:s29], [sflag:$0x7], $0x1C00, $0x38;
	[tilespmem:$0x11800] =	vst v63  }
0x173: {  	s9 =	smul.u32 $0x3, s13;
	s13 =	simm.s32 $0xFFFFFFAB;
	_ =	swait.ge [sflag:s2], $0x1C00  }
0x174: {  	s20 =	simm.s32 @!p4 $0x0;
	s13 =	simm.s32 @!p4 $0x0;
	[sflag:s2] =	ssyncset.done $0x0  }
0x175: {  	s20 =	sor.u32 s3, s20;
	s13 =	sadd.s32 s17, s13;
	[sflag:s2] =	ssyncadd.s32 $0xFFFFE400  }
0x176: {  	s18 =	sadd.s32 $0x4, s18;
	s9 =	sadd.s32 s10, s9;
	s10 =	smul.u32 $0x3, s13  }
0x177: {  	[hbm4b:s8+s4] =	stream.linear.scatter [tilespmem:s30], [sflag:$0x8], $0x1C00, $0x38;
	[tilespmem:$0x11800] =	vst v63  }
0x178: {  	s9 =	smul.u32 $0x1C00, s9;
	s8 =	simm.s32 @!p3 $0x8;
	_ =	swait.ge @!p3 [sflag:s22], $0x1C00  }
0x179: {  	s13 =	simm.s32 @!p3 $0x7;
	s10 =	sadd.s32 s20, s10;
	[sflag:s22] =	ssyncset.done @!p3 $0x0  }
0x17a: {  	s20 =	sadd.s32 $0xFF8F2000, s9;
	s10 =	smul.u32 $0x1C00, s10;
	[sflag:s22] =	ssyncadd.s32 @!p3 $0xFFFFE400  }
0x17b: {  	s9 =	sadd.s32 $0xFFFF0400, s9;
	s20 =	sshrl.u32 s20, $0x3;
	s22 =	simm.s32 @!p3 $0x6  }
0x17c: {  	p4 =	sgt.u32 s17, $0x54;
	s20 =	sadd.s32 s5, s20;
	s23 =	sadd.s32 $0xFF8F7400, s10  }
0x17d: {  	[tilespmem:s4], [sflag:$0x1] =	stream.linear.gather [hbm4b:s20+s4], $0x1C00, $0x38;
	[tilespmem:$0x11800] =	vst v63  }
0x17e: {  	s20 =	sshrl.u32 s23, $0x3;
	s23 =	sadd.s32 $0xFF8FC800, s10;
	_ =	swait.ge @!p3 [sflag:s22], $0x1C00  }
0x17f: {  	s26 =	simm.s32 @!p4 $0x0;
	s20 =	sadd.s32 s5, s20;
	s23 =	sshrl.u32 s23, $0x3  }
0x180: {  	s16 =	simm.s32 @!p4 $0x0;
	s9 =	sadd.s32 $0x1C00, s9;
	[sflag:s22] =	ssyncset.done @!p3 $0x0  }
0x181: {  	s17 =	sadd.s32 s17, s26;
	[sflag:s22] =	ssyncadd.s32 @!p3 $0xFFFFE400;
	s22 =	sadd.s32 $0xFFFFAC00, s10  }
0x182: {  	s16 =	sor.u32 s3, s16;
	s17 =	smul.u32 $0x3, s17;
	s22 =	sadd.s32 $0x1C00, s22  }
0x183: {  	[tilespmem:s28], [sflag:$0x2] =	stream.linear.gather [hbm4b:s20+s4], $0x1C00, $0x38;
	[tilespmem:$0x11800] =	vst v63  }
0x184: {  	s10 =	sadd.s32 $0xFFFF5800, s10;
	s20 =	sshrl.u32 s9, $0x3;
	_ =	swait.ge @!p3 [sflag:s13], $0x1C00  }
0x185: {  	s10 =	sadd.s32 $0x1C00, s10;
	s9 =	sadd.s32 s17, s16;
	[sflag:s13] =	ssyncset.done @!p3 $0x0  }
0x186: {  	s9 =	smul.u32 $0x1C00, s9;
	[sflag:s13] =	ssyncadd.s32 @!p3 $0xFFFFE400;
	s13 =	sadd.s32 s5, s23  }
0x187: {  	[tilespmem:s29], [sflag:$0x3] =	stream.linear.gather [hbm4b:s13+s4], $0x1C00, $0x38;
	[tilespmem:$0x11800] =	vst v63  }
0x188: {  	s13 =	sadd.s32 $0xFF901C00, s9;
	s9 =	sadd.s32 $0x1C00, s9;
	_ =	swait.ge @!p3 [sflag:s8], $0x1C00  }
0x189: {  	s13 =	sshrl.u32 s13, $0x3;
	s16 =	sshrl.u32 s9, $0x3;
	[sflag:s8] =	ssyncset.done @!p3 $0x0  }
0x18a: {  	s10 =	sshrl.u32 s10, $0x3;
	[sflag:s8] =	ssyncadd.s32 @!p3 $0xFFFFE400;
	s8 =	sadd.s32 s5, s13  }
0x18b: {  	[tilespmem:s30], [sflag:$0x4] =	stream.linear.gather [hbm4b:s8+s4], $0x1C00, $0x38;
	[tilespmem:$0x11800] =	vst v63  }
0x18c: {  	s19 =	sadd.s32 $0x1, s19;
	s8 =	sshrl.u32 s22, $0x3;
	_ =	swait.ge [sflag:s31], $0x1C00  }
0x18d: {  	p4 =	sne.s32 s18, $0xAB;
	s9 =	sadd.s32 s6, s8;
	[sflag:s31] =	ssyncset.done $0x0  }
0x18e: {  	s17 =	smov.u32 s7;
	s8 =	sadd.s32 s6, s20;
	[sflag:s31] =	ssyncadd.s32 $0xFFFFE400  }
0x18f: {  	[hbm4b:s8+s4] =	stream.linear.scatter [tilespmem:s4], [sflag:$0x5], $0x1C00, $0x38;
	[tilespmem:$0x11800] =	vst v63  }
0x190: {  	p5 =	sgt.u32 s19, $0x15;
	_ =	swait.ge [sflag:s1], $0x1C00  }
.Ltmp8:
0x191: {  	s7 =	sadd.s32 s6, s10;
	[sflag:s1] =	ssyncset.done $0x0;
	(pc) =	sbr.rel @p4 .LBB2_13-.Ltmp8, $4  }
0x192: {  	s10 =	simm.s32 $0x2000;
	p3 =	seq.s32 s17, $0x3;
	[sflag:s1] =	ssyncadd.s32 $0xFFFFE400  }
0x193: {  	[hbm4b:s7+s4] =	stream.linear.scatter [tilespmem:s28], [sflag:$0x6], $0x1C00, $0x38;
	[tilespmem:$0x11800] =	vst v63  }
0x194: {  	s8 =	sadd.s32 s6, s16;
	s7 =	simm.s32 $0xFFFFFFAB;
	_ =	swait.ge [sflag:s0], $0x1C00  }
0x195: {  	s10 =	simm.s32 @!p5 $0x0;
	s7 =	simm.s32 @!p5 $0x0;
	[sflag:s0] =	ssyncset.done $0x0  }
0x196: {  	s7 =	sadd.s32 s17, s7;
	p4 =	sgt.u32 s19, $0x14;
	[sflag:s0] =	ssyncadd.s32 $0xFFFFE400  }
0x197: {  	s23 =	sor.u32 s3, s10;
	s10 =	simm.s32 $0xFFFFFFAB;
	s13 =	simm.s32 $0x2000  }
0x198: {  	[hbm4b:s9+s4] =	stream.linear.scatter [tilespmem:s29], [sflag:$0x7], $0x1C00, $0x38;
	[tilespmem:$0x11800] =	vst v63  }
0x199: {  	s7 =	smul.u32 $0x3, s7;
	s10 =	simm.s32 @!p4 $0x0;
	s13 =	simm.s32 @!p4 $0x0  }
0x19a: {  	p4 =	sgt.u32 s17, $0x54;
	_ =	swait.ge [sflag:s2], $0x1C00;
	s10 =	sadd.s32 s17, s10  }
0x19b: {  	[sflag:s2] =	ssyncset.done $0x0;
	s7 =	sadd.s32 s23, s7;
	s26 =	smul.u32 $0x3, s10  }
0x19c: {  	s16 =	sor.u32 s3, s13;
	[sflag:s2] =	ssyncadd.s32 $0xFFFFE400;
	s7 =	smul.u32 $0x1C00, s7  }
0x19d: {  	[hbm4b:s8+s4] =	stream.linear.scatter [tilespmem:s30], [sflag:$0x8], $0x1C00, $0x38;
	[tilespmem:$0x11800] =	vst v63  }
0x19e: {  	s13 =	simm.s32 @!p3 $0x8;
	s10 =	simm.s32 @!p3 $0x5;
	s8 =	sadd.s32 s16, s26  }
0x19f: {  	_ =	swait.ge @!p3 [sflag:s10], $0x1C00;
	s18 =	sadd.s32 $0xFF8F2000, s7;
	s8 =	smul.u32 $0x1C00, s8  }
0x1a0: {  	s16 =	simm.s32 @!p3 $0x7;
	[sflag:s10] =	ssyncset.done @!p3 $0x0;
	s9 =	sshrl.u32 s18, $0x3  }
0x1a1: {  	[sflag:s10] =	ssyncadd.s32 @!p3 $0xFFFFE400;
	s9 =	sadd.s32 s5, s9;
	s18 =	sadd.s32 $0xFF8F7400, s8  }
0x1a2: {  	[tilespmem:s4], [sflag:$0x1] =	stream.linear.gather [hbm4b:s9+s4], $0x1C00, $0x38;
	[tilespmem:$0x11800] =	vst v63  }
0x1a3: {  	s10 =	simm.s32 @!p3 $0x6;
	s19 =	sshrl.u32 s18, $0x3;
	s18 =	simm.s32 $0xFFFFFFAB  }
0x1a4: {  	_ =	swait.ge @!p3 [sflag:s10], $0x1C00;
	s9 =	sadd.s32 s5, s19;
	s18 =	simm.s32 @!p4 $0x0  }
0x1a5: {  	s19 =	simm.s32 $0x2000;
	[sflag:s10] =	ssyncset.done @!p3 $0x0;
	s20 =	sadd.s32 s17, s18  }
0x1a6: {  	s19 =	simm.s32 @!p4 $0x0;
	[sflag:s10] =	ssyncadd.s32 @!p3 $0xFFFFE400;
	s22 =	smul.u32 $0x3, s20  }
0x1a7: {  	[tilespmem:s28], [sflag:$0x2] =	stream.linear.gather [hbm4b:s9+s4], $0x1C00, $0x38;
	[tilespmem:$0x11800] =	vst v63  }
0x1a8: {  	s23 =	sadd.s32 $0xFF8FC800, s8;
	s26 =	sor.u32 s3, s19;
	_ =	swait.ge @!p3 [sflag:s16], $0x1C00  }
0x1a9: {  	s9 =	sshrl.u32 s23, $0x3;
	s10 =	sadd.s32 s22, s26;
	[sflag:s16] =	ssyncset.done @!p3 $0x0  }
0x1aa: {  	s9 =	sadd.s32 s5, s9;
	s10 =	smul.u32 $0x1C00, s10;
	[sflag:s16] =	ssyncadd.s32 @!p3 $0xFFFFE400  }
0x1ab: {  	[tilespmem:s29], [sflag:$0x3] =	stream.linear.gather [hbm4b:s9+s4], $0x1C00, $0x38;
	[tilespmem:$0x11800] =	vst v63  }
0x1ac: {  	s18 =	sadd.s32 $0xFF901C00, s10;
	_ =	swait.ge @!p3 [sflag:s13], $0x1C00  }
0x1ad: {  	s9 =	sshrl.u32 s18, $0x3;
	[sflag:s13] =	ssyncset.done @!p3 $0x0  }
0x1ae: {  	s7 =	sadd.s32 $0xFFFF0400, s7;
	s9 =	sadd.s32 s5, s9;
	[sflag:s13] =	ssyncadd.s32 @!p3 $0xFFFFE400  }
0x1af: {  	[tilespmem:s30], [sflag:$0x4] =	stream.linear.gather [hbm4b:s9+s4], $0x1C00, $0x38;
	[tilespmem:$0x11800] =	vst v63  }
0x1b0: {  	s7 =	sadd.s32 $0x1C00, s7;
	_ =	swait.ge [sflag:s31], $0x1C00  }
0x1b1: {  	s7 =	sshrl.u32 s7, $0x3;
	[sflag:s31] =	ssyncset.done $0x0  }
0x1b2: {  	s7 =	sadd.s32 s6, s7;
	s19 =	sadd.s32 $0xFFFF5800, s8;
	[sflag:s31] =	ssyncadd.s32 $0xFFFFE400  }
0x1b3: {  	[hbm4b:s7+s4] =	stream.linear.scatter [tilespmem:s4], [sflag:$0x5], $0x1C00, $0x38;
	[tilespmem:$0x11800] =	vst v63  }
0x1b4: {  	s20 =	sadd.s32 $0x1C00, s19;
	_ =	swait.ge [sflag:s1], $0x1C00  }
0x1b5: {  	s7 =	sshrl.u32 s20, $0x3;
	[sflag:s1] =	ssyncset.done $0x0  }
0x1b6: {  	s8 =	sadd.s32 $0xFFFFAC00, s8;
	s7 =	sadd.s32 s6, s7;
	[sflag:s1] =	ssyncadd.s32 $0xFFFFE400  }
0x1b7: {  	[hbm4b:s7+s4] =	stream.linear.scatter [tilespmem:s28], [sflag:$0x6], $0x1C00, $0x38;
	[tilespmem:$0x11800] =	vst v63  }
0x1b8: {  	s22 =	sadd.s32 $0x1C00, s8;
	_ =	swait.ge [sflag:s0], $0x1C00  }
0x1b9: {  	s7 =	sshrl.u32 s22, $0x3;
	[sflag:s0] =	ssyncset.done $0x0  }
0x1ba: {  	s7 =	sadd.s32 s6, s7;
	[sflag:s0] =	ssyncadd.s32 $0xFFFFE400  }
0x1bb: {  	[hbm4b:s7+s4] =	stream.linear.scatter [tilespmem:s29], [sflag:$0x7], $0x1C00, $0x38;
	[tilespmem:$0x11800] =	vst v63  }
0x1bc: {  	s23 =	sadd.s32 $0x1C00, s10;
	_ =	swait.ge [sflag:s2], $0x1C00  }
0x1bd: {  	s7 =	sshrl.u32 s23, $0x3;
	[sflag:s2] =	ssyncset.done $0x0  }
0x1be: {  	s7 =	sadd.s32 s6, s7;
	[sflag:s2] =	ssyncadd.s32 $0xFFFFE400  }
0x1bf: {  	[hbm4b:s7+s4] =	stream.linear.scatter [tilespmem:s30], [sflag:$0x8], $0x1C00, $0x38;
	[tilespmem:$0x11800] =	vst v63  }
0x1c0: {  	_ =	swait.ge [sflag:s21], $0x1C00  }
0x1c1: {  	[sflag:s21] =	ssyncset.done $0x0  }
0x1c2: {  	s26 =	simm.s32 $0x6;
	[sflag:s21] =	ssyncadd.s32 $0xFFFFE400  }
0x1c3: {  	_ =	swait.ge [sflag:s26], $0x1C00  }
0x1c4: {  	[sflag:s26] =	ssyncset.done $0x0  }
0x1c5: {  	s8 =	simm.s32 $0x7;
	[sflag:s26] =	ssyncadd.s32 $0xFFFFE400  }
0x1c6: {  	_ =	swait.ge [sflag:s8], $0x1C00  }
0x1c7: {  	p4 =	por $0x0, $0x0;
	p3 =	por $0x0, $0x0;
	[sflag:s8] =	ssyncset.done $0x0  }
0x1c8: {  	s9 =	simm.s32 $0x8;
	s7 =	simm.s32 $0x2000;
	[sflag:s8] =	ssyncadd.s32 $0xFFFFE400  }
0x1c9: {  	s10 =	simm.s32 $0x0;
	s7 =	simm.s32 @!p3 $0x0;
	_ =	swait.ge [sflag:s9], $0x1C00  }
0x1ca: {  	s7 =	sor.u32 s3, s7;
	s8 =	simm.s32 $0xFFFFFFAB;
	[sflag:s9] =	ssyncset.done $0x0  }
0x1cb: {  	s8 =	simm.s32 @!p3 $0x0;
	s13 =	rddreg [dreg:$0xb];
	[sflag:s9] =	ssyncadd.s32 $0xFFFFE400  }
0x1cc: {  	[tilespmem:s10], [sflag:$0x1] =	stream.linear.gather [hbm4b:s13+s10], $0x1C00, $0x38;
	[tilespmem:$0x11800] =	vst v63  }
0x1cd: {  	p3 =	por $0x0, $0x0;
	s8 =	sadd.s32 $0x3, s8;
	_ =	swait.ge [sflag:s31], $0x1C00  }
0x1ce: {  	s9 =	simm.s32 $0xFFFFFFAB;
	s8 =	smul.u32 $0x3, s8;
	[sflag:s31] =	ssyncset.done $0x0  }
0x1cf: {  	s9 =	simm.s32 @!p3 $0x0;
	s16 =	rddreg [dreg:$0xe];
	[sflag:s31] =	ssyncadd.s32 $0xFFFFE400  }
0x1d0: {  	[hbm4b:s16+s10] =	stream.linear.scatter [tilespmem:s10], [sflag:$0x5], $0x1C00, $0x38;
	[tilespmem:$0x11800] =	vst v63  }
0x1d1: {  	s13 =	simm.s32 $0x2000;
	s9 =	sadd.s32 $0x3, s9;
	_ =	swait.ge [sflag:s21], $0x1C00  }
0x1d2: {  	s7 =	sadd.s32 s7, s8;
	s13 =	simm.s32 @!p4 $0x0;
	[sflag:s21] =	ssyncset.done $0x0  }
0x1d3: {  	s7 =	smul.u32 $0x1C00, s7;
	s17 =	rddreg [dreg:$0xf];
	[sflag:s21] =	ssyncadd.s32 $0xFFFFE400  }
0x1d4: {  	[tilespmem:s10], [sflag:$0x1] =	stream.linear.gather [hbm4b:s17+s10], $0x1C00, $0x38;
	[tilespmem:$0x11800] =	vst v63  }
0x1d5: {  	s19 =	smul.u32 $0x3, s9;
	s13 =	sor.u32 s3, s13;
	_ =	swait.ge [sflag:s31], $0x1C00  }
0x1d6: {  	s7 =	sadd.s32 $0xFFFF3C00, s7;
	s16 =	simm.s32 $0xFFFFFFAB;
	[sflag:s31] =	ssyncset.done $0x0  }
0x1d7: {  	s16 =	simm.s32 @!p4 $0x0;
	s18 =	rddreg [dreg:$0x10];
	[sflag:s31] =	ssyncadd.s32 $0xFFFFE400  }
0x1d8: {  	[hbm4b:s18+s10] =	stream.linear.scatter [tilespmem:s10], [sflag:$0x5], $0x1C00, $0x38;
	[tilespmem:$0x11800] =	vst v63  }
0x1d9: {  	p4 =	por $0x0, $0x0;
	s16 =	sadd.s32 $0x3, s16;
	s10 =	simm.s32 $0x2000  }
0x1da: {  	s9 =	smul.u32 $0x3, s16;
	s10 =	simm.s32 @!p3 $0x0;
	_ =	swait.ge [sflag:s21], $0x1C00  }
0x1db: {  	p3 =	por $0x1, $0x1;
	s20 =	sor.u32 s3, s10;
	[sflag:s21] =	ssyncset.done $0x0  }
0x1dc: {  	s10 =	sshrl.u32 s7, $0x3;
	s7 =	simm.s32 @!p3 $0x5;
	[sflag:s21] =	ssyncadd.s32 $0xFFFFE400  }
0x1dd: {  	s18 =	simm.s32 $0x1;
	s8 =	sadd.s32 s20, s19;
	_ =	swait.ge @!p3 [sflag:s7], $0x1C00  }
0x1de: {  	s23 =	sadd.s32 s5, s10;
	s19 =	simm.s32 @!p3 $0x7;
	[sflag:s7] =	ssyncset.done @!p3 $0x0  }
0x1df: {  	s8 =	smul.u32 $0x1C00, s8;
	[sflag:s7] =	ssyncadd.s32 @!p3 $0xFFFFE400;
	s7 =	simm.s32 @!p3 $0x6  }
0x1e0: {  	[tilespmem:s4], [sflag:$0x1] =	stream.linear.gather [hbm4b:s23+s4], $0x1C00, $0x38;
	[tilespmem:$0x11800] =	vst v63  }
0x1e1: {  	s20 =	sadd.s32 s9, s13;
	s22 =	sadd.s32 $0xFFFF9000, s8;
	_ =	swait.ge @!p3 [sflag:s7], $0x1C00  }
0x1e2: {  	s13 =	simm.s32 @!p3 $0x8;
	s26 =	sshrl.u32 s22, $0x3;
	[sflag:s7] =	ssyncset.done @!p3 $0x0  }
0x1e3: {  	s9 =	smul.u32 $0x1C00, s20;
	s17 =	sadd.s32 s5, s26;
	[sflag:s7] =	ssyncadd.s32 @!p3 $0xFFFFE400  }
0x1e4: {  	[tilespmem:s28], [sflag:$0x2] =	stream.linear.gather [hbm4b:s17+s4], $0x1C00, $0x38;
	[tilespmem:$0x11800] =	vst v63  }
0x1e5: {  	s20 =	sadd.s32 s6, s10;
	s8 =	sadd.s32 $0xFFFFE400, s8;
	_ =	swait.ge @!p3 [sflag:s19], $0x1C00  }
0x1e6: {  	s10 =	simm.s32 $0x2000;
	s7 =	sshrl.u32 s8, $0x3;
	[sflag:s19] =	ssyncset.done @!p3 $0x0  }
0x1e7: {  	s10 =	simm.s32 @!p4 $0x0;
	s23 =	sadd.s32 s5, s7;
	[sflag:s19] =	ssyncadd.s32 @!p3 $0xFFFFE400  }
0x1e8: {  	[tilespmem:s29], [sflag:$0x3] =	stream.linear.gather [hbm4b:s23+s4], $0x1C00, $0x38;
	[tilespmem:$0x11800] =	vst v63  }
0x1e9: {  	s10 =	sor.u32 s3, s10;
	s22 =	sadd.s32 $0x3800, s9;
	_ =	swait.ge @!p3 [sflag:s13], $0x1C00  }
0x1ea: {  	s9 =	sshrl.u32 s22, $0x3;
	s8 =	sadd.s32 s6, s26;
	[sflag:s13] =	ssyncset.done @!p3 $0x0  }
0x1eb: {  	s26 =	sadd.s32 s5, s9;
	[sflag:s13] =	ssyncadd.s32 @!p3 $0xFFFFE400;
	s13 =	simm.s32 $0xFFFFFFAB  }
0x1ec: {  	[tilespmem:s30], [sflag:$0x4] =	stream.linear.gather [hbm4b:s26+s4], $0x1C00, $0x38;
	[tilespmem:$0x11800] =	vst v63  }
0x1ed: {  	s17 =	simm.s32 $0x7;
	s13 =	simm.s32 @!p4 $0x0;
	_ =	swait.ge [sflag:s31], $0x1C00  }
0x1ee: {  	s19 =	simm.s32 $0xB;
	s13 =	sadd.s32 $0x7, s13;
	[sflag:s31] =	ssyncset.done $0x0  }
0x1ef: {  	p3 =	por $0x0, $0x0;
	s23 =	smul.u32 $0x3, s13;
	[sflag:s31] =	ssyncadd.s32 $0xFFFFE400  }
.LBB2_15:
0x1f0: {  	[hbm4b:s20+s4] =	stream.linear.scatter [tilespmem:s4], [sflag:$0x5], $0x1C00, $0x38;
	[tilespmem:$0x11800] =	vst v63  }
0x1f1: {  	s20 =	smov.u32 s19;
	s10 =	sadd.s32 s10, s23  }
0x1f2: {  	s7 =	sadd.s32 s6, s7;
	p4 =	sgt.u32 s18, $0x14;
	s13 =	simm.s32 $0x2000  }
0x1f3: {  	s16 =	simm.s32 $0xFFFFFFAB;
	s9 =	sadd.s32 s6, s9;
	_ =	swait.ge [sflag:s1], $0x1C00  }
0x1f4: {  	s19 =	sadd.s32 $0x4, s19;
	s10 =	smul.u32 $0x1C00, s10;
	[sflag:s1] =	ssyncset.done $0x0  }
0x1f5: {  	s13 =	simm.s32 @!p4 $0x0;
	s16 =	simm.s32 @!p4 $0x0;
	[sflag:s1] =	ssyncadd.s32 $0xFFFFE400  }
0x1f6: {  	[hbm4b:s8+s4] =	stream.linear.scatter [tilespmem:s28], [sflag:$0x6], $0x1C00, $0x38;
	[tilespmem:$0x11800] =	vst v63  }
0x1f7: {  	p5 =	sgt.u32 s17, $0x54;
	s8 =	sadd.s32 $0xFFFF3C00, s10;
	_ =	swait.ge [sflag:s0], $0x1C00  }
0x1f8: {  	s23 =	sshrl.u32 s8, $0x3;
	s8 =	sadd.s32 s17, s16;
	[sflag:s0] =	ssyncset.done $0x0  }
0x1f9: {  	s10 =	sor.u32 s3, s13;
	s8 =	smul.u32 $0x3, s8;
	[sflag:s0] =	ssyncadd.s32 $0xFFFFE400  }
0x1fa: {  	[hbm4b:s7+s4] =	stream.linear.scatter [tilespmem:s29], [sflag:$0x7], $0x1C00, $0x38;
	[tilespmem:$0x11800] =	vst v63  }
0x1fb: {  	s13 =	simm.s32 @!p3 $0x5;
	s7 =	sadd.s32 s10, s8;
	_ =	swait.ge [sflag:s2], $0x1C00  }
0x1fc: {  	p4 =	sne.s32 s19, $0xAB;
	s7 =	smul.u32 $0x1C00, s7;
	[sflag:s2] =	ssyncset.done $0x0  }
0x1fd: {  	s16 =	simm.s32 $0xFFFFFFAB;
	s10 =	simm.s32 $0x2000;
	[sflag:s2] =	ssyncadd.s32 $0xFFFFE400  }
0x1fe: {  	s16 =	simm.s32 @!p5 $0x0;
	s10 =	simm.s32 @!p5 $0x0;
	s8 =	sadd.s32 $0xFFFF9000, s7  }
0x1ff: {  	[hbm4b:s9+s4] =	stream.linear.scatter [tilespmem:s30], [sflag:$0x8], $0x1C00, $0x38;
	[tilespmem:$0x11800] =	vst v63  }
0x200: {  	s7 =	sadd.s32 $0xFFFFE400, s7;
	s9 =	sshrl.u32 s8, $0x3;
	_ =	swait.ge @!p3 [sflag:s13], $0x1C00  }
0x201: {  	s7 =	sshrl.u32 s7, $0x3;
	s8 =	sadd.s32 s5, s23;
	[sflag:s13] =	ssyncset.done @!p3 $0x0  }
0x202: {  	s16 =	sadd.s32 s17, s16;
	[sflag:s13] =	ssyncadd.s32 @!p3 $0xFFFFE400;
	s13 =	simm.s32 @!p3 $0x6  }
0x203: {  	[tilespmem:s4], [sflag:$0x1] =	stream.linear.gather [hbm4b:s8+s4], $0x1C00, $0x38;
	[tilespmem:$0x11800] =	vst v63  }
0x204: {  	s16 =	smul.u32 $0x3, s16;
	s8 =	sadd.s32 s6, s9;
	_ =	swait.ge @!p3 [sflag:s13], $0x1C00  }
0x205: {  	s10 =	sor.u32 s3, s10;
	s9 =	sadd.s32 s5, s9;
	[sflag:s13] =	ssyncset.done @!p3 $0x0  }
0x206: {  	s10 =	sadd.s32 s16, s10;
	[sflag:s13] =	ssyncadd.s32 @!p3 $0xFFFFE400;
	s13 =	simm.s32 @!p3 $0x7  }
0x207: {  	[tilespmem:s28], [sflag:$0x2] =	stream.linear.gather [hbm4b:s9+s4], $0x1C00, $0x38;
	[tilespmem:$0x11800] =	vst v63  }
0x208: {  	s17 =	smov.u32 s20;
	s9 =	smul.u32 $0x1C00, s10;
	_ =	swait.ge @!p3 [sflag:s13], $0x1C00  }
0x209: {  	s18 =	sadd.s32 $0x1, s18;
	s22 =	simm.s32 $0xFFFFFFAB;
	[sflag:s13] =	ssyncset.done @!p3 $0x0  }
0x20a: {  	s20 =	sadd.s32 s6, s23;
	s9 =	sadd.s32 $0x3800, s9;
	[sflag:s13] =	ssyncadd.s32 @!p3 $0xFFFFE400  }
0x20b: {  	s10 =	sadd.s32 s5, s7;
	s13 =	simm.s32 @!p3 $0x8;
	s9 =	sshrl.u32 s9, $0x3  }
0x20c: {  	[tilespmem:s29], [sflag:$0x3] =	stream.linear.gather [hbm4b:s10+s4], $0x1C00, $0x38;
	[tilespmem:$0x11800] =	vst v63  }
0x20d: {  	p5 =	sgt.u32 s18, $0x15;
	s10 =	sadd.s32 s5, s9;
	_ =	swait.ge @!p3 [sflag:s13], $0x1C00  }
0x20e: {  	s22 =	simm.s32 @!p5 $0x0;
	s16 =	simm.s32 $0x2000;
	[sflag:s13] =	ssyncset.done @!p3 $0x0  }
.Ltmp9:
0x20f: {  	s16 =	simm.s32 @!p5 $0x0;
	[sflag:s13] =	ssyncadd.s32 @!p3 $0xFFFFE400;
	(pc) =	sbr.rel @p4 .LBB2_15-.Ltmp9, $4  }
0x210: {  	[tilespmem:s30], [sflag:$0x4] =	stream.linear.gather [hbm4b:s10+s4], $0x1C00, $0x38;
	[tilespmem:$0x11800] =	vst v63  }
0x211: {  	s13 =	sadd.s32 s17, s22;
	s10 =	sor.u32 s3, s16;
	_ =	swait.ge [sflag:s31], $0x1C00  }
0x212: {  	s23 =	smul.u32 $0x3, s13;
	[sflag:s31] =	ssyncset.done $0x0  }
0x213: {  	p3 =	seq.s32 s17, $0x3;
	[sflag:s31] =	ssyncadd.s32 $0xFFFFE400  }
0x214: {  	[hbm4b:s20+s4] =	stream.linear.scatter [tilespmem:s4], [sflag:$0x5], $0x1C00, $0x38;
	[tilespmem:$0x11800] =	vst v63  }
0x215: {  	_ =	swait.ge [sflag:s1], $0x1C00  }
0x216: {  	s10 =	sadd.s32 s10, s23;
	s7 =	sadd.s32 s6, s7;
	[sflag:s1] =	ssyncset.done $0x0  }
0x217: {  	p4 =	sgt.u32 s18, $0x14;
	s13 =	simm.s32 $0x2000;
	[sflag:s1] =	ssyncadd.s32 $0xFFFFE400  }
0x218: {  	[hbm4b:s8+s4] =	stream.linear.scatter [tilespmem:s28], [sflag:$0x6], $0x1C00, $0x38;
	[tilespmem:$0x11800] =	vst v63  }
0x219: {  	s9 =	sadd.s32 s6, s9;
	s10 =	smul.u32 $0x1C00, s10;
	s8 =	simm.s32 $0xFFFFFFAB  }
0x21a: {  	s13 =	simm.s32 @!p4 $0x0;
	_ =	swait.ge [sflag:s0], $0x1C00;
	s8 =	simm.s32 @!p4 $0x0  }
0x21b: {  	s26 =	sor.u32 s3, s13;
	[sflag:s0] =	ssyncset.done $0x0;
	s8 =	sadd.s32 s17, s8  }
0x21c: {  	s13 =	simm.s32 @!p3 $0x5;
	[sflag:s0] =	ssyncadd.s32 $0xFFFFE400;
	s8 =	smul.u32 $0x3, s8  }
0x21d: {  	[hbm4b:s7+s4] =	stream.linear.scatter [tilespmem:s29], [sflag:$0x7], $0x1C00, $0x38;
	[tilespmem:$0x11800] =	vst v63  }
0x21e: {  	s23 =	sadd.s32 $0xFFFF3C00, s10;
	p4 =	sgt.u32 s17, $0x54;
	_ =	swait.ge [sflag:s2], $0x1C00  }
0x21f: {  	s7 =	sshrl.u32 s23, $0x3;
	s8 =	sadd.s32 s26, s8;
	[sflag:s2] =	ssyncset.done $0x0  }
0x220: {  	s16 =	sadd.s32 s5, s7;
	s8 =	smul.u32 $0x1C00, s8;
	[sflag:s2] =	ssyncadd.s32 $0xFFFFE400  }
0x221: {  	[hbm4b:s9+s4] =	stream.linear.scatter [tilespmem:s30], [sflag:$0x8], $0x1C00, $0x38;
	[tilespmem:$0x11800] =	vst v63  }
0x222: {  	s9 =	simm.s32 $0xFFFFFFAB;
	s18 =	sadd.s32 $0xFFFF9000, s8;
	_ =	swait.ge @!p3 [sflag:s13], $0x1C00  }
0x223: {  	s8 =	sadd.s32 $0xFFFFE400, s8;
	s9 =	simm.s32 @!p4 $0x0;
	[sflag:s13] =	ssyncset.done @!p3 $0x0  }
0x224: {  	s10 =	sshrl.u32 s18, $0x3;
	[sflag:s13] =	ssyncadd.s32 @!p3 $0xFFFFE400;
	s13 =	simm.s32 @!p3 $0x6  }
0x225: {  	[tilespmem:s4], [sflag:$0x1] =	stream.linear.gather [hbm4b:s16+s4], $0x1C00, $0x38;
	[tilespmem:$0x11800] =	vst v63  }
0x226: {  	s9 =	sadd.s32 s17, s9;
	s19 =	sadd.s32 s5, s10;
	_ =	swait.ge @!p3 [sflag:s13], $0x1C00  }
0x227: {  	s9 =	smul.u32 $0x3, s9;
	s16 =	simm.s32 $0x2000;
	[sflag:s13] =	ssyncset.done @!p3 $0x0  }
0x228: {  	s16 =	simm.s32 @!p4 $0x0;
	[sflag:s13] =	ssyncadd.s32 @!p3 $0xFFFFE400;
	s13 =	simm.s32 @!p3 $0x7  }
0x229: {  	[tilespmem:s28], [sflag:$0x2] =	stream.linear.gather [hbm4b:s19+s4], $0x1C00, $0x38;
	[tilespmem:$0x11800] =	vst v63  }
0x22a: {  	s8 =	sshrl.u32 s8, $0x3;
	s16 =	sor.u32 s3, s16;
	_ =	swait.ge @!p3 [sflag:s13], $0x1C00  }
0x22b: {  	s20 =	sadd.s32 s5, s8;
	s9 =	sadd.s32 s9, s16;
	[sflag:s13] =	ssyncset.done @!p3 $0x0  }
0x22c: {  	s9 =	smul.u32 $0x1C00, s9;
	[sflag:s13] =	ssyncadd.s32 @!p3 $0xFFFFE400;
	s13 =	simm.s32 @!p3 $0x8  }
0x22d: {  	[tilespmem:s29], [sflag:$0x3] =	stream.linear.gather [hbm4b:s20+s4], $0x1C00, $0x38;
	[tilespmem:$0x11800] =	vst v63  }
0x22e: {  	s9 =	sadd.s32 $0x3800, s9;
	_ =	swait.ge @!p3 [sflag:s13], $0x1C00  }
0x22f: {  	s9 =	sshrl.u32 s9, $0x3;
	[sflag:s13] =	ssyncset.done @!p3 $0x0  }
0x230: {  	s22 =	sadd.s32 s5, s9;
	[sflag:s13] =	ssyncadd.s32 @!p3 $0xFFFFE400  }
0x231: {  	[tilespmem:s30], [sflag:$0x4] =	stream.linear.gather [hbm4b:s22+s4], $0x1C00, $0x38;
	[tilespmem:$0x11800] =	vst v63  }
0x232: {  	_ =	swait.ge [sflag:s31], $0x1C00  }
0x233: {  	[sflag:s31] =	ssyncset.done $0x0  }
0x234: {  	s7 =	sadd.s32 s6, s7;
	[sflag:s31] =	ssyncadd.s32 $0xFFFFE400  }
0x235: {  	[hbm4b:s7+s4] =	stream.linear.scatter [tilespmem:s4], [sflag:$0x5], $0x1C00, $0x38;
	[tilespmem:$0x11800] =	vst v63  }
0x236: {  	_ =	swait.ge [sflag:s1], $0x1C00  }
0x237: {  	[sflag:s1] =	ssyncset.done $0x0  }
0x238: {  	s23 =	sadd.s32 s6, s10;
	[sflag:s1] =	ssyncadd.s32 $0xFFFFE400  }
0x239: {  	[hbm4b:s23+s4] =	stream.linear.scatter [tilespmem:s28], [sflag:$0x6], $0x1C00, $0x38;
	[tilespmem:$0x11800] =	vst v63  }
0x23a: {  	_ =	swait.ge [sflag:s0], $0x1C00  }
0x23b: {  	[sflag:s0] =	ssyncset.done $0x0  }
0x23c: {  	s26 =	sadd.s32 s6, s8;
	[sflag:s0] =	ssyncadd.s32 $0xFFFFE400  }
0x23d: {  	[hbm4b:s26+s4] =	stream.linear.scatter [tilespmem:s29], [sflag:$0x7], $0x1C00, $0x38;
	[tilespmem:$0x11800] =	vst v63  }
0x23e: {  	_ =	swait.ge [sflag:s2], $0x1C00  }
0x23f: {  	[sflag:s2] =	ssyncset.done $0x0  }
0x240: {  	s8 =	sadd.s32 s6, s9;
	[sflag:s2] =	ssyncadd.s32 $0xFFFFE400  }
0x241: {  	[hbm4b:s8+s4] =	stream.linear.scatter [tilespmem:s30], [sflag:$0x8], $0x1C00, $0x38;
	[tilespmem:$0x11800] =	vst v63  }
0x242: {  	_ =	swait.ge [sflag:s21], $0x1C00  }
0x243: {  	[sflag:s21] =	ssyncset.done $0x0  }
0x244: {  	s9 =	simm.s32 $0x6;
	[sflag:s21] =	ssyncadd.s32 $0xFFFFE400  }
0x245: {  	_ =	swait.ge [sflag:s9], $0x1C00  }
0x246: {  	[sflag:s9] =	ssyncset.done $0x0  }
0x247: {  	s10 =	simm.s32 $0x7;
	[sflag:s9] =	ssyncadd.s32 $0xFFFFE400  }
0x248: {  	_ =	swait.ge [sflag:s10], $0x1C00  }
0x249: {  	[sflag:s10] =	ssyncset.done $0x0  }
0x24a: {  	s13 =	simm.s32 $0x8;
	[sflag:s10] =	ssyncadd.s32 $0xFFFFE400  }
0x24b: {  	_ =	swait.ge [sflag:s13], $0x1C00  }
0x24c: {  	[sflag:s13] =	ssyncset.done $0x0  }
0x24d: {  	s16 =	rddreg [dreg:$0x3];
	[sflag:s13] =	ssyncadd.s32 $0xFFFFE400  }
0x24e: {  	[tilespmem:s4], [sflag:$0x1] =	stream.linear.gather [hbm4b:s16+s4], $0x1C00, $0x38;
	[tilespmem:$0x11800] =	vst v63  }
0x24f: {  	_ =	swait.ge [sflag:s31], $0x1C00  }
0x250: {  	[sflag:s31] =	ssyncset.done $0x0  }
0x251: {  	s17 =	rddreg [dreg:$0x4];
	[sflag:s31] =	ssyncadd.s32 $0xFFFFE400  }
0x252: {  	[hbm4b:s17+s4] =	stream.linear.scatter [tilespmem:s4], [sflag:$0x5], $0x1C00, $0x38;
	[tilespmem:$0x11800] =	vst v63  }
0x253: {  	_ =	swait.ge [sflag:s21], $0x1C00  }
0x254: {  	[sflag:s21] =	ssyncset.done $0x0  }
0x255: {  	s18 =	rddreg [dreg:$0x5];
	[sflag:s21] =	ssyncadd.s32 $0xFFFFE400  }
0x256: {  	[tilespmem:s4], [sflag:$0x1] =	stream.linear.gather [hbm4b:s18+s4], $0x1C00, $0x38;
	[tilespmem:$0x11800] =	vst v63  }
0x257: {  	_ =	swait.ge [sflag:s31], $0x1C00  }
0x258: {  	[sflag:s31] =	ssyncset.done $0x0  }
0x259: {  	s19 =	rddreg [dreg:$0x6];
	[sflag:s31] =	ssyncadd.s32 $0xFFFFE400  }
0x25a: {  	[hbm4b:s19+s4] =	stream.linear.scatter [tilespmem:s4], [sflag:$0x5], $0x1C00, $0x38;
	[tilespmem:$0x11800] =	vst v63  }
0x25b: {  	_ =	swait.ge [sflag:s21], $0x1C00  }
0x25c: {  	[sflag:s21] =	ssyncset.done $0x0  }
0x25d: {  	s20 =	rddreg [dreg:$0x7];
	[sflag:s21] =	ssyncadd.s32 $0xFFFFE400  }
0x25e: {  	[tilespmem:s4], [sflag:$0x1] =	stream.linear.gather [hbm4b:s20+s4], $0x1C00, $0x38;
	[tilespmem:$0x11800] =	vst v63  }
0x25f: {  	_ =	swait.ge [sflag:s31], $0x1C00  }
0x260: {  	[sflag:s31] =	ssyncset.done $0x0  }
0x261: {  	s22 =	rddreg [dreg:$0x8];
	[sflag:s31] =	ssyncadd.s32 $0xFFFFE400  }
0x262: {  	[hbm4b:s22+s4] =	stream.linear.scatter [tilespmem:s4], [sflag:$0x5], $0x1C00, $0x38;
	[tilespmem:$0x11800] =	vst v63  }
0x263: {  	_ =	swait.ge [sflag:s21], $0x1C00  }
0x264: {  	[sflag:s21] =	ssyncset.done $0x0  }
0x265: {  	s23 =	rddreg [dreg:$0xa];
	[sflag:s21] =	ssyncadd.s32 $0xFFFFE400  }
0x266: {  	[tilespmem:s4], [sflag:$0x1] =	stream.linear.gather [hbm4b:s23+s4], $0x1C00, $0x38;
	[tilespmem:$0x11800] =	vst v63  }
0x267: {  	_ =	swait.ge [sflag:s31], $0x1C00  }
0x268: {  	[sflag:s31] =	ssyncset.done $0x0  }
0x269: {  	s26 =	rddreg [dreg:$0xd];
	[sflag:s31] =	ssyncadd.s32 $0xFFFFE400  }
0x26a: {  	[hbm4b:s26+s4] =	stream.linear.scatter [tilespmem:s4], [sflag:$0x5], $0x1C00, $0x38;
	[tilespmem:$0x11800] =	vst v63  }
0x26b: {  	_ =	swait.ge [sflag:s21], $0x1C00  }
0x26c: {  	[sflag:s21] =	ssyncset.done $0x0  }
0x26d: {  	[sflag:s21] =	ssyncadd.s32 $0xFFFFE400  }
0x26e: {  	_ =	swait.ge [sflag:s11], $0x1C00  }
0x26f: {  	s7 =	simm.s32 $0xA9;
	[sflag:s11] =	ssyncset.done $0x0  }
.LBB2_17:
0x270: {  	p3 =	sne.s32 s7, $0x1;
	s7 =	sadd.s32 $0xFFFFFFFF, s7;
	[sflag:s11] =	ssyncadd.s32 $0xFFFFE400  }
.Ltmp10:
0x271: {  	(pc) =	sbr.rel @p3 .LBB2_17-.Ltmp10, $3  }
0x272: {  	_ =	sdelay $0x1  }
0x273: {  	_ =	swait.ge [sflag:s11], $0x1C00  }
0x274: {  	[sflag:s11] =	ssyncset.done $0x0  }
0x275: {  	[sflag:s11] =	ssyncadd.s32 $0xFFFFE400  }
.LBB2_19:
.Ltmp11:
0x276: {  	(pc) =	sbr.rel @p2 .LBB2_25-.Ltmp11, $1  }
0x277: {  	_ =	sdelay $0x3  }
0x278: {  	s17 =	simm.s32 $0x7  }
0x279: {  	p4 =	por $0x0, $0x0;
	s7 =	simm.s32 $0xFFFFFFAB;
	s8 =	simm.s32 $0x2000  }
0x27a: {  	p3 =	por $0x1, $0x1;
	s9 =	simm.s32 $0xFFFFFFAB;
	s10 =	simm.s32 $0x2000  }
0x27b: {  	s19 =	simm.s32 $0x2000;
	s7 =	simm.s32 @!p4 $0x0;
	s8 =	simm.s32 @!p4 $0x0  }
0x27c: {  	p4 =	por $0x0, $0x0;
	s13 =	simm.s32 @!p3 $0x5;
	s7 =	sadd.s32 $0x3, s7  }
0x27d: {  	s9 =	simm.s32 @!p4 $0x0;
	s8 =	sor.u32 s3, s8;
	s10 =	simm.s32 @!p4 $0x0  }
0x27e: {  	_ =	swait.ge @!p3 [sflag:s13], $0x1C00;
	s7 =	smul.u32 $0x3, s7;
	s9 =	sadd.s32 $0x3, s9  }
0x27f: {  	p4 =	por $0x0, $0x0;
	s22 =	sor.u32 s3, s10;
	s20 =	smul.u32 $0x3, s9  }
0x280: {  	s10 =	simm.s32 @!p3 $0x8;
	[sflag:s13] =	ssyncset.done @!p3 $0x0;
	s7 =	sadd.s32 s8, s7  }
0x281: {  	s19 =	simm.s32 @!p4 $0x0;
	s7 =	smul.u32 $0x1C00, s7;
	s8 =	sadd.s32 s22, s20  }
0x282: {  	s9 =	simm.s32 @!p3 $0x7;
	[sflag:s13] =	ssyncadd.s32 @!p3 $0xFFFFE400;
	s8 =	smul.u32 $0x1C00, s8  }
0x283: {  	s22 =	sor.u32 s3, s19;
	s16 =	sadd.s32 $0xFF8F2000, s7;
	s7 =	sadd.s32 $0xFFFF0400, s7  }
0x284: {  	s23 =	sshrl.u32 s16, $0x3;
	s16 =	simm.s32 @!p3 $0x6;
	s18 =	sadd.s32 $0xFF8F7400, s8  }
0x285: {  	s13 =	sadd.s32 s5, s23;
	s26 =	sshrl.u32 s18, $0x3;
	s18 =	simm.s32 $0xFFFFFFAB  }
0x286: {  	[tilespmem:s4], [sflag:$0x1] =	stream.linear.gather [hbm4b:s13+s4], $0x1C00, $0x38;
	[tilespmem:$0x11800] =	vst v63  }
0x287: {  	s20 =	sadd.s32 $0xFF8FC800, s8;
	s18 =	simm.s32 @!p4 $0x0;
	_ =	swait.ge @!p3 [sflag:s16], $0x1C00  }
0x288: {  	s7 =	sadd.s32 $0x1C00, s7;
	s18 =	sadd.s32 $0x3, s18;
	[sflag:s16] =	ssyncset.done @!p3 $0x0  }
0x289: {  	s13 =	sadd.s32 s5, s26;
	s18 =	smul.u32 $0x3, s18;
	[sflag:s16] =	ssyncadd.s32 @!p3 $0xFFFFE400  }
0x28a: {  	[tilespmem:s28], [sflag:$0x2] =	stream.linear.gather [hbm4b:s13+s4], $0x1C00, $0x38;
	[tilespmem:$0x11800] =	vst v63  }
0x28b: {  	s19 =	sadd.s32 $0xFFFFAC00, s8;
	s8 =	sadd.s32 $0xFFFF5800, s8;
	_ =	swait.ge @!p3 [sflag:s9], $0x1C00  }
0x28c: {  	s13 =	sshrl.u32 s20, $0x3;
	s16 =	sadd.s32 s18, s22;
	[sflag:s9] =	ssyncset.done @!p3 $0x0  }
0x28d: {  	s23 =	sadd.s32 s5, s13;
	s26 =	smul.u32 $0x1C00, s16;
	[sflag:s9] =	ssyncadd.s32 @!p3 $0xFFFFE400  }
0x28e: {  	[tilespmem:s29], [sflag:$0x3] =	stream.linear.gather [hbm4b:s23+s4], $0x1C00, $0x38;
	[tilespmem:$0x11800] =	vst v63  }
0x28f: {  	s7 =	sshrl.u32 s7, $0x3;
	s18 =	sadd.s32 $0xFF901C00, s26;
	_ =	swait.ge @!p3 [sflag:s10], $0x1C00  }
0x290: {  	s8 =	sadd.s32 $0x1C00, s8;
	s9 =	sshrl.u32 s18, $0x3;
	[sflag:s10] =	ssyncset.done @!p3 $0x0  }
0x291: {  	s7 =	sadd.s32 s6, s7;
	s9 =	sadd.s32 s5, s9;
	[sflag:s10] =	ssyncadd.s32 @!p3 $0xFFFFE400  }
0x292: {  	[tilespmem:s30], [sflag:$0x4] =	stream.linear.gather [hbm4b:s9+s4], $0x1C00, $0x38;
	[tilespmem:$0x11800] =	vst v63  }
0x293: {  	p4 =	por $0x0, $0x0;
	s16 =	sadd.s32 $0x1C00, s19;
	_ =	swait.ge [sflag:s31], $0x1C00  }
0x294: {  	s19 =	simm.s32 $0x1;
	s20 =	sadd.s32 $0x1C00, s26;
	[sflag:s31] =	ssyncset.done $0x0  }
0x295: {  	s26 =	sshrl.u32 s16, $0x3;
	s22 =	sshrl.u32 s20, $0x3;
	[sflag:s31] =	ssyncadd.s32 $0xFFFFE400  }
0x296: {  	[hbm4b:s7+s4] =	stream.linear.scatter [tilespmem:s4], [sflag:$0x5], $0x1C00, $0x38;
	[tilespmem:$0x11800] =	vst v63  }
0x297: {  	s23 =	sshrl.u32 s8, $0x3;
	s18 =	simm.s32 $0xB;
	_ =	swait.ge [sflag:s1], $0x1C00  }
0x298: {  	s8 =	sadd.s32 s6, s22;
	p3 =	por $0x0, $0x0;
	[sflag:s1] =	ssyncset.done $0x0  }
0x299: {  	s10 =	simm.s32 $0x2000;
	s7 =	sadd.s32 s6, s23;
	[sflag:s1] =	ssyncadd.s32 $0xFFFFE400  }
0x29a: {  	[hbm4b:s7+s4] =	stream.linear.scatter [tilespmem:s28], [sflag:$0x6], $0x1C00, $0x38;
	[tilespmem:$0x11800] =	vst v63  }
0x29b: {  	s9 =	sadd.s32 s6, s26;
	s7 =	simm.s32 $0xFFFFFFAB;
	_ =	swait.ge [sflag:s0], $0x1C00  }
0x29c: {  	s10 =	simm.s32 @!p4 $0x0;
	s7 =	simm.s32 @!p4 $0x0;
	[sflag:s0] =	ssyncset.done $0x0  }
.LBB2_21:
0x29d: {  	s13 =	sadd.s32 s17, s7;
	p4 =	sgt.u32 s19, $0x14;
	[sflag:s0] =	ssyncadd.s32 $0xFFFFE400  }
0x29e: {  	s7 =	smov.u32 s18;
	s10 =	sor.u32 s3, s10;
	s16 =	simm.s32 $0x2000  }
0x29f: {  	s20 =	simm.s32 @!p3 $0x5;
	s23 =	simm.s32 $0xFFFFFFAB;
	s26 =	simm.s32 $0x2000  }
0x2a0: {  	[hbm4b:s9+s4] =	stream.linear.scatter [tilespmem:s29], [sflag:$0x7], $0x1C00, $0x38;
	[tilespmem:$0x11800] =	vst v63  }
0x2a1: {  	s9 =	smul.u32 $0x3, s13;
	s13 =	simm.s32 $0xFFFFFFAB;
	_ =	swait.ge [sflag:s2], $0x1C00  }
0x2a2: {  	s16 =	simm.s32 @!p4 $0x0;
	s13 =	simm.s32 @!p4 $0x0;
	[sflag:s2] =	ssyncset.done $0x0  }
0x2a3: {  	s16 =	sor.u32 s3, s16;
	s13 =	sadd.s32 s17, s13;
	[sflag:s2] =	ssyncadd.s32 $0xFFFFE400  }
0x2a4: {  	s18 =	sadd.s32 $0x4, s18;
	s9 =	sadd.s32 s10, s9;
	s10 =	smul.u32 $0x3, s13  }
0x2a5: {  	[hbm4b:s8+s4] =	stream.linear.scatter [tilespmem:s30], [sflag:$0x8], $0x1C00, $0x38;
	[tilespmem:$0x11800] =	vst v63  }
0x2a6: {  	s9 =	smul.u32 $0x1C00, s9;
	s8 =	simm.s32 @!p3 $0x8;
	_ =	swait.ge @!p3 [sflag:s20], $0x1C00  }
0x2a7: {  	s13 =	simm.s32 @!p3 $0x7;
	s10 =	sadd.s32 s16, s10;
	[sflag:s20] =	ssyncset.done @!p3 $0x0  }
0x2a8: {  	s16 =	sadd.s32 $0xFF8F2000, s9;
	s10 =	smul.u32 $0x1C00, s10;
	[sflag:s20] =	ssyncadd.s32 @!p3 $0xFFFFE400  }
0x2a9: {  	s9 =	sadd.s32 $0xFFFF0400, s9;
	s16 =	sshrl.u32 s16, $0x3;
	s20 =	simm.s32 @!p3 $0x6  }
0x2aa: {  	p4 =	sgt.u32 s17, $0x54;
	s16 =	sadd.s32 s5, s16;
	s22 =	sadd.s32 $0xFF8F7400, s10  }
0x2ab: {  	[tilespmem:s4], [sflag:$0x1] =	stream.linear.gather [hbm4b:s16+s4], $0x1C00, $0x38;
	[tilespmem:$0x11800] =	vst v63  }
0x2ac: {  	s16 =	sshrl.u32 s22, $0x3;
	s22 =	sadd.s32 $0xFF8FC800, s10;
	_ =	swait.ge @!p3 [sflag:s20], $0x1C00  }
0x2ad: {  	s23 =	simm.s32 @!p4 $0x0;
	s16 =	sadd.s32 s5, s16;
	s22 =	sshrl.u32 s22, $0x3  }
0x2ae: {  	s26 =	simm.s32 @!p4 $0x0;
	s9 =	sadd.s32 $0x1C00, s9;
	[sflag:s20] =	ssyncset.done @!p3 $0x0  }
0x2af: {  	s17 =	sadd.s32 s17, s23;
	[sflag:s20] =	ssyncadd.s32 @!p3 $0xFFFFE400;
	s20 =	sadd.s32 $0xFFFFAC00, s10  }
0x2b0: {  	s23 =	sor.u32 s3, s26;
	s17 =	smul.u32 $0x3, s17;
	s20 =	sadd.s32 $0x1C00, s20  }
0x2b1: {  	[tilespmem:s28], [sflag:$0x2] =	stream.linear.gather [hbm4b:s16+s4], $0x1C00, $0x38;
	[tilespmem:$0x11800] =	vst v63  }
0x2b2: {  	s10 =	sadd.s32 $0xFFFF5800, s10;
	s16 =	sshrl.u32 s9, $0x3;
	_ =	swait.ge @!p3 [sflag:s13], $0x1C00  }
0x2b3: {  	s10 =	sadd.s32 $0x1C00, s10;
	s9 =	sadd.s32 s17, s23;
	[sflag:s13] =	ssyncset.done @!p3 $0x0  }
0x2b4: {  	s9 =	smul.u32 $0x1C00, s9;
	[sflag:s13] =	ssyncadd.s32 @!p3 $0xFFFFE400;
	s13 =	sadd.s32 s5, s22  }
0x2b5: {  	[tilespmem:s29], [sflag:$0x3] =	stream.linear.gather [hbm4b:s13+s4], $0x1C00, $0x38;
	[tilespmem:$0x11800] =	vst v63  }
0x2b6: {  	s13 =	sadd.s32 $0xFF901C00, s9;
	s9 =	sadd.s32 $0x1C00, s9;
	_ =	swait.ge @!p3 [sflag:s8], $0x1C00  }
0x2b7: {  	s13 =	sshrl.u32 s13, $0x3;
	s22 =	sshrl.u32 s9, $0x3;
	[sflag:s8] =	ssyncset.done @!p3 $0x0  }
0x2b8: {  	s10 =	sshrl.u32 s10, $0x3;
	[sflag:s8] =	ssyncadd.s32 @!p3 $0xFFFFE400;
	s8 =	sadd.s32 s5, s13  }
0x2b9: {  	[tilespmem:s30], [sflag:$0x4] =	stream.linear.gather [hbm4b:s8+s4], $0x1C00, $0x38;
	[tilespmem:$0x11800] =	vst v63  }
0x2ba: {  	s19 =	sadd.s32 $0x1, s19;
	s8 =	sshrl.u32 s20, $0x3;
	_ =	swait.ge [sflag:s31], $0x1C00  }
0x2bb: {  	p4 =	sne.s32 s18, $0xAB;
	s9 =	sadd.s32 s6, s8;
	[sflag:s31] =	ssyncset.done $0x0  }
0x2bc: {  	s17 =	smov.u32 s7;
	s8 =	sadd.s32 s6, s16;
	[sflag:s31] =	ssyncadd.s32 $0xFFFFE400  }
0x2bd: {  	[hbm4b:s8+s4] =	stream.linear.scatter [tilespmem:s4], [sflag:$0x5], $0x1C00, $0x38;
	[tilespmem:$0x11800] =	vst v63  }
0x2be: {  	p5 =	sgt.u32 s19, $0x15;
	_ =	swait.ge [sflag:s1], $0x1C00  }
.Ltmp12:
0x2bf: {  	s7 =	sadd.s32 s6, s10;
	[sflag:s1] =	ssyncset.done $0x0;
	(pc) =	sbr.rel @p4 .LBB2_21-.Ltmp12, $4  }
0x2c0: {  	s10 =	simm.s32 $0x2000;
	p3 =	seq.s32 s17, $0x3;
	[sflag:s1] =	ssyncadd.s32 $0xFFFFE400  }
0x2c1: {  	[hbm4b:s7+s4] =	stream.linear.scatter [tilespmem:s28], [sflag:$0x6], $0x1C00, $0x38;
	[tilespmem:$0x11800] =	vst v63  }
0x2c2: {  	s8 =	sadd.s32 s6, s22;
	s7 =	simm.s32 $0xFFFFFFAB;
	_ =	swait.ge [sflag:s0], $0x1C00  }
0x2c3: {  	s10 =	simm.s32 @!p5 $0x0;
	s7 =	simm.s32 @!p5 $0x0;
	[sflag:s0] =	ssyncset.done $0x0  }
0x2c4: {  	s7 =	sadd.s32 s17, s7;
	p4 =	sgt.u32 s19, $0x14;
	[sflag:s0] =	ssyncadd.s32 $0xFFFFE400  }
0x2c5: {  	s16 =	sor.u32 s3, s10;
	s10 =	simm.s32 $0xFFFFFFAB;
	s13 =	simm.s32 $0x2000  }
0x2c6: {  	[hbm4b:s9+s4] =	stream.linear.scatter [tilespmem:s29], [sflag:$0x7], $0x1C00, $0x38;
	[tilespmem:$0x11800] =	vst v63  }
0x2c7: {  	s7 =	smul.u32 $0x3, s7;
	s10 =	simm.s32 @!p4 $0x0;
	s13 =	simm.s32 @!p4 $0x0  }
0x2c8: {  	p4 =	sgt.u32 s17, $0x54;
	_ =	swait.ge [sflag:s2], $0x1C00;
	s10 =	sadd.s32 s17, s10  }
0x2c9: {  	[sflag:s2] =	ssyncset.done $0x0;
	s7 =	sadd.s32 s16, s7;
	s18 =	smul.u32 $0x3, s10  }
0x2ca: {  	s19 =	sor.u32 s3, s13;
	[sflag:s2] =	ssyncadd.s32 $0xFFFFE400;
	s7 =	smul.u32 $0x1C00, s7  }
0x2cb: {  	[hbm4b:s8+s4] =	stream.linear.scatter [tilespmem:s30], [sflag:$0x8], $0x1C00, $0x38;
	[tilespmem:$0x11800] =	vst v63  }
0x2cc: {  	s13 =	simm.s32 @!p3 $0x8;
	s10 =	simm.s32 @!p3 $0x5;
	s8 =	sadd.s32 s19, s18  }
0x2cd: {  	_ =	swait.ge @!p3 [sflag:s10], $0x1C00;
	s20 =	sadd.s32 $0xFF8F2000, s7;
	s8 =	smul.u32 $0x1C00, s8  }
0x2ce: {  	s16 =	simm.s32 @!p3 $0x7;
	[sflag:s10] =	ssyncset.done @!p3 $0x0;
	s9 =	sshrl.u32 s20, $0x3  }
0x2cf: {  	[sflag:s10] =	ssyncadd.s32 @!p3 $0xFFFFE400;
	s9 =	sadd.s32 s5, s9;
	s18 =	sadd.s32 $0xFF8F7400, s8  }
0x2d0: {  	[tilespmem:s4], [sflag:$0x1] =	stream.linear.gather [hbm4b:s9+s4], $0x1C00, $0x38;
	[tilespmem:$0x11800] =	vst v63  }
0x2d1: {  	s10 =	simm.s32 @!p3 $0x6;
	s22 =	sshrl.u32 s18, $0x3;
	s18 =	simm.s32 $0xFFFFFFAB  }
0x2d2: {  	_ =	swait.ge @!p3 [sflag:s10], $0x1C00;
	s9 =	sadd.s32 s5, s22;
	s18 =	simm.s32 @!p4 $0x0  }
0x2d3: {  	[sflag:s10] =	ssyncset.done @!p3 $0x0;
	s23 =	sadd.s32 s17, s18;
	s18 =	simm.s32 $0x2000  }
0x2d4: {  	s18 =	simm.s32 @!p4 $0x0;
	[sflag:s10] =	ssyncadd.s32 @!p3 $0xFFFFE400;
	s26 =	smul.u32 $0x3, s23  }
0x2d5: {  	[tilespmem:s28], [sflag:$0x2] =	stream.linear.gather [hbm4b:s9+s4], $0x1C00, $0x38;
	[tilespmem:$0x11800] =	vst v63  }
0x2d6: {  	s17 =	sadd.s32 $0xFF8FC800, s8;
	s19 =	sor.u32 s3, s18;
	_ =	swait.ge @!p3 [sflag:s16], $0x1C00  }
0x2d7: {  	s9 =	sshrl.u32 s17, $0x3;
	s10 =	sadd.s32 s26, s19;
	[sflag:s16] =	ssyncset.done @!p3 $0x0  }
0x2d8: {  	s9 =	sadd.s32 s5, s9;
	s10 =	smul.u32 $0x1C00, s10;
	[sflag:s16] =	ssyncadd.s32 @!p3 $0xFFFFE400  }
0x2d9: {  	[tilespmem:s29], [sflag:$0x3] =	stream.linear.gather [hbm4b:s9+s4], $0x1C00, $0x38;
	[tilespmem:$0x11800] =	vst v63  }
0x2da: {  	s20 =	sadd.s32 $0xFF901C00, s10;
	_ =	swait.ge @!p3 [sflag:s13], $0x1C00  }
0x2db: {  	s9 =	sshrl.u32 s20, $0x3;
	[sflag:s13] =	ssyncset.done @!p3 $0x0  }
0x2dc: {  	s7 =	sadd.s32 $0xFFFF0400, s7;
	s9 =	sadd.s32 s5, s9;
	[sflag:s13] =	ssyncadd.s32 @!p3 $0xFFFFE400  }
0x2dd: {  	[tilespmem:s30], [sflag:$0x4] =	stream.linear.gather [hbm4b:s9+s4], $0x1C00, $0x38;
	[tilespmem:$0x11800] =	vst v63  }
0x2de: {  	s7 =	sadd.s32 $0x1C00, s7;
	_ =	swait.ge [sflag:s31], $0x1C00  }
0x2df: {  	s7 =	sshrl.u32 s7, $0x3;
	[sflag:s31] =	ssyncset.done $0x0  }
0x2e0: {  	s7 =	sadd.s32 s6, s7;
	s22 =	sadd.s32 $0xFFFF5800, s8;
	[sflag:s31] =	ssyncadd.s32 $0xFFFFE400  }
0x2e1: {  	[hbm4b:s7+s4] =	stream.linear.scatter [tilespmem:s4], [sflag:$0x5], $0x1C00, $0x38;
	[tilespmem:$0x11800] =	vst v63  }
0x2e2: {  	s23 =	sadd.s32 $0x1C00, s22;
	_ =	swait.ge [sflag:s1], $0x1C00  }
0x2e3: {  	s7 =	sshrl.u32 s23, $0x3;
	[sflag:s1] =	ssyncset.done $0x0  }
0x2e4: {  	s8 =	sadd.s32 $0xFFFFAC00, s8;
	s7 =	sadd.s32 s6, s7;
	[sflag:s1] =	ssyncadd.s32 $0xFFFFE400  }
0x2e5: {  	[hbm4b:s7+s4] =	stream.linear.scatter [tilespmem:s28], [sflag:$0x6], $0x1C00, $0x38;
	[tilespmem:$0x11800] =	vst v63  }
0x2e6: {  	s26 =	sadd.s32 $0x1C00, s8;
	_ =	swait.ge [sflag:s0], $0x1C00  }
0x2e7: {  	s7 =	sshrl.u32 s26, $0x3;
	[sflag:s0] =	ssyncset.done $0x0  }
0x2e8: {  	s7 =	sadd.s32 s6, s7;
	[sflag:s0] =	ssyncadd.s32 $0xFFFFE400  }
0x2e9: {  	[hbm4b:s7+s4] =	stream.linear.scatter [tilespmem:s29], [sflag:$0x7], $0x1C00, $0x38;
	[tilespmem:$0x11800] =	vst v63  }
0x2ea: {  	s8 =	sadd.s32 $0x1C00, s10;
	_ =	swait.ge [sflag:s2], $0x1C00  }
0x2eb: {  	s7 =	sshrl.u32 s8, $0x3;
	[sflag:s2] =	ssyncset.done $0x0  }
0x2ec: {  	s7 =	sadd.s32 s6, s7;
	[sflag:s2] =	ssyncadd.s32 $0xFFFFE400  }
0x2ed: {  	[hbm4b:s7+s4] =	stream.linear.scatter [tilespmem:s30], [sflag:$0x8], $0x1C00, $0x38;
	[tilespmem:$0x11800] =	vst v63  }
0x2ee: {  	_ =	swait.ge [sflag:s21], $0x1C00  }
0x2ef: {  	[sflag:s21] =	ssyncset.done $0x0  }
0x2f0: {  	s9 =	simm.s32 $0x6;
	[sflag:s21] =	ssyncadd.s32 $0xFFFFE400  }
0x2f1: {  	_ =	swait.ge [sflag:s9], $0x1C00  }
0x2f2: {  	[sflag:s9] =	ssyncset.done $0x0  }
0x2f3: {  	s10 =	simm.s32 $0x7;
	[sflag:s9] =	ssyncadd.s32 $0xFFFFE400  }
0x2f4: {  	p5 =	por $0x0, $0x0;
	_ =	swait.ge [sflag:s10], $0x1C00  }
0x2f5: {  	s16 =	simm.s32 $0x0;
	s13 =	simm.s32 $0x8;
	[sflag:s10] =	ssyncset.done $0x0  }
0x2f6: {  	p3 =	por $0x0, $0x0;
	s7 =	simm.s32 $0xFFFFFFAB;
	[sflag:s10] =	ssyncadd.s32 $0xFFFFE400  }
0x2f7: {  	s8 =	simm.s32 $0x2000;
	s7 =	simm.s32 @!p3 $0x0;
	_ =	swait.ge [sflag:s13], $0x1C00  }
0x2f8: {  	s8 =	simm.s32 @!p3 $0x0;
	s7 =	sadd.s32 $0x3, s7;
	[sflag:s13] =	ssyncset.done $0x0  }
0x2f9: {  	s7 =	smul.u32 $0x3, s7;
	s17 =	rddreg [dreg:$0xb];
	[sflag:s13] =	ssyncadd.s32 $0xFFFFE400  }
0x2fa: {  	[tilespmem:s16], [sflag:$0x1] =	stream.linear.gather [hbm4b:s17+s16], $0x1C00, $0x38;
	[tilespmem:$0x11800] =	vst v63  }
0x2fb: {  	p4 =	por $0x0, $0x0;
	s8 =	sor.u32 s24, s8;
	_ =	swait.ge [sflag:s31], $0x1C00  }
0x2fc: {  	s7 =	sadd.s32 s8, s7;
	s9 =	simm.s32 $0xFFFFFFAB;
	[sflag:s31] =	ssyncset.done $0x0  }
0x2fd: {  	s9 =	simm.s32 @!p4 $0x0;
	s18 =	rddreg [dreg:$0xe];
	[sflag:s31] =	ssyncadd.s32 $0xFFFFE400  }
0x2fe: {  	[hbm4b:s18+s16] =	stream.linear.scatter [tilespmem:s16], [sflag:$0x5], $0x1C00, $0x38;
	[tilespmem:$0x11800] =	vst v63  }
0x2ff: {  	s7 =	smul.u32 $0x1C00, s7;
	s9 =	sadd.s32 $0x3, s9;
	_ =	swait.ge [sflag:s21], $0x1C00  }
0x300: {  	s10 =	simm.s32 $0x2000;
	s9 =	smul.u32 $0x3, s9;
	[sflag:s21] =	ssyncset.done $0x0  }
0x301: {  	s10 =	simm.s32 @!p4 $0x0;
	s19 =	rddreg [dreg:$0xf];
	[sflag:s21] =	ssyncadd.s32 $0xFFFFE400  }
0x302: {  	[tilespmem:s16], [sflag:$0x1] =	stream.linear.gather [hbm4b:s19+s16], $0x1C00, $0x38;
	[tilespmem:$0x11800] =	vst v63  }
0x303: {  	p3 =	por $0x1, $0x1;
	s22 =	sor.u32 s24, s10;
	_ =	swait.ge [sflag:s31], $0x1C00  }
0x304: {  	s7 =	sadd.s32 $0xFFFF0400, s7;
	s8 =	sadd.s32 s22, s9;
	[sflag:s31] =	ssyncset.done $0x0  }
0x305: {  	s8 =	smul.u32 $0x1C00, s8;
	s20 =	rddreg [dreg:$0x10];
	[sflag:s31] =	ssyncadd.s32 $0xFFFFE400  }
0x306: {  	[hbm4b:s20+s16] =	stream.linear.scatter [tilespmem:s16], [sflag:$0x5], $0x1C00, $0x38;
	[tilespmem:$0x11800] =	vst v63  }
0x307: {  	p4 =	por $0x0, $0x0;
	s10 =	simm.s32 @!p3 $0x8;
	_ =	swait.ge [sflag:s21], $0x1C00  }
0x308: {  	s9 =	simm.s32 @!p3 $0x5;
	s23 =	sadd.s32 $0xFFFF5800, s8;
	[sflag:s21] =	ssyncset.done $0x0  }
0x309: {  	s26 =	sadd.s32 $0xFFFFAC00, s8;
	s8 =	sshrl.u32 s23, $0x3;
	[sflag:s21] =	ssyncadd.s32 $0xFFFFE400  }
0x30a: {  	s13 =	simm.s32 @!p3 $0x6;
	s18 =	sadd.s32 s5, s8;
	_ =	swait.ge @!p3 [sflag:s9], $0x3800  }
0x30b: {  	s19 =	sshrl.u32 s7, $0x3;
	s7 =	simm.s32 @!p3 $0x7;
	[sflag:s9] =	ssyncset.done @!p3 $0x0  }
0x30c: {  	s17 =	sadd.s32 s5, s19;
	[sflag:s9] =	ssyncadd.s32 @!p3 $0xFFFFC800;
	s9 =	simm.s32 $0xFFFFFFAB  }
0x30d: {  	[tilespmem:s4], [sflag:$0x1] =	stream.linear.gather [hbm4b:s17+s4], $0x3800, $0x38;
	[tilespmem:$0x11800] =	vst v63  }
0x30e: {  	s9 =	simm.s32 @!p4 $0x0;
	s17 =	simm.s32 $0x2000;
	_ =	swait.ge @!p3 [sflag:s13], $0x3800  }
0x30f: {  	s9 =	sadd.s32 $0x3, s9;
	s17 =	simm.s32 @!p4 $0x0;
	[sflag:s13] =	ssyncset.done @!p3 $0x0  }
0x310: {  	s9 =	smul.u32 $0x3, s9;
	s20 =	sor.u32 s24, s17;
	[sflag:s13] =	ssyncadd.s32 @!p3 $0xFFFFC800  }
0x311: {  	[tilespmem:s29], [sflag:$0x2] =	stream.linear.gather [hbm4b:s18+s4], $0x3800, $0x38;
	[tilespmem:$0x11800] =	vst v63  }
0x312: {  	s17 =	simm.s32 $0x7;
	s18 =	sshrl.u32 s26, $0x3;
	_ =	swait.ge @!p3 [sflag:s7], $0x3800  }
0x313: {  	s9 =	sadd.s32 s9, s20;
	s20 =	simm.s32 $0x1;
	[sflag:s7] =	ssyncset.done @!p3 $0x0  }
0x314: {  	s22 =	sadd.s32 s5, s18;
	s23 =	smul.u32 $0x1C00, s9;
	[sflag:s7] =	ssyncadd.s32 @!p3 $0xFFFFC800  }
0x315: {  	[tilespmem:s12], [sflag:$0x3] =	stream.linear.gather [hbm4b:s22+s4], $0x3800, $0x38;
	[tilespmem:$0x11800] =	vst v63  }
0x316: {  	s9 =	sshrl.u32 s23, $0x3;
	s7 =	simm.s32 $0xFFFFFFAB;
	_ =	swait.ge @!p3 [sflag:s10], $0x3800  }
0x317: {  	s23 =	simm.s32 $0xB;
	s7 =	simm.s32 @!p5 $0x0;
	[sflag:s10] =	ssyncset.done @!p3 $0x0  }
0x318: {  	s26 =	sadd.s32 s5, s9;
	[sflag:s10] =	ssyncadd.s32 @!p3 $0xFFFFC800;
	s10 =	sadd.s32 $0x7, s7  }
0x319: {  	[tilespmem:s14], [sflag:$0x4] =	stream.linear.gather [hbm4b:s26+s4], $0x3800, $0x38;
	[tilespmem:$0x11800] =	vst v63  }
.LBB2_23:
0x31a: {  	s13 =	simm.s32 $0x2000;
	_ =	swait.ge [sflag:s31], $0x3800;
	s16 =	sadd.s32 s6, s19  }
0x31b: {  	s7 =	smov.u32 s23;
	s10 =	smul.u32 $0x3, s10;
	s8 =	sadd.s32 s6, s8  }
0x31c: {  	p3 =	sgt.u32 s20, $0x14;
	s23 =	sadd.s32 $0x4, s23;
	s13 =	simm.s32 @!p5 $0x0  }
0x31d: {  	s9 =	sadd.s32 s6, s9;
	[sflag:s31] =	ssyncset.done $0x0;
	s13 =	sor.u32 s24, s13  }
0x31e: {  	[sflag:s31] =	ssyncadd.s32 $0xFFFFC800;
	s10 =	sadd.s32 s13, s10;
	s13 =	simm.s32 $0xFFFFFFAB  }
0x31f: {  	[hbm4b:s16+s4] =	stream.linear.scatter [tilespmem:s4], [sflag:$0x5], $0x3800, $0x38;
	[tilespmem:$0x11800] =	vst v63  }
0x320: {  	s13 =	simm.s32 @!p3 $0x0;
	s10 =	smul.u32 $0x1C00, s10;
	_ =	swait.ge [sflag:s1], $0x3800  }
0x321: {  	s16 =	simm.s32 $0x2000;
	s13 =	sadd.s32 s17, s13;
	[sflag:s1] =	ssyncset.done $0x0  }
0x322: {  	s16 =	simm.s32 @!p3 $0x0;
	s13 =	smul.u32 $0x3, s13;
	[sflag:s1] =	ssyncadd.s32 $0xFFFFC800  }
0x323: {  	[hbm4b:s8+s4] =	stream.linear.scatter [tilespmem:s29], [sflag:$0x6], $0x3800, $0x38;
	[tilespmem:$0x11800] =	vst v63  }
0x324: {  	s8 =	sadd.s32 $0xFFFF0400, s10;
	s10 =	sor.u32 s24, s16;
	_ =	swait.ge [sflag:s0], $0x3800  }
0x325: {  	s19 =	sshrl.u32 s8, $0x3;
	s8 =	sadd.s32 s10, s13;
	[sflag:s0] =	ssyncset.done $0x0  }
0x326: {  	s10 =	sadd.s32 s6, s18;
	s8 =	smul.u32 $0x1C00, s8;
	[sflag:s0] =	ssyncadd.s32 $0xFFFFC800  }
0x327: {  	[hbm4b:s10+s4] =	stream.linear.scatter [tilespmem:s12], [sflag:$0x7], $0x3800, $0x38;
	[tilespmem:$0x11800] =	vst v63  }
0x328: {  	p4 =	seq.s32 s17, $0x3;
	s22 =	simm.s32 $0x2000;
	_ =	swait.ge [sflag:s2], $0x3800  }
0x329: {  	s10 =	sadd.s32 $0xFFFF5800, s8;
	s8 =	sadd.s32 $0xFFFFAC00, s8;
	[sflag:s2] =	ssyncset.done $0x0  }
0x32a: {  	p5 =	sgt.u32 s17, $0x54;
	p3 =	sne.s32 s23, $0xAB;
	[sflag:s2] =	ssyncadd.s32 $0xFFFFC800  }
0x32b: {  	s20 =	sadd.s32 $0x1, s20;
	s22 =	simm.s32 @!p5 $0x0;
	s13 =	simm.s32 @!p4 $0x5  }
0x32c: {  	[hbm4b:s9+s4] =	stream.linear.scatter [tilespmem:s14], [sflag:$0x8], $0x3800, $0x38;
	[tilespmem:$0x11800] =	vst v63  }
0x32d: {  	s16 =	simm.s32 @!p4 $0x6;
	s9 =	sadd.s32 s5, s19;
	_ =	swait.ge @!p4 [sflag:s13], $0x3800  }
0x32e: {  	s18 =	sshrl.u32 s8, $0x3;
	s8 =	sshrl.u32 s10, $0x3;
	[sflag:s13] =	ssyncset.done @!p4 $0x0  }
0x32f: {  	s10 =	simm.s32 @!p4 $0x7;
	[sflag:s13] =	ssyncadd.s32 @!p4 $0xFFFFC800;
	s13 =	simm.s32 $0xFFFFFFAB  }
0x330: {  	[tilespmem:s4], [sflag:$0x1] =	stream.linear.gather [hbm4b:s9+s4], $0x3800, $0x38;
	[tilespmem:$0x11800] =	vst v63  }
0x331: {  	s9 =	sadd.s32 s5, s8;
	s13 =	simm.s32 @!p5 $0x0;
	_ =	swait.ge @!p4 [sflag:s16], $0x3800  }
0x332: {  	p5 =	sgt.u32 s20, $0x15;
	s13 =	sadd.s32 s17, s13;
	[sflag:s16] =	ssyncset.done @!p4 $0x0  }
0x333: {  	s13 =	smul.u32 $0x3, s13;
	[sflag:s16] =	ssyncadd.s32 @!p4 $0xFFFFC800;
	s16 =	sor.u32 s24, s22  }
0x334: {  	[tilespmem:s29], [sflag:$0x2] =	stream.linear.gather [hbm4b:s9+s4], $0x3800, $0x38;
	[tilespmem:$0x11800] =	vst v63  }
0x335: {  	s22 =	simm.s32 @!p4 $0x8;
	s9 =	sadd.s32 s5, s18;
	_ =	swait.ge @!p4 [sflag:s10], $0x3800  }
0x336: {  	s13 =	sadd.s32 s13, s16;
	s16 =	simm.s32 $0xFFFFFFAB;
	[sflag:s10] =	ssyncset.done @!p4 $0x0  }
0x337: {  	s16 =	simm.s32 @!p5 $0x0;
	s13 =	smul.u32 $0x1C00, s13;
	[sflag:s10] =	ssyncadd.s32 @!p4 $0xFFFFC800  }
0x338: {  	[tilespmem:s12], [sflag:$0x3] =	stream.linear.gather [hbm4b:s9+s4], $0x3800, $0x38;
	[tilespmem:$0x11800] =	vst v63  }
.Ltmp13:
0x339: {  	_ = 	snop;
	(pc) =	sbr.rel @p3 .LBB2_23-.Ltmp13, $4  }
0x33a: {  	s10 =	sadd.s32 s7, s16;
	s9 =	sshrl.u32 s13, $0x3;
	_ =	swait.ge @!p4 [sflag:s22], $0x3800  }
0x33b: {  	s17 =	smov.u32 s7;
	s13 =	sadd.s32 s5, s9;
	[sflag:s22] =	ssyncset.done @!p4 $0x0  }
0x33c: {  	[sflag:s22] =	ssyncadd.s32 @!p4 $0xFFFFC800  }
0x33d: {  	[tilespmem:s14], [sflag:$0x4] =	stream.linear.gather [hbm4b:s13+s4], $0x3800, $0x38;
	[tilespmem:$0x11800] =	vst v63  }
.Ltmp14:
0x33e: {  	_ = 	snop;
	(pc) =	sbr.rel .LBB2_24-.Ltmp14, $1  }
0x33f: {  	_ =	sdelay $0x3  }
.LBB2_26:
0x340: {  	_ =	sfence.sel $0x180000  }
0x341: {  	[bflag:$0x0] =	sbarrier.arrive $0xFFFF  }
0x342: {  	_ =	strace $0x90000047  }
0x343: {  	s0 =	stileid.u32;
	[bflag:$0x2] =	sbarrier.arrive $0xFFFF  }
0x344: {  	p0 =	sne.s32 s0, $0x0;
	s0 =	rddreg [dreg:$0x2]  }
0x345: {  	s0 =	sadd.s32 @!p0 $0x100000, s0  }
0x346: {  	[sflag:s0] =	ssyncadd.tile.s32 @!p0 $0x1;
	_ =	shalt  }
.Lfunc_end2:
_tile_overlayer_lowered:
.L_overlay_start_2:
0x347: {  	(tag) =	ssettag $0x2  }
0x348: {  	s0 =	rddreg [dreg:$0x0];
	s2 =	stileid.u32  }
0x349: {  	s1 =	rddreg [dreg:$0x1];
	p0 =	sne.s32 s2, $0x0  }
0x34a: {  	s3 =	rddreg [dreg:$0x2];
	[bflag:$0x3] =	sbarrier.arrive $0xFFFF;
	s2 =	simm.s32 @!p0 $0x1C0A  }
0x34b: {  	[timem:s3], [sflag:s2] =	dma.local @!p0 [hbm:s0], s1  }
0x34c: {  	s0 =	simm.s32 @!p0 $0xA  }
0x34d: {  	_ =	swait.ge @!p0 [sflag:s0], s1  }
0x34e: {  	s1 =	ssub.s32 @!p0 $0x0, s1;
	[sflag:s0] =	ssyncset.done @!p0 $0x0  }
0x34f: {  	[sflag:s0] =	ssyncadd.s32 @!p0 s1  }
0x350: {  	[bflag:$0x3] =	sbarrier.arrive $0xFFFF  }
0x351: {  	_ =	shalt  }

// kernel: sparse-core-data-format-call.cloned.1.call-start
scs
called_computation_lowered:
.L_overlay_start_0:
0x0: {  	s2 =	sld [smem:$0x3FD9]  }
0x1: {  	s3 =	sld [smem:$0x3FFE];
	_ =	sdelay $0x1  }
0x2: {  	s1 =	srdreg.scid  }
0x3: {  	s0 =	sand.u32 $0x1, s1  }
0x4: {  	s18 =	sshll.u32 s0, $0xA;
	s2 =	sadd.s32 s3, s2  }
0x5: {  	s2 =	sadd.s32 s2, s18  }
0x6: {  	[smem:$0x3FC7] =	sst s2  }
0x7: {  	_ = 	snop  }
0x8: {  	s2 =	sld [smem:$0x3FD0];
	(tm) =	ssettm $0x1  }
0x9: {  	s19 =	sld [smem:$0x3FFB];
	_ =	sdelay $0x3  }
0xa: {  	_ =	strace s19  }
0xb: {  	s3 =	sld [smem:$0x3FFC];
	_ =	sdelay $0x3  }
0xc: {  	_ =	strace s3  }
0xd: {  	s3 =	sld [smem:$0x3FFD];
	_ =	sdelay $0x3  }
0xe: {  	_ =	strace s3  }
0xf: {  	_ =	strace $0x8FFFFFFF  }
0x10: {  	s20 =	sld [smem:$0x3FDB];
	_ =	sdelay $0x1  }
0x11: {  	s4 =	simm.s32 $_scs_section_size  }
0x12: {  	s5 =	simm.s32 $_size__tile_overlayer_lowered;
	s6 =	simm.s32 $_tile_overlayer_lowered  }
0x13: {  	s23 =	simm.s32 $0x1BFF;
	s22 =	sshll.u32 s6, $0x1;
	s3 =	sadd.s32 s4, s20  }
0x14: {  	s7 =	simm.s32 $0x0;
	s21 =	sshll.u32 s5, $0x1;
	s5 =	sadd.s32 s22, s3  }
0x15: {  	[timem:s7], [sflag:s23] =	dma.local [hbm:s5], s21  }
0x16: {  	_ =	swait.ge [sflag:s23], s21  }
0x17: {  	s4 =	ssub.s32 $0x0, s21;
	[sflag:s23] =	ssyncset.done $0x0  }
0x18: {  	[sflag:s23] =	ssyncadd.s32 s4;
	_ =	sdelay $0x1  }
0x19: {  	s24 =	simm.s32 $0x1B8B  }
0x1a: {  	_ =	swait.ge [sflag:s24], $0x1  }
0x1b: {  	[sflag:s24] =	ssyncset.done $0x0  }
0x1c: {  	s26 =	simm.s32 $0x1B8E;
	s25 =	sld [smem:$0x3FFE];
	[sflag:s24] =	ssyncadd.s32 $0xFFFFFFFF  }
0x1d: {  	s27 =	simm.s32 $execute0_lowered;
	[smem:$0x3FD2] =	sst s26  }
0x1e: {  	s5 =	sshll.u32 s27, $0x1;
	_ =	strace $0x80000049;
	[dreg:$0x1] =	wrdreg $0xFFFFFFFF  }
0x1f: {  	s28 =	simm.s32 $_size_execute0_lowered;
	s3 =	sadd.s32 s3, s5;
	[dreg:$0x0] =	wrdreg $0x0  }
0x20: {  	s5 =	sshll.u32 s28, $0x1;
	[dreg:$0x2] =	wrdreg s3  }
0x21: {  	[dreg:$0x3] =	wrdreg s5  }
0x22: {  	[dreg:$0x4] =	wrdreg $0xC0  }
0x23: {  	_ =	task [dreg:s7], $0x5FFFF  }
0x24: {  	[dreg:$0x1] =	wrdreg $0xFFFFFFFF  }
0x25: {  	[dreg:$0x0] =	wrdreg $0x60  }
0x26: {  	[dreg:$0x2] =	wrdreg s25  }
0x27: {  	[dreg:$0x3] =	wrdreg s2  }
0x28: {  	[dreg:$0x4] =	wrdreg $0x9  }
0x29: {  	_ =	task.clear_ibuf [dreg:s7], $0x5FFFF;
	_ =	strace $0x90000049  }
0x2a: {  	s29 =	simm.s32 $0x9;
	_ =	strace $0x8000004B  }
0x2b: {  	_ =	swait.ge [sflag:s29], $0x1  }
0x2c: {  	[sflag:s29] =	ssyncadd.s32 $0xFFFFFFFF  }
0x2d: {  	_ =	strace $0x9000004B  }
0x2e: {  	_ =	sfence  }
0x2f: {  	s30 =	sld [smem:$0x0];
	_ =	sdelay $0x2  }
0x30: {  	s31 =	sshll.u32 s1, $0xD;
	s1 =	sshrl.u32 s1, $0x2  }
0x31: {  	s3 =	sand.u32 $0x4000, s31;
	s1 =	sadd.s32 s1, s30  }
0x32: {  	s0 =	sor.u32 s3, s0;
	s1 =	sshll.u32 s1, $0x11  }
0x33: {  	s0 =	sor.u32 s1, s0  }
0x34: {  	s0 =	sadd.s32 $0x8F2B, s0  }
0x35: {  	[sflag:s0] =	ssyncadd.remote.s32 $0x1  }
0x36: {  	_ =	sfence.sel $0xFFFF  }
0x37: {  	[dreg:$0x0] =	wrdreg $0xFFFFFFFF;
	(pc) =	sbr.abs _section_cstart, $3  }
0x38: {  	[dreg:$0x1] =	wrdreg $0xFFFFFFFF  }
0x39: {  	_ =	task.clear_ibuf [dreg:s7], $0x2FFFF;
	_ =	strace $0x9FFFFFFF  }
0x3a: {  	(tm) =	ssettm $0x7FFFFFFF  }
0x3b: {  	_ =	shalt  }
tec
execute0_lowered:
.L_overlay_start_1:
0x0: {  	(tag) =	ssettag $0x1  }
0x1: {  	s3 =	rddreg [dreg:$0x0]  }
0x2: {  	s2 =	rddreg [dreg:$0x1]  }
0x3: {  	s1 =	srdreg.scid;
	s0 =	rddreg [dreg:$0x2];
	_ =	strace $0x8000004A  }
0x4: {  	s7 =	simm.s32 $0x2;
	s17 =	simm.s32 $0x0;
	p0 =	por $0x0, $0x0  }
0x5: {  	s18 =	simm.s32 $0x0;
	s19 =	simm.s32 $0x0;
	s20 =	simm.s32 $0x0  }
0x6: {  	s8 =	simm.s32 $0x0;
	s9 =	simm.s32 $0x0;
	s11 =	simm.s32 $0x0  }
0x7: {  	s12 =	simm.s32 $0x0;
	s13 =	simm.s32 $0x0;
	s14 =	simm.s32 $0x0  }
.Ltmp0:
0x8: {  	s10 =	simm.s32 $0x0;
	s4 =	sshll.u32 s1, $0x4;
	(pc) =	sbr.rel .LBB1_1-.Ltmp0, $4  }
0x9: {  	s1 =	stileid.u32;
	s3 =	sadd.s32 $0xE00800, s3;
	s4 =	sand.u32 $0x10, s4  }
0xa: {  	s5 =	sand.u32 $0x3, s1;
	s6 =	sor.u32 s1, s4;
	s4 =	simm.s32 $0x1  }
0xb: {  	s16 =	smov.u32 s5;
	[sflag:s4] =	ssyncpa.u1 $0x0;
	s6 =	sshrl.u32 s6, $0x2  }
0xc: {  	[sflag:s7] =	ssyncpa.u1 $0x0;
	s7 =	simm.s32 $0x800;
	s15 =	smov.u32 s6  }
.LBB1_5:
0xd: {  	p1 =	slt.u32 s10, $0x2;
	s22 =	smov.u32 s20;
	s25 =	smov.u32 s16  }
0xe: {  	p2 =	sgt.s32 @!p1 s20, $0x3;
	s21 =	sshra.s32 @!p1 s20, $0x1F;
	p3 =	sgt.s32 @!p1 s19, $0xF  }
0xf: {  	s23 =	sshra.s32 @!p1 s19, $0x1F;
	p4 =	sgt.s32 @!p1 s17, $0x37;
	p2 =	por !p2, p1  }
0x10: {  	s20 =	sand.u32 @!p1 s21, s20;
	p3 =	por !p3, p1;
	s21 =	smov.u32 s19  }
0x11: {  	s19 =	sand.u32 @!p1 s23, s19;
	s22 =	simm.s32 @p2 $0x3;
	s21 =	simm.s32 @p3 $0xF  }
0x12: {  	s23 =	sshra.s32 @!p1 s18, $0x1F;
	s20 =	ssub.s32 @!p1 s22, s20;
	s19 =	ssub.s32 @!p1 s21, s19  }
0x13: {  	s21 =	sadd.s32 @!p1 $0xFFFFFFFD, s20;
	s22 =	sadd.s32 @!p1 $0xFFFFFFF1, s19;
	s20 =	ssub.s32 @!p1 $0x4, s20  }
0x14: {  	s19 =	ssub.s32 @!p1 $0x10, s19;
	p2 =	sgt.s32 @!p1 s21, $0x0;
	p3 =	sgt.s32 @!p1 s22, $0x0  }
0x15: {  	s21 =	smov.u32 s17;
	s22 =	smov.u32 s18;
	p3 =	por !p3, p1  }
0x16: {  	s19 =	simm.s32 @!p3 $0x0;
	p3 =	por !p4, p1;
	p4 =	sgt.s32 @!p1 s18, $0x80  }
0x17: {  	s20 =	smul.u32 @!p1 $0x38, s20;
	s21 =	simm.s32 @p3 $0x37;
	p3 =	por !p4, p1  }
0x18: {  	s18 =	sand.u32 @!p1 s23, s18;
	s23 =	sshra.s32 @!p1 s17, $0x1F;
	s22 =	simm.s32 @p3 $0x80  }
0x19: {  	p2 =	por !p2, p1;
	s17 =	sand.u32 @!p1 s23, s17;
	s18 =	ssub.s32 @!p1 s22, s18  }
0x1a: {  	s20 =	simm.s32 @!p2 $0x0;
	s17 =	ssub.s32 @!p1 s21, s17;
	s21 =	sadd.s32 @!p1 $0xFFFFFF80, s18  }
0x1b: {  	s19 =	smul.u32 @!p1 s19, s20;
	s22 =	sadd.s32 @!p1 $0xFFFFFFC9, s17;
	p3 =	sgt.s32 @!p1 s21, $0x7F  }
0x1c: {  	s17 =	ssub.s32 @!p1 $0x38, s17;
	s18 =	ssub.s32 @!p1 $0x100, s18;
	p2 =	por !p3, p1  }
0x1d: {  	s21 =	sadd.s32 $0x1, s13;
	p3 =	sgt.s32 @!p1 s22, $0x0;
	s18 =	simm.s32 @!p2 $0x0  }
0x1e: {  	s22 =	smov.u32 s14;
	p2 =	por !p3, p1;
	s18 =	smul.u32 @!p1 s18, s19  }
0x1f: {  	s17 =	simm.s32 @!p2 $0x0;
	p2 =	sgt.s32 s21, $0x37;
	s19 =	sadd.s32 $0x80, s14  }
0x20: {  	s10 =	sadd.s32 $0x1, s10;
	s23 =	smov.u32 s15;
	s22 =	smov.u32 @p2 s19  }
0x21: {  	s17 =	smul.u32 @!p1 s17, s18;
	p4 =	sgt.s32 s22, $0xFF;
	s18 =	sadd.s32 $0x8, s15  }
0x22: {  	p0 =	por !p0, !p0;
	s24 =	simm.s32 @!p1 $0x2;
	s23 =	smov.u32 @p4 s18  }
0x23: {  	s20 =	smov.u32 s12;
	s18 =	sadd.s32 $0x4, s16;
	p3 =	sgt.s32 s23, $0xF  }
0x24: {  	s12 =	smov.u32 s16;
	s21 =	simm.s32 @p2 $0x0;
	s25 =	smov.u32 @p3 s18  }
0x25: {  	s19 =	smov.u32 s11;
	s11 =	smov.u32 s15;
	p2 =	sgt.s32 s25, $0x3  }
0x26: {  	s17 =	sand.u32 @!p1 $0x3FFFFFF8, s17;
	s25 =	smov.u32 @p2 s5;
	p2 =	sne.s32 s10, $0xE2  }
.Ltmp1:
0x27: {  	s22 =	simm.s32 @p4 $0x0;
	_ =	swait.ge @!p1 [sflag:s24], s17;
	(pc) =	sbr.rel @!p2 .LBB1_6-.Ltmp1, $4  }
0x28: {  	s26 =	ssub.s32 @!p1 $0x0, s17;
	s17 =	smov.u32 s8;
	s18 =	smov.u32 s9  }
0x29: {  	s23 =	smov.u32 @p3 s6;
	s8 =	smov.u32 s13;
	s9 =	smov.u32 s14  }
0x2a: {  	s13 =	smov.u32 s21;
	s14 =	smov.u32 s22;
	[sflag:s24] =	ssyncset.done @!p1 $0x0  }
0x2b: {  	s15 =	smov.u32 s23;
	[sflag:s24] =	ssyncadd.s32 @!p1 s26;
	s16 =	smov.u32 s25  }
.LBB1_1:
0x2c: {  	p1 =	sgt.u32 s10, $0xDF  }
0x2d: {  	s21 =	sand.u32 @!p1 $0x1FFFFFF, s13;
	s23 =	smul.u32 @!p1 $0x380000, s16  }
0x2e: {  	s22 =	smulhi.u32 @!p1 $0x4924925, s21  }
0x2f: {  	s24 =	smul.u32 @!p1 $0x38000, s15  }
0x30: {  	s22 =	smul.u32 @!p1 $0x38, s22  }
0x31: {  	s25 =	sxor.u32 @!p1 $0xFFFFFFFF, s10;
	s26 =	smul.u32 @!p1 $0x380, s14;
	s23 =	sadd.s32 @!p1 s3, s23  }
0x32: {  	s23 =	sadd.s32 @!p1 s24, s23;
	s24 =	simm.s32 @!p1 $0x1C00;
	s21 =	ssub.s32 @!p1 s21, s22  }
0x33: {  	s23 =	sadd.s32 @!p1 s26, s23;
	s22 =	sshll.u32 @!p1 s25, $0xD;
	s21 =	sshll.u32 @!p1 s21, $0x4  }
0x34: {  	s22 =	sand.u32 @!p1 $0x2000, s22;
	s21 =	sadd.s32 @!p1 s21, s23;
	s23 =	simm.s32 @!p1 $0x40  }
0x35: {  	[tilespmem:s22], [sflag:$0x1] =	stream.strided.gather @!p1 [hbm4b:s21+s23], $0x2000, s24, s23, $0x38;
	[tilespmem:$0x8080] =	vst v63  }
0x36: {  	p1 =	seq.s32 s10, $0x0  }
0x37: {  	p2 =	seq.s32 @!p1 s10, $0xE1  }
0x38: {  	p1 =	por p1, p2  }
.Ltmp2:
0x39: {  	_ = 	snop;
	(pc) =	sbr.rel @p1 .LBB1_5-.Ltmp2, $1  }
0x3a: {  	_ =	sdelay $0x3  }
0x3b: {  	s21 =	simm.s32 $0x1  }
0x3c: {  	_ =	swait.ge [sflag:s4], $0x2000;
	s21 =	simm.s32 @!p0 $0x0  }
0x3d: {  	[sflag:s4] =	ssyncset.done $0x0;
	s22 =	sshll.u32 s21, $0xD  }
0x3e: {  	[sflag:s4] =	ssyncadd.s32 $0xFFFFE000;
	s25 =	sor.u32 $0x20, s22  }
0x3f: {  	s21 =	smul.u32 $0x8100, s21;
	v3 =	vld [tilespmem:s25+$0x10]  }
0x40: {  	s30 =	sand.u32 $0x1, s10;
	v2 =	vld [tilespmem:s25+$0xFFFFFFF0]  }
0x41: {  	s22 =	smul.u32 $0x8100, s30;
	s21 =	sshrl.u32 s21, $0x2;
	v0 =	vld [tilespmem:s25+$0x0]  }
0x42: {  	v1 =	vld [tilespmem:s25+$0xFFFFFFE0];
	s23 =	sor.u32 $0x4000, s21  }
0x43: {  	s31 =	sshrl.u32 s22, $0x2;
	s22 =	sadd.s32 $0x0, s23  }
0x44: {  	s24 =	simm.s32 $0x4;
	s25 =	sadd.s32 $0x40, s25;
	s21 =	sor.u32 $0x4000, s31;
	[tilespmem:s22+$0x1830 ss:$0x81] =	vst.msk $0xffff, v3  }
.LBB1_3:
0x45: {  	v3 =	vld [tilespmem:s25+$0x10];
	p1 =	sne.s32 s24, $0x1FC;
	[tilespmem:s22+$0x810 ss:$0x81] =	vst.msk $0xffff, v2;
	s26 =	smov.u32 s24;
	s24 =	sadd.s32 $0x4, s24  }
.Ltmp3:
0x46: {  	v2 =	vld [tilespmem:s25+$0xFFFFFFF0];
	[tilespmem:s22+$0x1020 ss:$0x81] =	vst.msk $0xffff, v0;
	(pc) =	sbr.rel @p1 .LBB1_3-.Ltmp3, $4  }
0x47: {  	v0 =	vld [tilespmem:s25+$0x0];
	[tilespmem:s22+$0x0 ss:$0x81] =	vst.msk $0xffff, v1  }
0x48: {  	s22 =	sshra.s32 s26, $0x2;
	v1 =	vld [tilespmem:s25+$0xFFFFFFE0]  }
0x49: {  	s22 =	sadd.s32 s22, s23  }
0x4a: {  	s25 =	sadd.s32 $0x40, s25;
	[tilespmem:s22+$0x1830 ss:$0x81] =	vst.msk $0xffff, v3  }
0x4b: {  	s23 =	sshrl.u32 s9, $0x5;
	p1 =	sgt.s32 s12, $0x3  }
0x4c: {  	s24 =	smov.u32 s12;
	s25 =	sshra.s32 s12, $0x1F;
	s26 =	smov.u32 s11  }
0x4d: {  	s27 =	sshra.s32 s11, $0x1F;
	s29 =	sshra.s32 s9, $0x1F;
	s23 =	sand.u32 $0xFFFFFC, s23  }
0x4e: {  	s24 =	simm.s32 @!p1 $0x3;
	p1 =	sgt.s32 s11, $0xF;
	s25 =	sand.u32 s25, s12  }
0x4f: {  	s27 =	sand.u32 s27, s11;
	s29 =	sand.u32 s29, s9;
	s26 =	simm.s32 @!p1 $0xF  }
0x50: {  	s28 =	smulhi.u32 $0x4924925, s23;
	s24 =	ssub.s32 s24, s25;
	p1 =	sgt.s32 s9, $0x80  }
0x51: {  	s31 =	ssub.s32 s26, s27;
	s27 =	smov.u32 s9;
	s30 =	ssub.s32 $0x4, s24  }
0x52: {  	s24 =	sadd.s32 $0xFFFFFFFD, s24;
	s26 =	sadd.s32 $0xFFFFFFF1, s31;
	s27 =	simm.s32 @!p1 $0x80  }
0x53: {  	s28 =	smul.u32 $0x38, s28;
	s25 =	ssub.s32 $0x10, s31;
	p1 =	sgt.s32 s24, $0x0  }
0x54: {  	s24 =	smov.u32 s8;
	p2 =	sgt.s32 s26, $0x0;
	s26 =	ssub.s32 s27, s29  }
0x55: {  	s27 =	smul.u32 $0x38, s30;
	s29 =	sshra.s32 s8, $0x1F;
	s25 =	simm.s32 @p2 $0x0  }
0x56: {  	s31 =	sadd.s32 $0xFFFFFF80, s26;
	p2 =	sgt.s32 s8, $0x37;
	s26 =	ssub.s32 $0x100, s26  }
0x57: {  	s23 =	ssub.s32 s23, s28;
	s28 =	sand.u32 $0x7, s9;
	s27 =	simm.s32 @p1 $0x0  }
0x58: {  	p1 =	sgt.s32 s31, $0x7F;
	s24 =	simm.s32 @!p2 $0x37;
	s31 =	smul.u32 $0x188000, s12  }
0x59: {  	s25 =	smul.u32 s25, s27;
	s27 =	sand.u32 s29, s8;
	s26 =	simm.s32 @p1 $0x0  }
0x5a: {  	s29 =	smul.u32 $0x18800, s11;
	s24 =	ssub.s32 s24, s27;
	s27 =	sadd.s32 s2, s31  }
0x5b: {  	s25 =	smul.u32 s26, s25;
	s30 =	sadd.s32 $0xFFFFFFC9, s24;
	s24 =	ssub.s32 $0x38, s24  }
0x5c: {  	s31 =	sadd.s32 s29, s27;
	p1 =	sgt.s32 s30, $0x0;
	s30 =	smul.u32 $0x700, s8  }
.Ltmp4:
0x5d: {  	s27 =	sshrl.u32 s9, $0x3;
	s24 =	simm.s32 @p1 $0x0;
	(pc) =	sbr.rel .LBB1_5-.Ltmp4, $4  }
0x5e: {  	[tilespmem:s22+$0x810 ss:$0x81] =	vst.msk $0xffff, v2;
	s26 =	sand.u32 $0xF, s27;
	s24 =	smul.u32 s24, s25;
	s25 =	sadd.s32 s30, s31  }
0x5f: {  	[tilespmem:s22+$0x1020 ss:$0x81] =	vst.msk $0xffff, v0;
	s23 =	sshll.u32 s23, $0x5;
	s29 =	sshll.u32 s28, $0x12;
	s25 =	sadd.s32 s26, s25  }
0x60: {  	[tilespmem:s22+$0x0 ss:$0x81] =	vst.msk $0xffff, v1;
	s31 =	sor.u32 $0x400, s29;
	s30 =	sand.u32 $0x3FFFFFF8, s24;
	s23 =	sadd.s32 s23, s25  }
0x61: {  	[hbm4b:s23+s31] =	stream.strided.scatter [tilespmem:s21], [sflag:$0x2], s30, s7, s31, $0x20;
	[tilespmem:$0x8080] =	vst v63  }
.LBB1_6:
0x62: {  	_ =	sfence.sel $0x180000  }
0x63: {  	s2 =	simm.s32 $0x1;
	[bflag:$0x0] =	sbarrier.arrive $0xFFFF  }
0x64: {  	s31 =	simm.s32 $0x2;
	[sflag:s2] =	ssyncpa.u1 $0x1  }
0x65: {  	[sflag:s31] =	ssyncpa.u1 $0x1  }
0x66: {  	p0 =	sne.s32 s1, $0x0;
	_ =	strace $0x9000004A  }
0x67: {  	s0 =	sadd.s32 @!p0 $0x100000, s0;
	[bflag:$0x2] =	sbarrier.arrive $0xFFFF  }
0x68: {  	[sflag:s0] =	ssyncadd.tile.s32 @!p0 $0x1;
	_ =	shalt  }
.Lfunc_end1:
_tile_overlayer_lowered:
.L_overlay_start_2:
0x69: {  	(tag) =	ssettag $0x2  }
0x6a: {  	s0 =	rddreg [dreg:$0x0];
	s2 =	stileid.u32  }
0x6b: {  	s1 =	rddreg [dreg:$0x1];
	p0 =	sne.s32 s2, $0x0  }
0x6c: {  	s3 =	rddreg [dreg:$0x2];
	[bflag:$0x3] =	sbarrier.arrive $0xFFFF;
	s2 =	simm.s32 @!p0 $0x1C01  }
0x6d: {  	[timem:s3], [sflag:s2] =	dma.local @!p0 [hbm:s0], s1  }
0x6e: {  	s0 =	simm.s32 @!p0 $0x1  }
0x6f: {  	_ =	swait.ge @!p0 [sflag:s0], s1  }
0x70: {  	s1 =	ssub.s32 @!p0 $0x0, s1;
	[sflag:s0] =	ssyncset.done @!p0 $0x0  }
0x71: {  	[sflag:s0] =	ssyncadd.s32 @!p0 s1  }
0x72: {  	[bflag:$0x3] =	sbarrier.arrive $0xFFFF  }
0x73: {  	_ =	shalt  }

</sc_bundles>
